<compile_context>
chip_gen: v7x
topology: tpu7x:2x2x1
jax: 0.10.2.dev20260603
libtpu: 0.0.44.dev20260713+nightly
codegen_flags: <defaults>
</compile_context>

<pallas_src>
import functools

import jax
import jax.numpy as jnp
from jax import lax
from jax.experimental import pallas as pl
from jax.experimental.pallas import tpu as pltpu, tpu_sc as plsc

N_NODES = 10000
N_PAD = 10240
GROUP = 128
GROUP_S = 128
NC, NS = 2, 16
NW = NC * NS
ROWS_PER_TILE = N_PAD // NS


def _sc_mesh():
    return plsc.VectorSubcoreMesh(
        core_axis_name="c", subcore_axis_name="s", num_cores=NC, num_subcores=NS
    )


def _k1_body(num_groups, x_hbm, idx_hbm, s_out, hist_out,
             s_sh, idx_v, rows_v, hist_v, sem_i, sem_r):
    c = lax.axis_index("c")
    sid = lax.axis_index("s")
    wid = sid * NC + c

    @pl.loop(0, GROUP_S)
    def _(i):
        @pl.loop(0, 8)
        def _(j):
            rows_v[0, i, pl.ds(j * 16, 16)] = jnp.zeros((16,), jnp.float32)

    @pl.loop(0, ROWS_PER_TILE // GROUP_S)
    def _(r):
        base = sid * ROWS_PER_TILE + r * GROUP_S
        pltpu.sync_copy(rows_v.at[0], s_sh.at[pl.ds(base, GROUP_S)])

    @pl.loop(0, N_PAD // 16)
    def _(i):
        hist_v[pl.ds(i * 16, 16)] = jnp.zeros((16,), jnp.float32)
    plsc.subcore_barrier()

    ones16 = jnp.ones((16,), jnp.float32)
    n_i = (num_groups - wid + NW - 1) // NW

    def start(i, slot):
        g = wid + i * NW
        pltpu.async_copy(idx_hbm.at[pl.ds(g * GROUP_S, GROUP_S)],
                         idx_v.at[slot], sem_i.at[slot])
        pltpu.async_copy(x_hbm.at[pl.ds(g * GROUP_S, GROUP_S)],
                         rows_v.at[slot], sem_r.at[slot])

    start(0, 0)

    @pl.loop(0, n_i)
    def _(i):
        b = lax.rem(i, 2)
        g = wid + i * NW
        pltpu.make_async_copy(idx_hbm.at[pl.ds(g * GROUP_S, GROUP_S)],
                              idx_v.at[b], sem_i.at[b]).wait()
        pltpu.make_async_copy(x_hbm.at[pl.ds(g * GROUP_S, GROUP_S)],
                              rows_v.at[b], sem_r.at[b]).wait()

        @pl.when(i + 1 < n_i)
        def _():
            start(i + 1, 1 - b)

        pltpu.sync_copy(rows_v.at[b], s_sh.at[idx_v.at[b]], add=True)
        for j in range(GROUP_S // 16):
            idx16 = idx_v[b, pl.ds(j * 16, 16)]
            plsc.addupdate_scatter(hist_v, [idx16], ones16)

    plsc.subcore_barrier()
    base = c * N_PAD + sid * ROWS_PER_TILE
    pltpu.sync_copy(s_sh.at[pl.ds(sid * ROWS_PER_TILE, ROWS_PER_TILE)],
                    s_out.at[pl.ds(base, ROWS_PER_TILE)])
    pltpu.sync_copy(hist_v, hist_out.at[pl.ds(wid * N_PAD, N_PAD)])


def _k1(x_flat, idx_flat):
    num_groups = idx_flat.shape[0] // GROUP_S
    return pl.kernel(
        functools.partial(_k1_body, num_groups),
        out_type=(
            jax.ShapeDtypeStruct((NC * N_PAD, 128), jnp.float32),
            jax.ShapeDtypeStruct((NW * N_PAD,), jnp.float32),
        ),
        mesh=_sc_mesh(),
        compiler_params=pltpu.CompilerParams(needs_layout_passes=False),
        scratch_types=[
            pltpu.VMEM_SHARED((N_PAD, 128), jnp.float32),
            pltpu.VMEM((2, GROUP_S), jnp.int32),
            pltpu.VMEM((2, GROUP_S, 128), jnp.float32),
            pltpu.VMEM((N_PAD,), jnp.float32),
            pltpu.SemaphoreType.DMA((2,)),
            pltpu.SemaphoreType.DMA((2,)),
        ],
    )(x_flat, idx_flat)


def _k2_kernel(s_ref, hist_ref, w_ref, b_ref, zn_ref, rdeg16_ref):
    s = s_ref[0:N_PAD, :] + s_ref[N_PAD:, :]
    deg = lax.dot_general(
        hist_ref[...], jnp.ones((NW, 1), jnp.float32),
        dimension_numbers=(((0,), (0,)), ((), ())),
        preferred_element_type=jnp.float32)
    rdeg = 1.0 / jnp.maximum(deg, 1.0)
    z = jnp.dot(s, w_ref[...], preferred_element_type=jnp.float32)
    z = z + deg * b_ref[...]
    zn_ref[...] = z * rdeg
    rdeg16_ref[...] = jnp.broadcast_to(rdeg, (N_PAD, 16))


def _k2(s_parts, hist2d, w_off, b_off2d):
    return pl.pallas_call(
        _k2_kernel,
        out_shape=(
            jax.ShapeDtypeStruct((N_PAD, 128), jnp.float32),
            jax.ShapeDtypeStruct((N_PAD, 16), jnp.float32),
        ),
    )(s_parts, hist2d, w_off, b_off2d)


def _k3_body(num_groups, g_base, zn_hbm, rdeg_hbm, idx_hbm, zg_out, rg_out,
             zn_sh, idx_v, zrows_v, rr_v, rdeg_v, sem_i, sem_g, sem_w, sem_wr):
    c = lax.axis_index("c")
    sid = lax.axis_index("s")
    wid = sid * NC + c

    pltpu.sync_copy(zn_hbm.at[pl.ds(sid * ROWS_PER_TILE, ROWS_PER_TILE)],
                    zn_sh.at[pl.ds(sid * ROWS_PER_TILE, ROWS_PER_TILE)])
    pltpu.sync_copy(rdeg_hbm, rdeg_v)
    plsc.subcore_barrier()
    lanes = lax.iota(jnp.int32, 16)
    zeros16 = jnp.zeros((16,), jnp.int32)
    n_i = (num_groups - wid + NW - 1) // NW

    def start_idx(i, slot):
        g = g_base + wid + i * NW
        pltpu.async_copy(idx_hbm.at[pl.ds(g * GROUP, GROUP)],
                         idx_v.at[slot], sem_i.at[slot])

    start_idx(0, 0)

    @pl.loop(0, n_i)
    def _(i):
        b = lax.rem(i, 2)
        g = g_base + wid + i * NW
        pltpu.make_async_copy(idx_hbm.at[pl.ds(g * GROUP, GROUP)],
                              idx_v.at[b], sem_i.at[b]).wait()

        @pl.when(i + 1 < n_i)
        def _():
            start_idx(i + 1, 1 - b)

        @pl.when(i >= 2)
        def _():
            g0 = pl.ds((g - g_base - 2 * NW) * GROUP, GROUP)
            g0r = pl.ds((g - g_base - 2 * NW) * GROUP * 16, GROUP * 16)
            pltpu.make_async_copy(zrows_v.at[b], zg_out.at[g0],
                                  sem_w.at[b]).wait()
            pltpu.make_async_copy(rr_v.at[b], rg_out.at[g0r],
                                  sem_wr.at[b]).wait()

        gather = pltpu.async_copy(zn_sh.at[idx_v.at[b]], zrows_v.at[b],
                                  sem_g.at[b])
        bvec = jnp.broadcast_to(b, (16,))
        for j in range(GROUP // 16):
            idx16 = idx_v[b, pl.ds(j * 16, 16)]
            r16 = plsc.load_gather(rdeg_v, [idx16])
            plsc.store_scatter(rr_v, [bvec, (lanes + (j * 16)) * 16], r16)
        gather.wait()

        gs = pl.ds((g - g_base) * GROUP, GROUP)
        pltpu.async_copy(zrows_v.at[b], zg_out.at[gs], sem_w.at[b])
        pltpu.async_copy(rr_v.at[b],
                         rg_out.at[pl.ds((g - g_base) * GROUP * 16, GROUP * 16)],
                         sem_wr.at[b])

    @pl.loop(0, 2)
    def _(s):
        pltpu.make_async_copy(zrows_v.at[s], zg_out.at[pl.ds(0, GROUP)],
                              sem_w.at[s]).wait()
        pltpu.make_async_copy(rr_v.at[s], rg_out.at[pl.ds(0, GROUP * 16)],
                              sem_wr.at[s]).wait()


def _k3(zn, rdeg, idx_flat, chunk, nchunks):
    num_groups = idx_flat.shape[0] // GROUP // nchunks
    ef = num_groups * GROUP
    return pl.kernel(
        functools.partial(_k3_body, num_groups, chunk * num_groups),
        out_type=(
            jax.ShapeDtypeStruct((ef, 128), jnp.float32),
            jax.ShapeDtypeStruct((ef * 16,), jnp.float32),
        ),
        mesh=_sc_mesh(),
        compiler_params=pltpu.CompilerParams(needs_layout_passes=False),
        scratch_types=[
            pltpu.VMEM_SHARED((N_PAD, 128), jnp.float32),
            pltpu.VMEM((2, GROUP), jnp.int32),
            pltpu.VMEM((2, GROUP, 128), jnp.float32),
            pltpu.VMEM((2, GROUP * 16), jnp.float32),
            pltpu.VMEM((N_PAD,), jnp.float32),
            pltpu.SemaphoreType.DMA((2,)),
            pltpu.SemaphoreType.DMA((2,)),
            pltpu.SemaphoreType.DMA((2,)),
            pltpu.SemaphoreType.DMA((2,)),
        ],
    )(zn, rdeg, idx_flat)


def _k4_kernel(x_ref, w_ref, b_ref, rg_ref, zg_ref, out_ref):
    y = jnp.dot(x_ref[...], w_ref[...], preferred_element_type=jnp.float32)
    y = y + b_ref[...]
    out_ref[...] = y * rg_ref[:, 0:1] + zg_ref[...]


def _k4(prev_out, x_flat, w_on, b_on2d, rg, zg, block, chunk, nchunks):
    ef = x_flat.shape[0]
    grid = ef // block // nchunks
    off = chunk * grid
    specs = [
        pl.BlockSpec((block, 128), lambda i: (i + off, 0)),
        pl.BlockSpec((128, 128), lambda i: (0, 0)),
        pl.BlockSpec((1, 128), lambda i: (0, 0)),
        pl.BlockSpec((block, 16), lambda i: (i, 0)),
        pl.BlockSpec((block, 128), lambda i: (i, 0)),
    ]
    out_shape = jax.ShapeDtypeStruct((ef, 128), jnp.float32)
    out_spec = pl.BlockSpec((block, 128), lambda i: (i + off, 0))
    if prev_out is None:
        return pl.pallas_call(
            _k4_kernel, grid=(grid,), in_specs=specs,
            out_specs=out_spec, out_shape=out_shape,
        )(x_flat, w_on, b_on2d, rg, zg)
    def body(o_ref, x_ref, w_ref, b_ref, rg_ref, zg_ref, out_ref):
        _k4_kernel(x_ref, w_ref, b_ref, rg_ref, zg_ref, out_ref)
    return pl.pallas_call(
        body, grid=(grid,),
        in_specs=[pl.BlockSpec(memory_space=pltpu.MemorySpace.HBM)] + specs,
        out_specs=out_spec, out_shape=out_shape,
        input_output_aliases={0: 0},
    )(prev_out, x_flat, w_on, b_on2d, rg, zg)


def kernel(x, edge_index, W_on, b_on, W_off, b_off):
    two, e, d_in = x.shape
    ef = two * e
    assert ef % GROUP == 0 and d_in == 128

    x_flat = x.reshape(ef, d_in)
    idx_flat = edge_index.reshape(ef)

    s_parts, hist = _k1(x_flat, idx_flat)
    zn, rdeg16 = _k2(s_parts, hist.reshape(NW, N_PAD), W_off,
                     b_off.reshape(1, 128))
    nchunks = 4
    out = None
    for k in range(nchunks):
        zg, rg1d = _k3(zn, rdeg16[:, 0], idx_flat, k, nchunks)
        rg = rg1d.reshape(-1, 16)
        out = _k4(out, x_flat, W_on, b_on.reshape(1, 128), rg, zg,
                  block=6400, chunk=k, nchunks=nchunks)
    return out.reshape(two, e, W_on.shape[1])

# --- scband reference (transcript-rebuilt; emitter-appended) ---
"""Pipeline reference for scband-graph-conv-39642548142110 (READ-ONLY COPY).

The authoritative reference and input builder live on the scoring server;
editing this copy changes nothing except your own understanding.
"""

import jax, jax.numpy as jnp
import numpy as np

E = 320000
N = 10000
D_IN = 128
D_OUT = 128


def setup_inputs(seed: int = 0) -> dict:
    key = jax.random.key(seed)
    k1, k2, k3, k4 = jax.random.split(key, 4)
    x = jax.random.normal(k1, (2, E, D_IN), dtype=jnp.float32)
    edge_index = jax.random.randint(k2, (2, E), 0, N, dtype=jnp.int32)
    # learned params for lin_on / lin_off (Linear: y = x @ W + b)
    W_on = jax.random.normal(k3, (D_IN, D_OUT), dtype=jnp.float32) * (1.0 / np.sqrt(D_IN))
    b_on = jnp.zeros((D_OUT,), dtype=jnp.float32)
    W_off = jax.random.normal(k4, (D_IN, D_OUT), dtype=jnp.float32) * (1.0 / np.sqrt(D_IN))
    b_off = jnp.zeros((D_OUT,), dtype=jnp.float32)
    return {"x": x, "edge_index": edge_index, "W_on": W_on, "b_on": b_on, "W_off": W_off, "b_off": b_off}


def reference(x, edge_index, W_on, b_on, W_off, b_off):
    n = N
    e = edge_index.shape[1]
    d_out = W_on.shape[1]
    x_on = x @ W_on + b_on            # (2, E, d_out)
    x_off = x @ W_off + b_off         # (2, E, d_out)
    flat_idx = edge_index.reshape(-1)  # (2*E,)
    z = jax.ops.segment_sum(x_off.reshape(-1, d_out), flat_idx, num_segments=n)  # (n, d_out)
    deg = jax.ops.segment_sum(jnp.ones((2 * e,), dtype=x.dtype), flat_idx, num_segments=n)  # (n,)
    x_off_g = z[edge_index]           # (2, E, d_out)
    deg_g = deg[edge_index]           # (2, E)
    x_out = (x_on + x_off_g) / deg_g[..., None]
    return x_out

if __name__ == "__main__":
    import jax
    _d = setup_inputs()
    print(jax.jit(kernel)(*tuple(_d.values())))

</pallas_src>

<mosaic_0001>
#map = affine_map<(d0, d1) -> (0, 0)>
#map1 = affine_map<(d0, d1) -> (0)>
module attributes {stable_mosaic.version = 14 : i64} {
  func.func @_k1_body(%arg0: i32, %arg1: i32, %arg2: memref<640000x128xf32, #tpu.memory_space<hbm>>, %arg3: memref<640000xi32, #tpu.memory_space<hbm>>, %arg4: memref<20480x128xf32, #tpu.memory_space<hbm>>, %arg5: memref<327680xf32, #tpu.memory_space<hbm>>, %arg6: memref<10240x128xf32, #tpu.memory_space<vmem_shared>>, %arg7: memref<2x128xi32, #tpu.memory_space<vmem>>, %arg8: memref<2x128x128xf32, #tpu.memory_space<vmem>>, %arg9: memref<10240xf32, #tpu.memory_space<vmem>>, %arg10: memref<2x!tpu.dma_semaphore, #tpu.memory_space<semaphore_mem>>, %arg11: memref<2x!tpu.dma_semaphore, #tpu.memory_space<semaphore_mem>>) attributes {dimension_semantics = [#tpu.dimension_semantics<core_parallel>, #tpu.dimension_semantics<subcore_parallel>], iteration_bounds = array<i64: 2, 16>, scalar_prefetch = 0 : i64, scratch_operands = 6 : i64, tpu.core_type = #tpu.core_type<sc_vector_subcore>, window_params = [{transform_indices = #map}, {transform_indices = #map1}, {transform_indices = #map}, {transform_indices = #map1}]} {
    %mul3A = arith.constant 2 : i32
    %mul3A_0 = arith.muli %arg1, %mul3A : i32
    %add3A = arith.addi %mul3A_0, %arg0 : i32
    %scan3A = arith.constant 0 : i32
    %scan3A_1 = arith.constant 128 : i32
    %scan3A_2 = arith.addi %scan3A, %scan3A_1 : i32
    %scan3A_3 = arith.constant 1 : i32
    scf.for %scan3A_99 = %scan3A to %scan3A_2 step %scan3A_3  : i32 {
      %mul3A_100 = arith.constant 1 : i32
      %mul3A_101 = arith.muli %scan3A_99, %mul3A_100 : i32
      %add3A_102 = arith.constant 0 : i32
      %add3A_103 = arith.addi %add3A_102, %mul3A_101 : i32
      %scan3A_104 = arith.constant 0 : i32
      %scan3A_105 = arith.constant 8 : i32
      %scan3A_106 = arith.addi %scan3A_104, %scan3A_105 : i32
      %scan3A_107 = arith.constant 1 : i32
      scf.for %scan3A_109 = %scan3A_104 to %scan3A_106 step %scan3A_107  : i32 {
        %mul3A_110 = arith.constant 1 : i32
        %mul3A_111 = arith.muli %scan3A_109, %mul3A_110 : i32
        %add3A_112 = arith.constant 0 : i32
        %add3A_113 = arith.addi %add3A_112, %mul3A_111 : i32
        %broadcast_in_dim3A_114 = arith.constant 0.000000e+00 : f32
        %broadcast_in_dim3A_115 = vector.broadcast %broadcast_in_dim3A_114 : f32 to vector<16xf32>
        %mul3A_116 = arith.constant 16 : i32
        %mul3A_117 = arith.muli %add3A_113, %mul3A_116 : i32
        %swap3A = arith.constant 0 : i32
        %swap3A_118 = arith.index_cast %swap3A : i32 to index
        %swap3A_119 = arith.index_cast %add3A_103 : i32 to index
        %swap3A_120 = arith.index_cast %mul3A_117 : i32 to index
        %swap3A_121 = tpu.vector_load %arg8[%swap3A_118, %swap3A_119, %swap3A_120] {strides = array<i32>} : memref<2x128x128xf32, #tpu.memory_space<vmem>>, vector<16xf32>,
        tpu.vector_store %arg8[%swap3A_118, %swap3A_119, %swap3A_120], %broadcast_in_dim3A_115 {strides = array<i32>} : memref<2x128x128xf32, #tpu.memory_space<vmem>>, vector<16xf32>,
      }
      %scan3A_108 = arith.constant 8 : i32
    }
    %scan3A_4 = arith.constant 128 : i32
    %scan3A_5 = arith.constant 0 : i32
    %scan3A_6 = arith.constant 5 : i32
    %scan3A_7 = arith.addi %scan3A_5, %scan3A_6 : i32
    %scan3A_8 = arith.constant 1 : i32
    scf.for %scan3A_99 = %scan3A_5 to %scan3A_7 step %scan3A_8  : i32 {
      %mul3A_100 = arith.constant 1 : i32
      %mul3A_101 = arith.muli %scan3A_99, %mul3A_100 : i32
      %add3A_102 = arith.constant 0 : i32
      %add3A_103 = arith.addi %add3A_102, %mul3A_101 : i32
      %mul3A_104 = arith.constant 640 : i32
      %mul3A_105 = arith.muli %arg1, %mul3A_104 : i32
      %mul3A_106 = arith.constant 128 : i32
      %mul3A_107 = arith.muli %add3A_103, %mul3A_106 : i32
      %add3A_108 = arith.addi %mul3A_105, %mul3A_107 : i32
      %run_scoped3A = arith.constant 0 : i32
      "tpu.region"() ({
        %run_scoped3A_109 = tpu.sem_alloc : memref<!tpu.dma_semaphore, #tpu.memory_space<semaphore_mem>>
        %dma_start3A_110 = arith.constant 0 : i32
        %dma_start3A_111 = arith.constant 0 : i32
        %dma_start3A_112 = tpu.memref_slice %arg8[%run_scoped3A, %dma_start3A_110, %dma_start3A_111] : memref<2x128x128xf32, #tpu.memory_space<vmem>> -> memref<1x128x128xf32, #tpu.memory_space<vmem>>
        %dma_start3A_113 = tpu.memref_squeeze %dma_start3A_112 : memref<1x128x128xf32, #tpu.memory_space<vmem>> -> memref<128x128xf32, #tpu.memory_space<vmem>>
        %dma_start3A_114 = arith.constant 0 : i32
        %dma_start3A_115 = tpu.memref_slice %arg6[%add3A_108, %dma_start3A_114] : memref<10240x128xf32, #tpu.memory_space<vmem_shared>> -> memref<128x128xf32, #tpu.memory_space<vmem_shared>>
        %dma_start3A_116 = arith.constant 0 : i32
        %dma_start3A_117 = tpu.memref_slice %arg6[%add3A_108, %dma_start3A_116] : memref<10240x128xf32, #tpu.memory_space<vmem_shared>> -> memref<128x128xf32, #tpu.memory_space<vmem_shared>>
        %dma_start3A_118 = arith.constant 0 : i32
        %dma_start3A_119 = arith.constant 0 : i32
        %dma_start3A_120 = tpu.memref_slice %arg8[%run_scoped3A, %dma_start3A_118, %dma_start3A_119] : memref<2x128x128xf32, #tpu.memory_space<vmem>> -> memref<1x128x128xf32, #tpu.memory_space<vmem>>
        %dma_start3A_121 = tpu.memref_squeeze %dma_start3A_120 : memref<1x128x128xf32, #tpu.memory_space<vmem>> -> memref<128x128xf32, #tpu.memory_space<vmem>>
        tpu.enqueue_dma source(%dma_start3A_121 : memref<128x128xf32, #tpu.memory_space<vmem>>) target(%dma_start3A_117 : memref<128x128xf32, #tpu.memory_space<vmem_shared>>) target_semaphore(%run_scoped3A_109 : memref<!tpu.dma_semaphore, #tpu.memory_space<semaphore_mem>>)
        %dma_wait3A = arith.constant 0 : i32
        %dma_wait3A_122 = arith.constant 0 : i32
        %dma_wait3A_123 = tpu.memref_slice %arg8[%run_scoped3A, %dma_wait3A, %dma_wait3A_122] : memref<2x128x128xf32, #tpu.memory_space<vmem>> -> memref<1x128x128xf32, #tpu.memory_space<vmem>>
        %dma_wait3A_124 = tpu.memref_squeeze %dma_wait3A_123 : memref<1x128x128xf32, #tpu.memory_space<vmem>> -> memref<128x128xf32, #tpu.memory_space<vmem>>
        %dma_wait3A_125 = arith.constant 0 : i32
        %dma_wait3A_126 = tpu.memref_slice %arg6[%add3A_108, %dma_wait3A_125] : memref<10240x128xf32, #tpu.memory_space<vmem_shared>> -> memref<128x128xf32, #tpu.memory_space<vmem_shared>>
        %dma_wait3A_127 = arith.constant 0 : i32
        %dma_wait3A_128 = tpu.memref_slice %arg6[%add3A_108, %dma_wait3A_127] : memref<10240x128xf32, #tpu.memory_space<vmem_shared>> -> memref<128x128xf32, #tpu.memory_space<vmem_shared>>
        %dma_wait3A_129 = arith.constant 0 : i32
        %dma_wait3A_130 = arith.constant 0 : i32
        %dma_wait3A_131 = tpu.memref_slice %arg8[%run_scoped3A, %dma_wait3A_129, %dma_wait3A_130] : memref<2x128x128xf32, #tpu.memory_space<vmem>> -> memref<1x128x128xf32, #tpu.memory_space<vmem>>
        %dma_wait3A_132 = tpu.memref_squeeze %dma_wait3A_131 : memref<1x128x128xf32, #tpu.memory_space<vmem>> -> memref<128x128xf32, #tpu.memory_space<vmem>>
        tpu.wait_dma2 semaphore(%run_scoped3A_109 : memref<!tpu.dma_semaphore, #tpu.memory_space<semaphore_mem>>) src(%dma_wait3A_132 : memref<128x128xf32, #tpu.memory_space<vmem>>) dst(%dma_wait3A_128 : memref<128x128xf32, #tpu.memory_space<vmem_shared>>)
        tpu.yield
      }) : () -> ()
    }
    %scan3A_9 = arith.constant 5 : i32
    %scan3A_10 = arith.constant 0 : i32
    %scan3A_11 = arith.constant 640 : i32
    %scan3A_12 = arith.addi %scan3A_10, %scan3A_11 : i32
    %scan3A_13 = arith.constant 1 : i32
    scf.for %scan3A_99 = %scan3A_10 to %scan3A_12 step %scan3A_13  : i32 {
      %mul3A_100 = arith.constant 1 : i32
      %mul3A_101 = arith.muli %scan3A_99, %mul3A_100 : i32
      %add3A_102 = arith.constant 0 : i32
      %add3A_103 = arith.addi %add3A_102, %mul3A_101 : i32
      %broadcast_in_dim3A_104 = arith.constant 0.000000e+00 : f32
      %broadcast_in_dim3A_105 = vector.broadcast %broadcast_in_dim3A_104 : f32 to vector<16xf32>
      %mul3A_106 = arith.constant 16 : i32
      %mul3A_107 = arith.muli %add3A_103, %mul3A_106 : i32
      %swap3A = arith.index_cast %mul3A_107 : i32 to index
      %swap3A_108 = tpu.vector_load %arg9[%swap3A] {strides = array<i32>} : memref<10240xf32, #tpu.memory_space<vmem>>, vector<16xf32>,
      tpu.vector_store %arg9[%swap3A], %broadcast_in_dim3A_105 {strides = array<i32>} : memref<10240xf32, #tpu.memory_space<vmem>>, vector<16xf32>,
    }
    %scan3A_14 = arith.constant 640 : i32
    %barrier3A = arith.constant 0 : index
    tpu.barrier barrier_id(%barrier3A)
    %broadcast_in_dim3A = arith.constant 1.000000e+00 : f32
    %broadcast_in_dim3A_15 = vector.broadcast %broadcast_in_dim3A : f32 to vector<16xf32>
    %sub3A = arith.constant 5000 : i32
    %sub3A_16 = arith.subi %sub3A, %add3A : i32
    %add3A_17 = arith.constant 32 : i32
    %add3A_18 = arith.addi %sub3A_16, %add3A_17 : i32
    %sub3A_19 = arith.constant 1 : i32
    %sub3A_20 = arith.subi %add3A_18, %sub3A_19 : i32
    %jit3A = arith.constant 32 : i32
    %div3A = arith.divsi %sub3A_20, %jit3A : i32
    %sign3A = arith.constant 0 : i32
    %sign3A_21 = arith.cmpi sgt, %sub3A_20, %sign3A : i32
    %sign3A_22 = arith.extui %sign3A_21 : i1 to i32
    %sign3A_23 = arith.constant 0 : i32
    %sign3A_24 = arith.cmpi slt, %sub3A_20, %sign3A_23 : i32
    %sign3A_25 = arith.extui %sign3A_24 : i1 to i32
    %sign3A_26 = arith.subi %sign3A_22, %sign3A_25 : i32
    %sign3A_27 = arith.constant 0 : i32
    %sign3A_28 = arith.cmpi sgt, %jit3A, %sign3A_27 : i32
    %sign3A_29 = arith.extui %sign3A_28 : i1 to i32
    %sign3A_30 = arith.constant 0 : i32
    %sign3A_31 = arith.cmpi slt, %jit3A, %sign3A_30 : i32
    %sign3A_32 = arith.extui %sign3A_31 : i1 to i32
    %sign3A_33 = arith.subi %sign3A_29, %sign3A_32 : i32
    %ne3A = arith.cmpi ne, %sign3A_26, %sign3A_33 : i32
    %rem3A = arith.remsi %sub3A_20, %jit3A : i32
    %ne3A_34 = arith.constant 0 : i32
    %ne3A_35 = arith.cmpi ne, %rem3A, %ne3A_34 : i32
    %and3A = arith.andi %ne3A, %ne3A_35 : i1
    %sub3A_36 = arith.constant 1 : i32
    %sub3A_37 = arith.subi %div3A, %sub3A_36 : i32
    %select_n3A = arith.select %and3A, %sub3A_37, %div3A : i32
    %add3A_38 = arith.constant 0 : i32
    %add3A_39 = arith.addi %add3A, %add3A_38 : i32
    %mul3A_40 = arith.constant 128 : i32
    %mul3A_41 = arith.muli %add3A_39, %mul3A_40 : i32
    %dma_start3A = arith.constant 0 : i32
    %dma_start3A_42 = arith.constant 0 : i32
    %dma_start3A_43 = arith.constant 0 : i32
    %dma_start3A_44 = tpu.memref_slice %arg7[%dma_start3A, %dma_start3A_43] : memref<2x128xi32, #tpu.memory_space<vmem>> -> memref<1x128xi32, #tpu.memory_space<vmem>>
    %dma_start3A_45 = tpu.memref_squeeze %dma_start3A_44 : memref<1x128xi32, #tpu.memory_space<vmem>> -> memref<128xi32, #tpu.memory_space<vmem>>
    %dma_start3A_46 = tpu.memref_slice %arg3[%mul3A_41] : memref<640000xi32, #tpu.memory_space<hbm>> -> memref<128xi32, #tpu.memory_space<hbm>>
    %dma_start3A_47 = tpu.memref_slice %arg10[%dma_start3A_42] : memref<2x!tpu.dma_semaphore, #tpu.memory_space<semaphore_mem>> -> memref<1x!tpu.dma_semaphore, #tpu.memory_space<semaphore_mem>>
    %dma_start3A_48 = tpu.memref_squeeze %dma_start3A_47 : memref<1x!tpu.dma_semaphore, #tpu.memory_space<semaphore_mem>> -> memref<!tpu.dma_semaphore, #tpu.memory_space<semaphore_mem>>
    %dma_start3A_49 = arith.constant 0 : i32
    %dma_start3A_50 = tpu.memref_slice %arg7[%dma_start3A, %dma_start3A_49] : memref<2x128xi32, #tpu.memory_space<vmem>> -> memref<1x128xi32, #tpu.memory_space<vmem>>
    %dma_start3A_51 = tpu.memref_squeeze %dma_start3A_50 : memref<1x128xi32, #tpu.memory_space<vmem>> -> memref<128xi32, #tpu.memory_space<vmem>>
    %dma_start3A_52 = tpu.memref_slice %arg3[%mul3A_41] : memref<640000xi32, #tpu.memory_space<hbm>> -> memref<128xi32, #tpu.memory_space<hbm>>
    tpu.enqueue_dma source(%dma_start3A_52 : memref<128xi32, #tpu.memory_space<hbm>>) target(%dma_start3A_51 : memref<128xi32, #tpu.memory_space<vmem>>) target_semaphore(%dma_start3A_48 : memref<!tpu.dma_semaphore, #tpu.memory_space<semaphore_mem>>)
    %mul3A_53 = arith.constant 128 : i32
    %mul3A_54 = arith.muli %add3A_39, %mul3A_53 : i32
    %dma_start3A_55 = arith.constant 0 : i32
    %dma_start3A_56 = arith.constant 0 : i32
    %dma_start3A_57 = arith.constant 0 : i32
    %dma_start3A_58 = arith.constant 0 : i32
    %dma_start3A_59 = tpu.memref_slice %arg8[%dma_start3A_55, %dma_start3A_57, %dma_start3A_58] : memref<2x128x128xf32, #tpu.memory_space<vmem>> -> memref<1x128x128xf32, #tpu.memory_space<vmem>>
    %dma_start3A_60 = tpu.memref_squeeze %dma_start3A_59 : memref<1x128x128xf32, #tpu.memory_space<vmem>> -> memref<128x128xf32, #tpu.memory_space<vmem>>
    %dma_start3A_61 = arith.constant 0 : i32
    %dma_start3A_62 = tpu.memref_slice %arg2[%mul3A_54, %dma_start3A_61] : memref<640000x128xf32, #tpu.memory_space<hbm>> -> memref<128x128xf32, #tpu.memory_space<hbm>>
    %dma_start3A_63 = tpu.memref_slice %arg11[%dma_start3A_56] : memref<2x!tpu.dma_semaphore, #tpu.memory_space<semaphore_mem>> -> memref<1x!tpu.dma_semaphore, #tpu.memory_space<semaphore_mem>>
    %dma_start3A_64 = tpu.memref_squeeze %dma_start3A_63 : memref<1x!tpu.dma_semaphore, #tpu.memory_space<semaphore_mem>> -> memref<!tpu.dma_semaphore, #tpu.memory_space<semaphore_mem>>
    %dma_start3A_65 = arith.constant 0 : i32
    %dma_start3A_66 = arith.constant 0 : i32
    %dma_start3A_67 = tpu.memref_slice %arg8[%dma_start3A_55, %dma_start3A_65, %dma_start3A_66] : memref<2x128x128xf32, #tpu.memory_space<vmem>> -> memref<1x128x128xf32, #tpu.memory_space<vmem>>
    %dma_start3A_68 = tpu.memref_squeeze %dma_start3A_67 : memref<1x128x128xf32, #tpu.memory_space<vmem>> -> memref<128x128xf32, #tpu.memory_space<vmem>>
    %dma_start3A_69 = arith.constant 0 : i32
    %dma_start3A_70 = tpu.memref_slice %arg2[%mul3A_54, %dma_start3A_69] : memref<640000x128xf32, #tpu.memory_space<hbm>> -> memref<128x128xf32, #tpu.memory_space<hbm>>
    tpu.enqueue_dma source(%dma_start3A_70 : memref<128x128xf32, #tpu.memory_space<hbm>>) target(%dma_start3A_68 : memref<128x128xf32, #tpu.memory_space<vmem>>) target_semaphore(%dma_start3A_64 : memref<!tpu.dma_semaphore, #tpu.memory_space<semaphore_mem>>)
    %sub3A_71 = arith.constant 0 : i32
    %sub3A_72 = arith.subi %select_n3A, %sub3A_71 : i32
    %sub3A_73 = arith.constant 1 : i32
    %sub3A_74 = arith.constant 1 : i32
    %sub3A_75 = arith.subi %sub3A_73, %sub3A_74 : i32
    %add3A_76 = arith.addi %sub3A_72, %sub3A_75 : i32
    %div3A_77 = arith.constant 1 : i32
    %div3A_78 = arith.divsi %add3A_76, %div3A_77 : i32
    %while3A = arith.constant 1 : i32
    %while3A_79 = arith.constant 0 : i32
    %while3A_80 = arith.constant 0 : i32
    %while3A_81 = arith.subi %div3A_78, %while3A_80 : i32
    %while3A_82 = arith.addi %while3A_80, %while3A_81 : i32
    %while3A_83 = arith.constant 1 : i32
    %while3A_84 = arith.divsi %while3A_81, %while3A_83 : i32
    %while3A_85 = arith.muli %while3A_84, %while3A_83 : i32
    %while3A_86 = arith.addi %while3A_80, %while3A_85 : i32
    %while3A_87 = arith.constant 1 : i32
    scf.for %while3A_99 = %while3A_80 to %while3A_86 step %while3A_87  : i32 {
      %mul3A_100 = arith.muli %while3A_99, %while3A : i32
      %add3A_101 = arith.addi %while3A_79, %mul3A_100 : i32
      %rem3A_102 = arith.constant 2 : i32
      %rem3A_103 = arith.remsi %add3A_101, %rem3A_102 : i32
      %mul3A_104 = arith.constant 32 : i32
      %mul3A_105 = arith.muli %add3A_101, %mul3A_104 : i32
      %add3A_106 = arith.addi %add3A, %mul3A_105 : i32
      %mul3A_107 = arith.constant 128 : i32
      %mul3A_108 = arith.muli %add3A_106, %mul3A_107 : i32
      %dma_wait3A = arith.constant 0 : i32
      %dma_wait3A_109 = tpu.memref_slice %arg7[%rem3A_103, %dma_wait3A] : memref<2x128xi32, #tpu.memory_space<vmem>> -> memref<1x128xi32, #tpu.memory_space<vmem>>
      %dma_wait3A_110 = tpu.memref_squeeze %dma_wait3A_109 : memref<1x128xi32, #tpu.memory_space<vmem>> -> memref<128xi32, #tpu.memory_space<vmem>>
      %dma_wait3A_111 = tpu.memref_slice %arg3[%mul3A_108] : memref<640000xi32, #tpu.memory_space<hbm>> -> memref<128xi32, #tpu.memory_space<hbm>>
      %dma_wait3A_112 = tpu.memref_slice %arg10[%rem3A_103] : memref<2x!tpu.dma_semaphore, #tpu.memory_space<semaphore_mem>> -> memref<1x!tpu.dma_semaphore, #tpu.memory_space<semaphore_mem>>
      %dma_wait3A_113 = tpu.memref_squeeze %dma_wait3A_112 : memref<1x!tpu.dma_semaphore, #tpu.memory_space<semaphore_mem>> -> memref<!tpu.dma_semaphore, #tpu.memory_space<semaphore_mem>>
      %dma_wait3A_114 = arith.constant 0 : i32
      %dma_wait3A_115 = tpu.memref_slice %arg7[%rem3A_103, %dma_wait3A_114] : memref<2x128xi32, #tpu.memory_space<vmem>> -> memref<1x128xi32, #tpu.memory_space<vmem>>
      %dma_wait3A_116 = tpu.memref_squeeze %dma_wait3A_115 : memref<1x128xi32, #tpu.memory_space<vmem>> -> memref<128xi32, #tpu.memory_space<vmem>>
      %dma_wait3A_117 = tpu.memref_slice %arg3[%mul3A_108] : memref<640000xi32, #tpu.memory_space<hbm>> -> memref<128xi32, #tpu.memory_space<hbm>>
      tpu.wait_dma2 semaphore(%dma_wait3A_113 : memref<!tpu.dma_semaphore, #tpu.memory_space<semaphore_mem>>) src(%dma_wait3A_117 : memref<128xi32, #tpu.memory_space<hbm>>) dst(%dma_wait3A_116 : memref<128xi32, #tpu.memory_space<vmem>>)
      %mul3A_118 = arith.constant 128 : i32
      %mul3A_119 = arith.muli %add3A_106, %mul3A_118 : i32
      %dma_wait3A_120 = arith.constant 0 : i32
      %dma_wait3A_121 = arith.constant 0 : i32
      %dma_wait3A_122 = tpu.memref_slice %arg8[%rem3A_103, %dma_wait3A_120, %dma_wait3A_121] : memref<2x128x128xf32, #tpu.memory_space<vmem>> -> memref<1x128x128xf32, #tpu.memory_space<vmem>>
      %dma_wait3A_123 = tpu.memref_squeeze %dma_wait3A_122 : memref<1x128x128xf32, #tpu.memory_space<vmem>> -> memref<128x128xf32, #tpu.memory_space<vmem>>
      %dma_wait3A_124 = arith.constant 0 : i32
      %dma_wait3A_125 = tpu.memref_slice %arg2[%mul3A_119, %dma_wait3A_124] : memref<640000x128xf32, #tpu.memory_space<hbm>> -> memref<128x128xf32, #tpu.memory_space<hbm>>
      %dma_wait3A_126 = tpu.memref_slice %arg11[%rem3A_103] : memref<2x!tpu.dma_semaphore, #tpu.memory_space<semaphore_mem>> -> memref<1x!tpu.dma_semaphore, #tpu.memory_space<semaphore_mem>>
      %dma_wait3A_127 = tpu.memref_squeeze %dma_wait3A_126 : memref<1x!tpu.dma_semaphore, #tpu.memory_space<semaphore_mem>> -> memref<!tpu.dma_semaphore, #tpu.memory_space<semaphore_mem>>
      %dma_wait3A_128 = arith.constant 0 : i32
      %dma_wait3A_129 = arith.constant 0 : i32
      %dma_wait3A_130 = tpu.memref_slice %arg8[%rem3A_103, %dma_wait3A_128, %dma_wait3A_129] : memref<2x128x128xf32, #tpu.memory_space<vmem>> -> memref<1x128x128xf32, #tpu.memory_space<vmem>>
      %dma_wait3A_131 = tpu.memref_squeeze %dma_wait3A_130 : memref<1x128x128xf32, #tpu.memory_space<vmem>> -> memref<128x128xf32, #tpu.memory_space<vmem>>
      %dma_wait3A_132 = arith.constant 0 : i32
      %dma_wait3A_133 = tpu.memref_slice %arg2[%mul3A_119, %dma_wait3A_132] : memref<640000x128xf32, #tpu.memory_space<hbm>> -> memref<128x128xf32, #tpu.memory_space<hbm>>
      tpu.wait_dma2 semaphore(%dma_wait3A_127 : memref<!tpu.dma_semaphore, #tpu.memory_space<semaphore_mem>>) src(%dma_wait3A_133 : memref<128x128xf32, #tpu.memory_space<hbm>>) dst(%dma_wait3A_131 : memref<128x128xf32, #tpu.memory_space<vmem>>)
      %add3A_134 = arith.constant 1 : i32
      %add3A_135 = arith.addi %add3A_101, %add3A_134 : i32
      %lt3A = arith.cmpi slt, %add3A_135, %select_n3A : i32
      %convert_element_type3A = arith.extui %lt3A : i1 to i32
      %cond3A = arith.constant 0 : i32
      %cond3A_136 = arith.cmpi ne, %convert_element_type3A, %cond3A : i32
      scf.if %cond3A_136 {
        %add3A_160 = arith.constant 1 : i32
        %add3A_161 = arith.addi %add3A_101, %add3A_160 : i32
        %sub3A_162 = arith.constant 1 : i32
        %sub3A_163 = arith.subi %sub3A_162, %rem3A_103 : i32
        %mul3A_164 = arith.constant 32 : i32
        %mul3A_165 = arith.muli %add3A_161, %mul3A_164 : i32
        %add3A_166 = arith.addi %add3A, %mul3A_165 : i32
        %mul3A_167 = arith.constant 128 : i32
        %mul3A_168 = arith.muli %add3A_166, %mul3A_167 : i32
        %dma_start3A_169 = arith.constant 0 : i32
        %dma_start3A_170 = tpu.memref_slice %arg7[%sub3A_163, %dma_start3A_169] : memref<2x128xi32, #tpu.memory_space<vmem>> -> memref<1x128xi32, #tpu.memory_space<vmem>>
        %dma_start3A_171 = tpu.memref_squeeze %dma_start3A_170 : memref<1x128xi32, #tpu.memory_space<vmem>> -> memref<128xi32, #tpu.memory_space<vmem>>
        %dma_start3A_172 = tpu.memref_slice %arg3[%mul3A_168] : memref<640000xi32, #tpu.memory_space<hbm>> -> memref<128xi32, #tpu.memory_space<hbm>>
        %dma_start3A_173 = tpu.memref_slice %arg10[%sub3A_163] : memref<2x!tpu.dma_semaphore, #tpu.memory_space<semaphore_mem>> -> memref<1x!tpu.dma_semaphore, #tpu.memory_space<semaphore_mem>>
        %dma_start3A_174 = tpu.memref_squeeze %dma_start3A_173 : memref<1x!tpu.dma_semaphore, #tpu.memory_space<semaphore_mem>> -> memref<!tpu.dma_semaphore, #tpu.memory_space<semaphore_mem>>
        %dma_start3A_175 = arith.constant 0 : i32
        %dma_start3A_176 = tpu.memref_slice %arg7[%sub3A_163, %dma_start3A_175] : memref<2x128xi32, #tpu.memory_space<vmem>> -> memref<1x128xi32, #tpu.memory_space<vmem>>
        %dma_start3A_177 = tpu.memref_squeeze %dma_start3A_176 : memref<1x128xi32, #tpu.memory_space<vmem>> -> memref<128xi32, #tpu.memory_space<vmem>>
        %dma_start3A_178 = tpu.memref_slice %arg3[%mul3A_168] : memref<640000xi32, #tpu.memory_space<hbm>> -> memref<128xi32, #tpu.memory_space<hbm>>
        tpu.enqueue_dma source(%dma_start3A_178 : memref<128xi32, #tpu.memory_space<hbm>>) target(%dma_start3A_177 : memref<128xi32, #tpu.memory_space<vmem>>) target_semaphore(%dma_start3A_174 : memref<!tpu.dma_semaphore, #tpu.memory_space<semaphore_mem>>)
        %mul3A_179 = arith.constant 128 : i32
        %mul3A_180 = arith.muli %add3A_166, %mul3A_179 : i32
        %dma_start3A_181 = arith.constant 0 : i32
        %dma_start3A_182 = arith.constant 0 : i32
        %dma_start3A_183 = tpu.memref_slice %arg8[%sub3A_163, %dma_start3A_181, %dma_start3A_182] : memref<2x128x128xf32, #tpu.memory_space<vmem>> -> memref<1x128x128xf32, #tpu.memory_space<vmem>>
        %dma_start3A_184 = tpu.memref_squeeze %dma_start3A_183 : memref<1x128x128xf32, #tpu.memory_space<vmem>> -> memref<128x128xf32, #tpu.memory_space<vmem>>
        %dma_start3A_185 = arith.constant 0 : i32
        %dma_start3A_186 = tpu.memref_slice %arg2[%mul3A_180, %dma_start3A_185] : memref<640000x128xf32, #tpu.memory_space<hbm>> -> memref<128x128xf32, #tpu.memory_space<hbm>>
        %dma_start3A_187 = tpu.memref_slice %arg11[%sub3A_163] : memref<2x!tpu.dma_semaphore, #tpu.memory_space<semaphore_mem>> -> memref<1x!tpu.dma_semaphore, #tpu.memory_space<semaphore_mem>>
        %dma_start3A_188 = tpu.memref_squeeze %dma_start3A_187 : memref<1x!tpu.dma_semaphore, #tpu.memory_space<semaphore_mem>> -> memref<!tpu.dma_semaphore, #tpu.memory_space<semaphore_mem>>
        %dma_start3A_189 = arith.constant 0 : i32
        %dma_start3A_190 = arith.constant 0 : i32
        %dma_start3A_191 = tpu.memref_slice %arg8[%sub3A_163, %dma_start3A_189, %dma_start3A_190] : memref<2x128x128xf32, #tpu.memory_space<vmem>> -> memref<1x128x128xf32, #tpu.memory_space<vmem>>
        %dma_start3A_192 = tpu.memref_squeeze %dma_start3A_191 : memref<1x128x128xf32, #tpu.memory_space<vmem>> -> memref<128x128xf32, #tpu.memory_space<vmem>>
        %dma_start3A_193 = arith.constant 0 : i32
        %dma_start3A_194 = tpu.memref_slice %arg2[%mul3A_180, %dma_start3A_193] : memref<640000x128xf32, #tpu.memory_space<hbm>> -> memref<128x128xf32, #tpu.memory_space<hbm>>
        tpu.enqueue_dma source(%dma_start3A_194 : memref<128x128xf32, #tpu.memory_space<hbm>>) target(%dma_start3A_192 : memref<128x128xf32, #tpu.memory_space<vmem>>) target_semaphore(%dma_start3A_188 : memref<!tpu.dma_semaphore, #tpu.memory_space<semaphore_mem>>)
      } else {
      }
      "tpu.region"() ({
        %run_scoped3A = tpu.sem_alloc : memref<!tpu.dma_semaphore, #tpu.memory_space<semaphore_mem>>
        %dma_start3A_160 = arith.constant 0 : i32
        %dma_start3A_161 = arith.constant 0 : i32
        %dma_start3A_162 = tpu.memref_slice %arg8[%rem3A_103, %dma_start3A_160, %dma_start3A_161] : memref<2x128x128xf32, #tpu.memory_space<vmem>> -> memref<1x128x128xf32, #tpu.memory_space<vmem>>
        %dma_start3A_163 = tpu.memref_squeeze %dma_start3A_162 : memref<1x128x128xf32, #tpu.memory_space<vmem>> -> memref<128x128xf32, #tpu.memory_space<vmem>>
        %dma_start3A_164 = arith.constant 0 : i32
        %dma_start3A_165 = tpu.memref_slice %arg7[%rem3A_103, %dma_start3A_164] : memref<2x128xi32, #tpu.memory_space<vmem>> -> memref<1x128xi32, #tpu.memory_space<vmem>>
        %dma_start3A_166 = tpu.memref_squeeze %dma_start3A_165 : memref<1x128xi32, #tpu.memory_space<vmem>> -> memref<128xi32, #tpu.memory_space<vmem>>
        %dma_start3A_167 = arith.constant 0 : i32
        %dma_start3A_168 = arith.constant 0 : i32
        %dma_start3A_169 = tpu.memref_slice %arg6[%dma_start3A_167, %dma_start3A_168] : memref<10240x128xf32, #tpu.memory_space<vmem_shared>> -> memref<10240x128xf32, #tpu.memory_space<vmem_shared>>
        tpu.enqueue_indirect_dma source(%dma_start3A_163 : memref<128x128xf32, #tpu.memory_space<vmem>>) target(%dma_start3A_169 : memref<10240x128xf32, #tpu.memory_space<vmem_shared>>) offsets(%dma_start3A_166 : memref<128xi32, #tpu.memory_space<vmem>>) semaphore(%run_scoped3A : memref<!tpu.dma_semaphore, #tpu.memory_space<semaphore_mem>>) {add = true}
        %dma_wait3A_170 = arith.constant 0 : i32
        %dma_wait3A_171 = arith.constant 0 : i32
        %dma_wait3A_172 = tpu.memref_slice %arg8[%rem3A_103, %dma_wait3A_170, %dma_wait3A_171] : memref<2x128x128xf32, #tpu.memory_space<vmem>> -> memref<1x128x128xf32, #tpu.memory_space<vmem>>
        %dma_wait3A_173 = tpu.memref_squeeze %dma_wait3A_172 : memref<1x128x128xf32, #tpu.memory_space<vmem>> -> memref<128x128xf32, #tpu.memory_space<vmem>>
        %dma_wait3A_174 = arith.constant 0 : i32
        %dma_wait3A_175 = tpu.memref_slice %arg7[%rem3A_103, %dma_wait3A_174] : memref<2x128xi32, #tpu.memory_space<vmem>> -> memref<1x128xi32, #tpu.memory_space<vmem>>
        %dma_wait3A_176 = tpu.memref_squeeze %dma_wait3A_175 : memref<1x128xi32, #tpu.memory_space<vmem>> -> memref<128xi32, #tpu.memory_space<vmem>>
        %dma_wait3A_177 = arith.constant 0 : i32
        %dma_wait3A_178 = arith.constant 0 : i32
        %dma_wait3A_179 = tpu.memref_slice %arg6[%dma_wait3A_177, %dma_wait3A_178] : memref<10240x128xf32, #tpu.memory_space<vmem_shared>> -> memref<10240x128xf32, #tpu.memory_space<vmem_shared>>
        tpu.wait_indirect_dma semaphore(%run_scoped3A : memref<!tpu.dma_semaphore, #tpu.memory_space<semaphore_mem>>) src(%dma_wait3A_173 : memref<128x128xf32, #tpu.memory_space<vmem>>) dst(%dma_wait3A_179 : memref<10240x128xf32, #tpu.memory_space<vmem_shared>>)
        tpu.yield
      }) : () -> ()
      %get3A = arith.index_cast %rem3A_103 : i32 to index
      %get3A_137 = arith.constant 0 : index
      %get3A_138 = tpu.vector_load %arg7[%get3A, %get3A_137] {strides = array<i32>} : memref<2x128xi32, #tpu.memory_space<vmem>>, vector<16xi32>,
      tpu.vector_store_idx %arg9[%get3A_138], %broadcast_in_dim3A_15 {add = true} : memref<10240xf32, #tpu.memory_space<vmem>>[vector<16xi32>], vector<16xf32>,
      %get3A_139 = arith.index_cast %rem3A_103 : i32 to index
      %get3A_140 = arith.constant 16 : index
      %get3A_141 = tpu.vector_load %arg7[%get3A_139, %get3A_140] {strides = array<i32>} : memref<2x128xi32, #tpu.memory_space<vmem>>, vector<16xi32>,
      tpu.vector_store_idx %arg9[%get3A_141], %broadcast_in_dim3A_15 {add = true} : memref<10240xf32, #tpu.memory_space<vmem>>[vector<16xi32>], vector<16xf32>,
      %get3A_142 = arith.index_cast %rem3A_103 : i32 to index
      %get3A_143 = arith.constant 32 : index
      %get3A_144 = tpu.vector_load %arg7[%get3A_142, %get3A_143] {strides = array<i32>} : memref<2x128xi32, #tpu.memory_space<vmem>>, vector<16xi32>,
      tpu.vector_store_idx %arg9[%get3A_144], %broadcast_in_dim3A_15 {add = true} : memref<10240xf32, #tpu.memory_space<vmem>>[vector<16xi32>], vector<16xf32>,
      %get3A_145 = arith.index_cast %rem3A_103 : i32 to index
      %get3A_146 = arith.constant 48 : index
      %get3A_147 = tpu.vector_load %arg7[%get3A_145, %get3A_146] {strides = array<i32>} : memref<2x128xi32, #tpu.memory_space<vmem>>, vector<16xi32>,
      tpu.vector_store_idx %arg9[%get3A_147], %broadcast_in_dim3A_15 {add = true} : memref<10240xf32, #tpu.memory_space<vmem>>[vector<16xi32>], vector<16xf32>,
      %get3A_148 = arith.index_cast %rem3A_103 : i32 to index
      %get3A_149 = arith.constant 64 : index
      %get3A_150 = tpu.vector_load %arg7[%get3A_148, %get3A_149] {strides = array<i32>} : memref<2x128xi32, #tpu.memory_space<vmem>>, vector<16xi32>,
      tpu.vector_store_idx %arg9[%get3A_150], %broadcast_in_dim3A_15 {add = true} : memref<10240xf32, #tpu.memory_space<vmem>>[vector<16xi32>], vector<16xf32>,
      %get3A_151 = arith.index_cast %rem3A_103 : i32 to index
      %get3A_152 = arith.constant 80 : index
      %get3A_153 = tpu.vector_load %arg7[%get3A_151, %get3A_152] {strides = array<i32>} : memref<2x128xi32, #tpu.memory_space<vmem>>, vector<16xi32>,
      tpu.vector_store_idx %arg9[%get3A_153], %broadcast_in_dim3A_15 {add = true} : memref<10240xf32, #tpu.memory_space<vmem>>[vector<16xi32>], vector<16xf32>,
      %get3A_154 = arith.index_cast %rem3A_103 : i32 to index
      %get3A_155 = arith.constant 96 : index
      %get3A_156 = tpu.vector_load %arg7[%get3A_154, %get3A_155] {strides = array<i32>} : memref<2x128xi32, #tpu.memory_space<vmem>>, vector<16xi32>,
      tpu.vector_store_idx %arg9[%get3A_156], %broadcast_in_dim3A_15 {add = true} : memref<10240xf32, #tpu.memory_space<vmem>>[vector<16xi32>], vector<16xf32>,
      %get3A_157 = arith.index_cast %rem3A_103 : i32 to index
      %get3A_158 = arith.constant 112 : index
      %get3A_159 = tpu.vector_load %arg7[%get3A_157, %get3A_158] {strides = array<i32>} : memref<2x128xi32, #tpu.memory_space<vmem>>, vector<16xi32>,
      tpu.vector_store_idx %arg9[%get3A_159], %broadcast_in_dim3A_15 {add = true} : memref<10240xf32, #tpu.memory_space<vmem>>[vector<16xi32>], vector<16xf32>,
    }
    %while3A_88 = arith.constant 1 : i32
    scf.for %while3A_99 = %while3A_86 to %while3A_82 step %while3A_88  : i32 {
      %mul3A_100 = arith.muli %while3A_99, %while3A : i32
      %add3A_101 = arith.addi %while3A_79, %mul3A_100 : i32
      %rem3A_102 = arith.constant 2 : i32
      %rem3A_103 = arith.remsi %add3A_101, %rem3A_102 : i32
      %mul3A_104 = arith.constant 32 : i32
      %mul3A_105 = arith.muli %add3A_101, %mul3A_104 : i32
      %add3A_106 = arith.addi %add3A, %mul3A_105 : i32
      %mul3A_107 = arith.constant 128 : i32
      %mul3A_108 = arith.muli %add3A_106, %mul3A_107 : i32
      %dma_wait3A = arith.constant 0 : i32
      %dma_wait3A_109 = tpu.memref_slice %arg7[%rem3A_103, %dma_wait3A] : memref<2x128xi32, #tpu.memory_space<vmem>> -> memref<1x128xi32, #tpu.memory_space<vmem>>
      %dma_wait3A_110 = tpu.memref_squeeze %dma_wait3A_109 : memref<1x128xi32, #tpu.memory_space<vmem>> -> memref<128xi32, #tpu.memory_space<vmem>>
      %dma_wait3A_111 = tpu.memref_slice %arg3[%mul3A_108] : memref<640000xi32, #tpu.memory_space<hbm>> -> memref<128xi32, #tpu.memory_space<hbm>>
      %dma_wait3A_112 = tpu.memref_slice %arg10[%rem3A_103] : memref<2x!tpu.dma_semaphore, #tpu.memory_space<semaphore_mem>> -> memref<1x!tpu.dma_semaphore, #tpu.memory_space<semaphore_mem>>
      %dma_wait3A_113 = tpu.memref_squeeze %dma_wait3A_112 : memref<1x!tpu.dma_semaphore, #tpu.memory_space<semaphore_mem>> -> memref<!tpu.dma_semaphore, #tpu.memory_space<semaphore_mem>>
      %dma_wait3A_114 = arith.constant 0 : i32
      %dma_wait3A_115 = tpu.memref_slice %arg7[%rem3A_103, %dma_wait3A_114] : memref<2x128xi32, #tpu.memory_space<vmem>> -> memref<1x128xi32, #tpu.memory_space<vmem>>
      %dma_wait3A_116 = tpu.memref_squeeze %dma_wait3A_115 : memref<1x128xi32, #tpu.memory_space<vmem>> -> memref<128xi32, #tpu.memory_space<vmem>>
      %dma_wait3A_117 = tpu.memref_slice %arg3[%mul3A_108] : memref<640000xi32, #tpu.memory_space<hbm>> -> memref<128xi32, #tpu.memory_space<hbm>>
      tpu.wait_dma2 semaphore(%dma_wait3A_113 : memref<!tpu.dma_semaphore, #tpu.memory_space<semaphore_mem>>) src(%dma_wait3A_117 : memref<128xi32, #tpu.memory_space<hbm>>) dst(%dma_wait3A_116 : memref<128xi32, #tpu.memory_space<vmem>>)
      %mul3A_118 = arith.constant 128 : i32
      %mul3A_119 = arith.muli %add3A_106, %mul3A_118 : i32
      %dma_wait3A_120 = arith.constant 0 : i32
      %dma_wait3A_121 = arith.constant 0 : i32
      %dma_wait3A_122 = tpu.memref_slice %arg8[%rem3A_103, %dma_wait3A_120, %dma_wait3A_121] : memref<2x128x128xf32, #tpu.memory_space<vmem>> -> memref<1x128x128xf32, #tpu.memory_space<vmem>>
      %dma_wait3A_123 = tpu.memref_squeeze %dma_wait3A_122 : memref<1x128x128xf32, #tpu.memory_space<vmem>> -> memref<128x128xf32, #tpu.memory_space<vmem>>
      %dma_wait3A_124 = arith.constant 0 : i32
      %dma_wait3A_125 = tpu.memref_slice %arg2[%mul3A_119, %dma_wait3A_124] : memref<640000x128xf32, #tpu.memory_space<hbm>> -> memref<128x128xf32, #tpu.memory_space<hbm>>
      %dma_wait3A_126 = tpu.memref_slice %arg11[%rem3A_103] : memref<2x!tpu.dma_semaphore, #tpu.memory_space<semaphore_mem>> -> memref<1x!tpu.dma_semaphore, #tpu.memory_space<semaphore_mem>>
      %dma_wait3A_127 = tpu.memref_squeeze %dma_wait3A_126 : memref<1x!tpu.dma_semaphore, #tpu.memory_space<semaphore_mem>> -> memref<!tpu.dma_semaphore, #tpu.memory_space<semaphore_mem>>
      %dma_wait3A_128 = arith.constant 0 : i32
      %dma_wait3A_129 = arith.constant 0 : i32
      %dma_wait3A_130 = tpu.memref_slice %arg8[%rem3A_103, %dma_wait3A_128, %dma_wait3A_129] : memref<2x128x128xf32, #tpu.memory_space<vmem>> -> memref<1x128x128xf32, #tpu.memory_space<vmem>>
      %dma_wait3A_131 = tpu.memref_squeeze %dma_wait3A_130 : memref<1x128x128xf32, #tpu.memory_space<vmem>> -> memref<128x128xf32, #tpu.memory_space<vmem>>
      %dma_wait3A_132 = arith.constant 0 : i32
      %dma_wait3A_133 = tpu.memref_slice %arg2[%mul3A_119, %dma_wait3A_132] : memref<640000x128xf32, #tpu.memory_space<hbm>> -> memref<128x128xf32, #tpu.memory_space<hbm>>
      tpu.wait_dma2 semaphore(%dma_wait3A_127 : memref<!tpu.dma_semaphore, #tpu.memory_space<semaphore_mem>>) src(%dma_wait3A_133 : memref<128x128xf32, #tpu.memory_space<hbm>>) dst(%dma_wait3A_131 : memref<128x128xf32, #tpu.memory_space<vmem>>)
      %add3A_134 = arith.constant 1 : i32
      %add3A_135 = arith.addi %add3A_101, %add3A_134 : i32
      %lt3A = arith.cmpi slt, %add3A_135, %select_n3A : i32
      %convert_element_type3A = arith.extui %lt3A : i1 to i32
      %cond3A = arith.constant 0 : i32
      %cond3A_136 = arith.cmpi ne, %convert_element_type3A, %cond3A : i32
      scf.if %cond3A_136 {
        %add3A_160 = arith.constant 1 : i32
        %add3A_161 = arith.addi %add3A_101, %add3A_160 : i32
        %sub3A_162 = arith.constant 1 : i32
        %sub3A_163 = arith.subi %sub3A_162, %rem3A_103 : i32
        %mul3A_164 = arith.constant 32 : i32
        %mul3A_165 = arith.muli %add3A_161, %mul3A_164 : i32
        %add3A_166 = arith.addi %add3A, %mul3A_165 : i32
        %mul3A_167 = arith.constant 128 : i32
        %mul3A_168 = arith.muli %add3A_166, %mul3A_167 : i32
        %dma_start3A_169 = arith.constant 0 : i32
        %dma_start3A_170 = tpu.memref_slice %arg7[%sub3A_163, %dma_start3A_169] : memref<2x128xi32, #tpu.memory_space<vmem>> -> memref<1x128xi32, #tpu.memory_space<vmem>>
        %dma_start3A_171 = tpu.memref_squeeze %dma_start3A_170 : memref<1x128xi32, #tpu.memory_space<vmem>> -> memref<128xi32, #tpu.memory_space<vmem>>
        %dma_start3A_172 = tpu.memref_slice %arg3[%mul3A_168] : memref<640000xi32, #tpu.memory_space<hbm>> -> memref<128xi32, #tpu.memory_space<hbm>>
        %dma_start3A_173 = tpu.memref_slice %arg10[%sub3A_163] : memref<2x!tpu.dma_semaphore, #tpu.memory_space<semaphore_mem>> -> memref<1x!tpu.dma_semaphore, #tpu.memory_space<semaphore_mem>>
        %dma_start3A_174 = tpu.memref_squeeze %dma_start3A_173 : memref<1x!tpu.dma_semaphore, #tpu.memory_space<semaphore_mem>> -> memref<!tpu.dma_semaphore, #tpu.memory_space<semaphore_mem>>
        %dma_start3A_175 = arith.constant 0 : i32
        %dma_start3A_176 = tpu.memref_slice %arg7[%sub3A_163, %dma_start3A_175] : memref<2x128xi32, #tpu.memory_space<vmem>> -> memref<1x128xi32, #tpu.memory_space<vmem>>
        %dma_start3A_177 = tpu.memref_squeeze %dma_start3A_176 : memref<1x128xi32, #tpu.memory_space<vmem>> -> memref<128xi32, #tpu.memory_space<vmem>>
        %dma_start3A_178 = tpu.memref_slice %arg3[%mul3A_168] : memref<640000xi32, #tpu.memory_space<hbm>> -> memref<128xi32, #tpu.memory_space<hbm>>
        tpu.enqueue_dma source(%dma_start3A_178 : memref<128xi32, #tpu.memory_space<hbm>>) target(%dma_start3A_177 : memref<128xi32, #tpu.memory_space<vmem>>) target_semaphore(%dma_start3A_174 : memref<!tpu.dma_semaphore, #tpu.memory_space<semaphore_mem>>)
        %mul3A_179 = arith.constant 128 : i32
        %mul3A_180 = arith.muli %add3A_166, %mul3A_179 : i32
        %dma_start3A_181 = arith.constant 0 : i32
        %dma_start3A_182 = arith.constant 0 : i32
        %dma_start3A_183 = tpu.memref_slice %arg8[%sub3A_163, %dma_start3A_181, %dma_start3A_182] : memref<2x128x128xf32, #tpu.memory_space<vmem>> -> memref<1x128x128xf32, #tpu.memory_space<vmem>>
        %dma_start3A_184 = tpu.memref_squeeze %dma_start3A_183 : memref<1x128x128xf32, #tpu.memory_space<vmem>> -> memref<128x128xf32, #tpu.memory_space<vmem>>
        %dma_start3A_185 = arith.constant 0 : i32
        %dma_start3A_186 = tpu.memref_slice %arg2[%mul3A_180, %dma_start3A_185] : memref<640000x128xf32, #tpu.memory_space<hbm>> -> memref<128x128xf32, #tpu.memory_space<hbm>>
        %dma_start3A_187 = tpu.memref_slice %arg11[%sub3A_163] : memref<2x!tpu.dma_semaphore, #tpu.memory_space<semaphore_mem>> -> memref<1x!tpu.dma_semaphore, #tpu.memory_space<semaphore_mem>>
        %dma_start3A_188 = tpu.memref_squeeze %dma_start3A_187 : memref<1x!tpu.dma_semaphore, #tpu.memory_space<semaphore_mem>> -> memref<!tpu.dma_semaphore, #tpu.memory_space<semaphore_mem>>
        %dma_start3A_189 = arith.constant 0 : i32
        %dma_start3A_190 = arith.constant 0 : i32
        %dma_start3A_191 = tpu.memref_slice %arg8[%sub3A_163, %dma_start3A_189, %dma_start3A_190] : memref<2x128x128xf32, #tpu.memory_space<vmem>> -> memref<1x128x128xf32, #tpu.memory_space<vmem>>
        %dma_start3A_192 = tpu.memref_squeeze %dma_start3A_191 : memref<1x128x128xf32, #tpu.memory_space<vmem>> -> memref<128x128xf32, #tpu.memory_space<vmem>>
        %dma_start3A_193 = arith.constant 0 : i32
        %dma_start3A_194 = tpu.memref_slice %arg2[%mul3A_180, %dma_start3A_193] : memref<640000x128xf32, #tpu.memory_space<hbm>> -> memref<128x128xf32, #tpu.memory_space<hbm>>
        tpu.enqueue_dma source(%dma_start3A_194 : memref<128x128xf32, #tpu.memory_space<hbm>>) target(%dma_start3A_192 : memref<128x128xf32, #tpu.memory_space<vmem>>) target_semaphore(%dma_start3A_188 : memref<!tpu.dma_semaphore, #tpu.memory_space<semaphore_mem>>)
      } else {
      }
      "tpu.region"() ({
        %run_scoped3A = tpu.sem_alloc : memref<!tpu.dma_semaphore, #tpu.memory_space<semaphore_mem>>
        %dma_start3A_160 = arith.constant 0 : i32
        %dma_start3A_161 = arith.constant 0 : i32
        %dma_start3A_162 = tpu.memref_slice %arg8[%rem3A_103, %dma_start3A_160, %dma_start3A_161] : memref<2x128x128xf32, #tpu.memory_space<vmem>> -> memref<1x128x128xf32, #tpu.memory_space<vmem>>
        %dma_start3A_163 = tpu.memref_squeeze %dma_start3A_162 : memref<1x128x128xf32, #tpu.memory_space<vmem>> -> memref<128x128xf32, #tpu.memory_space<vmem>>
        %dma_start3A_164 = arith.constant 0 : i32
        %dma_start3A_165 = tpu.memref_slice %arg7[%rem3A_103, %dma_start3A_164] : memref<2x128xi32, #tpu.memory_space<vmem>> -> memref<1x128xi32, #tpu.memory_space<vmem>>
        %dma_start3A_166 = tpu.memref_squeeze %dma_start3A_165 : memref<1x128xi32, #tpu.memory_space<vmem>> -> memref<128xi32, #tpu.memory_space<vmem>>
        %dma_start3A_167 = arith.constant 0 : i32
        %dma_start3A_168 = arith.constant 0 : i32
        %dma_start3A_169 = tpu.memref_slice %arg6[%dma_start3A_167, %dma_start3A_168] : memref<10240x128xf32, #tpu.memory_space<vmem_shared>> -> memref<10240x128xf32, #tpu.memory_space<vmem_shared>>
        tpu.enqueue_indirect_dma source(%dma_start3A_163 : memref<128x128xf32, #tpu.memory_space<vmem>>) target(%dma_start3A_169 : memref<10240x128xf32, #tpu.memory_space<vmem_shared>>) offsets(%dma_start3A_166 : memref<128xi32, #tpu.memory_space<vmem>>) semaphore(%run_scoped3A : memref<!tpu.dma_semaphore, #tpu.memory_space<semaphore_mem>>) {add = true}
        %dma_wait3A_170 = arith.constant 0 : i32
        %dma_wait3A_171 = arith.constant 0 : i32
        %dma_wait3A_172 = tpu.memref_slice %arg8[%rem3A_103, %dma_wait3A_170, %dma_wait3A_171] : memref<2x128x128xf32, #tpu.memory_space<vmem>> -> memref<1x128x128xf32, #tpu.memory_space<vmem>>
        %dma_wait3A_173 = tpu.memref_squeeze %dma_wait3A_172 : memref<1x128x128xf32, #tpu.memory_space<vmem>> -> memref<128x128xf32, #tpu.memory_space<vmem>>
        %dma_wait3A_174 = arith.constant 0 : i32
        %dma_wait3A_175 = tpu.memref_slice %arg7[%rem3A_103, %dma_wait3A_174] : memref<2x128xi32, #tpu.memory_space<vmem>> -> memref<1x128xi32, #tpu.memory_space<vmem>>
        %dma_wait3A_176 = tpu.memref_squeeze %dma_wait3A_175 : memref<1x128xi32, #tpu.memory_space<vmem>> -> memref<128xi32, #tpu.memory_space<vmem>>
        %dma_wait3A_177 = arith.constant 0 : i32
        %dma_wait3A_178 = arith.constant 0 : i32
        %dma_wait3A_179 = tpu.memref_slice %arg6[%dma_wait3A_177, %dma_wait3A_178] : memref<10240x128xf32, #tpu.memory_space<vmem_shared>> -> memref<10240x128xf32, #tpu.memory_space<vmem_shared>>
        tpu.wait_indirect_dma semaphore(%run_scoped3A : memref<!tpu.dma_semaphore, #tpu.memory_space<semaphore_mem>>) src(%dma_wait3A_173 : memref<128x128xf32, #tpu.memory_space<vmem>>) dst(%dma_wait3A_179 : memref<10240x128xf32, #tpu.memory_space<vmem_shared>>)
        tpu.yield
      }) : () -> ()
      %get3A = arith.index_cast %rem3A_103 : i32 to index
      %get3A_137 = arith.constant 0 : index
      %get3A_138 = tpu.vector_load %arg7[%get3A, %get3A_137] {strides = array<i32>} : memref<2x128xi32, #tpu.memory_space<vmem>>, vector<16xi32>,
      tpu.vector_store_idx %arg9[%get3A_138], %broadcast_in_dim3A_15 {add = true} : memref<10240xf32, #tpu.memory_space<vmem>>[vector<16xi32>], vector<16xf32>,
      %get3A_139 = arith.index_cast %rem3A_103 : i32 to index
      %get3A_140 = arith.constant 16 : index
      %get3A_141 = tpu.vector_load %arg7[%get3A_139, %get3A_140] {strides = array<i32>} : memref<2x128xi32, #tpu.memory_space<vmem>>, vector<16xi32>,
      tpu.vector_store_idx %arg9[%get3A_141], %broadcast_in_dim3A_15 {add = true} : memref<10240xf32, #tpu.memory_space<vmem>>[vector<16xi32>], vector<16xf32>,
      %get3A_142 = arith.index_cast %rem3A_103 : i32 to index
      %get3A_143 = arith.constant 32 : index
      %get3A_144 = tpu.vector_load %arg7[%get3A_142, %get3A_143] {strides = array<i32>} : memref<2x128xi32, #tpu.memory_space<vmem>>, vector<16xi32>,
      tpu.vector_store_idx %arg9[%get3A_144], %broadcast_in_dim3A_15 {add = true} : memref<10240xf32, #tpu.memory_space<vmem>>[vector<16xi32>], vector<16xf32>,
      %get3A_145 = arith.index_cast %rem3A_103 : i32 to index
      %get3A_146 = arith.constant 48 : index
      %get3A_147 = tpu.vector_load %arg7[%get3A_145, %get3A_146] {strides = array<i32>} : memref<2x128xi32, #tpu.memory_space<vmem>>, vector<16xi32>,
      tpu.vector_store_idx %arg9[%get3A_147], %broadcast_in_dim3A_15 {add = true} : memref<10240xf32, #tpu.memory_space<vmem>>[vector<16xi32>], vector<16xf32>,
      %get3A_148 = arith.index_cast %rem3A_103 : i32 to index
      %get3A_149 = arith.constant 64 : index
      %get3A_150 = tpu.vector_load %arg7[%get3A_148, %get3A_149] {strides = array<i32>} : memref<2x128xi32, #tpu.memory_space<vmem>>, vector<16xi32>,
      tpu.vector_store_idx %arg9[%get3A_150], %broadcast_in_dim3A_15 {add = true} : memref<10240xf32, #tpu.memory_space<vmem>>[vector<16xi32>], vector<16xf32>,
      %get3A_151 = arith.index_cast %rem3A_103 : i32 to index
      %get3A_152 = arith.constant 80 : index
      %get3A_153 = tpu.vector_load %arg7[%get3A_151, %get3A_152] {strides = array<i32>} : memref<2x128xi32, #tpu.memory_space<vmem>>, vector<16xi32>,
      tpu.vector_store_idx %arg9[%get3A_153], %broadcast_in_dim3A_15 {add = true} : memref<10240xf32, #tpu.memory_space<vmem>>[vector<16xi32>], vector<16xf32>,
      %get3A_154 = arith.index_cast %rem3A_103 : i32 to index
      %get3A_155 = arith.constant 96 : index
      %get3A_156 = tpu.vector_load %arg7[%get3A_154, %get3A_155] {strides = array<i32>} : memref<2x128xi32, #tpu.memory_space<vmem>>, vector<16xi32>,
      tpu.vector_store_idx %arg9[%get3A_156], %broadcast_in_dim3A_15 {add = true} : memref<10240xf32, #tpu.memory_space<vmem>>[vector<16xi32>], vector<16xf32>,
      %get3A_157 = arith.index_cast %rem3A_103 : i32 to index
      %get3A_158 = arith.constant 112 : index
      %get3A_159 = tpu.vector_load %arg7[%get3A_157, %get3A_158] {strides = array<i32>} : memref<2x128xi32, #tpu.memory_space<vmem>>, vector<16xi32>,
      tpu.vector_store_idx %arg9[%get3A_159], %broadcast_in_dim3A_15 {add = true} : memref<10240xf32, #tpu.memory_space<vmem>>[vector<16xi32>], vector<16xf32>,
    }
    %barrier3A_89 = arith.constant 0 : index
    tpu.barrier barrier_id(%barrier3A_89)
    %mul3A_90 = arith.constant 10240 : i32
    %mul3A_91 = arith.muli %arg0, %mul3A_90 : i32
    %mul3A_92 = arith.constant 640 : i32
    %mul3A_93 = arith.muli %arg1, %mul3A_92 : i32
    %add3A_94 = arith.addi %mul3A_91, %mul3A_93 : i32
    %mul3A_95 = arith.constant 640 : i32
    %mul3A_96 = arith.muli %arg1, %mul3A_95 : i32
    "tpu.region"() ({
      %run_scoped3A = tpu.sem_alloc : memref<!tpu.dma_semaphore, #tpu.memory_space<semaphore_mem>>
      %dma_start3A_99 = arith.constant 0 : i32
      %dma_start3A_100 = tpu.memref_slice %arg4[%add3A_94, %dma_start3A_99] : memref<20480x128xf32, #tpu.memory_space<hbm>> -> memref<640x128xf32, #tpu.memory_space<hbm>>
      %dma_start3A_101 = arith.constant 0 : i32
      %dma_start3A_102 = tpu.memref_slice %arg6[%mul3A_96, %dma_start3A_101] : memref<10240x128xf32, #tpu.memory_space<vmem_shared>> -> memref<640x128xf32, #tpu.memory_space<vmem_shared>>
      tpu.enqueue_dma source(%dma_start3A_102 : memref<640x128xf32, #tpu.memory_space<vmem_shared>>) target(%dma_start3A_100 : memref<640x128xf32, #tpu.memory_space<hbm>>) target_semaphore(%run_scoped3A : memref<!tpu.dma_semaphore, #tpu.memory_space<semaphore_mem>>)
      %dma_wait3A = arith.constant 0 : i32
      %dma_wait3A_103 = tpu.memref_slice %arg4[%add3A_94, %dma_wait3A] : memref<20480x128xf32, #tpu.memory_space<hbm>> -> memref<640x128xf32, #tpu.memory_space<hbm>>
      %dma_wait3A_104 = arith.constant 0 : i32
      %dma_wait3A_105 = tpu.memref_slice %arg6[%mul3A_96, %dma_wait3A_104] : memref<10240x128xf32, #tpu.memory_space<vmem_shared>> -> memref<640x128xf32, #tpu.memory_space<vmem_shared>>
      tpu.wait_dma2 semaphore(%run_scoped3A : memref<!tpu.dma_semaphore, #tpu.memory_space<semaphore_mem>>) src(%dma_wait3A_105 : memref<640x128xf32, #tpu.memory_space<vmem_shared>>) dst(%dma_wait3A_103 : memref<640x128xf32, #tpu.memory_space<hbm>>)
      tpu.yield
    }) : () -> ()
    %mul3A_97 = arith.constant 10240 : i32
    %mul3A_98 = arith.muli %add3A, %mul3A_97 : i32
    "tpu.region"() ({
      %run_scoped3A = tpu.sem_alloc : memref<!tpu.dma_semaphore, #tpu.memory_space<semaphore_mem>>
      %dma_start3A_99 = tpu.memref_slice %arg5[%mul3A_98] : memref<327680xf32, #tpu.memory_space<hbm>> -> memref<10240xf32, #tpu.memory_space<hbm>>
      %dma_start3A_100 = tpu.memref_slice %arg5[%mul3A_98] : memref<327680xf32, #tpu.memory_space<hbm>> -> memref<10240xf32, #tpu.memory_space<hbm>>
      tpu.enqueue_dma source(%arg9 : memref<10240xf32, #tpu.memory_space<vmem>>) target(%dma_start3A_100 : memref<10240xf32, #tpu.memory_space<hbm>>) target_semaphore(%run_scoped3A : memref<!tpu.dma_semaphore, #tpu.memory_space<semaphore_mem>>)
      %dma_wait3A = tpu.memref_slice %arg5[%mul3A_98] : memref<327680xf32, #tpu.memory_space<hbm>> -> memref<10240xf32, #tpu.memory_space<hbm>>
      %dma_wait3A_101 = tpu.memref_slice %arg5[%mul3A_98] : memref<327680xf32, #tpu.memory_space<hbm>> -> memref<10240xf32, #tpu.memory_space<hbm>>
      tpu.wait_dma2 semaphore(%run_scoped3A : memref<!tpu.dma_semaphore, #tpu.memory_space<semaphore_mem>>) src(%arg9 : memref<10240xf32, #tpu.memory_space<vmem>>) dst(%dma_wait3A_101 : memref<10240xf32, #tpu.memory_space<hbm>>)
      tpu.yield
    }) : () -> ()
    return
  }
}

#map = affine_map<(d0, d1) -> (0, 0)>
#map1 = affine_map<(d0, d1) -> (0)>
module attributes {stable_mosaic.version = 14 : i64} {
  func.func @_k3_body(%arg0: i32, %arg1: i32, %arg2: memref<10240x128xf32, #tpu.memory_space<hbm>>, %arg3: memref<10240xf32, #tpu.memory_space<hbm>>, %arg4: memref<640000xi32, #tpu.memory_space<hbm>>, %arg5: memref<160000x128xf32, #tpu.memory_space<hbm>>, %arg6: memref<2560000xf32, #tpu.memory_space<hbm>>, %arg7: memref<10240x128xf32, #tpu.memory_space<vmem_shared>>, %arg8: memref<2x128xi32, #tpu.memory_space<vmem>>, %arg9: memref<2x128x128xf32, #tpu.memory_space<vmem>>, %arg10: memref<2x2048xf32, #tpu.memory_space<vmem>>, %arg11: memref<10240xf32, #tpu.memory_space<vmem>>, %arg12: memref<2x!tpu.dma_semaphore, #tpu.memory_space<semaphore_mem>>, %arg13: memref<2x!tpu.dma_semaphore, #tpu.memory_space<semaphore_mem>>, %arg14: memref<2x!tpu.dma_semaphore, #tpu.memory_space<semaphore_mem>>, %arg15: memref<2x!tpu.dma_semaphore, #tpu.memory_space<semaphore_mem>>) attributes {dimension_semantics = [#tpu.dimension_semantics<core_parallel>, #tpu.dimension_semantics<subcore_parallel>], iteration_bounds = array<i64: 2, 16>, scalar_prefetch = 0 : i64, scratch_operands = 9 : i64, tpu.core_type = #tpu.core_type<sc_vector_subcore>, window_params = [{transform_indices = #map}, {transform_indices = #map1}, {transform_indices = #map1}, {transform_indices = #map}, {transform_indices = #map1}]} {
    %mul3A = arith.constant 2 : i32
    %mul3A_0 = arith.muli %arg1, %mul3A : i32
    %add3A = arith.addi %mul3A_0, %arg0 : i32
    %mul3A_1 = arith.constant 640 : i32
    %mul3A_2 = arith.muli %arg1, %mul3A_1 : i32
    %mul3A_3 = arith.constant 640 : i32
    %mul3A_4 = arith.muli %arg1, %mul3A_3 : i32
    "tpu.region"() ({
      %run_scoped3A = tpu.sem_alloc : memref<!tpu.dma_semaphore, #tpu.memory_space<semaphore_mem>>
      %dma_start3A_67 = arith.constant 0 : i32
      %dma_start3A_68 = tpu.memref_slice %arg7[%mul3A_4, %dma_start3A_67] : memref<10240x128xf32, #tpu.memory_space<vmem_shared>> -> memref<640x128xf32, #tpu.memory_space<vmem_shared>>
      %dma_start3A_69 = arith.constant 0 : i32
      %dma_start3A_70 = tpu.memref_slice %arg2[%mul3A_2, %dma_start3A_69] : memref<10240x128xf32, #tpu.memory_space<hbm>> -> memref<640x128xf32, #tpu.memory_space<hbm>>
      tpu.enqueue_dma source(%dma_start3A_70 : memref<640x128xf32, #tpu.memory_space<hbm>>) target(%dma_start3A_68 : memref<640x128xf32, #tpu.memory_space<vmem_shared>>) target_semaphore(%run_scoped3A : memref<!tpu.dma_semaphore, #tpu.memory_space<semaphore_mem>>)
      %dma_wait3A = arith.constant 0 : i32
      %dma_wait3A_71 = tpu.memref_slice %arg7[%mul3A_4, %dma_wait3A] : memref<10240x128xf32, #tpu.memory_space<vmem_shared>> -> memref<640x128xf32, #tpu.memory_space<vmem_shared>>
      %dma_wait3A_72 = arith.constant 0 : i32
      %dma_wait3A_73 = tpu.memref_slice %arg2[%mul3A_2, %dma_wait3A_72] : memref<10240x128xf32, #tpu.memory_space<hbm>> -> memref<640x128xf32, #tpu.memory_space<hbm>>
      tpu.wait_dma2 semaphore(%run_scoped3A : memref<!tpu.dma_semaphore, #tpu.memory_space<semaphore_mem>>) src(%dma_wait3A_73 : memref<640x128xf32, #tpu.memory_space<hbm>>) dst(%dma_wait3A_71 : memref<640x128xf32, #tpu.memory_space<vmem_shared>>)
      tpu.yield
    }) : () -> ()
    "tpu.region"() ({
      %run_scoped3A = tpu.sem_alloc : memref<!tpu.dma_semaphore, #tpu.memory_space<semaphore_mem>>
      tpu.enqueue_dma source(%arg3 : memref<10240xf32, #tpu.memory_space<hbm>>) target(%arg11 : memref<10240xf32, #tpu.memory_space<vmem>>) target_semaphore(%run_scoped3A : memref<!tpu.dma_semaphore, #tpu.memory_space<semaphore_mem>>)
      tpu.wait_dma2 semaphore(%run_scoped3A : memref<!tpu.dma_semaphore, #tpu.memory_space<semaphore_mem>>) src(%arg3 : memref<10240xf32, #tpu.memory_space<hbm>>) dst(%arg11 : memref<10240xf32, #tpu.memory_space<vmem>>)
      tpu.yield
    }) : () -> ()
    %barrier3A = arith.constant 0 : index
    tpu.barrier barrier_id(%barrier3A)
    %iota3A = tpu.iota {dimensions = array<i32: 0>} : vector<16xi32>
    %broadcast_in_dim3A = arith.constant 0 : i32
    %broadcast_in_dim3A_5 = vector.broadcast %broadcast_in_dim3A : i32 to vector<16xi32>
    %sub3A = arith.constant 1250 : i32
    %sub3A_6 = arith.subi %sub3A, %add3A : i32
    %add3A_7 = arith.constant 32 : i32
    %add3A_8 = arith.addi %sub3A_6, %add3A_7 : i32
    %sub3A_9 = arith.constant 1 : i32
    %sub3A_10 = arith.subi %add3A_8, %sub3A_9 : i32
    %jit3A = arith.constant 32 : i32
    %div3A = arith.divsi %sub3A_10, %jit3A : i32
    %sign3A = arith.constant 0 : i32
    %sign3A_11 = arith.cmpi sgt, %sub3A_10, %sign3A : i32
    %sign3A_12 = arith.extui %sign3A_11 : i1 to i32
    %sign3A_13 = arith.constant 0 : i32
    %sign3A_14 = arith.cmpi slt, %sub3A_10, %sign3A_13 : i32
    %sign3A_15 = arith.extui %sign3A_14 : i1 to i32
    %sign3A_16 = arith.subi %sign3A_12, %sign3A_15 : i32
    %sign3A_17 = arith.constant 0 : i32
    %sign3A_18 = arith.cmpi sgt, %jit3A, %sign3A_17 : i32
    %sign3A_19 = arith.extui %sign3A_18 : i1 to i32
    %sign3A_20 = arith.constant 0 : i32
    %sign3A_21 = arith.cmpi slt, %jit3A, %sign3A_20 : i32
    %sign3A_22 = arith.extui %sign3A_21 : i1 to i32
    %sign3A_23 = arith.subi %sign3A_19, %sign3A_22 : i32
    %ne3A = arith.cmpi ne, %sign3A_16, %sign3A_23 : i32
    %rem3A = arith.remsi %sub3A_10, %jit3A : i32
    %ne3A_24 = arith.constant 0 : i32
    %ne3A_25 = arith.cmpi ne, %rem3A, %ne3A_24 : i32
    %and3A = arith.andi %ne3A, %ne3A_25 : i1
    %sub3A_26 = arith.constant 1 : i32
    %sub3A_27 = arith.subi %div3A, %sub3A_26 : i32
    %select_n3A = arith.select %and3A, %sub3A_27, %div3A : i32
    %add3A_28 = arith.constant 0 : i32
    %add3A_29 = arith.addi %add3A_28, %add3A : i32
    %add3A_30 = arith.constant 0 : i32
    %add3A_31 = arith.addi %add3A_29, %add3A_30 : i32
    %mul3A_32 = arith.constant 128 : i32
    %mul3A_33 = arith.muli %add3A_31, %mul3A_32 : i32
    %dma_start3A = arith.constant 0 : i32
    %dma_start3A_34 = arith.constant 0 : i32
    %dma_start3A_35 = arith.constant 0 : i32
    %dma_start3A_36 = tpu.memref_slice %arg8[%dma_start3A, %dma_start3A_35] : memref<2x128xi32, #tpu.memory_space<vmem>> -> memref<1x128xi32, #tpu.memory_space<vmem>>
    %dma_start3A_37 = tpu.memref_squeeze %dma_start3A_36 : memref<1x128xi32, #tpu.memory_space<vmem>> -> memref<128xi32, #tpu.memory_space<vmem>>
    %dma_start3A_38 = tpu.memref_slice %arg4[%mul3A_33] : memref<640000xi32, #tpu.memory_space<hbm>> -> memref<128xi32, #tpu.memory_space<hbm>>
    %dma_start3A_39 = tpu.memref_slice %arg12[%dma_start3A_34] : memref<2x!tpu.dma_semaphore, #tpu.memory_space<semaphore_mem>> -> memref<1x!tpu.dma_semaphore, #tpu.memory_space<semaphore_mem>>
    %dma_start3A_40 = tpu.memref_squeeze %dma_start3A_39 : memref<1x!tpu.dma_semaphore, #tpu.memory_space<semaphore_mem>> -> memref<!tpu.dma_semaphore, #tpu.memory_space<semaphore_mem>>
    %dma_start3A_41 = arith.constant 0 : i32
    %dma_start3A_42 = tpu.memref_slice %arg8[%dma_start3A, %dma_start3A_41] : memref<2x128xi32, #tpu.memory_space<vmem>> -> memref<1x128xi32, #tpu.memory_space<vmem>>
    %dma_start3A_43 = tpu.memref_squeeze %dma_start3A_42 : memref<1x128xi32, #tpu.memory_space<vmem>> -> memref<128xi32, #tpu.memory_space<vmem>>
    %dma_start3A_44 = tpu.memref_slice %arg4[%mul3A_33] : memref<640000xi32, #tpu.memory_space<hbm>> -> memref<128xi32, #tpu.memory_space<hbm>>
    tpu.enqueue_dma source(%dma_start3A_44 : memref<128xi32, #tpu.memory_space<hbm>>) target(%dma_start3A_43 : memref<128xi32, #tpu.memory_space<vmem>>) target_semaphore(%dma_start3A_40 : memref<!tpu.dma_semaphore, #tpu.memory_space<semaphore_mem>>)
    %sub3A_45 = arith.constant 0 : i32
    %sub3A_46 = arith.subi %select_n3A, %sub3A_45 : i32
    %sub3A_47 = arith.constant 1 : i32
    %sub3A_48 = arith.constant 1 : i32
    %sub3A_49 = arith.subi %sub3A_47, %sub3A_48 : i32
    %add3A_50 = arith.addi %sub3A_46, %sub3A_49 : i32
    %div3A_51 = arith.constant 1 : i32
    %div3A_52 = arith.divsi %add3A_50, %div3A_51 : i32
    %while3A = arith.constant 1 : i32
    %while3A_53 = arith.constant 0 : i32
    %while3A_54 = arith.constant 0 : i32
    %while3A_55 = arith.subi %div3A_52, %while3A_54 : i32
    %while3A_56 = arith.addi %while3A_54, %while3A_55 : i32
    %while3A_57 = arith.constant 1 : i32
    %while3A_58 = arith.divsi %while3A_55, %while3A_57 : i32
    %while3A_59 = arith.muli %while3A_58, %while3A_57 : i32
    %while3A_60 = arith.addi %while3A_54, %while3A_59 : i32
    %while3A_61 = arith.constant 1 : i32
    scf.for %while3A_67 = %while3A_54 to %while3A_60 step %while3A_61  : i32 {
      %mul3A_68 = arith.muli %while3A_67, %while3A : i32
      %add3A_69 = arith.addi %while3A_53, %mul3A_68 : i32
      %rem3A_70 = arith.constant 2 : i32
      %rem3A_71 = arith.remsi %add3A_69, %rem3A_70 : i32
      %add3A_72 = arith.constant 0 : i32
      %add3A_73 = arith.addi %add3A_72, %add3A : i32
      %mul3A_74 = arith.constant 32 : i32
      %mul3A_75 = arith.muli %add3A_69, %mul3A_74 : i32
      %add3A_76 = arith.addi %add3A_73, %mul3A_75 : i32
      %mul3A_77 = arith.constant 128 : i32
      %mul3A_78 = arith.muli %add3A_76, %mul3A_77 : i32
      %dma_wait3A = arith.constant 0 : i32
      %dma_wait3A_79 = tpu.memref_slice %arg8[%rem3A_71, %dma_wait3A] : memref<2x128xi32, #tpu.memory_space<vmem>> -> memref<1x128xi32, #tpu.memory_space<vmem>>
      %dma_wait3A_80 = tpu.memref_squeeze %dma_wait3A_79 : memref<1x128xi32, #tpu.memory_space<vmem>> -> memref<128xi32, #tpu.memory_space<vmem>>
      %dma_wait3A_81 = tpu.memref_slice %arg4[%mul3A_78] : memref<640000xi32, #tpu.memory_space<hbm>> -> memref<128xi32, #tpu.memory_space<hbm>>
      %dma_wait3A_82 = tpu.memref_slice %arg12[%rem3A_71] : memref<2x!tpu.dma_semaphore, #tpu.memory_space<semaphore_mem>> -> memref<1x!tpu.dma_semaphore, #tpu.memory_space<semaphore_mem>>
      %dma_wait3A_83 = tpu.memref_squeeze %dma_wait3A_82 : memref<1x!tpu.dma_semaphore, #tpu.memory_space<semaphore_mem>> -> memref<!tpu.dma_semaphore, #tpu.memory_space<semaphore_mem>>
      %dma_wait3A_84 = arith.constant 0 : i32
      %dma_wait3A_85 = tpu.memref_slice %arg8[%rem3A_71, %dma_wait3A_84] : memref<2x128xi32, #tpu.memory_space<vmem>> -> memref<1x128xi32, #tpu.memory_space<vmem>>
      %dma_wait3A_86 = tpu.memref_squeeze %dma_wait3A_85 : memref<1x128xi32, #tpu.memory_space<vmem>> -> memref<128xi32, #tpu.memory_space<vmem>>
      %dma_wait3A_87 = tpu.memref_slice %arg4[%mul3A_78] : memref<640000xi32, #tpu.memory_space<hbm>> -> memref<128xi32, #tpu.memory_space<hbm>>
      tpu.wait_dma2 semaphore(%dma_wait3A_83 : memref<!tpu.dma_semaphore, #tpu.memory_space<semaphore_mem>>) src(%dma_wait3A_87 : memref<128xi32, #tpu.memory_space<hbm>>) dst(%dma_wait3A_86 : memref<128xi32, #tpu.memory_space<vmem>>)
      %add3A_88 = arith.constant 1 : i32
      %add3A_89 = arith.addi %add3A_69, %add3A_88 : i32
      %lt3A = arith.cmpi slt, %add3A_89, %select_n3A : i32
      %convert_element_type3A = arith.extui %lt3A : i1 to i32
      %cond3A = arith.constant 0 : i32
      %cond3A_90 = arith.cmpi ne, %convert_element_type3A, %cond3A : i32
      scf.if %cond3A_90 {
        %add3A_232 = arith.constant 1 : i32
        %add3A_233 = arith.addi %add3A_69, %add3A_232 : i32
        %sub3A_234 = arith.constant 1 : i32
        %sub3A_235 = arith.subi %sub3A_234, %rem3A_71 : i32
        %add3A_236 = arith.constant 0 : i32
        %add3A_237 = arith.addi %add3A_236, %add3A : i32
        %mul3A_238 = arith.constant 32 : i32
        %mul3A_239 = arith.muli %add3A_233, %mul3A_238 : i32
        %add3A_240 = arith.addi %add3A_237, %mul3A_239 : i32
        %mul3A_241 = arith.constant 128 : i32
        %mul3A_242 = arith.muli %add3A_240, %mul3A_241 : i32
        %dma_start3A_243 = arith.constant 0 : i32
        %dma_start3A_244 = tpu.memref_slice %arg8[%sub3A_235, %dma_start3A_243] : memref<2x128xi32, #tpu.memory_space<vmem>> -> memref<1x128xi32, #tpu.memory_space<vmem>>
        %dma_start3A_245 = tpu.memref_squeeze %dma_start3A_244 : memref<1x128xi32, #tpu.memory_space<vmem>> -> memref<128xi32, #tpu.memory_space<vmem>>
        %dma_start3A_246 = tpu.memref_slice %arg4[%mul3A_242] : memref<640000xi32, #tpu.memory_space<hbm>> -> memref<128xi32, #tpu.memory_space<hbm>>
        %dma_start3A_247 = tpu.memref_slice %arg12[%sub3A_235] : memref<2x!tpu.dma_semaphore, #tpu.memory_space<semaphore_mem>> -> memref<1x!tpu.dma_semaphore, #tpu.memory_space<semaphore_mem>>
        %dma_start3A_248 = tpu.memref_squeeze %dma_start3A_247 : memref<1x!tpu.dma_semaphore, #tpu.memory_space<semaphore_mem>> -> memref<!tpu.dma_semaphore, #tpu.memory_space<semaphore_mem>>
        %dma_start3A_249 = arith.constant 0 : i32
        %dma_start3A_250 = tpu.memref_slice %arg8[%sub3A_235, %dma_start3A_249] : memref<2x128xi32, #tpu.memory_space<vmem>> -> memref<1x128xi32, #tpu.memory_space<vmem>>
        %dma_start3A_251 = tpu.memref_squeeze %dma_start3A_250 : memref<1x128xi32, #tpu.memory_space<vmem>> -> memref<128xi32, #tpu.memory_space<vmem>>
        %dma_start3A_252 = tpu.memref_slice %arg4[%mul3A_242] : memref<640000xi32, #tpu.memory_space<hbm>> -> memref<128xi32, #tpu.memory_space<hbm>>
        tpu.enqueue_dma source(%dma_start3A_252 : memref<128xi32, #tpu.memory_space<hbm>>) target(%dma_start3A_251 : memref<128xi32, #tpu.memory_space<vmem>>) target_semaphore(%dma_start3A_248 : memref<!tpu.dma_semaphore, #tpu.memory_space<semaphore_mem>>)
      } else {
      }
      %ge3A = arith.constant 2 : i32
      %ge3A_91 = arith.cmpi sge, %add3A_69, %ge3A : i32
      %convert_element_type3A_92 = arith.extui %ge3A_91 : i1 to i32
      %cond3A_93 = arith.constant 0 : i32
      %cond3A_94 = arith.cmpi ne, %convert_element_type3A_92, %cond3A_93 : i32
      scf.if %cond3A_94 {
        %sub3A_232 = arith.constant 0 : i32
        %sub3A_233 = arith.subi %add3A_76, %sub3A_232 : i32
        %sub3A_234 = arith.constant 64 : i32
        %sub3A_235 = arith.subi %sub3A_233, %sub3A_234 : i32
        %mul3A_236 = arith.constant 128 : i32
        %mul3A_237 = arith.muli %sub3A_235, %mul3A_236 : i32
        %sub3A_238 = arith.constant 0 : i32
        %sub3A_239 = arith.subi %add3A_76, %sub3A_238 : i32
        %sub3A_240 = arith.constant 64 : i32
        %sub3A_241 = arith.subi %sub3A_239, %sub3A_240 : i32
        %mul3A_242 = arith.constant 128 : i32
        %mul3A_243 = arith.muli %sub3A_241, %mul3A_242 : i32
        %mul3A_244 = arith.constant 16 : i32
        %mul3A_245 = arith.muli %mul3A_243, %mul3A_244 : i32
        %dma_wait3A_246 = arith.constant 0 : i32
        %dma_wait3A_247 = arith.constant 0 : i32
        %dma_wait3A_248 = tpu.memref_slice %arg9[%rem3A_71, %dma_wait3A_246, %dma_wait3A_247] : memref<2x128x128xf32, #tpu.memory_space<vmem>> -> memref<1x128x128xf32, #tpu.memory_space<vmem>>
        %dma_wait3A_249 = tpu.memref_squeeze %dma_wait3A_248 : memref<1x128x128xf32, #tpu.memory_space<vmem>> -> memref<128x128xf32, #tpu.memory_space<vmem>>
        %dma_wait3A_250 = arith.constant 0 : i32
        %dma_wait3A_251 = tpu.memref_slice %arg5[%mul3A_237, %dma_wait3A_250] : memref<160000x128xf32, #tpu.memory_space<hbm>> -> memref<128x128xf32, #tpu.memory_space<hbm>>
        %dma_wait3A_252 = tpu.memref_slice %arg14[%rem3A_71] : memref<2x!tpu.dma_semaphore, #tpu.memory_space<semaphore_mem>> -> memref<1x!tpu.dma_semaphore, #tpu.memory_space<semaphore_mem>>
        %dma_wait3A_253 = tpu.memref_squeeze %dma_wait3A_252 : memref<1x!tpu.dma_semaphore, #tpu.memory_space<semaphore_mem>> -> memref<!tpu.dma_semaphore, #tpu.memory_space<semaphore_mem>>
        %dma_wait3A_254 = arith.constant 0 : i32
        %dma_wait3A_255 = tpu.memref_slice %arg5[%mul3A_237, %dma_wait3A_254] : memref<160000x128xf32, #tpu.memory_space<hbm>> -> memref<128x128xf32, #tpu.memory_space<hbm>>
        %dma_wait3A_256 = arith.constant 0 : i32
        %dma_wait3A_257 = arith.constant 0 : i32
        %dma_wait3A_258 = tpu.memref_slice %arg9[%rem3A_71, %dma_wait3A_256, %dma_wait3A_257] : memref<2x128x128xf32, #tpu.memory_space<vmem>> -> memref<1x128x128xf32, #tpu.memory_space<vmem>>
        %dma_wait3A_259 = tpu.memref_squeeze %dma_wait3A_258 : memref<1x128x128xf32, #tpu.memory_space<vmem>> -> memref<128x128xf32, #tpu.memory_space<vmem>>
        tpu.wait_dma2 semaphore(%dma_wait3A_253 : memref<!tpu.dma_semaphore, #tpu.memory_space<semaphore_mem>>) src(%dma_wait3A_259 : memref<128x128xf32, #tpu.memory_space<vmem>>) dst(%dma_wait3A_255 : memref<128x128xf32, #tpu.memory_space<hbm>>)
        %dma_wait3A_260 = arith.constant 0 : i32
        %dma_wait3A_261 = tpu.memref_slice %arg10[%rem3A_71, %dma_wait3A_260] : memref<2x2048xf32, #tpu.memory_space<vmem>> -> memref<1x2048xf32, #tpu.memory_space<vmem>>
        %dma_wait3A_262 = tpu.memref_squeeze %dma_wait3A_261 : memref<1x2048xf32, #tpu.memory_space<vmem>> -> memref<2048xf32, #tpu.memory_space<vmem>>
        %dma_wait3A_263 = tpu.memref_slice %arg6[%mul3A_245] : memref<2560000xf32, #tpu.memory_space<hbm>> -> memref<2048xf32, #tpu.memory_space<hbm>>
        %dma_wait3A_264 = tpu.memref_slice %arg15[%rem3A_71] : memref<2x!tpu.dma_semaphore, #tpu.memory_space<semaphore_mem>> -> memref<1x!tpu.dma_semaphore, #tpu.memory_space<semaphore_mem>>
        %dma_wait3A_265 = tpu.memref_squeeze %dma_wait3A_264 : memref<1x!tpu.dma_semaphore, #tpu.memory_space<semaphore_mem>> -> memref<!tpu.dma_semaphore, #tpu.memory_space<semaphore_mem>>
        %dma_wait3A_266 = tpu.memref_slice %arg6[%mul3A_245] : memref<2560000xf32, #tpu.memory_space<hbm>> -> memref<2048xf32, #tpu.memory_space<hbm>>
        %dma_wait3A_267 = arith.constant 0 : i32
        %dma_wait3A_268 = tpu.memref_slice %arg10[%rem3A_71, %dma_wait3A_267] : memref<2x2048xf32, #tpu.memory_space<vmem>> -> memref<1x2048xf32, #tpu.memory_space<vmem>>
        %dma_wait3A_269 = tpu.memref_squeeze %dma_wait3A_268 : memref<1x2048xf32, #tpu.memory_space<vmem>> -> memref<2048xf32, #tpu.memory_space<vmem>>
        tpu.wait_dma2 semaphore(%dma_wait3A_265 : memref<!tpu.dma_semaphore, #tpu.memory_space<semaphore_mem>>) src(%dma_wait3A_269 : memref<2048xf32, #tpu.memory_space<vmem>>) dst(%dma_wait3A_266 : memref<2048xf32, #tpu.memory_space<hbm>>)
      } else {
      }
      %dma_start3A_95 = arith.constant 0 : i32
      %dma_start3A_96 = arith.constant 0 : i32
      %dma_start3A_97 = tpu.memref_slice %arg9[%rem3A_71, %dma_start3A_95, %dma_start3A_96] : memref<2x128x128xf32, #tpu.memory_space<vmem>> -> memref<1x128x128xf32, #tpu.memory_space<vmem>>
      %dma_start3A_98 = tpu.memref_squeeze %dma_start3A_97 : memref<1x128x128xf32, #tpu.memory_space<vmem>> -> memref<128x128xf32, #tpu.memory_space<vmem>>
      %dma_start3A_99 = arith.constant 0 : i32
      %dma_start3A_100 = tpu.memref_slice %arg8[%rem3A_71, %dma_start3A_99] : memref<2x128xi32, #tpu.memory_space<vmem>> -> memref<1x128xi32, #tpu.memory_space<vmem>>
      %dma_start3A_101 = tpu.memref_squeeze %dma_start3A_100 : memref<1x128xi32, #tpu.memory_space<vmem>> -> memref<128xi32, #tpu.memory_space<vmem>>
      %dma_start3A_102 = arith.constant 0 : i32
      %dma_start3A_103 = arith.constant 0 : i32
      %dma_start3A_104 = tpu.memref_slice %arg7[%dma_start3A_102, %dma_start3A_103] : memref<10240x128xf32, #tpu.memory_space<vmem_shared>> -> memref<10240x128xf32, #tpu.memory_space<vmem_shared>>
      %dma_start3A_105 = tpu.memref_slice %arg13[%rem3A_71] : memref<2x!tpu.dma_semaphore, #tpu.memory_space<semaphore_mem>> -> memref<1x!tpu.dma_semaphore, #tpu.memory_space<semaphore_mem>>
      %dma_start3A_106 = tpu.memref_squeeze %dma_start3A_105 : memref<1x!tpu.dma_semaphore, #tpu.memory_space<semaphore_mem>> -> memref<!tpu.dma_semaphore, #tpu.memory_space<semaphore_mem>>
      tpu.enqueue_indirect_dma source(%dma_start3A_104 : memref<10240x128xf32, #tpu.memory_space<vmem_shared>>) target(%dma_start3A_98 : memref<128x128xf32, #tpu.memory_space<vmem>>) offsets(%dma_start3A_101 : memref<128xi32, #tpu.memory_space<vmem>>) semaphore(%dma_start3A_106 : memref<!tpu.dma_semaphore, #tpu.memory_space<semaphore_mem>>)
      %broadcast_in_dim3A_107 = vector.broadcast %rem3A_71 : i32 to vector<16xi32>
      %get3A = arith.index_cast %rem3A_71 : i32 to index
      %get3A_108 = arith.constant 0 : index
      %get3A_109 = tpu.vector_load %arg8[%get3A, %get3A_108] {strides = array<i32>} : memref<2x128xi32, #tpu.memory_space<vmem>>, vector<16xi32>,
      %gather3A = tpu.vector_load_idx %arg11[%get3A_109] : memref<10240xf32, #tpu.memory_space<vmem>>[vector<16xi32>], vector<16xf32>,
      %add3A_110 = arith.constant 0 : i32
      %add3A_111 = vector.broadcast %add3A_110 : i32 to vector<16xi32>
      %add3A_112 = arith.addi %iota3A, %add3A_111 : vector<16xi32>
      %mul3A_113 = arith.constant 16 : i32
      %mul3A_114 = vector.broadcast %mul3A_113 : i32 to vector<16xi32>
      %mul3A_115 = arith.muli %add3A_112, %mul3A_114 : vector<16xi32>
      tpu.vector_store_idx %arg10[%broadcast_in_dim3A_107, %mul3A_115], %gather3A : memref<2x2048xf32, #tpu.memory_space<vmem>>[vector<16xi32>, vector<16xi32>], vector<16xf32>,
      %get3A_116 = arith.index_cast %rem3A_71 : i32 to index
      %get3A_117 = arith.constant 16 : index
      %get3A_118 = tpu.vector_load %arg8[%get3A_116, %get3A_117] {strides = array<i32>} : memref<2x128xi32, #tpu.memory_space<vmem>>, vector<16xi32>,
      %gather3A_119 = tpu.vector_load_idx %arg11[%get3A_118] : memref<10240xf32, #tpu.memory_space<vmem>>[vector<16xi32>], vector<16xf32>,
      %add3A_120 = arith.constant 16 : i32
      %add3A_121 = vector.broadcast %add3A_120 : i32 to vector<16xi32>
      %add3A_122 = arith.addi %iota3A, %add3A_121 : vector<16xi32>
      %mul3A_123 = arith.constant 16 : i32
      %mul3A_124 = vector.broadcast %mul3A_123 : i32 to vector<16xi32>
      %mul3A_125 = arith.muli %add3A_122, %mul3A_124 : vector<16xi32>
      tpu.vector_store_idx %arg10[%broadcast_in_dim3A_107, %mul3A_125], %gather3A_119 : memref<2x2048xf32, #tpu.memory_space<vmem>>[vector<16xi32>, vector<16xi32>], vector<16xf32>,
      %get3A_126 = arith.index_cast %rem3A_71 : i32 to index
      %get3A_127 = arith.constant 32 : index
      %get3A_128 = tpu.vector_load %arg8[%get3A_126, %get3A_127] {strides = array<i32>} : memref<2x128xi32, #tpu.memory_space<vmem>>, vector<16xi32>,
      %gather3A_129 = tpu.vector_load_idx %arg11[%get3A_128] : memref<10240xf32, #tpu.memory_space<vmem>>[vector<16xi32>], vector<16xf32>,
      %add3A_130 = arith.constant 32 : i32
      %add3A_131 = vector.broadcast %add3A_130 : i32 to vector<16xi32>
      %add3A_132 = arith.addi %iota3A, %add3A_131 : vector<16xi32>
      %mul3A_133 = arith.constant 16 : i32
      %mul3A_134 = vector.broadcast %mul3A_133 : i32 to vector<16xi32>
      %mul3A_135 = arith.muli %add3A_132, %mul3A_134 : vector<16xi32>
      tpu.vector_store_idx %arg10[%broadcast_in_dim3A_107, %mul3A_135], %gather3A_129 : memref<2x2048xf32, #tpu.memory_space<vmem>>[vector<16xi32>, vector<16xi32>], vector<16xf32>,
      %get3A_136 = arith.index_cast %rem3A_71 : i32 to index
      %get3A_137 = arith.constant 48 : index
      %get3A_138 = tpu.vector_load %arg8[%get3A_136, %get3A_137] {strides = array<i32>} : memref<2x128xi32, #tpu.memory_space<vmem>>, vector<16xi32>,
      %gather3A_139 = tpu.vector_load_idx %arg11[%get3A_138] : memref<10240xf32, #tpu.memory_space<vmem>>[vector<16xi32>], vector<16xf32>,
      %add3A_140 = arith.constant 48 : i32
      %add3A_141 = vector.broadcast %add3A_140 : i32 to vector<16xi32>
      %add3A_142 = arith.addi %iota3A, %add3A_141 : vector<16xi32>
      %mul3A_143 = arith.constant 16 : i32
      %mul3A_144 = vector.broadcast %mul3A_143 : i32 to vector<16xi32>
      %mul3A_145 = arith.muli %add3A_142, %mul3A_144 : vector<16xi32>
      tpu.vector_store_idx %arg10[%broadcast_in_dim3A_107, %mul3A_145], %gather3A_139 : memref<2x2048xf32, #tpu.memory_space<vmem>>[vector<16xi32>, vector<16xi32>], vector<16xf32>,
      %get3A_146 = arith.index_cast %rem3A_71 : i32 to index
      %get3A_147 = arith.constant 64 : index
      %get3A_148 = tpu.vector_load %arg8[%get3A_146, %get3A_147] {strides = array<i32>} : memref<2x128xi32, #tpu.memory_space<vmem>>, vector<16xi32>,
      %gather3A_149 = tpu.vector_load_idx %arg11[%get3A_148] : memref<10240xf32, #tpu.memory_space<vmem>>[vector<16xi32>], vector<16xf32>,
      %add3A_150 = arith.constant 64 : i32
      %add3A_151 = vector.broadcast %add3A_150 : i32 to vector<16xi32>
      %add3A_152 = arith.addi %iota3A, %add3A_151 : vector<16xi32>
      %mul3A_153 = arith.constant 16 : i32
      %mul3A_154 = vector.broadcast %mul3A_153 : i32 to vector<16xi32>
      %mul3A_155 = arith.muli %add3A_152, %mul3A_154 : vector<16xi32>
      tpu.vector_store_idx %arg10[%broadcast_in_dim3A_107, %mul3A_155], %gather3A_149 : memref<2x2048xf32, #tpu.memory_space<vmem>>[vector<16xi32>, vector<16xi32>], vector<16xf32>,
      %get3A_156 = arith.index_cast %rem3A_71 : i32 to index
      %get3A_157 = arith.constant 80 : index
      %get3A_158 = tpu.vector_load %arg8[%get3A_156, %get3A_157] {strides = array<i32>} : memref<2x128xi32, #tpu.memory_space<vmem>>, vector<16xi32>,
      %gather3A_159 = tpu.vector_load_idx %arg11[%get3A_158] : memref<10240xf32, #tpu.memory_space<vmem>>[vector<16xi32>], vector<16xf32>,
      %add3A_160 = arith.constant 80 : i32
      %add3A_161 = vector.broadcast %add3A_160 : i32 to vector<16xi32>
      %add3A_162 = arith.addi %iota3A, %add3A_161 : vector<16xi32>
      %mul3A_163 = arith.constant 16 : i32
      %mul3A_164 = vector.broadcast %mul3A_163 : i32 to vector<16xi32>
      %mul3A_165 = arith.muli %add3A_162, %mul3A_164 : vector<16xi32>
      tpu.vector_store_idx %arg10[%broadcast_in_dim3A_107, %mul3A_165], %gather3A_159 : memref<2x2048xf32, #tpu.memory_space<vmem>>[vector<16xi32>, vector<16xi32>], vector<16xf32>,
      %get3A_166 = arith.index_cast %rem3A_71 : i32 to index
      %get3A_167 = arith.constant 96 : index
      %get3A_168 = tpu.vector_load %arg8[%get3A_166, %get3A_167] {strides = array<i32>} : memref<2x128xi32, #tpu.memory_space<vmem>>, vector<16xi32>,
      %gather3A_169 = tpu.vector_load_idx %arg11[%get3A_168] : memref<10240xf32, #tpu.memory_space<vmem>>[vector<16xi32>], vector<16xf32>,
      %add3A_170 = arith.constant 96 : i32
      %add3A_171 = vector.broadcast %add3A_170 : i32 to vector<16xi32>
      %add3A_172 = arith.addi %iota3A, %add3A_171 : vector<16xi32>
      %mul3A_173 = arith.constant 16 : i32
      %mul3A_174 = vector.broadcast %mul3A_173 : i32 to vector<16xi32>
      %mul3A_175 = arith.muli %add3A_172, %mul3A_174 : vector<16xi32>
      tpu.vector_store_idx %arg10[%broadcast_in_dim3A_107, %mul3A_175], %gather3A_169 : memref<2x2048xf32, #tpu.memory_space<vmem>>[vector<16xi32>, vector<16xi32>], vector<16xf32>,
      %get3A_176 = arith.index_cast %rem3A_71 : i32 to index
      %get3A_177 = arith.constant 112 : index
      %get3A_178 = tpu.vector_load %arg8[%get3A_176, %get3A_177] {strides = array<i32>} : memref<2x128xi32, #tpu.memory_space<vmem>>, vector<16xi32>,
      %gather3A_179 = tpu.vector_load_idx %arg11[%get3A_178] : memref<10240xf32, #tpu.memory_space<vmem>>[vector<16xi32>], vector<16xf32>,
      %add3A_180 = arith.constant 112 : i32
      %add3A_181 = vector.broadcast %add3A_180 : i32 to vector<16xi32>
      %add3A_182 = arith.addi %iota3A, %add3A_181 : vector<16xi32>
      %mul3A_183 = arith.constant 16 : i32
      %mul3A_184 = vector.broadcast %mul3A_183 : i32 to vector<16xi32>
      %mul3A_185 = arith.muli %add3A_182, %mul3A_184 : vector<16xi32>
      tpu.vector_store_idx %arg10[%broadcast_in_dim3A_107, %mul3A_185], %gather3A_179 : memref<2x2048xf32, #tpu.memory_space<vmem>>[vector<16xi32>, vector<16xi32>], vector<16xf32>,
      %dma_wait3A_186 = arith.constant 0 : i32
      %dma_wait3A_187 = arith.constant 0 : i32
      %dma_wait3A_188 = tpu.memref_slice %arg9[%rem3A_71, %dma_wait3A_186, %dma_wait3A_187] : memref<2x128x128xf32, #tpu.memory_space<vmem>> -> memref<1x128x128xf32, #tpu.memory_space<vmem>>
      %dma_wait3A_189 = tpu.memref_squeeze %dma_wait3A_188 : memref<1x128x128xf32, #tpu.memory_space<vmem>> -> memref<128x128xf32, #tpu.memory_space<vmem>>
      %dma_wait3A_190 = arith.constant 0 : i32
      %dma_wait3A_191 = tpu.memref_slice %arg8[%rem3A_71, %dma_wait3A_190] : memref<2x128xi32, #tpu.memory_space<vmem>> -> memref<1x128xi32, #tpu.memory_space<vmem>>
      %dma_wait3A_192 = tpu.memref_squeeze %dma_wait3A_191 : memref<1x128xi32, #tpu.memory_space<vmem>> -> memref<128xi32, #tpu.memory_space<vmem>>
      %dma_wait3A_193 = arith.constant 0 : i32
      %dma_wait3A_194 = arith.constant 0 : i32
      %dma_wait3A_195 = tpu.memref_slice %arg7[%dma_wait3A_193, %dma_wait3A_194] : memref<10240x128xf32, #tpu.memory_space<vmem_shared>> -> memref<10240x128xf32, #tpu.memory_space<vmem_shared>>
      %dma_wait3A_196 = tpu.memref_slice %arg13[%rem3A_71] : memref<2x!tpu.dma_semaphore, #tpu.memory_space<semaphore_mem>> -> memref<1x!tpu.dma_semaphore, #tpu.memory_space<semaphore_mem>>
      %dma_wait3A_197 = tpu.memref_squeeze %dma_wait3A_196 : memref<1x!tpu.dma_semaphore, #tpu.memory_space<semaphore_mem>> -> memref<!tpu.dma_semaphore, #tpu.memory_space<semaphore_mem>>
      tpu.wait_indirect_dma semaphore(%dma_wait3A_197 : memref<!tpu.dma_semaphore, #tpu.memory_space<semaphore_mem>>) src(%dma_wait3A_195 : memref<10240x128xf32, #tpu.memory_space<vmem_shared>>) dst(%dma_wait3A_189 : memref<128x128xf32, #tpu.memory_space<vmem>>)
      %sub3A_198 = arith.constant 0 : i32
      %sub3A_199 = arith.subi %add3A_76, %sub3A_198 : i32
      %mul3A_200 = arith.constant 128 : i32
      %mul3A_201 = arith.muli %sub3A_199, %mul3A_200 : i32
      %dma_start3A_202 = arith.constant 0 : i32
      %dma_start3A_203 = arith.constant 0 : i32
      %dma_start3A_204 = tpu.memref_slice %arg9[%rem3A_71, %dma_start3A_202, %dma_start3A_203] : memref<2x128x128xf32, #tpu.memory_space<vmem>> -> memref<1x128x128xf32, #tpu.memory_space<vmem>>
      %dma_start3A_205 = tpu.memref_squeeze %dma_start3A_204 : memref<1x128x128xf32, #tpu.memory_space<vmem>> -> memref<128x128xf32, #tpu.memory_space<vmem>>
      %dma_start3A_206 = arith.constant 0 : i32
      %dma_start3A_207 = tpu.memref_slice %arg5[%mul3A_201, %dma_start3A_206] : memref<160000x128xf32, #tpu.memory_space<hbm>> -> memref<128x128xf32, #tpu.memory_space<hbm>>
      %dma_start3A_208 = tpu.memref_slice %arg14[%rem3A_71] : memref<2x!tpu.dma_semaphore, #tpu.memory_space<semaphore_mem>> -> memref<1x!tpu.dma_semaphore, #tpu.memory_space<semaphore_mem>>
      %dma_start3A_209 = tpu.memref_squeeze %dma_start3A_208 : memref<1x!tpu.dma_semaphore, #tpu.memory_space<semaphore_mem>> -> memref<!tpu.dma_semaphore, #tpu.memory_space<semaphore_mem>>
      %dma_start3A_210 = arith.constant 0 : i32
      %dma_start3A_211 = tpu.memref_slice %arg5[%mul3A_201, %dma_start3A_210] : memref<160000x128xf32, #tpu.memory_space<hbm>> -> memref<128x128xf32, #tpu.memory_space<hbm>>
      %dma_start3A_212 = arith.constant 0 : i32
      %dma_start3A_213 = arith.constant 0 : i32
      %dma_start3A_214 = tpu.memref_slice %arg9[%rem3A_71, %dma_start3A_212, %dma_start3A_213] : memref<2x128x128xf32, #tpu.memory_space<vmem>> -> memref<1x128x128xf32, #tpu.memory_space<vmem>>
      %dma_start3A_215 = tpu.memref_squeeze %dma_start3A_214 : memref<1x128x128xf32, #tpu.memory_space<vmem>> -> memref<128x128xf32, #tpu.memory_space<vmem>>
      tpu.enqueue_dma source(%dma_start3A_215 : memref<128x128xf32, #tpu.memory_space<vmem>>) target(%dma_start3A_211 : memref<128x128xf32, #tpu.memory_space<hbm>>) target_semaphore(%dma_start3A_209 : memref<!tpu.dma_semaphore, #tpu.memory_space<semaphore_mem>>)
      %sub3A_216 = arith.constant 0 : i32
      %sub3A_217 = arith.subi %add3A_76, %sub3A_216 : i32
      %mul3A_218 = arith.constant 128 : i32
      %mul3A_219 = arith.muli %sub3A_217, %mul3A_218 : i32
      %mul3A_220 = arith.constant 16 : i32
      %mul3A_221 = arith.muli %mul3A_219, %mul3A_220 : i32
      %dma_start3A_222 = arith.constant 0 : i32
      %dma_start3A_223 = tpu.memref_slice %arg10[%rem3A_71, %dma_start3A_222] : memref<2x2048xf32, #tpu.memory_space<vmem>> -> memref<1x2048xf32, #tpu.memory_space<vmem>>
      %dma_start3A_224 = tpu.memref_squeeze %dma_start3A_223 : memref<1x2048xf32, #tpu.memory_space<vmem>> -> memref<2048xf32, #tpu.memory_space<vmem>>
      %dma_start3A_225 = tpu.memref_slice %arg6[%mul3A_221] : memref<2560000xf32, #tpu.memory_space<hbm>> -> memref<2048xf32, #tpu.memory_space<hbm>>
      %dma_start3A_226 = tpu.memref_slice %arg15[%rem3A_71] : memref<2x!tpu.dma_semaphore, #tpu.memory_space<semaphore_mem>> -> memref<1x!tpu.dma_semaphore, #tpu.memory_space<semaphore_mem>>
      %dma_start3A_227 = tpu.memref_squeeze %dma_start3A_226 : memref<1x!tpu.dma_semaphore, #tpu.memory_space<semaphore_mem>> -> memref<!tpu.dma_semaphore, #tpu.memory_space<semaphore_mem>>
      %dma_start3A_228 = tpu.memref_slice %arg6[%mul3A_221] : memref<2560000xf32, #tpu.memory_space<hbm>> -> memref<2048xf32, #tpu.memory_space<hbm>>
      %dma_start3A_229 = arith.constant 0 : i32
      %dma_start3A_230 = tpu.memref_slice %arg10[%rem3A_71, %dma_start3A_229] : memref<2x2048xf32, #tpu.memory_space<vmem>> -> memref<1x2048xf32, #tpu.memory_space<vmem>>
      %dma_start3A_231 = tpu.memref_squeeze %dma_start3A_230 : memref<1x2048xf32, #tpu.memory_space<vmem>> -> memref<2048xf32, #tpu.memory_space<vmem>>
      tpu.enqueue_dma source(%dma_start3A_231 : memref<2048xf32, #tpu.memory_space<vmem>>) target(%dma_start3A_228 : memref<2048xf32, #tpu.memory_space<hbm>>) target_semaphore(%dma_start3A_227 : memref<!tpu.dma_semaphore, #tpu.memory_space<semaphore_mem>>)
    }
    %while3A_62 = arith.constant 1 : i32
    scf.for %while3A_67 = %while3A_60 to %while3A_56 step %while3A_62  : i32 {
      %mul3A_68 = arith.muli %while3A_67, %while3A : i32
      %add3A_69 = arith.addi %while3A_53, %mul3A_68 : i32
      %rem3A_70 = arith.constant 2 : i32
      %rem3A_71 = arith.remsi %add3A_69, %rem3A_70 : i32
      %add3A_72 = arith.constant 0 : i32
      %add3A_73 = arith.addi %add3A_72, %add3A : i32
      %mul3A_74 = arith.constant 32 : i32
      %mul3A_75 = arith.muli %add3A_69, %mul3A_74 : i32
      %add3A_76 = arith.addi %add3A_73, %mul3A_75 : i32
      %mul3A_77 = arith.constant 128 : i32
      %mul3A_78 = arith.muli %add3A_76, %mul3A_77 : i32
      %dma_wait3A = arith.constant 0 : i32
      %dma_wait3A_79 = tpu.memref_slice %arg8[%rem3A_71, %dma_wait3A] : memref<2x128xi32, #tpu.memory_space<vmem>> -> memref<1x128xi32, #tpu.memory_space<vmem>>
      %dma_wait3A_80 = tpu.memref_squeeze %dma_wait3A_79 : memref<1x128xi32, #tpu.memory_space<vmem>> -> memref<128xi32, #tpu.memory_space<vmem>>
      %dma_wait3A_81 = tpu.memref_slice %arg4[%mul3A_78] : memref<640000xi32, #tpu.memory_space<hbm>> -> memref<128xi32, #tpu.memory_space<hbm>>
      %dma_wait3A_82 = tpu.memref_slice %arg12[%rem3A_71] : memref<2x!tpu.dma_semaphore, #tpu.memory_space<semaphore_mem>> -> memref<1x!tpu.dma_semaphore, #tpu.memory_space<semaphore_mem>>
      %dma_wait3A_83 = tpu.memref_squeeze %dma_wait3A_82 : memref<1x!tpu.dma_semaphore, #tpu.memory_space<semaphore_mem>> -> memref<!tpu.dma_semaphore, #tpu.memory_space<semaphore_mem>>
      %dma_wait3A_84 = arith.constant 0 : i32
      %dma_wait3A_85 = tpu.memref_slice %arg8[%rem3A_71, %dma_wait3A_84] : memref<2x128xi32, #tpu.memory_space<vmem>> -> memref<1x128xi32, #tpu.memory_space<vmem>>
      %dma_wait3A_86 = tpu.memref_squeeze %dma_wait3A_85 : memref<1x128xi32, #tpu.memory_space<vmem>> -> memref<128xi32, #tpu.memory_space<vmem>>
      %dma_wait3A_87 = tpu.memref_slice %arg4[%mul3A_78] : memref<640000xi32, #tpu.memory_space<hbm>> -> memref<128xi32, #tpu.memory_space<hbm>>
      tpu.wait_dma2 semaphore(%dma_wait3A_83 : memref<!tpu.dma_semaphore, #tpu.memory_space<semaphore_mem>>) src(%dma_wait3A_87 : memref<128xi32, #tpu.memory_space<hbm>>) dst(%dma_wait3A_86 : memref<128xi32, #tpu.memory_space<vmem>>)
      %add3A_88 = arith.constant 1 : i32
      %add3A_89 = arith.addi %add3A_69, %add3A_88 : i32
      %lt3A = arith.cmpi slt, %add3A_89, %select_n3A : i32
      %convert_element_type3A = arith.extui %lt3A : i1 to i32
      %cond3A = arith.constant 0 : i32
      %cond3A_90 = arith.cmpi ne, %convert_element_type3A, %cond3A : i32
      scf.if %cond3A_90 {
        %add3A_232 = arith.constant 1 : i32
        %add3A_233 = arith.addi %add3A_69, %add3A_232 : i32
        %sub3A_234 = arith.constant 1 : i32
        %sub3A_235 = arith.subi %sub3A_234, %rem3A_71 : i32
        %add3A_236 = arith.constant 0 : i32
        %add3A_237 = arith.addi %add3A_236, %add3A : i32
        %mul3A_238 = arith.constant 32 : i32
        %mul3A_239 = arith.muli %add3A_233, %mul3A_238 : i32
        %add3A_240 = arith.addi %add3A_237, %mul3A_239 : i32
        %mul3A_241 = arith.constant 128 : i32
        %mul3A_242 = arith.muli %add3A_240, %mul3A_241 : i32
        %dma_start3A_243 = arith.constant 0 : i32
        %dma_start3A_244 = tpu.memref_slice %arg8[%sub3A_235, %dma_start3A_243] : memref<2x128xi32, #tpu.memory_space<vmem>> -> memref<1x128xi32, #tpu.memory_space<vmem>>
        %dma_start3A_245 = tpu.memref_squeeze %dma_start3A_244 : memref<1x128xi32, #tpu.memory_space<vmem>> -> memref<128xi32, #tpu.memory_space<vmem>>
        %dma_start3A_246 = tpu.memref_slice %arg4[%mul3A_242] : memref<640000xi32, #tpu.memory_space<hbm>> -> memref<128xi32, #tpu.memory_space<hbm>>
        %dma_start3A_247 = tpu.memref_slice %arg12[%sub3A_235] : memref<2x!tpu.dma_semaphore, #tpu.memory_space<semaphore_mem>> -> memref<1x!tpu.dma_semaphore, #tpu.memory_space<semaphore_mem>>
        %dma_start3A_248 = tpu.memref_squeeze %dma_start3A_247 : memref<1x!tpu.dma_semaphore, #tpu.memory_space<semaphore_mem>> -> memref<!tpu.dma_semaphore, #tpu.memory_space<semaphore_mem>>
        %dma_start3A_249 = arith.constant 0 : i32
        %dma_start3A_250 = tpu.memref_slice %arg8[%sub3A_235, %dma_start3A_249] : memref<2x128xi32, #tpu.memory_space<vmem>> -> memref<1x128xi32, #tpu.memory_space<vmem>>
        %dma_start3A_251 = tpu.memref_squeeze %dma_start3A_250 : memref<1x128xi32, #tpu.memory_space<vmem>> -> memref<128xi32, #tpu.memory_space<vmem>>
        %dma_start3A_252 = tpu.memref_slice %arg4[%mul3A_242] : memref<640000xi32, #tpu.memory_space<hbm>> -> memref<128xi32, #tpu.memory_space<hbm>>
        tpu.enqueue_dma source(%dma_start3A_252 : memref<128xi32, #tpu.memory_space<hbm>>) target(%dma_start3A_251 : memref<128xi32, #tpu.memory_space<vmem>>) target_semaphore(%dma_start3A_248 : memref<!tpu.dma_semaphore, #tpu.memory_space<semaphore_mem>>)
      } else {
      }
      %ge3A = arith.constant 2 : i32
      %ge3A_91 = arith.cmpi sge, %add3A_69, %ge3A : i32
      %convert_element_type3A_92 = arith.extui %ge3A_91 : i1 to i32
      %cond3A_93 = arith.constant 0 : i32
      %cond3A_94 = arith.cmpi ne, %convert_element_type3A_92, %cond3A_93 : i32
      scf.if %cond3A_94 {
        %sub3A_232 = arith.constant 0 : i32
        %sub3A_233 = arith.subi %add3A_76, %sub3A_232 : i32
        %sub3A_234 = arith.constant 64 : i32
        %sub3A_235 = arith.subi %sub3A_233, %sub3A_234 : i32
        %mul3A_236 = arith.constant 128 : i32
        %mul3A_237 = arith.muli %sub3A_235, %mul3A_236 : i32
        %sub3A_238 = arith.constant 0 : i32
        %sub3A_239 = arith.subi %add3A_76, %sub3A_238 : i32
        %sub3A_240 = arith.constant 64 : i32
        %sub3A_241 = arith.subi %sub3A_239, %sub3A_240 : i32
        %mul3A_242 = arith.constant 128 : i32
        %mul3A_243 = arith.muli %sub3A_241, %mul3A_242 : i32
        %mul3A_244 = arith.constant 16 : i32
        %mul3A_245 = arith.muli %mul3A_243, %mul3A_244 : i32
        %dma_wait3A_246 = arith.constant 0 : i32
        %dma_wait3A_247 = arith.constant 0 : i32
        %dma_wait3A_248 = tpu.memref_slice %arg9[%rem3A_71, %dma_wait3A_246, %dma_wait3A_247] : memref<2x128x128xf32, #tpu.memory_space<vmem>> -> memref<1x128x128xf32, #tpu.memory_space<vmem>>
        %dma_wait3A_249 = tpu.memref_squeeze %dma_wait3A_248 : memref<1x128x128xf32, #tpu.memory_space<vmem>> -> memref<128x128xf32, #tpu.memory_space<vmem>>
        %dma_wait3A_250 = arith.constant 0 : i32
        %dma_wait3A_251 = tpu.memref_slice %arg5[%mul3A_237, %dma_wait3A_250] : memref<160000x128xf32, #tpu.memory_space<hbm>> -> memref<128x128xf32, #tpu.memory_space<hbm>>
        %dma_wait3A_252 = tpu.memref_slice %arg14[%rem3A_71] : memref<2x!tpu.dma_semaphore, #tpu.memory_space<semaphore_mem>> -> memref<1x!tpu.dma_semaphore, #tpu.memory_space<semaphore_mem>>
        %dma_wait3A_253 = tpu.memref_squeeze %dma_wait3A_252 : memref<1x!tpu.dma_semaphore, #tpu.memory_space<semaphore_mem>> -> memref<!tpu.dma_semaphore, #tpu.memory_space<semaphore_mem>>
        %dma_wait3A_254 = arith.constant 0 : i32
        %dma_wait3A_255 = tpu.memref_slice %arg5[%mul3A_237, %dma_wait3A_254] : memref<160000x128xf32, #tpu.memory_space<hbm>> -> memref<128x128xf32, #tpu.memory_space<hbm>>
        %dma_wait3A_256 = arith.constant 0 : i32
        %dma_wait3A_257 = arith.constant 0 : i32
        %dma_wait3A_258 = tpu.memref_slice %arg9[%rem3A_71, %dma_wait3A_256, %dma_wait3A_257] : memref<2x128x128xf32, #tpu.memory_space<vmem>> -> memref<1x128x128xf32, #tpu.memory_space<vmem>>
        %dma_wait3A_259 = tpu.memref_squeeze %dma_wait3A_258 : memref<1x128x128xf32, #tpu.memory_space<vmem>> -> memref<128x128xf32, #tpu.memory_space<vmem>>
        tpu.wait_dma2 semaphore(%dma_wait3A_253 : memref<!tpu.dma_semaphore, #tpu.memory_space<semaphore_mem>>) src(%dma_wait3A_259 : memref<128x128xf32, #tpu.memory_space<vmem>>) dst(%dma_wait3A_255 : memref<128x128xf32, #tpu.memory_space<hbm>>)
        %dma_wait3A_260 = arith.constant 0 : i32
        %dma_wait3A_261 = tpu.memref_slice %arg10[%rem3A_71, %dma_wait3A_260] : memref<2x2048xf32, #tpu.memory_space<vmem>> -> memref<1x2048xf32, #tpu.memory_space<vmem>>
        %dma_wait3A_262 = tpu.memref_squeeze %dma_wait3A_261 : memref<1x2048xf32, #tpu.memory_space<vmem>> -> memref<2048xf32, #tpu.memory_space<vmem>>
        %dma_wait3A_263 = tpu.memref_slice %arg6[%mul3A_245] : memref<2560000xf32, #tpu.memory_space<hbm>> -> memref<2048xf32, #tpu.memory_space<hbm>>
        %dma_wait3A_264 = tpu.memref_slice %arg15[%rem3A_71] : memref<2x!tpu.dma_semaphore, #tpu.memory_space<semaphore_mem>> -> memref<1x!tpu.dma_semaphore, #tpu.memory_space<semaphore_mem>>
        %dma_wait3A_265 = tpu.memref_squeeze %dma_wait3A_264 : memref<1x!tpu.dma_semaphore, #tpu.memory_space<semaphore_mem>> -> memref<!tpu.dma_semaphore, #tpu.memory_space<semaphore_mem>>
        %dma_wait3A_266 = tpu.memref_slice %arg6[%mul3A_245] : memref<2560000xf32, #tpu.memory_space<hbm>> -> memref<2048xf32, #tpu.memory_space<hbm>>
        %dma_wait3A_267 = arith.constant 0 : i32
        %dma_wait3A_268 = tpu.memref_slice %arg10[%rem3A_71, %dma_wait3A_267] : memref<2x2048xf32, #tpu.memory_space<vmem>> -> memref<1x2048xf32, #tpu.memory_space<vmem>>
        %dma_wait3A_269 = tpu.memref_squeeze %dma_wait3A_268 : memref<1x2048xf32, #tpu.memory_space<vmem>> -> memref<2048xf32, #tpu.memory_space<vmem>>
        tpu.wait_dma2 semaphore(%dma_wait3A_265 : memref<!tpu.dma_semaphore, #tpu.memory_space<semaphore_mem>>) src(%dma_wait3A_269 : memref<2048xf32, #tpu.memory_space<vmem>>) dst(%dma_wait3A_266 : memref<2048xf32, #tpu.memory_space<hbm>>)
      } else {
      }
      %dma_start3A_95 = arith.constant 0 : i32
      %dma_start3A_96 = arith.constant 0 : i32
      %dma_start3A_97 = tpu.memref_slice %arg9[%rem3A_71, %dma_start3A_95, %dma_start3A_96] : memref<2x128x128xf32, #tpu.memory_space<vmem>> -> memref<1x128x128xf32, #tpu.memory_space<vmem>>
      %dma_start3A_98 = tpu.memref_squeeze %dma_start3A_97 : memref<1x128x128xf32, #tpu.memory_space<vmem>> -> memref<128x128xf32, #tpu.memory_space<vmem>>
      %dma_start3A_99 = arith.constant 0 : i32
      %dma_start3A_100 = tpu.memref_slice %arg8[%rem3A_71, %dma_start3A_99] : memref<2x128xi32, #tpu.memory_space<vmem>> -> memref<1x128xi32, #tpu.memory_space<vmem>>
      %dma_start3A_101 = tpu.memref_squeeze %dma_start3A_100 : memref<1x128xi32, #tpu.memory_space<vmem>> -> memref<128xi32, #tpu.memory_space<vmem>>
      %dma_start3A_102 = arith.constant 0 : i32
      %dma_start3A_103 = arith.constant 0 : i32
      %dma_start3A_104 = tpu.memref_slice %arg7[%dma_start3A_102, %dma_start3A_103] : memref<10240x128xf32, #tpu.memory_space<vmem_shared>> -> memref<10240x128xf32, #tpu.memory_space<vmem_shared>>
      %dma_start3A_105 = tpu.memref_slice %arg13[%rem3A_71] : memref<2x!tpu.dma_semaphore, #tpu.memory_space<semaphore_mem>> -> memref<1x!tpu.dma_semaphore, #tpu.memory_space<semaphore_mem>>
      %dma_start3A_106 = tpu.memref_squeeze %dma_start3A_105 : memref<1x!tpu.dma_semaphore, #tpu.memory_space<semaphore_mem>> -> memref<!tpu.dma_semaphore, #tpu.memory_space<semaphore_mem>>
      tpu.enqueue_indirect_dma source(%dma_start3A_104 : memref<10240x128xf32, #tpu.memory_space<vmem_shared>>) target(%dma_start3A_98 : memref<128x128xf32, #tpu.memory_space<vmem>>) offsets(%dma_start3A_101 : memref<128xi32, #tpu.memory_space<vmem>>) semaphore(%dma_start3A_106 : memref<!tpu.dma_semaphore, #tpu.memory_space<semaphore_mem>>)
      %broadcast_in_dim3A_107 = vector.broadcast %rem3A_71 : i32 to vector<16xi32>
      %get3A = arith.index_cast %rem3A_71 : i32 to index
      %get3A_108 = arith.constant 0 : index
      %get3A_109 = tpu.vector_load %arg8[%get3A, %get3A_108] {strides = array<i32>} : memref<2x128xi32, #tpu.memory_space<vmem>>, vector<16xi32>,
      %gather3A = tpu.vector_load_idx %arg11[%get3A_109] : memref<10240xf32, #tpu.memory_space<vmem>>[vector<16xi32>], vector<16xf32>,
      %add3A_110 = arith.constant 0 : i32
      %add3A_111 = vector.broadcast %add3A_110 : i32 to vector<16xi32>
      %add3A_112 = arith.addi %iota3A, %add3A_111 : vector<16xi32>
      %mul3A_113 = arith.constant 16 : i32
      %mul3A_114 = vector.broadcast %mul3A_113 : i32 to vector<16xi32>
      %mul3A_115 = arith.muli %add3A_112, %mul3A_114 : vector<16xi32>
      tpu.vector_store_idx %arg10[%broadcast_in_dim3A_107, %mul3A_115], %gather3A : memref<2x2048xf32, #tpu.memory_space<vmem>>[vector<16xi32>, vector<16xi32>], vector<16xf32>,
      %get3A_116 = arith.index_cast %rem3A_71 : i32 to index
      %get3A_117 = arith.constant 16 : index
      %get3A_118 = tpu.vector_load %arg8[%get3A_116, %get3A_117] {strides = array<i32>} : memref<2x128xi32, #tpu.memory_space<vmem>>, vector<16xi32>,
      %gather3A_119 = tpu.vector_load_idx %arg11[%get3A_118] : memref<10240xf32, #tpu.memory_space<vmem>>[vector<16xi32>], vector<16xf32>,
      %add3A_120 = arith.constant 16 : i32
      %add3A_121 = vector.broadcast %add3A_120 : i32 to vector<16xi32>
      %add3A_122 = arith.addi %iota3A, %add3A_121 : vector<16xi32>
      %mul3A_123 = arith.constant 16 : i32
      %mul3A_124 = vector.broadcast %mul3A_123 : i32 to vector<16xi32>
      %mul3A_125 = arith.muli %add3A_122, %mul3A_124 : vector<16xi32>
      tpu.vector_store_idx %arg10[%broadcast_in_dim3A_107, %mul3A_125], %gather3A_119 : memref<2x2048xf32, #tpu.memory_space<vmem>>[vector<16xi32>, vector<16xi32>], vector<16xf32>,
      %get3A_126 = arith.index_cast %rem3A_71 : i32 to index
      %get3A_127 = arith.constant 32 : index
      %get3A_128 = tpu.vector_load %arg8[%get3A_126, %get3A_127] {strides = array<i32>} : memref<2x128xi32, #tpu.memory_space<vmem>>, vector<16xi32>,
      %gather3A_129 = tpu.vector_load_idx %arg11[%get3A_128] : memref<10240xf32, #tpu.memory_space<vmem>>[vector<16xi32>], vector<16xf32>,
      %add3A_130 = arith.constant 32 : i32
      %add3A_131 = vector.broadcast %add3A_130 : i32 to vector<16xi32>
      %add3A_132 = arith.addi %iota3A, %add3A_131 : vector<16xi32>
      %mul3A_133 = arith.constant 16 : i32
      %mul3A_134 = vector.broadcast %mul3A_133 : i32 to vector<16xi32>
      %mul3A_135 = arith.muli %add3A_132, %mul3A_134 : vector<16xi32>
      tpu.vector_store_idx %arg10[%broadcast_in_dim3A_107, %mul3A_135], %gather3A_129 : memref<2x2048xf32, #tpu.memory_space<vmem>>[vector<16xi32>, vector<16xi32>], vector<16xf32>,
      %get3A_136 = arith.index_cast %rem3A_71 : i32 to index
      %get3A_137 = arith.constant 48 : index
      %get3A_138 = tpu.vector_load %arg8[%get3A_136, %get3A_137] {strides = array<i32>} : memref<2x128xi32, #tpu.memory_space<vmem>>, vector<16xi32>,
      %gather3A_139 = tpu.vector_load_idx %arg11[%get3A_138] : memref<10240xf32, #tpu.memory_space<vmem>>[vector<16xi32>], vector<16xf32>,
      %add3A_140 = arith.constant 48 : i32
      %add3A_141 = vector.broadcast %add3A_140 : i32 to vector<16xi32>
      %add3A_142 = arith.addi %iota3A, %add3A_141 : vector<16xi32>
      %mul3A_143 = arith.constant 16 : i32
      %mul3A_144 = vector.broadcast %mul3A_143 : i32 to vector<16xi32>
      %mul3A_145 = arith.muli %add3A_142, %mul3A_144 : vector<16xi32>
      tpu.vector_store_idx %arg10[%broadcast_in_dim3A_107, %mul3A_145], %gather3A_139 : memref<2x2048xf32, #tpu.memory_space<vmem>>[vector<16xi32>, vector<16xi32>], vector<16xf32>,
      %get3A_146 = arith.index_cast %rem3A_71 : i32 to index
      %get3A_147 = arith.constant 64 : index
      %get3A_148 = tpu.vector_load %arg8[%get3A_146, %get3A_147] {strides = array<i32>} : memref<2x128xi32, #tpu.memory_space<vmem>>, vector<16xi32>,
      %gather3A_149 = tpu.vector_load_idx %arg11[%get3A_148] : memref<10240xf32, #tpu.memory_space<vmem>>[vector<16xi32>], vector<16xf32>,
      %add3A_150 = arith.constant 64 : i32
      %add3A_151 = vector.broadcast %add3A_150 : i32 to vector<16xi32>
      %add3A_152 = arith.addi %iota3A, %add3A_151 : vector<16xi32>
      %mul3A_153 = arith.constant 16 : i32
      %mul3A_154 = vector.broadcast %mul3A_153 : i32 to vector<16xi32>
      %mul3A_155 = arith.muli %add3A_152, %mul3A_154 : vector<16xi32>
      tpu.vector_store_idx %arg10[%broadcast_in_dim3A_107, %mul3A_155], %gather3A_149 : memref<2x2048xf32, #tpu.memory_space<vmem>>[vector<16xi32>, vector<16xi32>], vector<16xf32>,
      %get3A_156 = arith.index_cast %rem3A_71 : i32 to index
      %get3A_157 = arith.constant 80 : index
      %get3A_158 = tpu.vector_load %arg8[%get3A_156, %get3A_157] {strides = array<i32>} : memref<2x128xi32, #tpu.memory_space<vmem>>, vector<16xi32>,
      %gather3A_159 = tpu.vector_load_idx %arg11[%get3A_158] : memref<10240xf32, #tpu.memory_space<vmem>>[vector<16xi32>], vector<16xf32>,
      %add3A_160 = arith.constant 80 : i32
      %add3A_161 = vector.broadcast %add3A_160 : i32 to vector<16xi32>
      %add3A_162 = arith.addi %iota3A, %add3A_161 : vector<16xi32>
      %mul3A_163 = arith.constant 16 : i32
      %mul3A_164 = vector.broadcast %mul3A_163 : i32 to vector<16xi32>
      %mul3A_165 = arith.muli %add3A_162, %mul3A_164 : vector<16xi32>
      tpu.vector_store_idx %arg10[%broadcast_in_dim3A_107, %mul3A_165], %gather3A_159 : memref<2x2048xf32, #tpu.memory_space<vmem>>[vector<16xi32>, vector<16xi32>], vector<16xf32>,
      %get3A_166 = arith.index_cast %rem3A_71 : i32 to index
      %get3A_167 = arith.constant 96 : index
      %get3A_168 = tpu.vector_load %arg8[%get3A_166, %get3A_167] {strides = array<i32>} : memref<2x128xi32, #tpu.memory_space<vmem>>, vector<16xi32>,
      %gather3A_169 = tpu.vector_load_idx %arg11[%get3A_168] : memref<10240xf32, #tpu.memory_space<vmem>>[vector<16xi32>], vector<16xf32>,
      %add3A_170 = arith.constant 96 : i32
      %add3A_171 = vector.broadcast %add3A_170 : i32 to vector<16xi32>
      %add3A_172 = arith.addi %iota3A, %add3A_171 : vector<16xi32>
      %mul3A_173 = arith.constant 16 : i32
      %mul3A_174 = vector.broadcast %mul3A_173 : i32 to vector<16xi32>
      %mul3A_175 = arith.muli %add3A_172, %mul3A_174 : vector<16xi32>
      tpu.vector_store_idx %arg10[%broadcast_in_dim3A_107, %mul3A_175], %gather3A_169 : memref<2x2048xf32, #tpu.memory_space<vmem>>[vector<16xi32>, vector<16xi32>], vector<16xf32>,
      %get3A_176 = arith.index_cast %rem3A_71 : i32 to index
      %get3A_177 = arith.constant 112 : index
      %get3A_178 = tpu.vector_load %arg8[%get3A_176, %get3A_177] {strides = array<i32>} : memref<2x128xi32, #tpu.memory_space<vmem>>, vector<16xi32>,
      %gather3A_179 = tpu.vector_load_idx %arg11[%get3A_178] : memref<10240xf32, #tpu.memory_space<vmem>>[vector<16xi32>], vector<16xf32>,
      %add3A_180 = arith.constant 112 : i32
      %add3A_181 = vector.broadcast %add3A_180 : i32 to vector<16xi32>
      %add3A_182 = arith.addi %iota3A, %add3A_181 : vector<16xi32>
      %mul3A_183 = arith.constant 16 : i32
      %mul3A_184 = vector.broadcast %mul3A_183 : i32 to vector<16xi32>
      %mul3A_185 = arith.muli %add3A_182, %mul3A_184 : vector<16xi32>
      tpu.vector_store_idx %arg10[%broadcast_in_dim3A_107, %mul3A_185], %gather3A_179 : memref<2x2048xf32, #tpu.memory_space<vmem>>[vector<16xi32>, vector<16xi32>], vector<16xf32>,
      %dma_wait3A_186 = arith.constant 0 : i32
      %dma_wait3A_187 = arith.constant 0 : i32
      %dma_wait3A_188 = tpu.memref_slice %arg9[%rem3A_71, %dma_wait3A_186, %dma_wait3A_187] : memref<2x128x128xf32, #tpu.memory_space<vmem>> -> memref<1x128x128xf32, #tpu.memory_space<vmem>>
      %dma_wait3A_189 = tpu.memref_squeeze %dma_wait3A_188 : memref<1x128x128xf32, #tpu.memory_space<vmem>> -> memref<128x128xf32, #tpu.memory_space<vmem>>
      %dma_wait3A_190 = arith.constant 0 : i32
      %dma_wait3A_191 = tpu.memref_slice %arg8[%rem3A_71, %dma_wait3A_190] : memref<2x128xi32, #tpu.memory_space<vmem>> -> memref<1x128xi32, #tpu.memory_space<vmem>>
      %dma_wait3A_192 = tpu.memref_squeeze %dma_wait3A_191 : memref<1x128xi32, #tpu.memory_space<vmem>> -> memref<128xi32, #tpu.memory_space<vmem>>
      %dma_wait3A_193 = arith.constant 0 : i32
      %dma_wait3A_194 = arith.constant 0 : i32
      %dma_wait3A_195 = tpu.memref_slice %arg7[%dma_wait3A_193, %dma_wait3A_194] : memref<10240x128xf32, #tpu.memory_space<vmem_shared>> -> memref<10240x128xf32, #tpu.memory_space<vmem_shared>>
      %dma_wait3A_196 = tpu.memref_slice %arg13[%rem3A_71] : memref<2x!tpu.dma_semaphore, #tpu.memory_space<semaphore_mem>> -> memref<1x!tpu.dma_semaphore, #tpu.memory_space<semaphore_mem>>
      %dma_wait3A_197 = tpu.memref_squeeze %dma_wait3A_196 : memref<1x!tpu.dma_semaphore, #tpu.memory_space<semaphore_mem>> -> memref<!tpu.dma_semaphore, #tpu.memory_space<semaphore_mem>>
      tpu.wait_indirect_dma semaphore(%dma_wait3A_197 : memref<!tpu.dma_semaphore, #tpu.memory_space<semaphore_mem>>) src(%dma_wait3A_195 : memref<10240x128xf32, #tpu.memory_space<vmem_shared>>) dst(%dma_wait3A_189 : memref<128x128xf32, #tpu.memory_space<vmem>>)
      %sub3A_198 = arith.constant 0 : i32
      %sub3A_199 = arith.subi %add3A_76, %sub3A_198 : i32
      %mul3A_200 = arith.constant 128 : i32
      %mul3A_201 = arith.muli %sub3A_199, %mul3A_200 : i32
      %dma_start3A_202 = arith.constant 0 : i32
      %dma_start3A_203 = arith.constant 0 : i32
      %dma_start3A_204 = tpu.memref_slice %arg9[%rem3A_71, %dma_start3A_202, %dma_start3A_203] : memref<2x128x128xf32, #tpu.memory_space<vmem>> -> memref<1x128x128xf32, #tpu.memory_space<vmem>>
      %dma_start3A_205 = tpu.memref_squeeze %dma_start3A_204 : memref<1x128x128xf32, #tpu.memory_space<vmem>> -> memref<128x128xf32, #tpu.memory_space<vmem>>
      %dma_start3A_206 = arith.constant 0 : i32
      %dma_start3A_207 = tpu.memref_slice %arg5[%mul3A_201, %dma_start3A_206] : memref<160000x128xf32, #tpu.memory_space<hbm>> -> memref<128x128xf32, #tpu.memory_space<hbm>>
      %dma_start3A_208 = tpu.memref_slice %arg14[%rem3A_71] : memref<2x!tpu.dma_semaphore, #tpu.memory_space<semaphore_mem>> -> memref<1x!tpu.dma_semaphore, #tpu.memory_space<semaphore_mem>>
      %dma_start3A_209 = tpu.memref_squeeze %dma_start3A_208 : memref<1x!tpu.dma_semaphore, #tpu.memory_space<semaphore_mem>> -> memref<!tpu.dma_semaphore, #tpu.memory_space<semaphore_mem>>
      %dma_start3A_210 = arith.constant 0 : i32
      %dma_start3A_211 = tpu.memref_slice %arg5[%mul3A_201, %dma_start3A_210] : memref<160000x128xf32, #tpu.memory_space<hbm>> -> memref<128x128xf32, #tpu.memory_space<hbm>>
      %dma_start3A_212 = arith.constant 0 : i32
      %dma_start3A_213 = arith.constant 0 : i32
      %dma_start3A_214 = tpu.memref_slice %arg9[%rem3A_71, %dma_start3A_212, %dma_start3A_213] : memref<2x128x128xf32, #tpu.memory_space<vmem>> -> memref<1x128x128xf32, #tpu.memory_space<vmem>>
      %dma_start3A_215 = tpu.memref_squeeze %dma_start3A_214 : memref<1x128x128xf32, #tpu.memory_space<vmem>> -> memref<128x128xf32, #tpu.memory_space<vmem>>
      tpu.enqueue_dma source(%dma_start3A_215 : memref<128x128xf32, #tpu.memory_space<vmem>>) target(%dma_start3A_211 : memref<128x128xf32, #tpu.memory_space<hbm>>) target_semaphore(%dma_start3A_209 : memref<!tpu.dma_semaphore, #tpu.memory_space<semaphore_mem>>)
      %sub3A_216 = arith.constant 0 : i32
      %sub3A_217 = arith.subi %add3A_76, %sub3A_216 : i32
      %mul3A_218 = arith.constant 128 : i32
      %mul3A_219 = arith.muli %sub3A_217, %mul3A_218 : i32
      %mul3A_220 = arith.constant 16 : i32
      %mul3A_221 = arith.muli %mul3A_219, %mul3A_220 : i32
      %dma_start3A_222 = arith.constant 0 : i32
      %dma_start3A_223 = tpu.memref_slice %arg10[%rem3A_71, %dma_start3A_222] : memref<2x2048xf32, #tpu.memory_space<vmem>> -> memref<1x2048xf32, #tpu.memory_space<vmem>>
      %dma_start3A_224 = tpu.memref_squeeze %dma_start3A_223 : memref<1x2048xf32, #tpu.memory_space<vmem>> -> memref<2048xf32, #tpu.memory_space<vmem>>
      %dma_start3A_225 = tpu.memref_slice %arg6[%mul3A_221] : memref<2560000xf32, #tpu.memory_space<hbm>> -> memref<2048xf32, #tpu.memory_space<hbm>>
      %dma_start3A_226 = tpu.memref_slice %arg15[%rem3A_71] : memref<2x!tpu.dma_semaphore, #tpu.memory_space<semaphore_mem>> -> memref<1x!tpu.dma_semaphore, #tpu.memory_space<semaphore_mem>>
      %dma_start3A_227 = tpu.memref_squeeze %dma_start3A_226 : memref<1x!tpu.dma_semaphore, #tpu.memory_space<semaphore_mem>> -> memref<!tpu.dma_semaphore, #tpu.memory_space<semaphore_mem>>
      %dma_start3A_228 = tpu.memref_slice %arg6[%mul3A_221] : memref<2560000xf32, #tpu.memory_space<hbm>> -> memref<2048xf32, #tpu.memory_space<hbm>>
      %dma_start3A_229 = arith.constant 0 : i32
      %dma_start3A_230 = tpu.memref_slice %arg10[%rem3A_71, %dma_start3A_229] : memref<2x2048xf32, #tpu.memory_space<vmem>> -> memref<1x2048xf32, #tpu.memory_space<vmem>>
      %dma_start3A_231 = tpu.memref_squeeze %dma_start3A_230 : memref<1x2048xf32, #tpu.memory_space<vmem>> -> memref<2048xf32, #tpu.memory_space<vmem>>
      tpu.enqueue_dma source(%dma_start3A_231 : memref<2048xf32, #tpu.memory_space<vmem>>) target(%dma_start3A_228 : memref<2048xf32, #tpu.memory_space<hbm>>) target_semaphore(%dma_start3A_227 : memref<!tpu.dma_semaphore, #tpu.memory_space<semaphore_mem>>)
    }
    %scan3A = arith.constant 0 : i32
    %scan3A_63 = arith.constant 2 : i32
    %scan3A_64 = arith.addi %scan3A, %scan3A_63 : i32
    %scan3A_65 = arith.constant 1 : i32
    scf.for %scan3A_67 = %scan3A to %scan3A_64 step %scan3A_65  : i32 {
      %mul3A_68 = arith.constant 1 : i32
      %mul3A_69 = arith.muli %scan3A_67, %mul3A_68 : i32
      %add3A_70 = arith.constant 0 : i32
      %add3A_71 = arith.addi %add3A_70, %mul3A_69 : i32
      %dma_wait3A = arith.constant 0 : i32
      %dma_wait3A_72 = arith.constant 0 : i32
      %dma_wait3A_73 = tpu.memref_slice %arg9[%add3A_71, %dma_wait3A, %dma_wait3A_72] : memref<2x128x128xf32, #tpu.memory_space<vmem>> -> memref<1x128x128xf32, #tpu.memory_space<vmem>>
      %dma_wait3A_74 = tpu.memref_squeeze %dma_wait3A_73 : memref<1x128x128xf32, #tpu.memory_space<vmem>> -> memref<128x128xf32, #tpu.memory_space<vmem>>
      %dma_wait3A_75 = arith.constant 0 : i32
      %dma_wait3A_76 = arith.constant 0 : i32
      %dma_wait3A_77 = tpu.memref_slice %arg5[%dma_wait3A_75, %dma_wait3A_76] : memref<160000x128xf32, #tpu.memory_space<hbm>> -> memref<128x128xf32, #tpu.memory_space<hbm>>
      %dma_wait3A_78 = tpu.memref_slice %arg14[%add3A_71] : memref<2x!tpu.dma_semaphore, #tpu.memory_space<semaphore_mem>> -> memref<1x!tpu.dma_semaphore, #tpu.memory_space<semaphore_mem>>
      %dma_wait3A_79 = tpu.memref_squeeze %dma_wait3A_78 : memref<1x!tpu.dma_semaphore, #tpu.memory_space<semaphore_mem>> -> memref<!tpu.dma_semaphore, #tpu.memory_space<semaphore_mem>>
      %dma_wait3A_80 = arith.constant 0 : i32
      %dma_wait3A_81 = arith.constant 0 : i32
      %dma_wait3A_82 = tpu.memref_slice %arg5[%dma_wait3A_80, %dma_wait3A_81] : memref<160000x128xf32, #tpu.memory_space<hbm>> -> memref<128x128xf32, #tpu.memory_space<hbm>>
      %dma_wait3A_83 = arith.constant 0 : i32
      %dma_wait3A_84 = arith.constant 0 : i32
      %dma_wait3A_85 = tpu.memref_slice %arg9[%add3A_71, %dma_wait3A_83, %dma_wait3A_84] : memref<2x128x128xf32, #tpu.memory_space<vmem>> -> memref<1x128x128xf32, #tpu.memory_space<vmem>>
      %dma_wait3A_86 = tpu.memref_squeeze %dma_wait3A_85 : memref<1x128x128xf32, #tpu.memory_space<vmem>> -> memref<128x128xf32, #tpu.memory_space<vmem>>
      tpu.wait_dma2 semaphore(%dma_wait3A_79 : memref<!tpu.dma_semaphore, #tpu.memory_space<semaphore_mem>>) src(%dma_wait3A_86 : memref<128x128xf32, #tpu.memory_space<vmem>>) dst(%dma_wait3A_82 : memref<128x128xf32, #tpu.memory_space<hbm>>)
      %dma_wait3A_87 = arith.constant 0 : i32
      %dma_wait3A_88 = tpu.memref_slice %arg10[%add3A_71, %dma_wait3A_87] : memref<2x2048xf32, #tpu.memory_space<vmem>> -> memref<1x2048xf32, #tpu.memory_space<vmem>>
      %dma_wait3A_89 = tpu.memref_squeeze %dma_wait3A_88 : memref<1x2048xf32, #tpu.memory_space<vmem>> -> memref<2048xf32, #tpu.memory_space<vmem>>
      %dma_wait3A_90 = arith.constant 0 : i32
      %dma_wait3A_91 = tpu.memref_slice %arg6[%dma_wait3A_90] : memref<2560000xf32, #tpu.memory_space<hbm>> -> memref<2048xf32, #tpu.memory_space<hbm>>
      %dma_wait3A_92 = tpu.memref_slice %arg15[%add3A_71] : memref<2x!tpu.dma_semaphore, #tpu.memory_space<semaphore_mem>> -> memref<1x!tpu.dma_semaphore, #tpu.memory_space<semaphore_mem>>
      %dma_wait3A_93 = tpu.memref_squeeze %dma_wait3A_92 : memref<1x!tpu.dma_semaphore, #tpu.memory_space<semaphore_mem>> -> memref<!tpu.dma_semaphore, #tpu.memory_space<semaphore_mem>>
      %dma_wait3A_94 = arith.constant 0 : i32
      %dma_wait3A_95 = tpu.memref_slice %arg6[%dma_wait3A_94] : memref<2560000xf32, #tpu.memory_space<hbm>> -> memref<2048xf32, #tpu.memory_space<hbm>>
      %dma_wait3A_96 = arith.constant 0 : i32
      %dma_wait3A_97 = tpu.memref_slice %arg10[%add3A_71, %dma_wait3A_96] : memref<2x2048xf32, #tpu.memory_space<vmem>> -> memref<1x2048xf32, #tpu.memory_space<vmem>>
      %dma_wait3A_98 = tpu.memref_squeeze %dma_wait3A_97 : memref<1x2048xf32, #tpu.memory_space<vmem>> -> memref<2048xf32, #tpu.memory_space<vmem>>
      tpu.wait_dma2 semaphore(%dma_wait3A_93 : memref<!tpu.dma_semaphore, #tpu.memory_space<semaphore_mem>>) src(%dma_wait3A_98 : memref<2048xf32, #tpu.memory_space<vmem>>) dst(%dma_wait3A_95 : memref<2048xf32, #tpu.memory_space<hbm>>)
    }
    %scan3A_66 = arith.constant 2 : i32
    return
  }
}

#map = affine_map<(d0, d1) -> (0, 0)>
#map1 = affine_map<(d0, d1) -> (0)>
module attributes {stable_mosaic.version = 14 : i64} {
  func.func @_k3_body(%arg0: i32, %arg1: i32, %arg2: memref<10240x128xf32, #tpu.memory_space<hbm>>, %arg3: memref<10240xf32, #tpu.memory_space<hbm>>, %arg4: memref<640000xi32, #tpu.memory_space<hbm>>, %arg5: memref<160000x128xf32, #tpu.memory_space<hbm>>, %arg6: memref<2560000xf32, #tpu.memory_space<hbm>>, %arg7: memref<10240x128xf32, #tpu.memory_space<vmem_shared>>, %arg8: memref<2x128xi32, #tpu.memory_space<vmem>>, %arg9: memref<2x128x128xf32, #tpu.memory_space<vmem>>, %arg10: memref<2x2048xf32, #tpu.memory_space<vmem>>, %arg11: memref<10240xf32, #tpu.memory_space<vmem>>, %arg12: memref<2x!tpu.dma_semaphore, #tpu.memory_space<semaphore_mem>>, %arg13: memref<2x!tpu.dma_semaphore, #tpu.memory_space<semaphore_mem>>, %arg14: memref<2x!tpu.dma_semaphore, #tpu.memory_space<semaphore_mem>>, %arg15: memref<2x!tpu.dma_semaphore, #tpu.memory_space<semaphore_mem>>) attributes {dimension_semantics = [#tpu.dimension_semantics<core_parallel>, #tpu.dimension_semantics<subcore_parallel>], iteration_bounds = array<i64: 2, 16>, scalar_prefetch = 0 : i64, scratch_operands = 9 : i64, tpu.core_type = #tpu.core_type<sc_vector_subcore>, window_params = [{transform_indices = #map}, {transform_indices = #map1}, {transform_indices = #map1}, {transform_indices = #map}, {transform_indices = #map1}]} {
    %mul3A = arith.constant 2 : i32
    %mul3A_0 = arith.muli %arg1, %mul3A : i32
    %add3A = arith.addi %mul3A_0, %arg0 : i32
    %mul3A_1 = arith.constant 640 : i32
    %mul3A_2 = arith.muli %arg1, %mul3A_1 : i32
    %mul3A_3 = arith.constant 640 : i32
    %mul3A_4 = arith.muli %arg1, %mul3A_3 : i32
    "tpu.region"() ({
      %run_scoped3A = tpu.sem_alloc : memref<!tpu.dma_semaphore, #tpu.memory_space<semaphore_mem>>
      %dma_start3A_67 = arith.constant 0 : i32
      %dma_start3A_68 = tpu.memref_slice %arg7[%mul3A_4, %dma_start3A_67] : memref<10240x128xf32, #tpu.memory_space<vmem_shared>> -> memref<640x128xf32, #tpu.memory_space<vmem_shared>>
      %dma_start3A_69 = arith.constant 0 : i32
      %dma_start3A_70 = tpu.memref_slice %arg2[%mul3A_2, %dma_start3A_69] : memref<10240x128xf32, #tpu.memory_space<hbm>> -> memref<640x128xf32, #tpu.memory_space<hbm>>
      tpu.enqueue_dma source(%dma_start3A_70 : memref<640x128xf32, #tpu.memory_space<hbm>>) target(%dma_start3A_68 : memref<640x128xf32, #tpu.memory_space<vmem_shared>>) target_semaphore(%run_scoped3A : memref<!tpu.dma_semaphore, #tpu.memory_space<semaphore_mem>>)
      %dma_wait3A = arith.constant 0 : i32
      %dma_wait3A_71 = tpu.memref_slice %arg7[%mul3A_4, %dma_wait3A] : memref<10240x128xf32, #tpu.memory_space<vmem_shared>> -> memref<640x128xf32, #tpu.memory_space<vmem_shared>>
      %dma_wait3A_72 = arith.constant 0 : i32
      %dma_wait3A_73 = tpu.memref_slice %arg2[%mul3A_2, %dma_wait3A_72] : memref<10240x128xf32, #tpu.memory_space<hbm>> -> memref<640x128xf32, #tpu.memory_space<hbm>>
      tpu.wait_dma2 semaphore(%run_scoped3A : memref<!tpu.dma_semaphore, #tpu.memory_space<semaphore_mem>>) src(%dma_wait3A_73 : memref<640x128xf32, #tpu.memory_space<hbm>>) dst(%dma_wait3A_71 : memref<640x128xf32, #tpu.memory_space<vmem_shared>>)
      tpu.yield
    }) : () -> ()
    "tpu.region"() ({
      %run_scoped3A = tpu.sem_alloc : memref<!tpu.dma_semaphore, #tpu.memory_space<semaphore_mem>>
      tpu.enqueue_dma source(%arg3 : memref<10240xf32, #tpu.memory_space<hbm>>) target(%arg11 : memref<10240xf32, #tpu.memory_space<vmem>>) target_semaphore(%run_scoped3A : memref<!tpu.dma_semaphore, #tpu.memory_space<semaphore_mem>>)
      tpu.wait_dma2 semaphore(%run_scoped3A : memref<!tpu.dma_semaphore, #tpu.memory_space<semaphore_mem>>) src(%arg3 : memref<10240xf32, #tpu.memory_space<hbm>>) dst(%arg11 : memref<10240xf32, #tpu.memory_space<vmem>>)
      tpu.yield
    }) : () -> ()
    %barrier3A = arith.constant 0 : index
    tpu.barrier barrier_id(%barrier3A)
    %iota3A = tpu.iota {dimensions = array<i32: 0>} : vector<16xi32>
    %broadcast_in_dim3A = arith.constant 0 : i32
    %broadcast_in_dim3A_5 = vector.broadcast %broadcast_in_dim3A : i32 to vector<16xi32>
    %sub3A = arith.constant 1250 : i32
    %sub3A_6 = arith.subi %sub3A, %add3A : i32
    %add3A_7 = arith.constant 32 : i32
    %add3A_8 = arith.addi %sub3A_6, %add3A_7 : i32
    %sub3A_9 = arith.constant 1 : i32
    %sub3A_10 = arith.subi %add3A_8, %sub3A_9 : i32
    %jit3A = arith.constant 32 : i32
    %div3A = arith.divsi %sub3A_10, %jit3A : i32
    %sign3A = arith.constant 0 : i32
    %sign3A_11 = arith.cmpi sgt, %sub3A_10, %sign3A : i32
    %sign3A_12 = arith.extui %sign3A_11 : i1 to i32
    %sign3A_13 = arith.constant 0 : i32
    %sign3A_14 = arith.cmpi slt, %sub3A_10, %sign3A_13 : i32
    %sign3A_15 = arith.extui %sign3A_14 : i1 to i32
    %sign3A_16 = arith.subi %sign3A_12, %sign3A_15 : i32
    %sign3A_17 = arith.constant 0 : i32
    %sign3A_18 = arith.cmpi sgt, %jit3A, %sign3A_17 : i32
    %sign3A_19 = arith.extui %sign3A_18 : i1 to i32
    %sign3A_20 = arith.constant 0 : i32
    %sign3A_21 = arith.cmpi slt, %jit3A, %sign3A_20 : i32
    %sign3A_22 = arith.extui %sign3A_21 : i1 to i32
    %sign3A_23 = arith.subi %sign3A_19, %sign3A_22 : i32
    %ne3A = arith.cmpi ne, %sign3A_16, %sign3A_23 : i32
    %rem3A = arith.remsi %sub3A_10, %jit3A : i32
    %ne3A_24 = arith.constant 0 : i32
    %ne3A_25 = arith.cmpi ne, %rem3A, %ne3A_24 : i32
    %and3A = arith.andi %ne3A, %ne3A_25 : i1
    %sub3A_26 = arith.constant 1 : i32
    %sub3A_27 = arith.subi %div3A, %sub3A_26 : i32
    %select_n3A = arith.select %and3A, %sub3A_27, %div3A : i32
    %add3A_28 = arith.constant 2500 : i32
    %add3A_29 = arith.addi %add3A_28, %add3A : i32
    %add3A_30 = arith.constant 0 : i32
    %add3A_31 = arith.addi %add3A_29, %add3A_30 : i32
    %mul3A_32 = arith.constant 128 : i32
    %mul3A_33 = arith.muli %add3A_31, %mul3A_32 : i32
    %dma_start3A = arith.constant 0 : i32
    %dma_start3A_34 = arith.constant 0 : i32
    %dma_start3A_35 = arith.constant 0 : i32
    %dma_start3A_36 = tpu.memref_slice %arg8[%dma_start3A, %dma_start3A_35] : memref<2x128xi32, #tpu.memory_space<vmem>> -> memref<1x128xi32, #tpu.memory_space<vmem>>
    %dma_start3A_37 = tpu.memref_squeeze %dma_start3A_36 : memref<1x128xi32, #tpu.memory_space<vmem>> -> memref<128xi32, #tpu.memory_space<vmem>>
    %dma_start3A_38 = tpu.memref_slice %arg4[%mul3A_33] : memref<640000xi32, #tpu.memory_space<hbm>> -> memref<128xi32, #tpu.memory_space<hbm>>
    %dma_start3A_39 = tpu.memref_slice %arg12[%dma_start3A_34] : memref<2x!tpu.dma_semaphore, #tpu.memory_space<semaphore_mem>> -> memref<1x!tpu.dma_semaphore, #tpu.memory_space<semaphore_mem>>
    %dma_start3A_40 = tpu.memref_squeeze %dma_start3A_39 : memref<1x!tpu.dma_semaphore, #tpu.memory_space<semaphore_mem>> -> memref<!tpu.dma_semaphore, #tpu.memory_space<semaphore_mem>>
    %dma_start3A_41 = arith.constant 0 : i32
    %dma_start3A_42 = tpu.memref_slice %arg8[%dma_start3A, %dma_start3A_41] : memref<2x128xi32, #tpu.memory_space<vmem>> -> memref<1x128xi32, #tpu.memory_space<vmem>>
    %dma_start3A_43 = tpu.memref_squeeze %dma_start3A_42 : memref<1x128xi32, #tpu.memory_space<vmem>> -> memref<128xi32, #tpu.memory_space<vmem>>
    %dma_start3A_44 = tpu.memref_slice %arg4[%mul3A_33] : memref<640000xi32, #tpu.memory_space<hbm>> -> memref<128xi32, #tpu.memory_space<hbm>>
    tpu.enqueue_dma source(%dma_start3A_44 : memref<128xi32, #tpu.memory_space<hbm>>) target(%dma_start3A_43 : memref<128xi32, #tpu.memory_space<vmem>>) target_semaphore(%dma_start3A_40 : memref<!tpu.dma_semaphore, #tpu.memory_space<semaphore_mem>>)
    %sub3A_45 = arith.constant 0 : i32
    %sub3A_46 = arith.subi %select_n3A, %sub3A_45 : i32
    %sub3A_47 = arith.constant 1 : i32
    %sub3A_48 = arith.constant 1 : i32
    %sub3A_49 = arith.subi %sub3A_47, %sub3A_48 : i32
    %add3A_50 = arith.addi %sub3A_46, %sub3A_49 : i32
    %div3A_51 = arith.constant 1 : i32
    %div3A_52 = arith.divsi %add3A_50, %div3A_51 : i32
    %while3A = arith.constant 1 : i32
    %while3A_53 = arith.constant 0 : i32
    %while3A_54 = arith.constant 0 : i32
    %while3A_55 = arith.subi %div3A_52, %while3A_54 : i32
    %while3A_56 = arith.addi %while3A_54, %while3A_55 : i32
    %while3A_57 = arith.constant 1 : i32
    %while3A_58 = arith.divsi %while3A_55, %while3A_57 : i32
    %while3A_59 = arith.muli %while3A_58, %while3A_57 : i32
    %while3A_60 = arith.addi %while3A_54, %while3A_59 : i32
    %while3A_61 = arith.constant 1 : i32
    scf.for %while3A_67 = %while3A_54 to %while3A_60 step %while3A_61  : i32 {
      %mul3A_68 = arith.muli %while3A_67, %while3A : i32
      %add3A_69 = arith.addi %while3A_53, %mul3A_68 : i32
      %rem3A_70 = arith.constant 2 : i32
      %rem3A_71 = arith.remsi %add3A_69, %rem3A_70 : i32
      %add3A_72 = arith.constant 2500 : i32
      %add3A_73 = arith.addi %add3A_72, %add3A : i32
      %mul3A_74 = arith.constant 32 : i32
      %mul3A_75 = arith.muli %add3A_69, %mul3A_74 : i32
      %add3A_76 = arith.addi %add3A_73, %mul3A_75 : i32
      %mul3A_77 = arith.constant 128 : i32
      %mul3A_78 = arith.muli %add3A_76, %mul3A_77 : i32
      %dma_wait3A = arith.constant 0 : i32
      %dma_wait3A_79 = tpu.memref_slice %arg8[%rem3A_71, %dma_wait3A] : memref<2x128xi32, #tpu.memory_space<vmem>> -> memref<1x128xi32, #tpu.memory_space<vmem>>
      %dma_wait3A_80 = tpu.memref_squeeze %dma_wait3A_79 : memref<1x128xi32, #tpu.memory_space<vmem>> -> memref<128xi32, #tpu.memory_space<vmem>>
      %dma_wait3A_81 = tpu.memref_slice %arg4[%mul3A_78] : memref<640000xi32, #tpu.memory_space<hbm>> -> memref<128xi32, #tpu.memory_space<hbm>>
      %dma_wait3A_82 = tpu.memref_slice %arg12[%rem3A_71] : memref<2x!tpu.dma_semaphore, #tpu.memory_space<semaphore_mem>> -> memref<1x!tpu.dma_semaphore, #tpu.memory_space<semaphore_mem>>
      %dma_wait3A_83 = tpu.memref_squeeze %dma_wait3A_82 : memref<1x!tpu.dma_semaphore, #tpu.memory_space<semaphore_mem>> -> memref<!tpu.dma_semaphore, #tpu.memory_space<semaphore_mem>>
      %dma_wait3A_84 = arith.constant 0 : i32
      %dma_wait3A_85 = tpu.memref_slice %arg8[%rem3A_71, %dma_wait3A_84] : memref<2x128xi32, #tpu.memory_space<vmem>> -> memref<1x128xi32, #tpu.memory_space<vmem>>
      %dma_wait3A_86 = tpu.memref_squeeze %dma_wait3A_85 : memref<1x128xi32, #tpu.memory_space<vmem>> -> memref<128xi32, #tpu.memory_space<vmem>>
      %dma_wait3A_87 = tpu.memref_slice %arg4[%mul3A_78] : memref<640000xi32, #tpu.memory_space<hbm>> -> memref<128xi32, #tpu.memory_space<hbm>>
      tpu.wait_dma2 semaphore(%dma_wait3A_83 : memref<!tpu.dma_semaphore, #tpu.memory_space<semaphore_mem>>) src(%dma_wait3A_87 : memref<128xi32, #tpu.memory_space<hbm>>) dst(%dma_wait3A_86 : memref<128xi32, #tpu.memory_space<vmem>>)
      %add3A_88 = arith.constant 1 : i32
      %add3A_89 = arith.addi %add3A_69, %add3A_88 : i32
      %lt3A = arith.cmpi slt, %add3A_89, %select_n3A : i32
      %convert_element_type3A = arith.extui %lt3A : i1 to i32
      %cond3A = arith.constant 0 : i32
      %cond3A_90 = arith.cmpi ne, %convert_element_type3A, %cond3A : i32
      scf.if %cond3A_90 {
        %add3A_232 = arith.constant 1 : i32
        %add3A_233 = arith.addi %add3A_69, %add3A_232 : i32
        %sub3A_234 = arith.constant 1 : i32
        %sub3A_235 = arith.subi %sub3A_234, %rem3A_71 : i32
        %add3A_236 = arith.constant 2500 : i32
        %add3A_237 = arith.addi %add3A_236, %add3A : i32
        %mul3A_238 = arith.constant 32 : i32
        %mul3A_239 = arith.muli %add3A_233, %mul3A_238 : i32
        %add3A_240 = arith.addi %add3A_237, %mul3A_239 : i32
        %mul3A_241 = arith.constant 128 : i32
        %mul3A_242 = arith.muli %add3A_240, %mul3A_241 : i32
        %dma_start3A_243 = arith.constant 0 : i32
        %dma_start3A_244 = tpu.memref_slice %arg8[%sub3A_235, %dma_start3A_243] : memref<2x128xi32, #tpu.memory_space<vmem>> -> memref<1x128xi32, #tpu.memory_space<vmem>>
        %dma_start3A_245 = tpu.memref_squeeze %dma_start3A_244 : memref<1x128xi32, #tpu.memory_space<vmem>> -> memref<128xi32, #tpu.memory_space<vmem>>
        %dma_start3A_246 = tpu.memref_slice %arg4[%mul3A_242] : memref<640000xi32, #tpu.memory_space<hbm>> -> memref<128xi32, #tpu.memory_space<hbm>>
        %dma_start3A_247 = tpu.memref_slice %arg12[%sub3A_235] : memref<2x!tpu.dma_semaphore, #tpu.memory_space<semaphore_mem>> -> memref<1x!tpu.dma_semaphore, #tpu.memory_space<semaphore_mem>>
        %dma_start3A_248 = tpu.memref_squeeze %dma_start3A_247 : memref<1x!tpu.dma_semaphore, #tpu.memory_space<semaphore_mem>> -> memref<!tpu.dma_semaphore, #tpu.memory_space<semaphore_mem>>
        %dma_start3A_249 = arith.constant 0 : i32
        %dma_start3A_250 = tpu.memref_slice %arg8[%sub3A_235, %dma_start3A_249] : memref<2x128xi32, #tpu.memory_space<vmem>> -> memref<1x128xi32, #tpu.memory_space<vmem>>
        %dma_start3A_251 = tpu.memref_squeeze %dma_start3A_250 : memref<1x128xi32, #tpu.memory_space<vmem>> -> memref<128xi32, #tpu.memory_space<vmem>>
        %dma_start3A_252 = tpu.memref_slice %arg4[%mul3A_242] : memref<640000xi32, #tpu.memory_space<hbm>> -> memref<128xi32, #tpu.memory_space<hbm>>
        tpu.enqueue_dma source(%dma_start3A_252 : memref<128xi32, #tpu.memory_space<hbm>>) target(%dma_start3A_251 : memref<128xi32, #tpu.memory_space<vmem>>) target_semaphore(%dma_start3A_248 : memref<!tpu.dma_semaphore, #tpu.memory_space<semaphore_mem>>)
      } else {
      }
      %ge3A = arith.constant 2 : i32
      %ge3A_91 = arith.cmpi sge, %add3A_69, %ge3A : i32
      %convert_element_type3A_92 = arith.extui %ge3A_91 : i1 to i32
      %cond3A_93 = arith.constant 0 : i32
      %cond3A_94 = arith.cmpi ne, %convert_element_type3A_92, %cond3A_93 : i32
      scf.if %cond3A_94 {
        %sub3A_232 = arith.constant 2500 : i32
        %sub3A_233 = arith.subi %add3A_76, %sub3A_232 : i32
        %sub3A_234 = arith.constant 64 : i32
        %sub3A_235 = arith.subi %sub3A_233, %sub3A_234 : i32
        %mul3A_236 = arith.constant 128 : i32
        %mul3A_237 = arith.muli %sub3A_235, %mul3A_236 : i32
        %sub3A_238 = arith.constant 2500 : i32
        %sub3A_239 = arith.subi %add3A_76, %sub3A_238 : i32
        %sub3A_240 = arith.constant 64 : i32
        %sub3A_241 = arith.subi %sub3A_239, %sub3A_240 : i32
        %mul3A_242 = arith.constant 128 : i32
        %mul3A_243 = arith.muli %sub3A_241, %mul3A_242 : i32
        %mul3A_244 = arith.constant 16 : i32
        %mul3A_245 = arith.muli %mul3A_243, %mul3A_244 : i32
        %dma_wait3A_246 = arith.constant 0 : i32
        %dma_wait3A_247 = arith.constant 0 : i32
        %dma_wait3A_248 = tpu.memref_slice %arg9[%rem3A_71, %dma_wait3A_246, %dma_wait3A_247] : memref<2x128x128xf32, #tpu.memory_space<vmem>> -> memref<1x128x128xf32, #tpu.memory_space<vmem>>
        %dma_wait3A_249 = tpu.memref_squeeze %dma_wait3A_248 : memref<1x128x128xf32, #tpu.memory_space<vmem>> -> memref<128x128xf32, #tpu.memory_space<vmem>>
        %dma_wait3A_250 = arith.constant 0 : i32
        %dma_wait3A_251 = tpu.memref_slice %arg5[%mul3A_237, %dma_wait3A_250] : memref<160000x128xf32, #tpu.memory_space<hbm>> -> memref<128x128xf32, #tpu.memory_space<hbm>>
        %dma_wait3A_252 = tpu.memref_slice %arg14[%rem3A_71] : memref<2x!tpu.dma_semaphore, #tpu.memory_space<semaphore_mem>> -> memref<1x!tpu.dma_semaphore, #tpu.memory_space<semaphore_mem>>
        %dma_wait3A_253 = tpu.memref_squeeze %dma_wait3A_252 : memref<1x!tpu.dma_semaphore, #tpu.memory_space<semaphore_mem>> -> memref<!tpu.dma_semaphore, #tpu.memory_space<semaphore_mem>>
        %dma_wait3A_254 = arith.constant 0 : i32
        %dma_wait3A_255 = tpu.memref_slice %arg5[%mul3A_237, %dma_wait3A_254] : memref<160000x128xf32, #tpu.memory_space<hbm>> -> memref<128x128xf32, #tpu.memory_space<hbm>>
        %dma_wait3A_256 = arith.constant 0 : i32
        %dma_wait3A_257 = arith.constant 0 : i32
        %dma_wait3A_258 = tpu.memref_slice %arg9[%rem3A_71, %dma_wait3A_256, %dma_wait3A_257] : memref<2x128x128xf32, #tpu.memory_space<vmem>> -> memref<1x128x128xf32, #tpu.memory_space<vmem>>
        %dma_wait3A_259 = tpu.memref_squeeze %dma_wait3A_258 : memref<1x128x128xf32, #tpu.memory_space<vmem>> -> memref<128x128xf32, #tpu.memory_space<vmem>>
        tpu.wait_dma2 semaphore(%dma_wait3A_253 : memref<!tpu.dma_semaphore, #tpu.memory_space<semaphore_mem>>) src(%dma_wait3A_259 : memref<128x128xf32, #tpu.memory_space<vmem>>) dst(%dma_wait3A_255 : memref<128x128xf32, #tpu.memory_space<hbm>>)
        %dma_wait3A_260 = arith.constant 0 : i32
        %dma_wait3A_261 = tpu.memref_slice %arg10[%rem3A_71, %dma_wait3A_260] : memref<2x2048xf32, #tpu.memory_space<vmem>> -> memref<1x2048xf32, #tpu.memory_space<vmem>>
        %dma_wait3A_262 = tpu.memref_squeeze %dma_wait3A_261 : memref<1x2048xf32, #tpu.memory_space<vmem>> -> memref<2048xf32, #tpu.memory_space<vmem>>
        %dma_wait3A_263 = tpu.memref_slice %arg6[%mul3A_245] : memref<2560000xf32, #tpu.memory_space<hbm>> -> memref<2048xf32, #tpu.memory_space<hbm>>
        %dma_wait3A_264 = tpu.memref_slice %arg15[%rem3A_71] : memref<2x!tpu.dma_semaphore, #tpu.memory_space<semaphore_mem>> -> memref<1x!tpu.dma_semaphore, #tpu.memory_space<semaphore_mem>>
        %dma_wait3A_265 = tpu.memref_squeeze %dma_wait3A_264 : memref<1x!tpu.dma_semaphore, #tpu.memory_space<semaphore_mem>> -> memref<!tpu.dma_semaphore, #tpu.memory_space<semaphore_mem>>
        %dma_wait3A_266 = tpu.memref_slice %arg6[%mul3A_245] : memref<2560000xf32, #tpu.memory_space<hbm>> -> memref<2048xf32, #tpu.memory_space<hbm>>
        %dma_wait3A_267 = arith.constant 0 : i32
        %dma_wait3A_268 = tpu.memref_slice %arg10[%rem3A_71, %dma_wait3A_267] : memref<2x2048xf32, #tpu.memory_space<vmem>> -> memref<1x2048xf32, #tpu.memory_space<vmem>>
        %dma_wait3A_269 = tpu.memref_squeeze %dma_wait3A_268 : memref<1x2048xf32, #tpu.memory_space<vmem>> -> memref<2048xf32, #tpu.memory_space<vmem>>
        tpu.wait_dma2 semaphore(%dma_wait3A_265 : memref<!tpu.dma_semaphore, #tpu.memory_space<semaphore_mem>>) src(%dma_wait3A_269 : memref<2048xf32, #tpu.memory_space<vmem>>) dst(%dma_wait3A_266 : memref<2048xf32, #tpu.memory_space<hbm>>)
      } else {
      }
      %dma_start3A_95 = arith.constant 0 : i32
      %dma_start3A_96 = arith.constant 0 : i32
      %dma_start3A_97 = tpu.memref_slice %arg9[%rem3A_71, %dma_start3A_95, %dma_start3A_96] : memref<2x128x128xf32, #tpu.memory_space<vmem>> -> memref<1x128x128xf32, #tpu.memory_space<vmem>>
      %dma_start3A_98 = tpu.memref_squeeze %dma_start3A_97 : memref<1x128x128xf32, #tpu.memory_space<vmem>> -> memref<128x128xf32, #tpu.memory_space<vmem>>
      %dma_start3A_99 = arith.constant 0 : i32
      %dma_start3A_100 = tpu.memref_slice %arg8[%rem3A_71, %dma_start3A_99] : memref<2x128xi32, #tpu.memory_space<vmem>> -> memref<1x128xi32, #tpu.memory_space<vmem>>
      %dma_start3A_101 = tpu.memref_squeeze %dma_start3A_100 : memref<1x128xi32, #tpu.memory_space<vmem>> -> memref<128xi32, #tpu.memory_space<vmem>>
      %dma_start3A_102 = arith.constant 0 : i32
      %dma_start3A_103 = arith.constant 0 : i32
      %dma_start3A_104 = tpu.memref_slice %arg7[%dma_start3A_102, %dma_start3A_103] : memref<10240x128xf32, #tpu.memory_space<vmem_shared>> -> memref<10240x128xf32, #tpu.memory_space<vmem_shared>>
      %dma_start3A_105 = tpu.memref_slice %arg13[%rem3A_71] : memref<2x!tpu.dma_semaphore, #tpu.memory_space<semaphore_mem>> -> memref<1x!tpu.dma_semaphore, #tpu.memory_space<semaphore_mem>>
      %dma_start3A_106 = tpu.memref_squeeze %dma_start3A_105 : memref<1x!tpu.dma_semaphore, #tpu.memory_space<semaphore_mem>> -> memref<!tpu.dma_semaphore, #tpu.memory_space<semaphore_mem>>
      tpu.enqueue_indirect_dma source(%dma_start3A_104 : memref<10240x128xf32, #tpu.memory_space<vmem_shared>>) target(%dma_start3A_98 : memref<128x128xf32, #tpu.memory_space<vmem>>) offsets(%dma_start3A_101 : memref<128xi32, #tpu.memory_space<vmem>>) semaphore(%dma_start3A_106 : memref<!tpu.dma_semaphore, #tpu.memory_space<semaphore_mem>>)
      %broadcast_in_dim3A_107 = vector.broadcast %rem3A_71 : i32 to vector<16xi32>
      %get3A = arith.index_cast %rem3A_71 : i32 to index
      %get3A_108 = arith.constant 0 : index
      %get3A_109 = tpu.vector_load %arg8[%get3A, %get3A_108] {strides = array<i32>} : memref<2x128xi32, #tpu.memory_space<vmem>>, vector<16xi32>,
      %gather3A = tpu.vector_load_idx %arg11[%get3A_109] : memref<10240xf32, #tpu.memory_space<vmem>>[vector<16xi32>], vector<16xf32>,
      %add3A_110 = arith.constant 0 : i32
      %add3A_111 = vector.broadcast %add3A_110 : i32 to vector<16xi32>
      %add3A_112 = arith.addi %iota3A, %add3A_111 : vector<16xi32>
      %mul3A_113 = arith.constant 16 : i32
      %mul3A_114 = vector.broadcast %mul3A_113 : i32 to vector<16xi32>
      %mul3A_115 = arith.muli %add3A_112, %mul3A_114 : vector<16xi32>
      tpu.vector_store_idx %arg10[%broadcast_in_dim3A_107, %mul3A_115], %gather3A : memref<2x2048xf32, #tpu.memory_space<vmem>>[vector<16xi32>, vector<16xi32>], vector<16xf32>,
      %get3A_116 = arith.index_cast %rem3A_71 : i32 to index
      %get3A_117 = arith.constant 16 : index
      %get3A_118 = tpu.vector_load %arg8[%get3A_116, %get3A_117] {strides = array<i32>} : memref<2x128xi32, #tpu.memory_space<vmem>>, vector<16xi32>,
      %gather3A_119 = tpu.vector_load_idx %arg11[%get3A_118] : memref<10240xf32, #tpu.memory_space<vmem>>[vector<16xi32>], vector<16xf32>,
      %add3A_120 = arith.constant 16 : i32
      %add3A_121 = vector.broadcast %add3A_120 : i32 to vector<16xi32>
      %add3A_122 = arith.addi %iota3A, %add3A_121 : vector<16xi32>
      %mul3A_123 = arith.constant 16 : i32
      %mul3A_124 = vector.broadcast %mul3A_123 : i32 to vector<16xi32>
      %mul3A_125 = arith.muli %add3A_122, %mul3A_124 : vector<16xi32>
      tpu.vector_store_idx %arg10[%broadcast_in_dim3A_107, %mul3A_125], %gather3A_119 : memref<2x2048xf32, #tpu.memory_space<vmem>>[vector<16xi32>, vector<16xi32>], vector<16xf32>,
      %get3A_126 = arith.index_cast %rem3A_71 : i32 to index
      %get3A_127 = arith.constant 32 : index
      %get3A_128 = tpu.vector_load %arg8[%get3A_126, %get3A_127] {strides = array<i32>} : memref<2x128xi32, #tpu.memory_space<vmem>>, vector<16xi32>,
      %gather3A_129 = tpu.vector_load_idx %arg11[%get3A_128] : memref<10240xf32, #tpu.memory_space<vmem>>[vector<16xi32>], vector<16xf32>,
      %add3A_130 = arith.constant 32 : i32
      %add3A_131 = vector.broadcast %add3A_130 : i32 to vector<16xi32>
      %add3A_132 = arith.addi %iota3A, %add3A_131 : vector<16xi32>
      %mul3A_133 = arith.constant 16 : i32
      %mul3A_134 = vector.broadcast %mul3A_133 : i32 to vector<16xi32>
      %mul3A_135 = arith.muli %add3A_132, %mul3A_134 : vector<16xi32>
      tpu.vector_store_idx %arg10[%broadcast_in_dim3A_107, %mul3A_135], %gather3A_129 : memref<2x2048xf32, #tpu.memory_space<vmem>>[vector<16xi32>, vector<16xi32>], vector<16xf32>,
      %get3A_136 = arith.index_cast %rem3A_71 : i32 to index
      %get3A_137 = arith.constant 48 : index
      %get3A_138 = tpu.vector_load %arg8[%get3A_136, %get3A_137] {strides = array<i32>} : memref<2x128xi32, #tpu.memory_space<vmem>>, vector<16xi32>,
      %gather3A_139 = tpu.vector_load_idx %arg11[%get3A_138] : memref<10240xf32, #tpu.memory_space<vmem>>[vector<16xi32>], vector<16xf32>,
      %add3A_140 = arith.constant 48 : i32
      %add3A_141 = vector.broadcast %add3A_140 : i32 to vector<16xi32>
      %add3A_142 = arith.addi %iota3A, %add3A_141 : vector<16xi32>
      %mul3A_143 = arith.constant 16 : i32
      %mul3A_144 = vector.broadcast %mul3A_143 : i32 to vector<16xi32>
      %mul3A_145 = arith.muli %add3A_142, %mul3A_144 : vector<16xi32>
      tpu.vector_store_idx %arg10[%broadcast_in_dim3A_107, %mul3A_145], %gather3A_139 : memref<2x2048xf32, #tpu.memory_space<vmem>>[vector<16xi32>, vector<16xi32>], vector<16xf32>,
      %get3A_146 = arith.index_cast %rem3A_71 : i32 to index
      %get3A_147 = arith.constant 64 : index
      %get3A_148 = tpu.vector_load %arg8[%get3A_146, %get3A_147] {strides = array<i32>} : memref<2x128xi32, #tpu.memory_space<vmem>>, vector<16xi32>,
      %gather3A_149 = tpu.vector_load_idx %arg11[%get3A_148] : memref<10240xf32, #tpu.memory_space<vmem>>[vector<16xi32>], vector<16xf32>,
      %add3A_150 = arith.constant 64 : i32
      %add3A_151 = vector.broadcast %add3A_150 : i32 to vector<16xi32>
      %add3A_152 = arith.addi %iota3A, %add3A_151 : vector<16xi32>
      %mul3A_153 = arith.constant 16 : i32
      %mul3A_154 = vector.broadcast %mul3A_153 : i32 to vector<16xi32>
      %mul3A_155 = arith.muli %add3A_152, %mul3A_154 : vector<16xi32>
      tpu.vector_store_idx %arg10[%broadcast_in_dim3A_107, %mul3A_155], %gather3A_149 : memref<2x2048xf32, #tpu.memory_space<vmem>>[vector<16xi32>, vector<16xi32>], vector<16xf32>,
      %get3A_156 = arith.index_cast %rem3A_71 : i32 to index
      %get3A_157 = arith.constant 80 : index
      %get3A_158 = tpu.vector_load %arg8[%get3A_156, %get3A_157] {strides = array<i32>} : memref<2x128xi32, #tpu.memory_space<vmem>>, vector<16xi32>,
      %gather3A_159 = tpu.vector_load_idx %arg11[%get3A_158] : memref<10240xf32, #tpu.memory_space<vmem>>[vector<16xi32>], vector<16xf32>,
      %add3A_160 = arith.constant 80 : i32
      %add3A_161 = vector.broadcast %add3A_160 : i32 to vector<16xi32>
      %add3A_162 = arith.addi %iota3A, %add3A_161 : vector<16xi32>
      %mul3A_163 = arith.constant 16 : i32
      %mul3A_164 = vector.broadcast %mul3A_163 : i32 to vector<16xi32>
      %mul3A_165 = arith.muli %add3A_162, %mul3A_164 : vector<16xi32>
      tpu.vector_store_idx %arg10[%broadcast_in_dim3A_107, %mul3A_165], %gather3A_159 : memref<2x2048xf32, #tpu.memory_space<vmem>>[vector<16xi32>, vector<16xi32>], vector<16xf32>,
      %get3A_166 = arith.index_cast %rem3A_71 : i32 to index
      %get3A_167 = arith.constant 96 : index
      %get3A_168 = tpu.vector_load %arg8[%get3A_166, %get3A_167] {strides = array<i32>} : memref<2x128xi32, #tpu.memory_space<vmem>>, vector<16xi32>,
      %gather3A_169 = tpu.vector_load_idx %arg11[%get3A_168] : memref<10240xf32, #tpu.memory_space<vmem>>[vector<16xi32>], vector<16xf32>,
      %add3A_170 = arith.constant 96 : i32
      %add3A_171 = vector.broadcast %add3A_170 : i32 to vector<16xi32>
      %add3A_172 = arith.addi %iota3A, %add3A_171 : vector<16xi32>
      %mul3A_173 = arith.constant 16 : i32
      %mul3A_174 = vector.broadcast %mul3A_173 : i32 to vector<16xi32>
      %mul3A_175 = arith.muli %add3A_172, %mul3A_174 : vector<16xi32>
      tpu.vector_store_idx %arg10[%broadcast_in_dim3A_107, %mul3A_175], %gather3A_169 : memref<2x2048xf32, #tpu.memory_space<vmem>>[vector<16xi32>, vector<16xi32>], vector<16xf32>,
      %get3A_176 = arith.index_cast %rem3A_71 : i32 to index
      %get3A_177 = arith.constant 112 : index
      %get3A_178 = tpu.vector_load %arg8[%get3A_176, %get3A_177] {strides = array<i32>} : memref<2x128xi32, #tpu.memory_space<vmem>>, vector<16xi32>,
      %gather3A_179 = tpu.vector_load_idx %arg11[%get3A_178] : memref<10240xf32, #tpu.memory_space<vmem>>[vector<16xi32>], vector<16xf32>,
      %add3A_180 = arith.constant 112 : i32
      %add3A_181 = vector.broadcast %add3A_180 : i32 to vector<16xi32>
      %add3A_182 = arith.addi %iota3A, %add3A_181 : vector<16xi32>
      %mul3A_183 = arith.constant 16 : i32
      %mul3A_184 = vector.broadcast %mul3A_183 : i32 to vector<16xi32>
      %mul3A_185 = arith.muli %add3A_182, %mul3A_184 : vector<16xi32>
      tpu.vector_store_idx %arg10[%broadcast_in_dim3A_107, %mul3A_185], %gather3A_179 : memref<2x2048xf32, #tpu.memory_space<vmem>>[vector<16xi32>, vector<16xi32>], vector<16xf32>,
      %dma_wait3A_186 = arith.constant 0 : i32
      %dma_wait3A_187 = arith.constant 0 : i32
      %dma_wait3A_188 = tpu.memref_slice %arg9[%rem3A_71, %dma_wait3A_186, %dma_wait3A_187] : memref<2x128x128xf32, #tpu.memory_space<vmem>> -> memref<1x128x128xf32, #tpu.memory_space<vmem>>
      %dma_wait3A_189 = tpu.memref_squeeze %dma_wait3A_188 : memref<1x128x128xf32, #tpu.memory_space<vmem>> -> memref<128x128xf32, #tpu.memory_space<vmem>>
      %dma_wait3A_190 = arith.constant 0 : i32
      %dma_wait3A_191 = tpu.memref_slice %arg8[%rem3A_71, %dma_wait3A_190] : memref<2x128xi32, #tpu.memory_space<vmem>> -> memref<1x128xi32, #tpu.memory_space<vmem>>
      %dma_wait3A_192 = tpu.memref_squeeze %dma_wait3A_191 : memref<1x128xi32, #tpu.memory_space<vmem>> -> memref<128xi32, #tpu.memory_space<vmem>>
      %dma_wait3A_193 = arith.constant 0 : i32
      %dma_wait3A_194 = arith.constant 0 : i32
      %dma_wait3A_195 = tpu.memref_slice %arg7[%dma_wait3A_193, %dma_wait3A_194] : memref<10240x128xf32, #tpu.memory_space<vmem_shared>> -> memref<10240x128xf32, #tpu.memory_space<vmem_shared>>
      %dma_wait3A_196 = tpu.memref_slice %arg13[%rem3A_71] : memref<2x!tpu.dma_semaphore, #tpu.memory_space<semaphore_mem>> -> memref<1x!tpu.dma_semaphore, #tpu.memory_space<semaphore_mem>>
      %dma_wait3A_197 = tpu.memref_squeeze %dma_wait3A_196 : memref<1x!tpu.dma_semaphore, #tpu.memory_space<semaphore_mem>> -> memref<!tpu.dma_semaphore, #tpu.memory_space<semaphore_mem>>
      tpu.wait_indirect_dma semaphore(%dma_wait3A_197 : memref<!tpu.dma_semaphore, #tpu.memory_space<semaphore_mem>>) src(%dma_wait3A_195 : memref<10240x128xf32, #tpu.memory_space<vmem_shared>>) dst(%dma_wait3A_189 : memref<128x128xf32, #tpu.memory_space<vmem>>)
      %sub3A_198 = arith.constant 2500 : i32
      %sub3A_199 = arith.subi %add3A_76, %sub3A_198 : i32
      %mul3A_200 = arith.constant 128 : i32
      %mul3A_201 = arith.muli %sub3A_199, %mul3A_200 : i32
      %dma_start3A_202 = arith.constant 0 : i32
      %dma_start3A_203 = arith.constant 0 : i32
      %dma_start3A_204 = tpu.memref_slice %arg9[%rem3A_71, %dma_start3A_202, %dma_start3A_203] : memref<2x128x128xf32, #tpu.memory_space<vmem>> -> memref<1x128x128xf32, #tpu.memory_space<vmem>>
      %dma_start3A_205 = tpu.memref_squeeze %dma_start3A_204 : memref<1x128x128xf32, #tpu.memory_space<vmem>> -> memref<128x128xf32, #tpu.memory_space<vmem>>
      %dma_start3A_206 = arith.constant 0 : i32
      %dma_start3A_207 = tpu.memref_slice %arg5[%mul3A_201, %dma_start3A_206] : memref<160000x128xf32, #tpu.memory_space<hbm>> -> memref<128x128xf32, #tpu.memory_space<hbm>>
      %dma_start3A_208 = tpu.memref_slice %arg14[%rem3A_71] : memref<2x!tpu.dma_semaphore, #tpu.memory_space<semaphore_mem>> -> memref<1x!tpu.dma_semaphore, #tpu.memory_space<semaphore_mem>>
      %dma_start3A_209 = tpu.memref_squeeze %dma_start3A_208 : memref<1x!tpu.dma_semaphore, #tpu.memory_space<semaphore_mem>> -> memref<!tpu.dma_semaphore, #tpu.memory_space<semaphore_mem>>
      %dma_start3A_210 = arith.constant 0 : i32
      %dma_start3A_211 = tpu.memref_slice %arg5[%mul3A_201, %dma_start3A_210] : memref<160000x128xf32, #tpu.memory_space<hbm>> -> memref<128x128xf32, #tpu.memory_space<hbm>>
      %dma_start3A_212 = arith.constant 0 : i32
      %dma_start3A_213 = arith.constant 0 : i32
      %dma_start3A_214 = tpu.memref_slice %arg9[%rem3A_71, %dma_start3A_212, %dma_start3A_213] : memref<2x128x128xf32, #tpu.memory_space<vmem>> -> memref<1x128x128xf32, #tpu.memory_space<vmem>>
      %dma_start3A_215 = tpu.memref_squeeze %dma_start3A_214 : memref<1x128x128xf32, #tpu.memory_space<vmem>> -> memref<128x128xf32, #tpu.memory_space<vmem>>
      tpu.enqueue_dma source(%dma_start3A_215 : memref<128x128xf32, #tpu.memory_space<vmem>>) target(%dma_start3A_211 : memref<128x128xf32, #tpu.memory_space<hbm>>) target_semaphore(%dma_start3A_209 : memref<!tpu.dma_semaphore, #tpu.memory_space<semaphore_mem>>)
      %sub3A_216 = arith.constant 2500 : i32
      %sub3A_217 = arith.subi %add3A_76, %sub3A_216 : i32
      %mul3A_218 = arith.constant 128 : i32
      %mul3A_219 = arith.muli %sub3A_217, %mul3A_218 : i32
      %mul3A_220 = arith.constant 16 : i32
      %mul3A_221 = arith.muli %mul3A_219, %mul3A_220 : i32
      %dma_start3A_222 = arith.constant 0 : i32
      %dma_start3A_223 = tpu.memref_slice %arg10[%rem3A_71, %dma_start3A_222] : memref<2x2048xf32, #tpu.memory_space<vmem>> -> memref<1x2048xf32, #tpu.memory_space<vmem>>
      %dma_start3A_224 = tpu.memref_squeeze %dma_start3A_223 : memref<1x2048xf32, #tpu.memory_space<vmem>> -> memref<2048xf32, #tpu.memory_space<vmem>>
      %dma_start3A_225 = tpu.memref_slice %arg6[%mul3A_221] : memref<2560000xf32, #tpu.memory_space<hbm>> -> memref<2048xf32, #tpu.memory_space<hbm>>
      %dma_start3A_226 = tpu.memref_slice %arg15[%rem3A_71] : memref<2x!tpu.dma_semaphore, #tpu.memory_space<semaphore_mem>> -> memref<1x!tpu.dma_semaphore, #tpu.memory_space<semaphore_mem>>
      %dma_start3A_227 = tpu.memref_squeeze %dma_start3A_226 : memref<1x!tpu.dma_semaphore, #tpu.memory_space<semaphore_mem>> -> memref<!tpu.dma_semaphore, #tpu.memory_space<semaphore_mem>>
      %dma_start3A_228 = tpu.memref_slice %arg6[%mul3A_221] : memref<2560000xf32, #tpu.memory_space<hbm>> -> memref<2048xf32, #tpu.memory_space<hbm>>
      %dma_start3A_229 = arith.constant 0 : i32
      %dma_start3A_230 = tpu.memref_slice %arg10[%rem3A_71, %dma_start3A_229] : memref<2x2048xf32, #tpu.memory_space<vmem>> -> memref<1x2048xf32, #tpu.memory_space<vmem>>
      %dma_start3A_231 = tpu.memref_squeeze %dma_start3A_230 : memref<1x2048xf32, #tpu.memory_space<vmem>> -> memref<2048xf32, #tpu.memory_space<vmem>>
      tpu.enqueue_dma source(%dma_start3A_231 : memref<2048xf32, #tpu.memory_space<vmem>>) target(%dma_start3A_228 : memref<2048xf32, #tpu.memory_space<hbm>>) target_semaphore(%dma_start3A_227 : memref<!tpu.dma_semaphore, #tpu.memory_space<semaphore_mem>>)
    }
    %while3A_62 = arith.constant 1 : i32
    scf.for %while3A_67 = %while3A_60 to %while3A_56 step %while3A_62  : i32 {
      %mul3A_68 = arith.muli %while3A_67, %while3A : i32
      %add3A_69 = arith.addi %while3A_53, %mul3A_68 : i32
      %rem3A_70 = arith.constant 2 : i32
      %rem3A_71 = arith.remsi %add3A_69, %rem3A_70 : i32
      %add3A_72 = arith.constant 2500 : i32
      %add3A_73 = arith.addi %add3A_72, %add3A : i32
      %mul3A_74 = arith.constant 32 : i32
      %mul3A_75 = arith.muli %add3A_69, %mul3A_74 : i32
      %add3A_76 = arith.addi %add3A_73, %mul3A_75 : i32
      %mul3A_77 = arith.constant 128 : i32
      %mul3A_78 = arith.muli %add3A_76, %mul3A_77 : i32
      %dma_wait3A = arith.constant 0 : i32
      %dma_wait3A_79 = tpu.memref_slice %arg8[%rem3A_71, %dma_wait3A] : memref<2x128xi32, #tpu.memory_space<vmem>> -> memref<1x128xi32, #tpu.memory_space<vmem>>
      %dma_wait3A_80 = tpu.memref_squeeze %dma_wait3A_79 : memref<1x128xi32, #tpu.memory_space<vmem>> -> memref<128xi32, #tpu.memory_space<vmem>>
      %dma_wait3A_81 = tpu.memref_slice %arg4[%mul3A_78] : memref<640000xi32, #tpu.memory_space<hbm>> -> memref<128xi32, #tpu.memory_space<hbm>>
      %dma_wait3A_82 = tpu.memref_slice %arg12[%rem3A_71] : memref<2x!tpu.dma_semaphore, #tpu.memory_space<semaphore_mem>> -> memref<1x!tpu.dma_semaphore, #tpu.memory_space<semaphore_mem>>
      %dma_wait3A_83 = tpu.memref_squeeze %dma_wait3A_82 : memref<1x!tpu.dma_semaphore, #tpu.memory_space<semaphore_mem>> -> memref<!tpu.dma_semaphore, #tpu.memory_space<semaphore_mem>>
      %dma_wait3A_84 = arith.constant 0 : i32
      %dma_wait3A_85 = tpu.memref_slice %arg8[%rem3A_71, %dma_wait3A_84] : memref<2x128xi32, #tpu.memory_space<vmem>> -> memref<1x128xi32, #tpu.memory_space<vmem>>
      %dma_wait3A_86 = tpu.memref_squeeze %dma_wait3A_85 : memref<1x128xi32, #tpu.memory_space<vmem>> -> memref<128xi32, #tpu.memory_space<vmem>>
      %dma_wait3A_87 = tpu.memref_slice %arg4[%mul3A_78] : memref<640000xi32, #tpu.memory_space<hbm>> -> memref<128xi32, #tpu.memory_space<hbm>>
      tpu.wait_dma2 semaphore(%dma_wait3A_83 : memref<!tpu.dma_semaphore, #tpu.memory_space<semaphore_mem>>) src(%dma_wait3A_87 : memref<128xi32, #tpu.memory_space<hbm>>) dst(%dma_wait3A_86 : memref<128xi32, #tpu.memory_space<vmem>>)
      %add3A_88 = arith.constant 1 : i32
      %add3A_89 = arith.addi %add3A_69, %add3A_88 : i32
      %lt3A = arith.cmpi slt, %add3A_89, %select_n3A : i32
      %convert_element_type3A = arith.extui %lt3A : i1 to i32
      %cond3A = arith.constant 0 : i32
      %cond3A_90 = arith.cmpi ne, %convert_element_type3A, %cond3A : i32
      scf.if %cond3A_90 {
        %add3A_232 = arith.constant 1 : i32
        %add3A_233 = arith.addi %add3A_69, %add3A_232 : i32
        %sub3A_234 = arith.constant 1 : i32
        %sub3A_235 = arith.subi %sub3A_234, %rem3A_71 : i32
        %add3A_236 = arith.constant 2500 : i32
        %add3A_237 = arith.addi %add3A_236, %add3A : i32
        %mul3A_238 = arith.constant 32 : i32
        %mul3A_239 = arith.muli %add3A_233, %mul3A_238 : i32
        %add3A_240 = arith.addi %add3A_237, %mul3A_239 : i32
        %mul3A_241 = arith.constant 128 : i32
        %mul3A_242 = arith.muli %add3A_240, %mul3A_241 : i32
        %dma_start3A_243 = arith.constant 0 : i32
        %dma_start3A_244 = tpu.memref_slice %arg8[%sub3A_235, %dma_start3A_243] : memref<2x128xi32, #tpu.memory_space<vmem>> -> memref<1x128xi32, #tpu.memory_space<vmem>>
        %dma_start3A_245 = tpu.memref_squeeze %dma_start3A_244 : memref<1x128xi32, #tpu.memory_space<vmem>> -> memref<128xi32, #tpu.memory_space<vmem>>
        %dma_start3A_246 = tpu.memref_slice %arg4[%mul3A_242] : memref<640000xi32, #tpu.memory_space<hbm>> -> memref<128xi32, #tpu.memory_space<hbm>>
        %dma_start3A_247 = tpu.memref_slice %arg12[%sub3A_235] : memref<2x!tpu.dma_semaphore, #tpu.memory_space<semaphore_mem>> -> memref<1x!tpu.dma_semaphore, #tpu.memory_space<semaphore_mem>>
        %dma_start3A_248 = tpu.memref_squeeze %dma_start3A_247 : memref<1x!tpu.dma_semaphore, #tpu.memory_space<semaphore_mem>> -> memref<!tpu.dma_semaphore, #tpu.memory_space<semaphore_mem>>
        %dma_start3A_249 = arith.constant 0 : i32
        %dma_start3A_250 = tpu.memref_slice %arg8[%sub3A_235, %dma_start3A_249] : memref<2x128xi32, #tpu.memory_space<vmem>> -> memref<1x128xi32, #tpu.memory_space<vmem>>
        %dma_start3A_251 = tpu.memref_squeeze %dma_start3A_250 : memref<1x128xi32, #tpu.memory_space<vmem>> -> memref<128xi32, #tpu.memory_space<vmem>>
        %dma_start3A_252 = tpu.memref_slice %arg4[%mul3A_242] : memref<640000xi32, #tpu.memory_space<hbm>> -> memref<128xi32, #tpu.memory_space<hbm>>
        tpu.enqueue_dma source(%dma_start3A_252 : memref<128xi32, #tpu.memory_space<hbm>>) target(%dma_start3A_251 : memref<128xi32, #tpu.memory_space<vmem>>) target_semaphore(%dma_start3A_248 : memref<!tpu.dma_semaphore, #tpu.memory_space<semaphore_mem>>)
      } else {
      }
      %ge3A = arith.constant 2 : i32
      %ge3A_91 = arith.cmpi sge, %add3A_69, %ge3A : i32
      %convert_element_type3A_92 = arith.extui %ge3A_91 : i1 to i32
      %cond3A_93 = arith.constant 0 : i32
      %cond3A_94 = arith.cmpi ne, %convert_element_type3A_92, %cond3A_93 : i32
      scf.if %cond3A_94 {
        %sub3A_232 = arith.constant 2500 : i32
        %sub3A_233 = arith.subi %add3A_76, %sub3A_232 : i32
        %sub3A_234 = arith.constant 64 : i32
        %sub3A_235 = arith.subi %sub3A_233, %sub3A_234 : i32
        %mul3A_236 = arith.constant 128 : i32
        %mul3A_237 = arith.muli %sub3A_235, %mul3A_236 : i32
        %sub3A_238 = arith.constant 2500 : i32
        %sub3A_239 = arith.subi %add3A_76, %sub3A_238 : i32
        %sub3A_240 = arith.constant 64 : i32
        %sub3A_241 = arith.subi %sub3A_239, %sub3A_240 : i32
        %mul3A_242 = arith.constant 128 : i32
        %mul3A_243 = arith.muli %sub3A_241, %mul3A_242 : i32
        %mul3A_244 = arith.constant 16 : i32
        %mul3A_245 = arith.muli %mul3A_243, %mul3A_244 : i32
        %dma_wait3A_246 = arith.constant 0 : i32
        %dma_wait3A_247 = arith.constant 0 : i32
        %dma_wait3A_248 = tpu.memref_slice %arg9[%rem3A_71, %dma_wait3A_246, %dma_wait3A_247] : memref<2x128x128xf32, #tpu.memory_space<vmem>> -> memref<1x128x128xf32, #tpu.memory_space<vmem>>
        %dma_wait3A_249 = tpu.memref_squeeze %dma_wait3A_248 : memref<1x128x128xf32, #tpu.memory_space<vmem>> -> memref<128x128xf32, #tpu.memory_space<vmem>>
        %dma_wait3A_250 = arith.constant 0 : i32
        %dma_wait3A_251 = tpu.memref_slice %arg5[%mul3A_237, %dma_wait3A_250] : memref<160000x128xf32, #tpu.memory_space<hbm>> -> memref<128x128xf32, #tpu.memory_space<hbm>>
        %dma_wait3A_252 = tpu.memref_slice %arg14[%rem3A_71] : memref<2x!tpu.dma_semaphore, #tpu.memory_space<semaphore_mem>> -> memref<1x!tpu.dma_semaphore, #tpu.memory_space<semaphore_mem>>
        %dma_wait3A_253 = tpu.memref_squeeze %dma_wait3A_252 : memref<1x!tpu.dma_semaphore, #tpu.memory_space<semaphore_mem>> -> memref<!tpu.dma_semaphore, #tpu.memory_space<semaphore_mem>>
        %dma_wait3A_254 = arith.constant 0 : i32
        %dma_wait3A_255 = tpu.memref_slice %arg5[%mul3A_237, %dma_wait3A_254] : memref<160000x128xf32, #tpu.memory_space<hbm>> -> memref<128x128xf32, #tpu.memory_space<hbm>>
        %dma_wait3A_256 = arith.constant 0 : i32
        %dma_wait3A_257 = arith.constant 0 : i32
        %dma_wait3A_258 = tpu.memref_slice %arg9[%rem3A_71, %dma_wait3A_256, %dma_wait3A_257] : memref<2x128x128xf32, #tpu.memory_space<vmem>> -> memref<1x128x128xf32, #tpu.memory_space<vmem>>
        %dma_wait3A_259 = tpu.memref_squeeze %dma_wait3A_258 : memref<1x128x128xf32, #tpu.memory_space<vmem>> -> memref<128x128xf32, #tpu.memory_space<vmem>>
        tpu.wait_dma2 semaphore(%dma_wait3A_253 : memref<!tpu.dma_semaphore, #tpu.memory_space<semaphore_mem>>) src(%dma_wait3A_259 : memref<128x128xf32, #tpu.memory_space<vmem>>) dst(%dma_wait3A_255 : memref<128x128xf32, #tpu.memory_space<hbm>>)
        %dma_wait3A_260 = arith.constant 0 : i32
        %dma_wait3A_261 = tpu.memref_slice %arg10[%rem3A_71, %dma_wait3A_260] : memref<2x2048xf32, #tpu.memory_space<vmem>> -> memref<1x2048xf32, #tpu.memory_space<vmem>>
        %dma_wait3A_262 = tpu.memref_squeeze %dma_wait3A_261 : memref<1x2048xf32, #tpu.memory_space<vmem>> -> memref<2048xf32, #tpu.memory_space<vmem>>
        %dma_wait3A_263 = tpu.memref_slice %arg6[%mul3A_245] : memref<2560000xf32, #tpu.memory_space<hbm>> -> memref<2048xf32, #tpu.memory_space<hbm>>
        %dma_wait3A_264 = tpu.memref_slice %arg15[%rem3A_71] : memref<2x!tpu.dma_semaphore, #tpu.memory_space<semaphore_mem>> -> memref<1x!tpu.dma_semaphore, #tpu.memory_space<semaphore_mem>>
        %dma_wait3A_265 = tpu.memref_squeeze %dma_wait3A_264 : memref<1x!tpu.dma_semaphore, #tpu.memory_space<semaphore_mem>> -> memref<!tpu.dma_semaphore, #tpu.memory_space<semaphore_mem>>
        %dma_wait3A_266 = tpu.memref_slice %arg6[%mul3A_245] : memref<2560000xf32, #tpu.memory_space<hbm>> -> memref<2048xf32, #tpu.memory_space<hbm>>
        %dma_wait3A_267 = arith.constant 0 : i32
        %dma_wait3A_268 = tpu.memref_slice %arg10[%rem3A_71, %dma_wait3A_267] : memref<2x2048xf32, #tpu.memory_space<vmem>> -> memref<1x2048xf32, #tpu.memory_space<vmem>>
        %dma_wait3A_269 = tpu.memref_squeeze %dma_wait3A_268 : memref<1x2048xf32, #tpu.memory_space<vmem>> -> memref<2048xf32, #tpu.memory_space<vmem>>
        tpu.wait_dma2 semaphore(%dma_wait3A_265 : memref<!tpu.dma_semaphore, #tpu.memory_space<semaphore_mem>>) src(%dma_wait3A_269 : memref<2048xf32, #tpu.memory_space<vmem>>) dst(%dma_wait3A_266 : memref<2048xf32, #tpu.memory_space<hbm>>)
      } else {
      }
      %dma_start3A_95 = arith.constant 0 : i32
      %dma_start3A_96 = arith.constant 0 : i32
      %dma_start3A_97 = tpu.memref_slice %arg9[%rem3A_71, %dma_start3A_95, %dma_start3A_96] : memref<2x128x128xf32, #tpu.memory_space<vmem>> -> memref<1x128x128xf32, #tpu.memory_space<vmem>>
      %dma_start3A_98 = tpu.memref_squeeze %dma_start3A_97 : memref<1x128x128xf32, #tpu.memory_space<vmem>> -> memref<128x128xf32, #tpu.memory_space<vmem>>
      %dma_start3A_99 = arith.constant 0 : i32
      %dma_start3A_100 = tpu.memref_slice %arg8[%rem3A_71, %dma_start3A_99] : memref<2x128xi32, #tpu.memory_space<vmem>> -> memref<1x128xi32, #tpu.memory_space<vmem>>
      %dma_start3A_101 = tpu.memref_squeeze %dma_start3A_100 : memref<1x128xi32, #tpu.memory_space<vmem>> -> memref<128xi32, #tpu.memory_space<vmem>>
      %dma_start3A_102 = arith.constant 0 : i32
      %dma_start3A_103 = arith.constant 0 : i32
      %dma_start3A_104 = tpu.memref_slice %arg7[%dma_start3A_102, %dma_start3A_103] : memref<10240x128xf32, #tpu.memory_space<vmem_shared>> -> memref<10240x128xf32, #tpu.memory_space<vmem_shared>>
      %dma_start3A_105 = tpu.memref_slice %arg13[%rem3A_71] : memref<2x!tpu.dma_semaphore, #tpu.memory_space<semaphore_mem>> -> memref<1x!tpu.dma_semaphore, #tpu.memory_space<semaphore_mem>>
      %dma_start3A_106 = tpu.memref_squeeze %dma_start3A_105 : memref<1x!tpu.dma_semaphore, #tpu.memory_space<semaphore_mem>> -> memref<!tpu.dma_semaphore, #tpu.memory_space<semaphore_mem>>
      tpu.enqueue_indirect_dma source(%dma_start3A_104 : memref<10240x128xf32, #tpu.memory_space<vmem_shared>>) target(%dma_start3A_98 : memref<128x128xf32, #tpu.memory_space<vmem>>) offsets(%dma_start3A_101 : memref<128xi32, #tpu.memory_space<vmem>>) semaphore(%dma_start3A_106 : memref<!tpu.dma_semaphore, #tpu.memory_space<semaphore_mem>>)
      %broadcast_in_dim3A_107 = vector.broadcast %rem3A_71 : i32 to vector<16xi32>
      %get3A = arith.index_cast %rem3A_71 : i32 to index
      %get3A_108 = arith.constant 0 : index
      %get3A_109 = tpu.vector_load %arg8[%get3A, %get3A_108] {strides = array<i32>} : memref<2x128xi32, #tpu.memory_space<vmem>>, vector<16xi32>,
      %gather3A = tpu.vector_load_idx %arg11[%get3A_109] : memref<10240xf32, #tpu.memory_space<vmem>>[vector<16xi32>], vector<16xf32>,
      %add3A_110 = arith.constant 0 : i32
      %add3A_111 = vector.broadcast %add3A_110 : i32 to vector<16xi32>
      %add3A_112 = arith.addi %iota3A, %add3A_111 : vector<16xi32>
      %mul3A_113 = arith.constant 16 : i32
      %mul3A_114 = vector.broadcast %mul3A_113 : i32 to vector<16xi32>
      %mul3A_115 = arith.muli %add3A_112, %mul3A_114 : vector<16xi32>
      tpu.vector_store_idx %arg10[%broadcast_in_dim3A_107, %mul3A_115], %gather3A : memref<2x2048xf32, #tpu.memory_space<vmem>>[vector<16xi32>, vector<16xi32>], vector<16xf32>,
      %get3A_116 = arith.index_cast %rem3A_71 : i32 to index
      %get3A_117 = arith.constant 16 : index
      %get3A_118 = tpu.vector_load %arg8[%get3A_116, %get3A_117] {strides = array<i32>} : memref<2x128xi32, #tpu.memory_space<vmem>>, vector<16xi32>,
      %gather3A_119 = tpu.vector_load_idx %arg11[%get3A_118] : memref<10240xf32, #tpu.memory_space<vmem>>[vector<16xi32>], vector<16xf32>,
      %add3A_120 = arith.constant 16 : i32
      %add3A_121 = vector.broadcast %add3A_120 : i32 to vector<16xi32>
      %add3A_122 = arith.addi %iota3A, %add3A_121 : vector<16xi32>
      %mul3A_123 = arith.constant 16 : i32
      %mul3A_124 = vector.broadcast %mul3A_123 : i32 to vector<16xi32>
      %mul3A_125 = arith.muli %add3A_122, %mul3A_124 : vector<16xi32>
      tpu.vector_store_idx %arg10[%broadcast_in_dim3A_107, %mul3A_125], %gather3A_119 : memref<2x2048xf32, #tpu.memory_space<vmem>>[vector<16xi32>, vector<16xi32>], vector<16xf32>,
      %get3A_126 = arith.index_cast %rem3A_71 : i32 to index
      %get3A_127 = arith.constant 32 : index
      %get3A_128 = tpu.vector_load %arg8[%get3A_126, %get3A_127] {strides = array<i32>} : memref<2x128xi32, #tpu.memory_space<vmem>>, vector<16xi32>,
      %gather3A_129 = tpu.vector_load_idx %arg11[%get3A_128] : memref<10240xf32, #tpu.memory_space<vmem>>[vector<16xi32>], vector<16xf32>,
      %add3A_130 = arith.constant 32 : i32
      %add3A_131 = vector.broadcast %add3A_130 : i32 to vector<16xi32>
      %add3A_132 = arith.addi %iota3A, %add3A_131 : vector<16xi32>
      %mul3A_133 = arith.constant 16 : i32
      %mul3A_134 = vector.broadcast %mul3A_133 : i32 to vector<16xi32>
      %mul3A_135 = arith.muli %add3A_132, %mul3A_134 : vector<16xi32>
      tpu.vector_store_idx %arg10[%broadcast_in_dim3A_107, %mul3A_135], %gather3A_129 : memref<2x2048xf32, #tpu.memory_space<vmem>>[vector<16xi32>, vector<16xi32>], vector<16xf32>,
      %get3A_136 = arith.index_cast %rem3A_71 : i32 to index
      %get3A_137 = arith.constant 48 : index
      %get3A_138 = tpu.vector_load %arg8[%get3A_136, %get3A_137] {strides = array<i32>} : memref<2x128xi32, #tpu.memory_space<vmem>>, vector<16xi32>,
      %gather3A_139 = tpu.vector_load_idx %arg11[%get3A_138] : memref<10240xf32, #tpu.memory_space<vmem>>[vector<16xi32>], vector<16xf32>,
      %add3A_140 = arith.constant 48 : i32
      %add3A_141 = vector.broadcast %add3A_140 : i32 to vector<16xi32>
      %add3A_142 = arith.addi %iota3A, %add3A_141 : vector<16xi32>
      %mul3A_143 = arith.constant 16 : i32
      %mul3A_144 = vector.broadcast %mul3A_143 : i32 to vector<16xi32>
      %mul3A_145 = arith.muli %add3A_142, %mul3A_144 : vector<16xi32>
      tpu.vector_store_idx %arg10[%broadcast_in_dim3A_107, %mul3A_145], %gather3A_139 : memref<2x2048xf32, #tpu.memory_space<vmem>>[vector<16xi32>, vector<16xi32>], vector<16xf32>,
      %get3A_146 = arith.index_cast %rem3A_71 : i32 to index
      %get3A_147 = arith.constant 64 : index
      %get3A_148 = tpu.vector_load %arg8[%get3A_146, %get3A_147] {strides = array<i32>} : memref<2x128xi32, #tpu.memory_space<vmem>>, vector<16xi32>,
      %gather3A_149 = tpu.vector_load_idx %arg11[%get3A_148] : memref<10240xf32, #tpu.memory_space<vmem>>[vector<16xi32>], vector<16xf32>,
      %add3A_150 = arith.constant 64 : i32
      %add3A_151 = vector.broadcast %add3A_150 : i32 to vector<16xi32>
      %add3A_152 = arith.addi %iota3A, %add3A_151 : vector<16xi32>
      %mul3A_153 = arith.constant 16 : i32
      %mul3A_154 = vector.broadcast %mul3A_153 : i32 to vector<16xi32>
      %mul3A_155 = arith.muli %add3A_152, %mul3A_154 : vector<16xi32>
      tpu.vector_store_idx %arg10[%broadcast_in_dim3A_107, %mul3A_155], %gather3A_149 : memref<2x2048xf32, #tpu.memory_space<vmem>>[vector<16xi32>, vector<16xi32>], vector<16xf32>,
      %get3A_156 = arith.index_cast %rem3A_71 : i32 to index
      %get3A_157 = arith.constant 80 : index
      %get3A_158 = tpu.vector_load %arg8[%get3A_156, %get3A_157] {strides = array<i32>} : memref<2x128xi32, #tpu.memory_space<vmem>>, vector<16xi32>,
      %gather3A_159 = tpu.vector_load_idx %arg11[%get3A_158] : memref<10240xf32, #tpu.memory_space<vmem>>[vector<16xi32>], vector<16xf32>,
      %add3A_160 = arith.constant 80 : i32
      %add3A_161 = vector.broadcast %add3A_160 : i32 to vector<16xi32>
      %add3A_162 = arith.addi %iota3A, %add3A_161 : vector<16xi32>
      %mul3A_163 = arith.constant 16 : i32
      %mul3A_164 = vector.broadcast %mul3A_163 : i32 to vector<16xi32>
      %mul3A_165 = arith.muli %add3A_162, %mul3A_164 : vector<16xi32>
      tpu.vector_store_idx %arg10[%broadcast_in_dim3A_107, %mul3A_165], %gather3A_159 : memref<2x2048xf32, #tpu.memory_space<vmem>>[vector<16xi32>, vector<16xi32>], vector<16xf32>,
      %get3A_166 = arith.index_cast %rem3A_71 : i32 to index
      %get3A_167 = arith.constant 96 : index
      %get3A_168 = tpu.vector_load %arg8[%get3A_166, %get3A_167] {strides = array<i32>} : memref<2x128xi32, #tpu.memory_space<vmem>>, vector<16xi32>,
      %gather3A_169 = tpu.vector_load_idx %arg11[%get3A_168] : memref<10240xf32, #tpu.memory_space<vmem>>[vector<16xi32>], vector<16xf32>,
      %add3A_170 = arith.constant 96 : i32
      %add3A_171 = vector.broadcast %add3A_170 : i32 to vector<16xi32>
      %add3A_172 = arith.addi %iota3A, %add3A_171 : vector<16xi32>
      %mul3A_173 = arith.constant 16 : i32
      %mul3A_174 = vector.broadcast %mul3A_173 : i32 to vector<16xi32>
      %mul3A_175 = arith.muli %add3A_172, %mul3A_174 : vector<16xi32>
      tpu.vector_store_idx %arg10[%broadcast_in_dim3A_107, %mul3A_175], %gather3A_169 : memref<2x2048xf32, #tpu.memory_space<vmem>>[vector<16xi32>, vector<16xi32>], vector<16xf32>,
      %get3A_176 = arith.index_cast %rem3A_71 : i32 to index
      %get3A_177 = arith.constant 112 : index
      %get3A_178 = tpu.vector_load %arg8[%get3A_176, %get3A_177] {strides = array<i32>} : memref<2x128xi32, #tpu.memory_space<vmem>>, vector<16xi32>,
      %gather3A_179 = tpu.vector_load_idx %arg11[%get3A_178] : memref<10240xf32, #tpu.memory_space<vmem>>[vector<16xi32>], vector<16xf32>,
      %add3A_180 = arith.constant 112 : i32
      %add3A_181 = vector.broadcast %add3A_180 : i32 to vector<16xi32>
      %add3A_182 = arith.addi %iota3A, %add3A_181 : vector<16xi32>
      %mul3A_183 = arith.constant 16 : i32
      %mul3A_184 = vector.broadcast %mul3A_183 : i32 to vector<16xi32>
      %mul3A_185 = arith.muli %add3A_182, %mul3A_184 : vector<16xi32>
      tpu.vector_store_idx %arg10[%broadcast_in_dim3A_107, %mul3A_185], %gather3A_179 : memref<2x2048xf32, #tpu.memory_space<vmem>>[vector<16xi32>, vector<16xi32>], vector<16xf32>,
      %dma_wait3A_186 = arith.constant 0 : i32
      %dma_wait3A_187 = arith.constant 0 : i32
      %dma_wait3A_188 = tpu.memref_slice %arg9[%rem3A_71, %dma_wait3A_186, %dma_wait3A_187] : memref<2x128x128xf32, #tpu.memory_space<vmem>> -> memref<1x128x128xf32, #tpu.memory_space<vmem>>
      %dma_wait3A_189 = tpu.memref_squeeze %dma_wait3A_188 : memref<1x128x128xf32, #tpu.memory_space<vmem>> -> memref<128x128xf32, #tpu.memory_space<vmem>>
      %dma_wait3A_190 = arith.constant 0 : i32
      %dma_wait3A_191 = tpu.memref_slice %arg8[%rem3A_71, %dma_wait3A_190] : memref<2x128xi32, #tpu.memory_space<vmem>> -> memref<1x128xi32, #tpu.memory_space<vmem>>
      %dma_wait3A_192 = tpu.memref_squeeze %dma_wait3A_191 : memref<1x128xi32, #tpu.memory_space<vmem>> -> memref<128xi32, #tpu.memory_space<vmem>>
      %dma_wait3A_193 = arith.constant 0 : i32
      %dma_wait3A_194 = arith.constant 0 : i32
      %dma_wait3A_195 = tpu.memref_slice %arg7[%dma_wait3A_193, %dma_wait3A_194] : memref<10240x128xf32, #tpu.memory_space<vmem_shared>> -> memref<10240x128xf32, #tpu.memory_space<vmem_shared>>
      %dma_wait3A_196 = tpu.memref_slice %arg13[%rem3A_71] : memref<2x!tpu.dma_semaphore, #tpu.memory_space<semaphore_mem>> -> memref<1x!tpu.dma_semaphore, #tpu.memory_space<semaphore_mem>>
      %dma_wait3A_197 = tpu.memref_squeeze %dma_wait3A_196 : memref<1x!tpu.dma_semaphore, #tpu.memory_space<semaphore_mem>> -> memref<!tpu.dma_semaphore, #tpu.memory_space<semaphore_mem>>
      tpu.wait_indirect_dma semaphore(%dma_wait3A_197 : memref<!tpu.dma_semaphore, #tpu.memory_space<semaphore_mem>>) src(%dma_wait3A_195 : memref<10240x128xf32, #tpu.memory_space<vmem_shared>>) dst(%dma_wait3A_189 : memref<128x128xf32, #tpu.memory_space<vmem>>)
      %sub3A_198 = arith.constant 2500 : i32
      %sub3A_199 = arith.subi %add3A_76, %sub3A_198 : i32
      %mul3A_200 = arith.constant 128 : i32
      %mul3A_201 = arith.muli %sub3A_199, %mul3A_200 : i32
      %dma_start3A_202 = arith.constant 0 : i32
      %dma_start3A_203 = arith.constant 0 : i32
      %dma_start3A_204 = tpu.memref_slice %arg9[%rem3A_71, %dma_start3A_202, %dma_start3A_203] : memref<2x128x128xf32, #tpu.memory_space<vmem>> -> memref<1x128x128xf32, #tpu.memory_space<vmem>>
      %dma_start3A_205 = tpu.memref_squeeze %dma_start3A_204 : memref<1x128x128xf32, #tpu.memory_space<vmem>> -> memref<128x128xf32, #tpu.memory_space<vmem>>
      %dma_start3A_206 = arith.constant 0 : i32
      %dma_start3A_207 = tpu.memref_slice %arg5[%mul3A_201, %dma_start3A_206] : memref<160000x128xf32, #tpu.memory_space<hbm>> -> memref<128x128xf32, #tpu.memory_space<hbm>>
      %dma_start3A_208 = tpu.memref_slice %arg14[%rem3A_71] : memref<2x!tpu.dma_semaphore, #tpu.memory_space<semaphore_mem>> -> memref<1x!tpu.dma_semaphore, #tpu.memory_space<semaphore_mem>>
      %dma_start3A_209 = tpu.memref_squeeze %dma_start3A_208 : memref<1x!tpu.dma_semaphore, #tpu.memory_space<semaphore_mem>> -> memref<!tpu.dma_semaphore, #tpu.memory_space<semaphore_mem>>
      %dma_start3A_210 = arith.constant 0 : i32
      %dma_start3A_211 = tpu.memref_slice %arg5[%mul3A_201, %dma_start3A_210] : memref<160000x128xf32, #tpu.memory_space<hbm>> -> memref<128x128xf32, #tpu.memory_space<hbm>>
      %dma_start3A_212 = arith.constant 0 : i32
      %dma_start3A_213 = arith.constant 0 : i32
      %dma_start3A_214 = tpu.memref_slice %arg9[%rem3A_71, %dma_start3A_212, %dma_start3A_213] : memref<2x128x128xf32, #tpu.memory_space<vmem>> -> memref<1x128x128xf32, #tpu.memory_space<vmem>>
      %dma_start3A_215 = tpu.memref_squeeze %dma_start3A_214 : memref<1x128x128xf32, #tpu.memory_space<vmem>> -> memref<128x128xf32, #tpu.memory_space<vmem>>
      tpu.enqueue_dma source(%dma_start3A_215 : memref<128x128xf32, #tpu.memory_space<vmem>>) target(%dma_start3A_211 : memref<128x128xf32, #tpu.memory_space<hbm>>) target_semaphore(%dma_start3A_209 : memref<!tpu.dma_semaphore, #tpu.memory_space<semaphore_mem>>)
      %sub3A_216 = arith.constant 2500 : i32
      %sub3A_217 = arith.subi %add3A_76, %sub3A_216 : i32
      %mul3A_218 = arith.constant 128 : i32
      %mul3A_219 = arith.muli %sub3A_217, %mul3A_218 : i32
      %mul3A_220 = arith.constant 16 : i32
      %mul3A_221 = arith.muli %mul3A_219, %mul3A_220 : i32
      %dma_start3A_222 = arith.constant 0 : i32
      %dma_start3A_223 = tpu.memref_slice %arg10[%rem3A_71, %dma_start3A_222] : memref<2x2048xf32, #tpu.memory_space<vmem>> -> memref<1x2048xf32, #tpu.memory_space<vmem>>
      %dma_start3A_224 = tpu.memref_squeeze %dma_start3A_223 : memref<1x2048xf32, #tpu.memory_space<vmem>> -> memref<2048xf32, #tpu.memory_space<vmem>>
      %dma_start3A_225 = tpu.memref_slice %arg6[%mul3A_221] : memref<2560000xf32, #tpu.memory_space<hbm>> -> memref<2048xf32, #tpu.memory_space<hbm>>
      %dma_start3A_226 = tpu.memref_slice %arg15[%rem3A_71] : memref<2x!tpu.dma_semaphore, #tpu.memory_space<semaphore_mem>> -> memref<1x!tpu.dma_semaphore, #tpu.memory_space<semaphore_mem>>
      %dma_start3A_227 = tpu.memref_squeeze %dma_start3A_226 : memref<1x!tpu.dma_semaphore, #tpu.memory_space<semaphore_mem>> -> memref<!tpu.dma_semaphore, #tpu.memory_space<semaphore_mem>>
      %dma_start3A_228 = tpu.memref_slice %arg6[%mul3A_221] : memref<2560000xf32, #tpu.memory_space<hbm>> -> memref<2048xf32, #tpu.memory_space<hbm>>
      %dma_start3A_229 = arith.constant 0 : i32
      %dma_start3A_230 = tpu.memref_slice %arg10[%rem3A_71, %dma_start3A_229] : memref<2x2048xf32, #tpu.memory_space<vmem>> -> memref<1x2048xf32, #tpu.memory_space<vmem>>
      %dma_start3A_231 = tpu.memref_squeeze %dma_start3A_230 : memref<1x2048xf32, #tpu.memory_space<vmem>> -> memref<2048xf32, #tpu.memory_space<vmem>>
      tpu.enqueue_dma source(%dma_start3A_231 : memref<2048xf32, #tpu.memory_space<vmem>>) target(%dma_start3A_228 : memref<2048xf32, #tpu.memory_space<hbm>>) target_semaphore(%dma_start3A_227 : memref<!tpu.dma_semaphore, #tpu.memory_space<semaphore_mem>>)
    }
    %scan3A = arith.constant 0 : i32
    %scan3A_63 = arith.constant 2 : i32
    %scan3A_64 = arith.addi %scan3A, %scan3A_63 : i32
    %scan3A_65 = arith.constant 1 : i32
    scf.for %scan3A_67 = %scan3A to %scan3A_64 step %scan3A_65  : i32 {
      %mul3A_68 = arith.constant 1 : i32
      %mul3A_69 = arith.muli %scan3A_67, %mul3A_68 : i32
      %add3A_70 = arith.constant 0 : i32
      %add3A_71 = arith.addi %add3A_70, %mul3A_69 : i32
      %dma_wait3A = arith.constant 0 : i32
      %dma_wait3A_72 = arith.constant 0 : i32
      %dma_wait3A_73 = tpu.memref_slice %arg9[%add3A_71, %dma_wait3A, %dma_wait3A_72] : memref<2x128x128xf32, #tpu.memory_space<vmem>> -> memref<1x128x128xf32, #tpu.memory_space<vmem>>
      %dma_wait3A_74 = tpu.memref_squeeze %dma_wait3A_73 : memref<1x128x128xf32, #tpu.memory_space<vmem>> -> memref<128x128xf32, #tpu.memory_space<vmem>>
      %dma_wait3A_75 = arith.constant 0 : i32
      %dma_wait3A_76 = arith.constant 0 : i32
      %dma_wait3A_77 = tpu.memref_slice %arg5[%dma_wait3A_75, %dma_wait3A_76] : memref<160000x128xf32, #tpu.memory_space<hbm>> -> memref<128x128xf32, #tpu.memory_space<hbm>>
      %dma_wait3A_78 = tpu.memref_slice %arg14[%add3A_71] : memref<2x!tpu.dma_semaphore, #tpu.memory_space<semaphore_mem>> -> memref<1x!tpu.dma_semaphore, #tpu.memory_space<semaphore_mem>>
      %dma_wait3A_79 = tpu.memref_squeeze %dma_wait3A_78 : memref<1x!tpu.dma_semaphore, #tpu.memory_space<semaphore_mem>> -> memref<!tpu.dma_semaphore, #tpu.memory_space<semaphore_mem>>
      %dma_wait3A_80 = arith.constant 0 : i32
      %dma_wait3A_81 = arith.constant 0 : i32
      %dma_wait3A_82 = tpu.memref_slice %arg5[%dma_wait3A_80, %dma_wait3A_81] : memref<160000x128xf32, #tpu.memory_space<hbm>> -> memref<128x128xf32, #tpu.memory_space<hbm>>
      %dma_wait3A_83 = arith.constant 0 : i32
      %dma_wait3A_84 = arith.constant 0 : i32
      %dma_wait3A_85 = tpu.memref_slice %arg9[%add3A_71, %dma_wait3A_83, %dma_wait3A_84] : memref<2x128x128xf32, #tpu.memory_space<vmem>> -> memref<1x128x128xf32, #tpu.memory_space<vmem>>
      %dma_wait3A_86 = tpu.memref_squeeze %dma_wait3A_85 : memref<1x128x128xf32, #tpu.memory_space<vmem>> -> memref<128x128xf32, #tpu.memory_space<vmem>>
      tpu.wait_dma2 semaphore(%dma_wait3A_79 : memref<!tpu.dma_semaphore, #tpu.memory_space<semaphore_mem>>) src(%dma_wait3A_86 : memref<128x128xf32, #tpu.memory_space<vmem>>) dst(%dma_wait3A_82 : memref<128x128xf32, #tpu.memory_space<hbm>>)
      %dma_wait3A_87 = arith.constant 0 : i32
      %dma_wait3A_88 = tpu.memref_slice %arg10[%add3A_71, %dma_wait3A_87] : memref<2x2048xf32, #tpu.memory_space<vmem>> -> memref<1x2048xf32, #tpu.memory_space<vmem>>
      %dma_wait3A_89 = tpu.memref_squeeze %dma_wait3A_88 : memref<1x2048xf32, #tpu.memory_space<vmem>> -> memref<2048xf32, #tpu.memory_space<vmem>>
      %dma_wait3A_90 = arith.constant 0 : i32
      %dma_wait3A_91 = tpu.memref_slice %arg6[%dma_wait3A_90] : memref<2560000xf32, #tpu.memory_space<hbm>> -> memref<2048xf32, #tpu.memory_space<hbm>>
      %dma_wait3A_92 = tpu.memref_slice %arg15[%add3A_71] : memref<2x!tpu.dma_semaphore, #tpu.memory_space<semaphore_mem>> -> memref<1x!tpu.dma_semaphore, #tpu.memory_space<semaphore_mem>>
      %dma_wait3A_93 = tpu.memref_squeeze %dma_wait3A_92 : memref<1x!tpu.dma_semaphore, #tpu.memory_space<semaphore_mem>> -> memref<!tpu.dma_semaphore, #tpu.memory_space<semaphore_mem>>
      %dma_wait3A_94 = arith.constant 0 : i32
      %dma_wait3A_95 = tpu.memref_slice %arg6[%dma_wait3A_94] : memref<2560000xf32, #tpu.memory_space<hbm>> -> memref<2048xf32, #tpu.memory_space<hbm>>
      %dma_wait3A_96 = arith.constant 0 : i32
      %dma_wait3A_97 = tpu.memref_slice %arg10[%add3A_71, %dma_wait3A_96] : memref<2x2048xf32, #tpu.memory_space<vmem>> -> memref<1x2048xf32, #tpu.memory_space<vmem>>
      %dma_wait3A_98 = tpu.memref_squeeze %dma_wait3A_97 : memref<1x2048xf32, #tpu.memory_space<vmem>> -> memref<2048xf32, #tpu.memory_space<vmem>>
      tpu.wait_dma2 semaphore(%dma_wait3A_93 : memref<!tpu.dma_semaphore, #tpu.memory_space<semaphore_mem>>) src(%dma_wait3A_98 : memref<2048xf32, #tpu.memory_space<vmem>>) dst(%dma_wait3A_95 : memref<2048xf32, #tpu.memory_space<hbm>>)
    }
    %scan3A_66 = arith.constant 2 : i32
    return
  }
}

#map = affine_map<(d0, d1) -> (0, 0)>
#map1 = affine_map<(d0, d1) -> (0)>
module attributes {stable_mosaic.version = 14 : i64} {
  func.func @_k3_body(%arg0: i32, %arg1: i32, %arg2: memref<10240x128xf32, #tpu.memory_space<hbm>>, %arg3: memref<10240xf32, #tpu.memory_space<hbm>>, %arg4: memref<640000xi32, #tpu.memory_space<hbm>>, %arg5: memref<160000x128xf32, #tpu.memory_space<hbm>>, %arg6: memref<2560000xf32, #tpu.memory_space<hbm>>, %arg7: memref<10240x128xf32, #tpu.memory_space<vmem_shared>>, %arg8: memref<2x128xi32, #tpu.memory_space<vmem>>, %arg9: memref<2x128x128xf32, #tpu.memory_space<vmem>>, %arg10: memref<2x2048xf32, #tpu.memory_space<vmem>>, %arg11: memref<10240xf32, #tpu.memory_space<vmem>>, %arg12: memref<2x!tpu.dma_semaphore, #tpu.memory_space<semaphore_mem>>, %arg13: memref<2x!tpu.dma_semaphore, #tpu.memory_space<semaphore_mem>>, %arg14: memref<2x!tpu.dma_semaphore, #tpu.memory_space<semaphore_mem>>, %arg15: memref<2x!tpu.dma_semaphore, #tpu.memory_space<semaphore_mem>>) attributes {dimension_semantics = [#tpu.dimension_semantics<core_parallel>, #tpu.dimension_semantics<subcore_parallel>], iteration_bounds = array<i64: 2, 16>, scalar_prefetch = 0 : i64, scratch_operands = 9 : i64, tpu.core_type = #tpu.core_type<sc_vector_subcore>, window_params = [{transform_indices = #map}, {transform_indices = #map1}, {transform_indices = #map1}, {transform_indices = #map}, {transform_indices = #map1}]} {
    %mul3A = arith.constant 2 : i32
    %mul3A_0 = arith.muli %arg1, %mul3A : i32
    %add3A = arith.addi %mul3A_0, %arg0 : i32
    %mul3A_1 = arith.constant 640 : i32
    %mul3A_2 = arith.muli %arg1, %mul3A_1 : i32
    %mul3A_3 = arith.constant 640 : i32
    %mul3A_4 = arith.muli %arg1, %mul3A_3 : i32
    "tpu.region"() ({
      %run_scoped3A = tpu.sem_alloc : memref<!tpu.dma_semaphore, #tpu.memory_space<semaphore_mem>>
      %dma_start3A_67 = arith.constant 0 : i32
      %dma_start3A_68 = tpu.memref_slice %arg7[%mul3A_4, %dma_start3A_67] : memref<10240x128xf32, #tpu.memory_space<vmem_shared>> -> memref<640x128xf32, #tpu.memory_space<vmem_shared>>
      %dma_start3A_69 = arith.constant 0 : i32
      %dma_start3A_70 = tpu.memref_slice %arg2[%mul3A_2, %dma_start3A_69] : memref<10240x128xf32, #tpu.memory_space<hbm>> -> memref<640x128xf32, #tpu.memory_space<hbm>>
      tpu.enqueue_dma source(%dma_start3A_70 : memref<640x128xf32, #tpu.memory_space<hbm>>) target(%dma_start3A_68 : memref<640x128xf32, #tpu.memory_space<vmem_shared>>) target_semaphore(%run_scoped3A : memref<!tpu.dma_semaphore, #tpu.memory_space<semaphore_mem>>)
      %dma_wait3A = arith.constant 0 : i32
      %dma_wait3A_71 = tpu.memref_slice %arg7[%mul3A_4, %dma_wait3A] : memref<10240x128xf32, #tpu.memory_space<vmem_shared>> -> memref<640x128xf32, #tpu.memory_space<vmem_shared>>
      %dma_wait3A_72 = arith.constant 0 : i32
      %dma_wait3A_73 = tpu.memref_slice %arg2[%mul3A_2, %dma_wait3A_72] : memref<10240x128xf32, #tpu.memory_space<hbm>> -> memref<640x128xf32, #tpu.memory_space<hbm>>
      tpu.wait_dma2 semaphore(%run_scoped3A : memref<!tpu.dma_semaphore, #tpu.memory_space<semaphore_mem>>) src(%dma_wait3A_73 : memref<640x128xf32, #tpu.memory_space<hbm>>) dst(%dma_wait3A_71 : memref<640x128xf32, #tpu.memory_space<vmem_shared>>)
      tpu.yield
    }) : () -> ()
    "tpu.region"() ({
      %run_scoped3A = tpu.sem_alloc : memref<!tpu.dma_semaphore, #tpu.memory_space<semaphore_mem>>
      tpu.enqueue_dma source(%arg3 : memref<10240xf32, #tpu.memory_space<hbm>>) target(%arg11 : memref<10240xf32, #tpu.memory_space<vmem>>) target_semaphore(%run_scoped3A : memref<!tpu.dma_semaphore, #tpu.memory_space<semaphore_mem>>)
      tpu.wait_dma2 semaphore(%run_scoped3A : memref<!tpu.dma_semaphore, #tpu.memory_space<semaphore_mem>>) src(%arg3 : memref<10240xf32, #tpu.memory_space<hbm>>) dst(%arg11 : memref<10240xf32, #tpu.memory_space<vmem>>)
      tpu.yield
    }) : () -> ()
    %barrier3A = arith.constant 0 : index
    tpu.barrier barrier_id(%barrier3A)
    %iota3A = tpu.iota {dimensions = array<i32: 0>} : vector<16xi32>
    %broadcast_in_dim3A = arith.constant 0 : i32
    %broadcast_in_dim3A_5 = vector.broadcast %broadcast_in_dim3A : i32 to vector<16xi32>
    %sub3A = arith.constant 1250 : i32
    %sub3A_6 = arith.subi %sub3A, %add3A : i32
    %add3A_7 = arith.constant 32 : i32
    %add3A_8 = arith.addi %sub3A_6, %add3A_7 : i32
    %sub3A_9 = arith.constant 1 : i32
    %sub3A_10 = arith.subi %add3A_8, %sub3A_9 : i32
    %jit3A = arith.constant 32 : i32
    %div3A = arith.divsi %sub3A_10, %jit3A : i32
    %sign3A = arith.constant 0 : i32
    %sign3A_11 = arith.cmpi sgt, %sub3A_10, %sign3A : i32
    %sign3A_12 = arith.extui %sign3A_11 : i1 to i32
    %sign3A_13 = arith.constant 0 : i32
    %sign3A_14 = arith.cmpi slt, %sub3A_10, %sign3A_13 : i32
    %sign3A_15 = arith.extui %sign3A_14 : i1 to i32
    %sign3A_16 = arith.subi %sign3A_12, %sign3A_15 : i32
    %sign3A_17 = arith.constant 0 : i32
    %sign3A_18 = arith.cmpi sgt, %jit3A, %sign3A_17 : i32
    %sign3A_19 = arith.extui %sign3A_18 : i1 to i32
    %sign3A_20 = arith.constant 0 : i32
    %sign3A_21 = arith.cmpi slt, %jit3A, %sign3A_20 : i32
    %sign3A_22 = arith.extui %sign3A_21 : i1 to i32
    %sign3A_23 = arith.subi %sign3A_19, %sign3A_22 : i32
    %ne3A = arith.cmpi ne, %sign3A_16, %sign3A_23 : i32
    %rem3A = arith.remsi %sub3A_10, %jit3A : i32
    %ne3A_24 = arith.constant 0 : i32
    %ne3A_25 = arith.cmpi ne, %rem3A, %ne3A_24 : i32
    %and3A = arith.andi %ne3A, %ne3A_25 : i1
    %sub3A_26 = arith.constant 1 : i32
    %sub3A_27 = arith.subi %div3A, %sub3A_26 : i32
    %select_n3A = arith.select %and3A, %sub3A_27, %div3A : i32
    %add3A_28 = arith.constant 1250 : i32
    %add3A_29 = arith.addi %add3A_28, %add3A : i32
    %add3A_30 = arith.constant 0 : i32
    %add3A_31 = arith.addi %add3A_29, %add3A_30 : i32
    %mul3A_32 = arith.constant 128 : i32
    %mul3A_33 = arith.muli %add3A_31, %mul3A_32 : i32
    %dma_start3A = arith.constant 0 : i32
    %dma_start3A_34 = arith.constant 0 : i32
    %dma_start3A_35 = arith.constant 0 : i32
    %dma_start3A_36 = tpu.memref_slice %arg8[%dma_start3A, %dma_start3A_35] : memref<2x128xi32, #tpu.memory_space<vmem>> -> memref<1x128xi32, #tpu.memory_space<vmem>>
    %dma_start3A_37 = tpu.memref_squeeze %dma_start3A_36 : memref<1x128xi32, #tpu.memory_space<vmem>> -> memref<128xi32, #tpu.memory_space<vmem>>
    %dma_start3A_38 = tpu.memref_slice %arg4[%mul3A_33] : memref<640000xi32, #tpu.memory_space<hbm>> -> memref<128xi32, #tpu.memory_space<hbm>>
    %dma_start3A_39 = tpu.memref_slice %arg12[%dma_start3A_34] : memref<2x!tpu.dma_semaphore, #tpu.memory_space<semaphore_mem>> -> memref<1x!tpu.dma_semaphore, #tpu.memory_space<semaphore_mem>>
    %dma_start3A_40 = tpu.memref_squeeze %dma_start3A_39 : memref<1x!tpu.dma_semaphore, #tpu.memory_space<semaphore_mem>> -> memref<!tpu.dma_semaphore, #tpu.memory_space<semaphore_mem>>
    %dma_start3A_41 = arith.constant 0 : i32
    %dma_start3A_42 = tpu.memref_slice %arg8[%dma_start3A, %dma_start3A_41] : memref<2x128xi32, #tpu.memory_space<vmem>> -> memref<1x128xi32, #tpu.memory_space<vmem>>
    %dma_start3A_43 = tpu.memref_squeeze %dma_start3A_42 : memref<1x128xi32, #tpu.memory_space<vmem>> -> memref<128xi32, #tpu.memory_space<vmem>>
    %dma_start3A_44 = tpu.memref_slice %arg4[%mul3A_33] : memref<640000xi32, #tpu.memory_space<hbm>> -> memref<128xi32, #tpu.memory_space<hbm>>
    tpu.enqueue_dma source(%dma_start3A_44 : memref<128xi32, #tpu.memory_space<hbm>>) target(%dma_start3A_43 : memref<128xi32, #tpu.memory_space<vmem>>) target_semaphore(%dma_start3A_40 : memref<!tpu.dma_semaphore, #tpu.memory_space<semaphore_mem>>)
    %sub3A_45 = arith.constant 0 : i32
    %sub3A_46 = arith.subi %select_n3A, %sub3A_45 : i32
    %sub3A_47 = arith.constant 1 : i32
    %sub3A_48 = arith.constant 1 : i32
    %sub3A_49 = arith.subi %sub3A_47, %sub3A_48 : i32
    %add3A_50 = arith.addi %sub3A_46, %sub3A_49 : i32
    %div3A_51 = arith.constant 1 : i32
    %div3A_52 = arith.divsi %add3A_50, %div3A_51 : i32
    %while3A = arith.constant 1 : i32
    %while3A_53 = arith.constant 0 : i32
    %while3A_54 = arith.constant 0 : i32
    %while3A_55 = arith.subi %div3A_52, %while3A_54 : i32
    %while3A_56 = arith.addi %while3A_54, %while3A_55 : i32
    %while3A_57 = arith.constant 1 : i32
    %while3A_58 = arith.divsi %while3A_55, %while3A_57 : i32
    %while3A_59 = arith.muli %while3A_58, %while3A_57 : i32
    %while3A_60 = arith.addi %while3A_54, %while3A_59 : i32
    %while3A_61 = arith.constant 1 : i32
    scf.for %while3A_67 = %while3A_54 to %while3A_60 step %while3A_61  : i32 {
      %mul3A_68 = arith.muli %while3A_67, %while3A : i32
      %add3A_69 = arith.addi %while3A_53, %mul3A_68 : i32
      %rem3A_70 = arith.constant 2 : i32
      %rem3A_71 = arith.remsi %add3A_69, %rem3A_70 : i32
      %add3A_72 = arith.constant 1250 : i32
      %add3A_73 = arith.addi %add3A_72, %add3A : i32
      %mul3A_74 = arith.constant 32 : i32
      %mul3A_75 = arith.muli %add3A_69, %mul3A_74 : i32
      %add3A_76 = arith.addi %add3A_73, %mul3A_75 : i32
      %mul3A_77 = arith.constant 128 : i32
      %mul3A_78 = arith.muli %add3A_76, %mul3A_77 : i32
      %dma_wait3A = arith.constant 0 : i32
      %dma_wait3A_79 = tpu.memref_slice %arg8[%rem3A_71, %dma_wait3A] : memref<2x128xi32, #tpu.memory_space<vmem>> -> memref<1x128xi32, #tpu.memory_space<vmem>>
      %dma_wait3A_80 = tpu.memref_squeeze %dma_wait3A_79 : memref<1x128xi32, #tpu.memory_space<vmem>> -> memref<128xi32, #tpu.memory_space<vmem>>
      %dma_wait3A_81 = tpu.memref_slice %arg4[%mul3A_78] : memref<640000xi32, #tpu.memory_space<hbm>> -> memref<128xi32, #tpu.memory_space<hbm>>
      %dma_wait3A_82 = tpu.memref_slice %arg12[%rem3A_71] : memref<2x!tpu.dma_semaphore, #tpu.memory_space<semaphore_mem>> -> memref<1x!tpu.dma_semaphore, #tpu.memory_space<semaphore_mem>>
      %dma_wait3A_83 = tpu.memref_squeeze %dma_wait3A_82 : memref<1x!tpu.dma_semaphore, #tpu.memory_space<semaphore_mem>> -> memref<!tpu.dma_semaphore, #tpu.memory_space<semaphore_mem>>
      %dma_wait3A_84 = arith.constant 0 : i32
      %dma_wait3A_85 = tpu.memref_slice %arg8[%rem3A_71, %dma_wait3A_84] : memref<2x128xi32, #tpu.memory_space<vmem>> -> memref<1x128xi32, #tpu.memory_space<vmem>>
      %dma_wait3A_86 = tpu.memref_squeeze %dma_wait3A_85 : memref<1x128xi32, #tpu.memory_space<vmem>> -> memref<128xi32, #tpu.memory_space<vmem>>
      %dma_wait3A_87 = tpu.memref_slice %arg4[%mul3A_78] : memref<640000xi32, #tpu.memory_space<hbm>> -> memref<128xi32, #tpu.memory_space<hbm>>
      tpu.wait_dma2 semaphore(%dma_wait3A_83 : memref<!tpu.dma_semaphore, #tpu.memory_space<semaphore_mem>>) src(%dma_wait3A_87 : memref<128xi32, #tpu.memory_space<hbm>>) dst(%dma_wait3A_86 : memref<128xi32, #tpu.memory_space<vmem>>)
      %add3A_88 = arith.constant 1 : i32
      %add3A_89 = arith.addi %add3A_69, %add3A_88 : i32
      %lt3A = arith.cmpi slt, %add3A_89, %select_n3A : i32
      %convert_element_type3A = arith.extui %lt3A : i1 to i32
      %cond3A = arith.constant 0 : i32
      %cond3A_90 = arith.cmpi ne, %convert_element_type3A, %cond3A : i32
      scf.if %cond3A_90 {
        %add3A_232 = arith.constant 1 : i32
        %add3A_233 = arith.addi %add3A_69, %add3A_232 : i32
        %sub3A_234 = arith.constant 1 : i32
        %sub3A_235 = arith.subi %sub3A_234, %rem3A_71 : i32
        %add3A_236 = arith.constant 1250 : i32
        %add3A_237 = arith.addi %add3A_236, %add3A : i32
        %mul3A_238 = arith.constant 32 : i32
        %mul3A_239 = arith.muli %add3A_233, %mul3A_238 : i32
        %add3A_240 = arith.addi %add3A_237, %mul3A_239 : i32
        %mul3A_241 = arith.constant 128 : i32
        %mul3A_242 = arith.muli %add3A_240, %mul3A_241 : i32
        %dma_start3A_243 = arith.constant 0 : i32
        %dma_start3A_244 = tpu.memref_slice %arg8[%sub3A_235, %dma_start3A_243] : memref<2x128xi32, #tpu.memory_space<vmem>> -> memref<1x128xi32, #tpu.memory_space<vmem>>
        %dma_start3A_245 = tpu.memref_squeeze %dma_start3A_244 : memref<1x128xi32, #tpu.memory_space<vmem>> -> memref<128xi32, #tpu.memory_space<vmem>>
        %dma_start3A_246 = tpu.memref_slice %arg4[%mul3A_242] : memref<640000xi32, #tpu.memory_space<hbm>> -> memref<128xi32, #tpu.memory_space<hbm>>
        %dma_start3A_247 = tpu.memref_slice %arg12[%sub3A_235] : memref<2x!tpu.dma_semaphore, #tpu.memory_space<semaphore_mem>> -> memref<1x!tpu.dma_semaphore, #tpu.memory_space<semaphore_mem>>
        %dma_start3A_248 = tpu.memref_squeeze %dma_start3A_247 : memref<1x!tpu.dma_semaphore, #tpu.memory_space<semaphore_mem>> -> memref<!tpu.dma_semaphore, #tpu.memory_space<semaphore_mem>>
        %dma_start3A_249 = arith.constant 0 : i32
        %dma_start3A_250 = tpu.memref_slice %arg8[%sub3A_235, %dma_start3A_249] : memref<2x128xi32, #tpu.memory_space<vmem>> -> memref<1x128xi32, #tpu.memory_space<vmem>>
        %dma_start3A_251 = tpu.memref_squeeze %dma_start3A_250 : memref<1x128xi32, #tpu.memory_space<vmem>> -> memref<128xi32, #tpu.memory_space<vmem>>
        %dma_start3A_252 = tpu.memref_slice %arg4[%mul3A_242] : memref<640000xi32, #tpu.memory_space<hbm>> -> memref<128xi32, #tpu.memory_space<hbm>>
        tpu.enqueue_dma source(%dma_start3A_252 : memref<128xi32, #tpu.memory_space<hbm>>) target(%dma_start3A_251 : memref<128xi32, #tpu.memory_space<vmem>>) target_semaphore(%dma_start3A_248 : memref<!tpu.dma_semaphore, #tpu.memory_space<semaphore_mem>>)
      } else {
      }
      %ge3A = arith.constant 2 : i32
      %ge3A_91 = arith.cmpi sge, %add3A_69, %ge3A : i32
      %convert_element_type3A_92 = arith.extui %ge3A_91 : i1 to i32
      %cond3A_93 = arith.constant 0 : i32
      %cond3A_94 = arith.cmpi ne, %convert_element_type3A_92, %cond3A_93 : i32
      scf.if %cond3A_94 {
        %sub3A_232 = arith.constant 1250 : i32
        %sub3A_233 = arith.subi %add3A_76, %sub3A_232 : i32
        %sub3A_234 = arith.constant 64 : i32
        %sub3A_235 = arith.subi %sub3A_233, %sub3A_234 : i32
        %mul3A_236 = arith.constant 128 : i32
        %mul3A_237 = arith.muli %sub3A_235, %mul3A_236 : i32
        %sub3A_238 = arith.constant 1250 : i32
        %sub3A_239 = arith.subi %add3A_76, %sub3A_238 : i32
        %sub3A_240 = arith.constant 64 : i32
        %sub3A_241 = arith.subi %sub3A_239, %sub3A_240 : i32
        %mul3A_242 = arith.constant 128 : i32
        %mul3A_243 = arith.muli %sub3A_241, %mul3A_242 : i32
        %mul3A_244 = arith.constant 16 : i32
        %mul3A_245 = arith.muli %mul3A_243, %mul3A_244 : i32
        %dma_wait3A_246 = arith.constant 0 : i32
        %dma_wait3A_247 = arith.constant 0 : i32
        %dma_wait3A_248 = tpu.memref_slice %arg9[%rem3A_71, %dma_wait3A_246, %dma_wait3A_247] : memref<2x128x128xf32, #tpu.memory_space<vmem>> -> memref<1x128x128xf32, #tpu.memory_space<vmem>>
        %dma_wait3A_249 = tpu.memref_squeeze %dma_wait3A_248 : memref<1x128x128xf32, #tpu.memory_space<vmem>> -> memref<128x128xf32, #tpu.memory_space<vmem>>
        %dma_wait3A_250 = arith.constant 0 : i32
        %dma_wait3A_251 = tpu.memref_slice %arg5[%mul3A_237, %dma_wait3A_250] : memref<160000x128xf32, #tpu.memory_space<hbm>> -> memref<128x128xf32, #tpu.memory_space<hbm>>
        %dma_wait3A_252 = tpu.memref_slice %arg14[%rem3A_71] : memref<2x!tpu.dma_semaphore, #tpu.memory_space<semaphore_mem>> -> memref<1x!tpu.dma_semaphore, #tpu.memory_space<semaphore_mem>>
        %dma_wait3A_253 = tpu.memref_squeeze %dma_wait3A_252 : memref<1x!tpu.dma_semaphore, #tpu.memory_space<semaphore_mem>> -> memref<!tpu.dma_semaphore, #tpu.memory_space<semaphore_mem>>
        %dma_wait3A_254 = arith.constant 0 : i32
        %dma_wait3A_255 = tpu.memref_slice %arg5[%mul3A_237, %dma_wait3A_254] : memref<160000x128xf32, #tpu.memory_space<hbm>> -> memref<128x128xf32, #tpu.memory_space<hbm>>
        %dma_wait3A_256 = arith.constant 0 : i32
        %dma_wait3A_257 = arith.constant 0 : i32
        %dma_wait3A_258 = tpu.memref_slice %arg9[%rem3A_71, %dma_wait3A_256, %dma_wait3A_257] : memref<2x128x128xf32, #tpu.memory_space<vmem>> -> memref<1x128x128xf32, #tpu.memory_space<vmem>>
        %dma_wait3A_259 = tpu.memref_squeeze %dma_wait3A_258 : memref<1x128x128xf32, #tpu.memory_space<vmem>> -> memref<128x128xf32, #tpu.memory_space<vmem>>
        tpu.wait_dma2 semaphore(%dma_wait3A_253 : memref<!tpu.dma_semaphore, #tpu.memory_space<semaphore_mem>>) src(%dma_wait3A_259 : memref<128x128xf32, #tpu.memory_space<vmem>>) dst(%dma_wait3A_255 : memref<128x128xf32, #tpu.memory_space<hbm>>)
        %dma_wait3A_260 = arith.constant 0 : i32
        %dma_wait3A_261 = tpu.memref_slice %arg10[%rem3A_71, %dma_wait3A_260] : memref<2x2048xf32, #tpu.memory_space<vmem>> -> memref<1x2048xf32, #tpu.memory_space<vmem>>
        %dma_wait3A_262 = tpu.memref_squeeze %dma_wait3A_261 : memref<1x2048xf32, #tpu.memory_space<vmem>> -> memref<2048xf32, #tpu.memory_space<vmem>>
        %dma_wait3A_263 = tpu.memref_slice %arg6[%mul3A_245] : memref<2560000xf32, #tpu.memory_space<hbm>> -> memref<2048xf32, #tpu.memory_space<hbm>>
        %dma_wait3A_264 = tpu.memref_slice %arg15[%rem3A_71] : memref<2x!tpu.dma_semaphore, #tpu.memory_space<semaphore_mem>> -> memref<1x!tpu.dma_semaphore, #tpu.memory_space<semaphore_mem>>
        %dma_wait3A_265 = tpu.memref_squeeze %dma_wait3A_264 : memref<1x!tpu.dma_semaphore, #tpu.memory_space<semaphore_mem>> -> memref<!tpu.dma_semaphore, #tpu.memory_space<semaphore_mem>>
        %dma_wait3A_266 = tpu.memref_slice %arg6[%mul3A_245] : memref<2560000xf32, #tpu.memory_space<hbm>> -> memref<2048xf32, #tpu.memory_space<hbm>>
        %dma_wait3A_267 = arith.constant 0 : i32
        %dma_wait3A_268 = tpu.memref_slice %arg10[%rem3A_71, %dma_wait3A_267] : memref<2x2048xf32, #tpu.memory_space<vmem>> -> memref<1x2048xf32, #tpu.memory_space<vmem>>
        %dma_wait3A_269 = tpu.memref_squeeze %dma_wait3A_268 : memref<1x2048xf32, #tpu.memory_space<vmem>> -> memref<2048xf32, #tpu.memory_space<vmem>>
        tpu.wait_dma2 semaphore(%dma_wait3A_265 : memref<!tpu.dma_semaphore, #tpu.memory_space<semaphore_mem>>) src(%dma_wait3A_269 : memref<2048xf32, #tpu.memory_space<vmem>>) dst(%dma_wait3A_266 : memref<2048xf32, #tpu.memory_space<hbm>>)
      } else {
      }
      %dma_start3A_95 = arith.constant 0 : i32
      %dma_start3A_96 = arith.constant 0 : i32
      %dma_start3A_97 = tpu.memref_slice %arg9[%rem3A_71, %dma_start3A_95, %dma_start3A_96] : memref<2x128x128xf32, #tpu.memory_space<vmem>> -> memref<1x128x128xf32, #tpu.memory_space<vmem>>
      %dma_start3A_98 = tpu.memref_squeeze %dma_start3A_97 : memref<1x128x128xf32, #tpu.memory_space<vmem>> -> memref<128x128xf32, #tpu.memory_space<vmem>>
      %dma_start3A_99 = arith.constant 0 : i32
      %dma_start3A_100 = tpu.memref_slice %arg8[%rem3A_71, %dma_start3A_99] : memref<2x128xi32, #tpu.memory_space<vmem>> -> memref<1x128xi32, #tpu.memory_space<vmem>>
      %dma_start3A_101 = tpu.memref_squeeze %dma_start3A_100 : memref<1x128xi32, #tpu.memory_space<vmem>> -> memref<128xi32, #tpu.memory_space<vmem>>
      %dma_start3A_102 = arith.constant 0 : i32
      %dma_start3A_103 = arith.constant 0 : i32
      %dma_start3A_104 = tpu.memref_slice %arg7[%dma_start3A_102, %dma_start3A_103] : memref<10240x128xf32, #tpu.memory_space<vmem_shared>> -> memref<10240x128xf32, #tpu.memory_space<vmem_shared>>
      %dma_start3A_105 = tpu.memref_slice %arg13[%rem3A_71] : memref<2x!tpu.dma_semaphore, #tpu.memory_space<semaphore_mem>> -> memref<1x!tpu.dma_semaphore, #tpu.memory_space<semaphore_mem>>
      %dma_start3A_106 = tpu.memref_squeeze %dma_start3A_105 : memref<1x!tpu.dma_semaphore, #tpu.memory_space<semaphore_mem>> -> memref<!tpu.dma_semaphore, #tpu.memory_space<semaphore_mem>>
      tpu.enqueue_indirect_dma source(%dma_start3A_104 : memref<10240x128xf32, #tpu.memory_space<vmem_shared>>) target(%dma_start3A_98 : memref<128x128xf32, #tpu.memory_space<vmem>>) offsets(%dma_start3A_101 : memref<128xi32, #tpu.memory_space<vmem>>) semaphore(%dma_start3A_106 : memref<!tpu.dma_semaphore, #tpu.memory_space<semaphore_mem>>)
      %broadcast_in_dim3A_107 = vector.broadcast %rem3A_71 : i32 to vector<16xi32>
      %get3A = arith.index_cast %rem3A_71 : i32 to index
      %get3A_108 = arith.constant 0 : index
      %get3A_109 = tpu.vector_load %arg8[%get3A, %get3A_108] {strides = array<i32>} : memref<2x128xi32, #tpu.memory_space<vmem>>, vector<16xi32>,
      %gather3A = tpu.vector_load_idx %arg11[%get3A_109] : memref<10240xf32, #tpu.memory_space<vmem>>[vector<16xi32>], vector<16xf32>,
      %add3A_110 = arith.constant 0 : i32
      %add3A_111 = vector.broadcast %add3A_110 : i32 to vector<16xi32>
      %add3A_112 = arith.addi %iota3A, %add3A_111 : vector<16xi32>
      %mul3A_113 = arith.constant 16 : i32
      %mul3A_114 = vector.broadcast %mul3A_113 : i32 to vector<16xi32>
      %mul3A_115 = arith.muli %add3A_112, %mul3A_114 : vector<16xi32>
      tpu.vector_store_idx %arg10[%broadcast_in_dim3A_107, %mul3A_115], %gather3A : memref<2x2048xf32, #tpu.memory_space<vmem>>[vector<16xi32>, vector<16xi32>], vector<16xf32>,
      %get3A_116 = arith.index_cast %rem3A_71 : i32 to index
      %get3A_117 = arith.constant 16 : index
      %get3A_118 = tpu.vector_load %arg8[%get3A_116, %get3A_117] {strides = array<i32>} : memref<2x128xi32, #tpu.memory_space<vmem>>, vector<16xi32>,
      %gather3A_119 = tpu.vector_load_idx %arg11[%get3A_118] : memref<10240xf32, #tpu.memory_space<vmem>>[vector<16xi32>], vector<16xf32>,
      %add3A_120 = arith.constant 16 : i32
      %add3A_121 = vector.broadcast %add3A_120 : i32 to vector<16xi32>
      %add3A_122 = arith.addi %iota3A, %add3A_121 : vector<16xi32>
      %mul3A_123 = arith.constant 16 : i32
      %mul3A_124 = vector.broadcast %mul3A_123 : i32 to vector<16xi32>
      %mul3A_125 = arith.muli %add3A_122, %mul3A_124 : vector<16xi32>
      tpu.vector_store_idx %arg10[%broadcast_in_dim3A_107, %mul3A_125], %gather3A_119 : memref<2x2048xf32, #tpu.memory_space<vmem>>[vector<16xi32>, vector<16xi32>], vector<16xf32>,
      %get3A_126 = arith.index_cast %rem3A_71 : i32 to index
      %get3A_127 = arith.constant 32 : index
      %get3A_128 = tpu.vector_load %arg8[%get3A_126, %get3A_127] {strides = array<i32>} : memref<2x128xi32, #tpu.memory_space<vmem>>, vector<16xi32>,
      %gather3A_129 = tpu.vector_load_idx %arg11[%get3A_128] : memref<10240xf32, #tpu.memory_space<vmem>>[vector<16xi32>], vector<16xf32>,
      %add3A_130 = arith.constant 32 : i32
      %add3A_131 = vector.broadcast %add3A_130 : i32 to vector<16xi32>
      %add3A_132 = arith.addi %iota3A, %add3A_131 : vector<16xi32>
      %mul3A_133 = arith.constant 16 : i32
      %mul3A_134 = vector.broadcast %mul3A_133 : i32 to vector<16xi32>
      %mul3A_135 = arith.muli %add3A_132, %mul3A_134 : vector<16xi32>
      tpu.vector_store_idx %arg10[%broadcast_in_dim3A_107, %mul3A_135], %gather3A_129 : memref<2x2048xf32, #tpu.memory_space<vmem>>[vector<16xi32>, vector<16xi32>], vector<16xf32>,
      %get3A_136 = arith.index_cast %rem3A_71 : i32 to index
      %get3A_137 = arith.constant 48 : index
      %get3A_138 = tpu.vector_load %arg8[%get3A_136, %get3A_137] {strides = array<i32>} : memref<2x128xi32, #tpu.memory_space<vmem>>, vector<16xi32>,
      %gather3A_139 = tpu.vector_load_idx %arg11[%get3A_138] : memref<10240xf32, #tpu.memory_space<vmem>>[vector<16xi32>], vector<16xf32>,
      %add3A_140 = arith.constant 48 : i32
      %add3A_141 = vector.broadcast %add3A_140 : i32 to vector<16xi32>
      %add3A_142 = arith.addi %iota3A, %add3A_141 : vector<16xi32>
      %mul3A_143 = arith.constant 16 : i32
      %mul3A_144 = vector.broadcast %mul3A_143 : i32 to vector<16xi32>
      %mul3A_145 = arith.muli %add3A_142, %mul3A_144 : vector<16xi32>
      tpu.vector_store_idx %arg10[%broadcast_in_dim3A_107, %mul3A_145], %gather3A_139 : memref<2x2048xf32, #tpu.memory_space<vmem>>[vector<16xi32>, vector<16xi32>], vector<16xf32>,
      %get3A_146 = arith.index_cast %rem3A_71 : i32 to index
      %get3A_147 = arith.constant 64 : index
      %get3A_148 = tpu.vector_load %arg8[%get3A_146, %get3A_147] {strides = array<i32>} : memref<2x128xi32, #tpu.memory_space<vmem>>, vector<16xi32>,
      %gather3A_149 = tpu.vector_load_idx %arg11[%get3A_148] : memref<10240xf32, #tpu.memory_space<vmem>>[vector<16xi32>], vector<16xf32>,
      %add3A_150 = arith.constant 64 : i32
      %add3A_151 = vector.broadcast %add3A_150 : i32 to vector<16xi32>
      %add3A_152 = arith.addi %iota3A, %add3A_151 : vector<16xi32>
      %mul3A_153 = arith.constant 16 : i32
      %mul3A_154 = vector.broadcast %mul3A_153 : i32 to vector<16xi32>
      %mul3A_155 = arith.muli %add3A_152, %mul3A_154 : vector<16xi32>
      tpu.vector_store_idx %arg10[%broadcast_in_dim3A_107, %mul3A_155], %gather3A_149 : memref<2x2048xf32, #tpu.memory_space<vmem>>[vector<16xi32>, vector<16xi32>], vector<16xf32>,
      %get3A_156 = arith.index_cast %rem3A_71 : i32 to index
      %get3A_157 = arith.constant 80 : index
      %get3A_158 = tpu.vector_load %arg8[%get3A_156, %get3A_157] {strides = array<i32>} : memref<2x128xi32, #tpu.memory_space<vmem>>, vector<16xi32>,
      %gather3A_159 = tpu.vector_load_idx %arg11[%get3A_158] : memref<10240xf32, #tpu.memory_space<vmem>>[vector<16xi32>], vector<16xf32>,
      %add3A_160 = arith.constant 80 : i32
      %add3A_161 = vector.broadcast %add3A_160 : i32 to vector<16xi32>
      %add3A_162 = arith.addi %iota3A, %add3A_161 : vector<16xi32>
      %mul3A_163 = arith.constant 16 : i32
      %mul3A_164 = vector.broadcast %mul3A_163 : i32 to vector<16xi32>
      %mul3A_165 = arith.muli %add3A_162, %mul3A_164 : vector<16xi32>
      tpu.vector_store_idx %arg10[%broadcast_in_dim3A_107, %mul3A_165], %gather3A_159 : memref<2x2048xf32, #tpu.memory_space<vmem>>[vector<16xi32>, vector<16xi32>], vector<16xf32>,
      %get3A_166 = arith.index_cast %rem3A_71 : i32 to index
      %get3A_167 = arith.constant 96 : index
      %get3A_168 = tpu.vector_load %arg8[%get3A_166, %get3A_167] {strides = array<i32>} : memref<2x128xi32, #tpu.memory_space<vmem>>, vector<16xi32>,
      %gather3A_169 = tpu.vector_load_idx %arg11[%get3A_168] : memref<10240xf32, #tpu.memory_space<vmem>>[vector<16xi32>], vector<16xf32>,
      %add3A_170 = arith.constant 96 : i32
      %add3A_171 = vector.broadcast %add3A_170 : i32 to vector<16xi32>
      %add3A_172 = arith.addi %iota3A, %add3A_171 : vector<16xi32>
      %mul3A_173 = arith.constant 16 : i32
      %mul3A_174 = vector.broadcast %mul3A_173 : i32 to vector<16xi32>
      %mul3A_175 = arith.muli %add3A_172, %mul3A_174 : vector<16xi32>
      tpu.vector_store_idx %arg10[%broadcast_in_dim3A_107, %mul3A_175], %gather3A_169 : memref<2x2048xf32, #tpu.memory_space<vmem>>[vector<16xi32>, vector<16xi32>], vector<16xf32>,
      %get3A_176 = arith.index_cast %rem3A_71 : i32 to index
      %get3A_177 = arith.constant 112 : index
      %get3A_178 = tpu.vector_load %arg8[%get3A_176, %get3A_177] {strides = array<i32>} : memref<2x128xi32, #tpu.memory_space<vmem>>, vector<16xi32>,
      %gather3A_179 = tpu.vector_load_idx %arg11[%get3A_178] : memref<10240xf32, #tpu.memory_space<vmem>>[vector<16xi32>], vector<16xf32>,
      %add3A_180 = arith.constant 112 : i32
      %add3A_181 = vector.broadcast %add3A_180 : i32 to vector<16xi32>
      %add3A_182 = arith.addi %iota3A, %add3A_181 : vector<16xi32>
      %mul3A_183 = arith.constant 16 : i32
      %mul3A_184 = vector.broadcast %mul3A_183 : i32 to vector<16xi32>
      %mul3A_185 = arith.muli %add3A_182, %mul3A_184 : vector<16xi32>
      tpu.vector_store_idx %arg10[%broadcast_in_dim3A_107, %mul3A_185], %gather3A_179 : memref<2x2048xf32, #tpu.memory_space<vmem>>[vector<16xi32>, vector<16xi32>], vector<16xf32>,
      %dma_wait3A_186 = arith.constant 0 : i32
      %dma_wait3A_187 = arith.constant 0 : i32
      %dma_wait3A_188 = tpu.memref_slice %arg9[%rem3A_71, %dma_wait3A_186, %dma_wait3A_187] : memref<2x128x128xf32, #tpu.memory_space<vmem>> -> memref<1x128x128xf32, #tpu.memory_space<vmem>>
      %dma_wait3A_189 = tpu.memref_squeeze %dma_wait3A_188 : memref<1x128x128xf32, #tpu.memory_space<vmem>> -> memref<128x128xf32, #tpu.memory_space<vmem>>
      %dma_wait3A_190 = arith.constant 0 : i32
      %dma_wait3A_191 = tpu.memref_slice %arg8[%rem3A_71, %dma_wait3A_190] : memref<2x128xi32, #tpu.memory_space<vmem>> -> memref<1x128xi32, #tpu.memory_space<vmem>>
      %dma_wait3A_192 = tpu.memref_squeeze %dma_wait3A_191 : memref<1x128xi32, #tpu.memory_space<vmem>> -> memref<128xi32, #tpu.memory_space<vmem>>
      %dma_wait3A_193 = arith.constant 0 : i32
      %dma_wait3A_194 = arith.constant 0 : i32
      %dma_wait3A_195 = tpu.memref_slice %arg7[%dma_wait3A_193, %dma_wait3A_194] : memref<10240x128xf32, #tpu.memory_space<vmem_shared>> -> memref<10240x128xf32, #tpu.memory_space<vmem_shared>>
      %dma_wait3A_196 = tpu.memref_slice %arg13[%rem3A_71] : memref<2x!tpu.dma_semaphore, #tpu.memory_space<semaphore_mem>> -> memref<1x!tpu.dma_semaphore, #tpu.memory_space<semaphore_mem>>
      %dma_wait3A_197 = tpu.memref_squeeze %dma_wait3A_196 : memref<1x!tpu.dma_semaphore, #tpu.memory_space<semaphore_mem>> -> memref<!tpu.dma_semaphore, #tpu.memory_space<semaphore_mem>>
      tpu.wait_indirect_dma semaphore(%dma_wait3A_197 : memref<!tpu.dma_semaphore, #tpu.memory_space<semaphore_mem>>) src(%dma_wait3A_195 : memref<10240x128xf32, #tpu.memory_space<vmem_shared>>) dst(%dma_wait3A_189 : memref<128x128xf32, #tpu.memory_space<vmem>>)
      %sub3A_198 = arith.constant 1250 : i32
      %sub3A_199 = arith.subi %add3A_76, %sub3A_198 : i32
      %mul3A_200 = arith.constant 128 : i32
      %mul3A_201 = arith.muli %sub3A_199, %mul3A_200 : i32
      %dma_start3A_202 = arith.constant 0 : i32
      %dma_start3A_203 = arith.constant 0 : i32
      %dma_start3A_204 = tpu.memref_slice %arg9[%rem3A_71, %dma_start3A_202, %dma_start3A_203] : memref<2x128x128xf32, #tpu.memory_space<vmem>> -> memref<1x128x128xf32, #tpu.memory_space<vmem>>
      %dma_start3A_205 = tpu.memref_squeeze %dma_start3A_204 : memref<1x128x128xf32, #tpu.memory_space<vmem>> -> memref<128x128xf32, #tpu.memory_space<vmem>>
      %dma_start3A_206 = arith.constant 0 : i32
      %dma_start3A_207 = tpu.memref_slice %arg5[%mul3A_201, %dma_start3A_206] : memref<160000x128xf32, #tpu.memory_space<hbm>> -> memref<128x128xf32, #tpu.memory_space<hbm>>
      %dma_start3A_208 = tpu.memref_slice %arg14[%rem3A_71] : memref<2x!tpu.dma_semaphore, #tpu.memory_space<semaphore_mem>> -> memref<1x!tpu.dma_semaphore, #tpu.memory_space<semaphore_mem>>
      %dma_start3A_209 = tpu.memref_squeeze %dma_start3A_208 : memref<1x!tpu.dma_semaphore, #tpu.memory_space<semaphore_mem>> -> memref<!tpu.dma_semaphore, #tpu.memory_space<semaphore_mem>>
      %dma_start3A_210 = arith.constant 0 : i32
      %dma_start3A_211 = tpu.memref_slice %arg5[%mul3A_201, %dma_start3A_210] : memref<160000x128xf32, #tpu.memory_space<hbm>> -> memref<128x128xf32, #tpu.memory_space<hbm>>
      %dma_start3A_212 = arith.constant 0 : i32
      %dma_start3A_213 = arith.constant 0 : i32
      %dma_start3A_214 = tpu.memref_slice %arg9[%rem3A_71, %dma_start3A_212, %dma_start3A_213] : memref<2x128x128xf32, #tpu.memory_space<vmem>> -> memref<1x128x128xf32, #tpu.memory_space<vmem>>
      %dma_start3A_215 = tpu.memref_squeeze %dma_start3A_214 : memref<1x128x128xf32, #tpu.memory_space<vmem>> -> memref<128x128xf32, #tpu.memory_space<vmem>>
      tpu.enqueue_dma source(%dma_start3A_215 : memref<128x128xf32, #tpu.memory_space<vmem>>) target(%dma_start3A_211 : memref<128x128xf32, #tpu.memory_space<hbm>>) target_semaphore(%dma_start3A_209 : memref<!tpu.dma_semaphore, #tpu.memory_space<semaphore_mem>>)
      %sub3A_216 = arith.constant 1250 : i32
      %sub3A_217 = arith.subi %add3A_76, %sub3A_216 : i32
      %mul3A_218 = arith.constant 128 : i32
      %mul3A_219 = arith.muli %sub3A_217, %mul3A_218 : i32
      %mul3A_220 = arith.constant 16 : i32
      %mul3A_221 = arith.muli %mul3A_219, %mul3A_220 : i32
      %dma_start3A_222 = arith.constant 0 : i32
      %dma_start3A_223 = tpu.memref_slice %arg10[%rem3A_71, %dma_start3A_222] : memref<2x2048xf32, #tpu.memory_space<vmem>> -> memref<1x2048xf32, #tpu.memory_space<vmem>>
      %dma_start3A_224 = tpu.memref_squeeze %dma_start3A_223 : memref<1x2048xf32, #tpu.memory_space<vmem>> -> memref<2048xf32, #tpu.memory_space<vmem>>
      %dma_start3A_225 = tpu.memref_slice %arg6[%mul3A_221] : memref<2560000xf32, #tpu.memory_space<hbm>> -> memref<2048xf32, #tpu.memory_space<hbm>>
      %dma_start3A_226 = tpu.memref_slice %arg15[%rem3A_71] : memref<2x!tpu.dma_semaphore, #tpu.memory_space<semaphore_mem>> -> memref<1x!tpu.dma_semaphore, #tpu.memory_space<semaphore_mem>>
      %dma_start3A_227 = tpu.memref_squeeze %dma_start3A_226 : memref<1x!tpu.dma_semaphore, #tpu.memory_space<semaphore_mem>> -> memref<!tpu.dma_semaphore, #tpu.memory_space<semaphore_mem>>
      %dma_start3A_228 = tpu.memref_slice %arg6[%mul3A_221] : memref<2560000xf32, #tpu.memory_space<hbm>> -> memref<2048xf32, #tpu.memory_space<hbm>>
      %dma_start3A_229 = arith.constant 0 : i32
      %dma_start3A_230 = tpu.memref_slice %arg10[%rem3A_71, %dma_start3A_229] : memref<2x2048xf32, #tpu.memory_space<vmem>> -> memref<1x2048xf32, #tpu.memory_space<vmem>>
      %dma_start3A_231 = tpu.memref_squeeze %dma_start3A_230 : memref<1x2048xf32, #tpu.memory_space<vmem>> -> memref<2048xf32, #tpu.memory_space<vmem>>
      tpu.enqueue_dma source(%dma_start3A_231 : memref<2048xf32, #tpu.memory_space<vmem>>) target(%dma_start3A_228 : memref<2048xf32, #tpu.memory_space<hbm>>) target_semaphore(%dma_start3A_227 : memref<!tpu.dma_semaphore, #tpu.memory_space<semaphore_mem>>)
    }
    %while3A_62 = arith.constant 1 : i32
    scf.for %while3A_67 = %while3A_60 to %while3A_56 step %while3A_62  : i32 {
      %mul3A_68 = arith.muli %while3A_67, %while3A : i32
      %add3A_69 = arith.addi %while3A_53, %mul3A_68 : i32
      %rem3A_70 = arith.constant 2 : i32
      %rem3A_71 = arith.remsi %add3A_69, %rem3A_70 : i32
      %add3A_72 = arith.constant 1250 : i32
      %add3A_73 = arith.addi %add3A_72, %add3A : i32
      %mul3A_74 = arith.constant 32 : i32
      %mul3A_75 = arith.muli %add3A_69, %mul3A_74 : i32
      %add3A_76 = arith.addi %add3A_73, %mul3A_75 : i32
      %mul3A_77 = arith.constant 128 : i32
      %mul3A_78 = arith.muli %add3A_76, %mul3A_77 : i32
      %dma_wait3A = arith.constant 0 : i32
      %dma_wait3A_79 = tpu.memref_slice %arg8[%rem3A_71, %dma_wait3A] : memref<2x128xi32, #tpu.memory_space<vmem>> -> memref<1x128xi32, #tpu.memory_space<vmem>>
      %dma_wait3A_80 = tpu.memref_squeeze %dma_wait3A_79 : memref<1x128xi32, #tpu.memory_space<vmem>> -> memref<128xi32, #tpu.memory_space<vmem>>
      %dma_wait3A_81 = tpu.memref_slice %arg4[%mul3A_78] : memref<640000xi32, #tpu.memory_space<hbm>> -> memref<128xi32, #tpu.memory_space<hbm>>
      %dma_wait3A_82 = tpu.memref_slice %arg12[%rem3A_71] : memref<2x!tpu.dma_semaphore, #tpu.memory_space<semaphore_mem>> -> memref<1x!tpu.dma_semaphore, #tpu.memory_space<semaphore_mem>>
      %dma_wait3A_83 = tpu.memref_squeeze %dma_wait3A_82 : memref<1x!tpu.dma_semaphore, #tpu.memory_space<semaphore_mem>> -> memref<!tpu.dma_semaphore, #tpu.memory_space<semaphore_mem>>
      %dma_wait3A_84 = arith.constant 0 : i32
      %dma_wait3A_85 = tpu.memref_slice %arg8[%rem3A_71, %dma_wait3A_84] : memref<2x128xi32, #tpu.memory_space<vmem>> -> memref<1x128xi32, #tpu.memory_space<vmem>>
      %dma_wait3A_86 = tpu.memref_squeeze %dma_wait3A_85 : memref<1x128xi32, #tpu.memory_space<vmem>> -> memref<128xi32, #tpu.memory_space<vmem>>
      %dma_wait3A_87 = tpu.memref_slice %arg4[%mul3A_78] : memref<640000xi32, #tpu.memory_space<hbm>> -> memref<128xi32, #tpu.memory_space<hbm>>
      tpu.wait_dma2 semaphore(%dma_wait3A_83 : memref<!tpu.dma_semaphore, #tpu.memory_space<semaphore_mem>>) src(%dma_wait3A_87 : memref<128xi32, #tpu.memory_space<hbm>>) dst(%dma_wait3A_86 : memref<128xi32, #tpu.memory_space<vmem>>)
      %add3A_88 = arith.constant 1 : i32
      %add3A_89 = arith.addi %add3A_69, %add3A_88 : i32
      %lt3A = arith.cmpi slt, %add3A_89, %select_n3A : i32
      %convert_element_type3A = arith.extui %lt3A : i1 to i32
      %cond3A = arith.constant 0 : i32
      %cond3A_90 = arith.cmpi ne, %convert_element_type3A, %cond3A : i32
      scf.if %cond3A_90 {
        %add3A_232 = arith.constant 1 : i32
        %add3A_233 = arith.addi %add3A_69, %add3A_232 : i32
        %sub3A_234 = arith.constant 1 : i32
        %sub3A_235 = arith.subi %sub3A_234, %rem3A_71 : i32
        %add3A_236 = arith.constant 1250 : i32
        %add3A_237 = arith.addi %add3A_236, %add3A : i32
        %mul3A_238 = arith.constant 32 : i32
        %mul3A_239 = arith.muli %add3A_233, %mul3A_238 : i32
        %add3A_240 = arith.addi %add3A_237, %mul3A_239 : i32
        %mul3A_241 = arith.constant 128 : i32
        %mul3A_242 = arith.muli %add3A_240, %mul3A_241 : i32
        %dma_start3A_243 = arith.constant 0 : i32
        %dma_start3A_244 = tpu.memref_slice %arg8[%sub3A_235, %dma_start3A_243] : memref<2x128xi32, #tpu.memory_space<vmem>> -> memref<1x128xi32, #tpu.memory_space<vmem>>
        %dma_start3A_245 = tpu.memref_squeeze %dma_start3A_244 : memref<1x128xi32, #tpu.memory_space<vmem>> -> memref<128xi32, #tpu.memory_space<vmem>>
        %dma_start3A_246 = tpu.memref_slice %arg4[%mul3A_242] : memref<640000xi32, #tpu.memory_space<hbm>> -> memref<128xi32, #tpu.memory_space<hbm>>
        %dma_start3A_247 = tpu.memref_slice %arg12[%sub3A_235] : memref<2x!tpu.dma_semaphore, #tpu.memory_space<semaphore_mem>> -> memref<1x!tpu.dma_semaphore, #tpu.memory_space<semaphore_mem>>
        %dma_start3A_248 = tpu.memref_squeeze %dma_start3A_247 : memref<1x!tpu.dma_semaphore, #tpu.memory_space<semaphore_mem>> -> memref<!tpu.dma_semaphore, #tpu.memory_space<semaphore_mem>>
        %dma_start3A_249 = arith.constant 0 : i32
        %dma_start3A_250 = tpu.memref_slice %arg8[%sub3A_235, %dma_start3A_249] : memref<2x128xi32, #tpu.memory_space<vmem>> -> memref<1x128xi32, #tpu.memory_space<vmem>>
        %dma_start3A_251 = tpu.memref_squeeze %dma_start3A_250 : memref<1x128xi32, #tpu.memory_space<vmem>> -> memref<128xi32, #tpu.memory_space<vmem>>
        %dma_start3A_252 = tpu.memref_slice %arg4[%mul3A_242] : memref<640000xi32, #tpu.memory_space<hbm>> -> memref<128xi32, #tpu.memory_space<hbm>>
        tpu.enqueue_dma source(%dma_start3A_252 : memref<128xi32, #tpu.memory_space<hbm>>) target(%dma_start3A_251 : memref<128xi32, #tpu.memory_space<vmem>>) target_semaphore(%dma_start3A_248 : memref<!tpu.dma_semaphore, #tpu.memory_space<semaphore_mem>>)
      } else {
      }
      %ge3A = arith.constant 2 : i32
      %ge3A_91 = arith.cmpi sge, %add3A_69, %ge3A : i32
      %convert_element_type3A_92 = arith.extui %ge3A_91 : i1 to i32
      %cond3A_93 = arith.constant 0 : i32
      %cond3A_94 = arith.cmpi ne, %convert_element_type3A_92, %cond3A_93 : i32
      scf.if %cond3A_94 {
        %sub3A_232 = arith.constant 1250 : i32
        %sub3A_233 = arith.subi %add3A_76, %sub3A_232 : i32
        %sub3A_234 = arith.constant 64 : i32
        %sub3A_235 = arith.subi %sub3A_233, %sub3A_234 : i32
        %mul3A_236 = arith.constant 128 : i32
        %mul3A_237 = arith.muli %sub3A_235, %mul3A_236 : i32
        %sub3A_238 = arith.constant 1250 : i32
        %sub3A_239 = arith.subi %add3A_76, %sub3A_238 : i32
        %sub3A_240 = arith.constant 64 : i32
        %sub3A_241 = arith.subi %sub3A_239, %sub3A_240 : i32
        %mul3A_242 = arith.constant 128 : i32
        %mul3A_243 = arith.muli %sub3A_241, %mul3A_242 : i32
        %mul3A_244 = arith.constant 16 : i32
        %mul3A_245 = arith.muli %mul3A_243, %mul3A_244 : i32
        %dma_wait3A_246 = arith.constant 0 : i32
        %dma_wait3A_247 = arith.constant 0 : i32
        %dma_wait3A_248 = tpu.memref_slice %arg9[%rem3A_71, %dma_wait3A_246, %dma_wait3A_247] : memref<2x128x128xf32, #tpu.memory_space<vmem>> -> memref<1x128x128xf32, #tpu.memory_space<vmem>>
        %dma_wait3A_249 = tpu.memref_squeeze %dma_wait3A_248 : memref<1x128x128xf32, #tpu.memory_space<vmem>> -> memref<128x128xf32, #tpu.memory_space<vmem>>
        %dma_wait3A_250 = arith.constant 0 : i32
        %dma_wait3A_251 = tpu.memref_slice %arg5[%mul3A_237, %dma_wait3A_250] : memref<160000x128xf32, #tpu.memory_space<hbm>> -> memref<128x128xf32, #tpu.memory_space<hbm>>
        %dma_wait3A_252 = tpu.memref_slice %arg14[%rem3A_71] : memref<2x!tpu.dma_semaphore, #tpu.memory_space<semaphore_mem>> -> memref<1x!tpu.dma_semaphore, #tpu.memory_space<semaphore_mem>>
        %dma_wait3A_253 = tpu.memref_squeeze %dma_wait3A_252 : memref<1x!tpu.dma_semaphore, #tpu.memory_space<semaphore_mem>> -> memref<!tpu.dma_semaphore, #tpu.memory_space<semaphore_mem>>
        %dma_wait3A_254 = arith.constant 0 : i32
        %dma_wait3A_255 = tpu.memref_slice %arg5[%mul3A_237, %dma_wait3A_254] : memref<160000x128xf32, #tpu.memory_space<hbm>> -> memref<128x128xf32, #tpu.memory_space<hbm>>
        %dma_wait3A_256 = arith.constant 0 : i32
        %dma_wait3A_257 = arith.constant 0 : i32
        %dma_wait3A_258 = tpu.memref_slice %arg9[%rem3A_71, %dma_wait3A_256, %dma_wait3A_257] : memref<2x128x128xf32, #tpu.memory_space<vmem>> -> memref<1x128x128xf32, #tpu.memory_space<vmem>>
        %dma_wait3A_259 = tpu.memref_squeeze %dma_wait3A_258 : memref<1x128x128xf32, #tpu.memory_space<vmem>> -> memref<128x128xf32, #tpu.memory_space<vmem>>
        tpu.wait_dma2 semaphore(%dma_wait3A_253 : memref<!tpu.dma_semaphore, #tpu.memory_space<semaphore_mem>>) src(%dma_wait3A_259 : memref<128x128xf32, #tpu.memory_space<vmem>>) dst(%dma_wait3A_255 : memref<128x128xf32, #tpu.memory_space<hbm>>)
        %dma_wait3A_260 = arith.constant 0 : i32
        %dma_wait3A_261 = tpu.memref_slice %arg10[%rem3A_71, %dma_wait3A_260] : memref<2x2048xf32, #tpu.memory_space<vmem>> -> memref<1x2048xf32, #tpu.memory_space<vmem>>
        %dma_wait3A_262 = tpu.memref_squeeze %dma_wait3A_261 : memref<1x2048xf32, #tpu.memory_space<vmem>> -> memref<2048xf32, #tpu.memory_space<vmem>>
        %dma_wait3A_263 = tpu.memref_slice %arg6[%mul3A_245] : memref<2560000xf32, #tpu.memory_space<hbm>> -> memref<2048xf32, #tpu.memory_space<hbm>>
        %dma_wait3A_264 = tpu.memref_slice %arg15[%rem3A_71] : memref<2x!tpu.dma_semaphore, #tpu.memory_space<semaphore_mem>> -> memref<1x!tpu.dma_semaphore, #tpu.memory_space<semaphore_mem>>
        %dma_wait3A_265 = tpu.memref_squeeze %dma_wait3A_264 : memref<1x!tpu.dma_semaphore, #tpu.memory_space<semaphore_mem>> -> memref<!tpu.dma_semaphore, #tpu.memory_space<semaphore_mem>>
        %dma_wait3A_266 = tpu.memref_slice %arg6[%mul3A_245] : memref<2560000xf32, #tpu.memory_space<hbm>> -> memref<2048xf32, #tpu.memory_space<hbm>>
        %dma_wait3A_267 = arith.constant 0 : i32
        %dma_wait3A_268 = tpu.memref_slice %arg10[%rem3A_71, %dma_wait3A_267] : memref<2x2048xf32, #tpu.memory_space<vmem>> -> memref<1x2048xf32, #tpu.memory_space<vmem>>
        %dma_wait3A_269 = tpu.memref_squeeze %dma_wait3A_268 : memref<1x2048xf32, #tpu.memory_space<vmem>> -> memref<2048xf32, #tpu.memory_space<vmem>>
        tpu.wait_dma2 semaphore(%dma_wait3A_265 : memref<!tpu.dma_semaphore, #tpu.memory_space<semaphore_mem>>) src(%dma_wait3A_269 : memref<2048xf32, #tpu.memory_space<vmem>>) dst(%dma_wait3A_266 : memref<2048xf32, #tpu.memory_space<hbm>>)
      } else {
      }
      %dma_start3A_95 = arith.constant 0 : i32
      %dma_start3A_96 = arith.constant 0 : i32
      %dma_start3A_97 = tpu.memref_slice %arg9[%rem3A_71, %dma_start3A_95, %dma_start3A_96] : memref<2x128x128xf32, #tpu.memory_space<vmem>> -> memref<1x128x128xf32, #tpu.memory_space<vmem>>
      %dma_start3A_98 = tpu.memref_squeeze %dma_start3A_97 : memref<1x128x128xf32, #tpu.memory_space<vmem>> -> memref<128x128xf32, #tpu.memory_space<vmem>>
      %dma_start3A_99 = arith.constant 0 : i32
      %dma_start3A_100 = tpu.memref_slice %arg8[%rem3A_71, %dma_start3A_99] : memref<2x128xi32, #tpu.memory_space<vmem>> -> memref<1x128xi32, #tpu.memory_space<vmem>>
      %dma_start3A_101 = tpu.memref_squeeze %dma_start3A_100 : memref<1x128xi32, #tpu.memory_space<vmem>> -> memref<128xi32, #tpu.memory_space<vmem>>
      %dma_start3A_102 = arith.constant 0 : i32
      %dma_start3A_103 = arith.constant 0 : i32
      %dma_start3A_104 = tpu.memref_slice %arg7[%dma_start3A_102, %dma_start3A_103] : memref<10240x128xf32, #tpu.memory_space<vmem_shared>> -> memref<10240x128xf32, #tpu.memory_space<vmem_shared>>
      %dma_start3A_105 = tpu.memref_slice %arg13[%rem3A_71] : memref<2x!tpu.dma_semaphore, #tpu.memory_space<semaphore_mem>> -> memref<1x!tpu.dma_semaphore, #tpu.memory_space<semaphore_mem>>
      %dma_start3A_106 = tpu.memref_squeeze %dma_start3A_105 : memref<1x!tpu.dma_semaphore, #tpu.memory_space<semaphore_mem>> -> memref<!tpu.dma_semaphore, #tpu.memory_space<semaphore_mem>>
      tpu.enqueue_indirect_dma source(%dma_start3A_104 : memref<10240x128xf32, #tpu.memory_space<vmem_shared>>) target(%dma_start3A_98 : memref<128x128xf32, #tpu.memory_space<vmem>>) offsets(%dma_start3A_101 : memref<128xi32, #tpu.memory_space<vmem>>) semaphore(%dma_start3A_106 : memref<!tpu.dma_semaphore, #tpu.memory_space<semaphore_mem>>)
      %broadcast_in_dim3A_107 = vector.broadcast %rem3A_71 : i32 to vector<16xi32>
      %get3A = arith.index_cast %rem3A_71 : i32 to index
      %get3A_108 = arith.constant 0 : index
      %get3A_109 = tpu.vector_load %arg8[%get3A, %get3A_108] {strides = array<i32>} : memref<2x128xi32, #tpu.memory_space<vmem>>, vector<16xi32>,
      %gather3A = tpu.vector_load_idx %arg11[%get3A_109] : memref<10240xf32, #tpu.memory_space<vmem>>[vector<16xi32>], vector<16xf32>,
      %add3A_110 = arith.constant 0 : i32
      %add3A_111 = vector.broadcast %add3A_110 : i32 to vector<16xi32>
      %add3A_112 = arith.addi %iota3A, %add3A_111 : vector<16xi32>
      %mul3A_113 = arith.constant 16 : i32
      %mul3A_114 = vector.broadcast %mul3A_113 : i32 to vector<16xi32>
      %mul3A_115 = arith.muli %add3A_112, %mul3A_114 : vector<16xi32>
      tpu.vector_store_idx %arg10[%broadcast_in_dim3A_107, %mul3A_115], %gather3A : memref<2x2048xf32, #tpu.memory_space<vmem>>[vector<16xi32>, vector<16xi32>], vector<16xf32>,
      %get3A_116 = arith.index_cast %rem3A_71 : i32 to index
      %get3A_117 = arith.constant 16 : index
      %get3A_118 = tpu.vector_load %arg8[%get3A_116, %get3A_117] {strides = array<i32>} : memref<2x128xi32, #tpu.memory_space<vmem>>, vector<16xi32>,
      %gather3A_119 = tpu.vector_load_idx %arg11[%get3A_118] : memref<10240xf32, #tpu.memory_space<vmem>>[vector<16xi32>], vector<16xf32>,
      %add3A_120 = arith.constant 16 : i32
      %add3A_121 = vector.broadcast %add3A_120 : i32 to vector<16xi32>
      %add3A_122 = arith.addi %iota3A, %add3A_121 : vector<16xi32>
      %mul3A_123 = arith.constant 16 : i32
      %mul3A_124 = vector.broadcast %mul3A_123 : i32 to vector<16xi32>
      %mul3A_125 = arith.muli %add3A_122, %mul3A_124 : vector<16xi32>
      tpu.vector_store_idx %arg10[%broadcast_in_dim3A_107, %mul3A_125], %gather3A_119 : memref<2x2048xf32, #tpu.memory_space<vmem>>[vector<16xi32>, vector<16xi32>], vector<16xf32>,
      %get3A_126 = arith.index_cast %rem3A_71 : i32 to index
      %get3A_127 = arith.constant 32 : index
      %get3A_128 = tpu.vector_load %arg8[%get3A_126, %get3A_127] {strides = array<i32>} : memref<2x128xi32, #tpu.memory_space<vmem>>, vector<16xi32>,
      %gather3A_129 = tpu.vector_load_idx %arg11[%get3A_128] : memref<10240xf32, #tpu.memory_space<vmem>>[vector<16xi32>], vector<16xf32>,
      %add3A_130 = arith.constant 32 : i32
      %add3A_131 = vector.broadcast %add3A_130 : i32 to vector<16xi32>
      %add3A_132 = arith.addi %iota3A, %add3A_131 : vector<16xi32>
      %mul3A_133 = arith.constant 16 : i32
      %mul3A_134 = vector.broadcast %mul3A_133 : i32 to vector<16xi32>
      %mul3A_135 = arith.muli %add3A_132, %mul3A_134 : vector<16xi32>
      tpu.vector_store_idx %arg10[%broadcast_in_dim3A_107, %mul3A_135], %gather3A_129 : memref<2x2048xf32, #tpu.memory_space<vmem>>[vector<16xi32>, vector<16xi32>], vector<16xf32>,
      %get3A_136 = arith.index_cast %rem3A_71 : i32 to index
      %get3A_137 = arith.constant 48 : index
      %get3A_138 = tpu.vector_load %arg8[%get3A_136, %get3A_137] {strides = array<i32>} : memref<2x128xi32, #tpu.memory_space<vmem>>, vector<16xi32>,
      %gather3A_139 = tpu.vector_load_idx %arg11[%get3A_138] : memref<10240xf32, #tpu.memory_space<vmem>>[vector<16xi32>], vector<16xf32>,
      %add3A_140 = arith.constant 48 : i32
      %add3A_141 = vector.broadcast %add3A_140 : i32 to vector<16xi32>
      %add3A_142 = arith.addi %iota3A, %add3A_141 : vector<16xi32>
      %mul3A_143 = arith.constant 16 : i32
      %mul3A_144 = vector.broadcast %mul3A_143 : i32 to vector<16xi32>
      %mul3A_145 = arith.muli %add3A_142, %mul3A_144 : vector<16xi32>
      tpu.vector_store_idx %arg10[%broadcast_in_dim3A_107, %mul3A_145], %gather3A_139 : memref<2x2048xf32, #tpu.memory_space<vmem>>[vector<16xi32>, vector<16xi32>], vector<16xf32>,
      %get3A_146 = arith.index_cast %rem3A_71 : i32 to index
      %get3A_147 = arith.constant 64 : index
      %get3A_148 = tpu.vector_load %arg8[%get3A_146, %get3A_147] {strides = array<i32>} : memref<2x128xi32, #tpu.memory_space<vmem>>, vector<16xi32>,
      %gather3A_149 = tpu.vector_load_idx %arg11[%get3A_148] : memref<10240xf32, #tpu.memory_space<vmem>>[vector<16xi32>], vector<16xf32>,
      %add3A_150 = arith.constant 64 : i32
      %add3A_151 = vector.broadcast %add3A_150 : i32 to vector<16xi32>
      %add3A_152 = arith.addi %iota3A, %add3A_151 : vector<16xi32>
      %mul3A_153 = arith.constant 16 : i32
      %mul3A_154 = vector.broadcast %mul3A_153 : i32 to vector<16xi32>
      %mul3A_155 = arith.muli %add3A_152, %mul3A_154 : vector<16xi32>
      tpu.vector_store_idx %arg10[%broadcast_in_dim3A_107, %mul3A_155], %gather3A_149 : memref<2x2048xf32, #tpu.memory_space<vmem>>[vector<16xi32>, vector<16xi32>], vector<16xf32>,
      %get3A_156 = arith.index_cast %rem3A_71 : i32 to index
      %get3A_157 = arith.constant 80 : index
      %get3A_158 = tpu.vector_load %arg8[%get3A_156, %get3A_157] {strides = array<i32>} : memref<2x128xi32, #tpu.memory_space<vmem>>, vector<16xi32>,
      %gather3A_159 = tpu.vector_load_idx %arg11[%get3A_158] : memref<10240xf32, #tpu.memory_space<vmem>>[vector<16xi32>], vector<16xf32>,
      %add3A_160 = arith.constant 80 : i32
      %add3A_161 = vector.broadcast %add3A_160 : i32 to vector<16xi32>
      %add3A_162 = arith.addi %iota3A, %add3A_161 : vector<16xi32>
      %mul3A_163 = arith.constant 16 : i32
      %mul3A_164 = vector.broadcast %mul3A_163 : i32 to vector<16xi32>
      %mul3A_165 = arith.muli %add3A_162, %mul3A_164 : vector<16xi32>
      tpu.vector_store_idx %arg10[%broadcast_in_dim3A_107, %mul3A_165], %gather3A_159 : memref<2x2048xf32, #tpu.memory_space<vmem>>[vector<16xi32>, vector<16xi32>], vector<16xf32>,
      %get3A_166 = arith.index_cast %rem3A_71 : i32 to index
      %get3A_167 = arith.constant 96 : index
      %get3A_168 = tpu.vector_load %arg8[%get3A_166, %get3A_167] {strides = array<i32>} : memref<2x128xi32, #tpu.memory_space<vmem>>, vector<16xi32>,
      %gather3A_169 = tpu.vector_load_idx %arg11[%get3A_168] : memref<10240xf32, #tpu.memory_space<vmem>>[vector<16xi32>], vector<16xf32>,
      %add3A_170 = arith.constant 96 : i32
      %add3A_171 = vector.broadcast %add3A_170 : i32 to vector<16xi32>
      %add3A_172 = arith.addi %iota3A, %add3A_171 : vector<16xi32>
      %mul3A_173 = arith.constant 16 : i32
      %mul3A_174 = vector.broadcast %mul3A_173 : i32 to vector<16xi32>
      %mul3A_175 = arith.muli %add3A_172, %mul3A_174 : vector<16xi32>
      tpu.vector_store_idx %arg10[%broadcast_in_dim3A_107, %mul3A_175], %gather3A_169 : memref<2x2048xf32, #tpu.memory_space<vmem>>[vector<16xi32>, vector<16xi32>], vector<16xf32>,
      %get3A_176 = arith.index_cast %rem3A_71 : i32 to index
      %get3A_177 = arith.constant 112 : index
      %get3A_178 = tpu.vector_load %arg8[%get3A_176, %get3A_177] {strides = array<i32>} : memref<2x128xi32, #tpu.memory_space<vmem>>, vector<16xi32>,
      %gather3A_179 = tpu.vector_load_idx %arg11[%get3A_178] : memref<10240xf32, #tpu.memory_space<vmem>>[vector<16xi32>], vector<16xf32>,
      %add3A_180 = arith.constant 112 : i32
      %add3A_181 = vector.broadcast %add3A_180 : i32 to vector<16xi32>
      %add3A_182 = arith.addi %iota3A, %add3A_181 : vector<16xi32>
      %mul3A_183 = arith.constant 16 : i32
      %mul3A_184 = vector.broadcast %mul3A_183 : i32 to vector<16xi32>
      %mul3A_185 = arith.muli %add3A_182, %mul3A_184 : vector<16xi32>
      tpu.vector_store_idx %arg10[%broadcast_in_dim3A_107, %mul3A_185], %gather3A_179 : memref<2x2048xf32, #tpu.memory_space<vmem>>[vector<16xi32>, vector<16xi32>], vector<16xf32>,
      %dma_wait3A_186 = arith.constant 0 : i32
      %dma_wait3A_187 = arith.constant 0 : i32
      %dma_wait3A_188 = tpu.memref_slice %arg9[%rem3A_71, %dma_wait3A_186, %dma_wait3A_187] : memref<2x128x128xf32, #tpu.memory_space<vmem>> -> memref<1x128x128xf32, #tpu.memory_space<vmem>>
      %dma_wait3A_189 = tpu.memref_squeeze %dma_wait3A_188 : memref<1x128x128xf32, #tpu.memory_space<vmem>> -> memref<128x128xf32, #tpu.memory_space<vmem>>
      %dma_wait3A_190 = arith.constant 0 : i32
      %dma_wait3A_191 = tpu.memref_slice %arg8[%rem3A_71, %dma_wait3A_190] : memref<2x128xi32, #tpu.memory_space<vmem>> -> memref<1x128xi32, #tpu.memory_space<vmem>>
      %dma_wait3A_192 = tpu.memref_squeeze %dma_wait3A_191 : memref<1x128xi32, #tpu.memory_space<vmem>> -> memref<128xi32, #tpu.memory_space<vmem>>
      %dma_wait3A_193 = arith.constant 0 : i32
      %dma_wait3A_194 = arith.constant 0 : i32
      %dma_wait3A_195 = tpu.memref_slice %arg7[%dma_wait3A_193, %dma_wait3A_194] : memref<10240x128xf32, #tpu.memory_space<vmem_shared>> -> memref<10240x128xf32, #tpu.memory_space<vmem_shared>>
      %dma_wait3A_196 = tpu.memref_slice %arg13[%rem3A_71] : memref<2x!tpu.dma_semaphore, #tpu.memory_space<semaphore_mem>> -> memref<1x!tpu.dma_semaphore, #tpu.memory_space<semaphore_mem>>
      %dma_wait3A_197 = tpu.memref_squeeze %dma_wait3A_196 : memref<1x!tpu.dma_semaphore, #tpu.memory_space<semaphore_mem>> -> memref<!tpu.dma_semaphore, #tpu.memory_space<semaphore_mem>>
      tpu.wait_indirect_dma semaphore(%dma_wait3A_197 : memref<!tpu.dma_semaphore, #tpu.memory_space<semaphore_mem>>) src(%dma_wait3A_195 : memref<10240x128xf32, #tpu.memory_space<vmem_shared>>) dst(%dma_wait3A_189 : memref<128x128xf32, #tpu.memory_space<vmem>>)
      %sub3A_198 = arith.constant 1250 : i32
      %sub3A_199 = arith.subi %add3A_76, %sub3A_198 : i32
      %mul3A_200 = arith.constant 128 : i32
      %mul3A_201 = arith.muli %sub3A_199, %mul3A_200 : i32
      %dma_start3A_202 = arith.constant 0 : i32
      %dma_start3A_203 = arith.constant 0 : i32
      %dma_start3A_204 = tpu.memref_slice %arg9[%rem3A_71, %dma_start3A_202, %dma_start3A_203] : memref<2x128x128xf32, #tpu.memory_space<vmem>> -> memref<1x128x128xf32, #tpu.memory_space<vmem>>
      %dma_start3A_205 = tpu.memref_squeeze %dma_start3A_204 : memref<1x128x128xf32, #tpu.memory_space<vmem>> -> memref<128x128xf32, #tpu.memory_space<vmem>>
      %dma_start3A_206 = arith.constant 0 : i32
      %dma_start3A_207 = tpu.memref_slice %arg5[%mul3A_201, %dma_start3A_206] : memref<160000x128xf32, #tpu.memory_space<hbm>> -> memref<128x128xf32, #tpu.memory_space<hbm>>
      %dma_start3A_208 = tpu.memref_slice %arg14[%rem3A_71] : memref<2x!tpu.dma_semaphore, #tpu.memory_space<semaphore_mem>> -> memref<1x!tpu.dma_semaphore, #tpu.memory_space<semaphore_mem>>
      %dma_start3A_209 = tpu.memref_squeeze %dma_start3A_208 : memref<1x!tpu.dma_semaphore, #tpu.memory_space<semaphore_mem>> -> memref<!tpu.dma_semaphore, #tpu.memory_space<semaphore_mem>>
      %dma_start3A_210 = arith.constant 0 : i32
      %dma_start3A_211 = tpu.memref_slice %arg5[%mul3A_201, %dma_start3A_210] : memref<160000x128xf32, #tpu.memory_space<hbm>> -> memref<128x128xf32, #tpu.memory_space<hbm>>
      %dma_start3A_212 = arith.constant 0 : i32
      %dma_start3A_213 = arith.constant 0 : i32
      %dma_start3A_214 = tpu.memref_slice %arg9[%rem3A_71, %dma_start3A_212, %dma_start3A_213] : memref<2x128x128xf32, #tpu.memory_space<vmem>> -> memref<1x128x128xf32, #tpu.memory_space<vmem>>
      %dma_start3A_215 = tpu.memref_squeeze %dma_start3A_214 : memref<1x128x128xf32, #tpu.memory_space<vmem>> -> memref<128x128xf32, #tpu.memory_space<vmem>>
      tpu.enqueue_dma source(%dma_start3A_215 : memref<128x128xf32, #tpu.memory_space<vmem>>) target(%dma_start3A_211 : memref<128x128xf32, #tpu.memory_space<hbm>>) target_semaphore(%dma_start3A_209 : memref<!tpu.dma_semaphore, #tpu.memory_space<semaphore_mem>>)
      %sub3A_216 = arith.constant 1250 : i32
      %sub3A_217 = arith.subi %add3A_76, %sub3A_216 : i32
      %mul3A_218 = arith.constant 128 : i32
      %mul3A_219 = arith.muli %sub3A_217, %mul3A_218 : i32
      %mul3A_220 = arith.constant 16 : i32
      %mul3A_221 = arith.muli %mul3A_219, %mul3A_220 : i32
      %dma_start3A_222 = arith.constant 0 : i32
      %dma_start3A_223 = tpu.memref_slice %arg10[%rem3A_71, %dma_start3A_222] : memref<2x2048xf32, #tpu.memory_space<vmem>> -> memref<1x2048xf32, #tpu.memory_space<vmem>>
      %dma_start3A_224 = tpu.memref_squeeze %dma_start3A_223 : memref<1x2048xf32, #tpu.memory_space<vmem>> -> memref<2048xf32, #tpu.memory_space<vmem>>
      %dma_start3A_225 = tpu.memref_slice %arg6[%mul3A_221] : memref<2560000xf32, #tpu.memory_space<hbm>> -> memref<2048xf32, #tpu.memory_space<hbm>>
      %dma_start3A_226 = tpu.memref_slice %arg15[%rem3A_71] : memref<2x!tpu.dma_semaphore, #tpu.memory_space<semaphore_mem>> -> memref<1x!tpu.dma_semaphore, #tpu.memory_space<semaphore_mem>>
      %dma_start3A_227 = tpu.memref_squeeze %dma_start3A_226 : memref<1x!tpu.dma_semaphore, #tpu.memory_space<semaphore_mem>> -> memref<!tpu.dma_semaphore, #tpu.memory_space<semaphore_mem>>
      %dma_start3A_228 = tpu.memref_slice %arg6[%mul3A_221] : memref<2560000xf32, #tpu.memory_space<hbm>> -> memref<2048xf32, #tpu.memory_space<hbm>>
      %dma_start3A_229 = arith.constant 0 : i32
      %dma_start3A_230 = tpu.memref_slice %arg10[%rem3A_71, %dma_start3A_229] : memref<2x2048xf32, #tpu.memory_space<vmem>> -> memref<1x2048xf32, #tpu.memory_space<vmem>>
      %dma_start3A_231 = tpu.memref_squeeze %dma_start3A_230 : memref<1x2048xf32, #tpu.memory_space<vmem>> -> memref<2048xf32, #tpu.memory_space<vmem>>
      tpu.enqueue_dma source(%dma_start3A_231 : memref<2048xf32, #tpu.memory_space<vmem>>) target(%dma_start3A_228 : memref<2048xf32, #tpu.memory_space<hbm>>) target_semaphore(%dma_start3A_227 : memref<!tpu.dma_semaphore, #tpu.memory_space<semaphore_mem>>)
    }
    %scan3A = arith.constant 0 : i32
    %scan3A_63 = arith.constant 2 : i32
    %scan3A_64 = arith.addi %scan3A, %scan3A_63 : i32
    %scan3A_65 = arith.constant 1 : i32
    scf.for %scan3A_67 = %scan3A to %scan3A_64 step %scan3A_65  : i32 {
      %mul3A_68 = arith.constant 1 : i32
      %mul3A_69 = arith.muli %scan3A_67, %mul3A_68 : i32
      %add3A_70 = arith.constant 0 : i32
      %add3A_71 = arith.addi %add3A_70, %mul3A_69 : i32
      %dma_wait3A = arith.constant 0 : i32
      %dma_wait3A_72 = arith.constant 0 : i32
      %dma_wait3A_73 = tpu.memref_slice %arg9[%add3A_71, %dma_wait3A, %dma_wait3A_72] : memref<2x128x128xf32, #tpu.memory_space<vmem>> -> memref<1x128x128xf32, #tpu.memory_space<vmem>>
      %dma_wait3A_74 = tpu.memref_squeeze %dma_wait3A_73 : memref<1x128x128xf32, #tpu.memory_space<vmem>> -> memref<128x128xf32, #tpu.memory_space<vmem>>
      %dma_wait3A_75 = arith.constant 0 : i32
      %dma_wait3A_76 = arith.constant 0 : i32
      %dma_wait3A_77 = tpu.memref_slice %arg5[%dma_wait3A_75, %dma_wait3A_76] : memref<160000x128xf32, #tpu.memory_space<hbm>> -> memref<128x128xf32, #tpu.memory_space<hbm>>
      %dma_wait3A_78 = tpu.memref_slice %arg14[%add3A_71] : memref<2x!tpu.dma_semaphore, #tpu.memory_space<semaphore_mem>> -> memref<1x!tpu.dma_semaphore, #tpu.memory_space<semaphore_mem>>
      %dma_wait3A_79 = tpu.memref_squeeze %dma_wait3A_78 : memref<1x!tpu.dma_semaphore, #tpu.memory_space<semaphore_mem>> -> memref<!tpu.dma_semaphore, #tpu.memory_space<semaphore_mem>>
      %dma_wait3A_80 = arith.constant 0 : i32
      %dma_wait3A_81 = arith.constant 0 : i32
      %dma_wait3A_82 = tpu.memref_slice %arg5[%dma_wait3A_80, %dma_wait3A_81] : memref<160000x128xf32, #tpu.memory_space<hbm>> -> memref<128x128xf32, #tpu.memory_space<hbm>>
      %dma_wait3A_83 = arith.constant 0 : i32
      %dma_wait3A_84 = arith.constant 0 : i32
      %dma_wait3A_85 = tpu.memref_slice %arg9[%add3A_71, %dma_wait3A_83, %dma_wait3A_84] : memref<2x128x128xf32, #tpu.memory_space<vmem>> -> memref<1x128x128xf32, #tpu.memory_space<vmem>>
      %dma_wait3A_86 = tpu.memref_squeeze %dma_wait3A_85 : memref<1x128x128xf32, #tpu.memory_space<vmem>> -> memref<128x128xf32, #tpu.memory_space<vmem>>
      tpu.wait_dma2 semaphore(%dma_wait3A_79 : memref<!tpu.dma_semaphore, #tpu.memory_space<semaphore_mem>>) src(%dma_wait3A_86 : memref<128x128xf32, #tpu.memory_space<vmem>>) dst(%dma_wait3A_82 : memref<128x128xf32, #tpu.memory_space<hbm>>)
      %dma_wait3A_87 = arith.constant 0 : i32
      %dma_wait3A_88 = tpu.memref_slice %arg10[%add3A_71, %dma_wait3A_87] : memref<2x2048xf32, #tpu.memory_space<vmem>> -> memref<1x2048xf32, #tpu.memory_space<vmem>>
      %dma_wait3A_89 = tpu.memref_squeeze %dma_wait3A_88 : memref<1x2048xf32, #tpu.memory_space<vmem>> -> memref<2048xf32, #tpu.memory_space<vmem>>
      %dma_wait3A_90 = arith.constant 0 : i32
      %dma_wait3A_91 = tpu.memref_slice %arg6[%dma_wait3A_90] : memref<2560000xf32, #tpu.memory_space<hbm>> -> memref<2048xf32, #tpu.memory_space<hbm>>
      %dma_wait3A_92 = tpu.memref_slice %arg15[%add3A_71] : memref<2x!tpu.dma_semaphore, #tpu.memory_space<semaphore_mem>> -> memref<1x!tpu.dma_semaphore, #tpu.memory_space<semaphore_mem>>
      %dma_wait3A_93 = tpu.memref_squeeze %dma_wait3A_92 : memref<1x!tpu.dma_semaphore, #tpu.memory_space<semaphore_mem>> -> memref<!tpu.dma_semaphore, #tpu.memory_space<semaphore_mem>>
      %dma_wait3A_94 = arith.constant 0 : i32
      %dma_wait3A_95 = tpu.memref_slice %arg6[%dma_wait3A_94] : memref<2560000xf32, #tpu.memory_space<hbm>> -> memref<2048xf32, #tpu.memory_space<hbm>>
      %dma_wait3A_96 = arith.constant 0 : i32
      %dma_wait3A_97 = tpu.memref_slice %arg10[%add3A_71, %dma_wait3A_96] : memref<2x2048xf32, #tpu.memory_space<vmem>> -> memref<1x2048xf32, #tpu.memory_space<vmem>>
      %dma_wait3A_98 = tpu.memref_squeeze %dma_wait3A_97 : memref<1x2048xf32, #tpu.memory_space<vmem>> -> memref<2048xf32, #tpu.memory_space<vmem>>
      tpu.wait_dma2 semaphore(%dma_wait3A_93 : memref<!tpu.dma_semaphore, #tpu.memory_space<semaphore_mem>>) src(%dma_wait3A_98 : memref<2048xf32, #tpu.memory_space<vmem>>) dst(%dma_wait3A_95 : memref<2048xf32, #tpu.memory_space<hbm>>)
    }
    %scan3A_66 = arith.constant 2 : i32
    return
  }
}

#map = affine_map<(d0, d1) -> (0, 0)>
#map1 = affine_map<(d0, d1) -> (0)>
module attributes {stable_mosaic.version = 14 : i64} {
  func.func @_k3_body(%arg0: i32, %arg1: i32, %arg2: memref<10240x128xf32, #tpu.memory_space<hbm>>, %arg3: memref<10240xf32, #tpu.memory_space<hbm>>, %arg4: memref<640000xi32, #tpu.memory_space<hbm>>, %arg5: memref<160000x128xf32, #tpu.memory_space<hbm>>, %arg6: memref<2560000xf32, #tpu.memory_space<hbm>>, %arg7: memref<10240x128xf32, #tpu.memory_space<vmem_shared>>, %arg8: memref<2x128xi32, #tpu.memory_space<vmem>>, %arg9: memref<2x128x128xf32, #tpu.memory_space<vmem>>, %arg10: memref<2x2048xf32, #tpu.memory_space<vmem>>, %arg11: memref<10240xf32, #tpu.memory_space<vmem>>, %arg12: memref<2x!tpu.dma_semaphore, #tpu.memory_space<semaphore_mem>>, %arg13: memref<2x!tpu.dma_semaphore, #tpu.memory_space<semaphore_mem>>, %arg14: memref<2x!tpu.dma_semaphore, #tpu.memory_space<semaphore_mem>>, %arg15: memref<2x!tpu.dma_semaphore, #tpu.memory_space<semaphore_mem>>) attributes {dimension_semantics = [#tpu.dimension_semantics<core_parallel>, #tpu.dimension_semantics<subcore_parallel>], iteration_bounds = array<i64: 2, 16>, scalar_prefetch = 0 : i64, scratch_operands = 9 : i64, tpu.core_type = #tpu.core_type<sc_vector_subcore>, window_params = [{transform_indices = #map}, {transform_indices = #map1}, {transform_indices = #map1}, {transform_indices = #map}, {transform_indices = #map1}]} {
    %mul3A = arith.constant 2 : i32
    %mul3A_0 = arith.muli %arg1, %mul3A : i32
    %add3A = arith.addi %mul3A_0, %arg0 : i32
    %mul3A_1 = arith.constant 640 : i32
    %mul3A_2 = arith.muli %arg1, %mul3A_1 : i32
    %mul3A_3 = arith.constant 640 : i32
    %mul3A_4 = arith.muli %arg1, %mul3A_3 : i32
    "tpu.region"() ({
      %run_scoped3A = tpu.sem_alloc : memref<!tpu.dma_semaphore, #tpu.memory_space<semaphore_mem>>
      %dma_start3A_67 = arith.constant 0 : i32
      %dma_start3A_68 = tpu.memref_slice %arg7[%mul3A_4, %dma_start3A_67] : memref<10240x128xf32, #tpu.memory_space<vmem_shared>> -> memref<640x128xf32, #tpu.memory_space<vmem_shared>>
      %dma_start3A_69 = arith.constant 0 : i32
      %dma_start3A_70 = tpu.memref_slice %arg2[%mul3A_2, %dma_start3A_69] : memref<10240x128xf32, #tpu.memory_space<hbm>> -> memref<640x128xf32, #tpu.memory_space<hbm>>
      tpu.enqueue_dma source(%dma_start3A_70 : memref<640x128xf32, #tpu.memory_space<hbm>>) target(%dma_start3A_68 : memref<640x128xf32, #tpu.memory_space<vmem_shared>>) target_semaphore(%run_scoped3A : memref<!tpu.dma_semaphore, #tpu.memory_space<semaphore_mem>>)
      %dma_wait3A = arith.constant 0 : i32
      %dma_wait3A_71 = tpu.memref_slice %arg7[%mul3A_4, %dma_wait3A] : memref<10240x128xf32, #tpu.memory_space<vmem_shared>> -> memref<640x128xf32, #tpu.memory_space<vmem_shared>>
      %dma_wait3A_72 = arith.constant 0 : i32
      %dma_wait3A_73 = tpu.memref_slice %arg2[%mul3A_2, %dma_wait3A_72] : memref<10240x128xf32, #tpu.memory_space<hbm>> -> memref<640x128xf32, #tpu.memory_space<hbm>>
      tpu.wait_dma2 semaphore(%run_scoped3A : memref<!tpu.dma_semaphore, #tpu.memory_space<semaphore_mem>>) src(%dma_wait3A_73 : memref<640x128xf32, #tpu.memory_space<hbm>>) dst(%dma_wait3A_71 : memref<640x128xf32, #tpu.memory_space<vmem_shared>>)
      tpu.yield
    }) : () -> ()
    "tpu.region"() ({
      %run_scoped3A = tpu.sem_alloc : memref<!tpu.dma_semaphore, #tpu.memory_space<semaphore_mem>>
      tpu.enqueue_dma source(%arg3 : memref<10240xf32, #tpu.memory_space<hbm>>) target(%arg11 : memref<10240xf32, #tpu.memory_space<vmem>>) target_semaphore(%run_scoped3A : memref<!tpu.dma_semaphore, #tpu.memory_space<semaphore_mem>>)
      tpu.wait_dma2 semaphore(%run_scoped3A : memref<!tpu.dma_semaphore, #tpu.memory_space<semaphore_mem>>) src(%arg3 : memref<10240xf32, #tpu.memory_space<hbm>>) dst(%arg11 : memref<10240xf32, #tpu.memory_space<vmem>>)
      tpu.yield
    }) : () -> ()
    %barrier3A = arith.constant 0 : index
    tpu.barrier barrier_id(%barrier3A)
    %iota3A = tpu.iota {dimensions = array<i32: 0>} : vector<16xi32>
    %broadcast_in_dim3A = arith.constant 0 : i32
    %broadcast_in_dim3A_5 = vector.broadcast %broadcast_in_dim3A : i32 to vector<16xi32>
    %sub3A = arith.constant 1250 : i32
    %sub3A_6 = arith.subi %sub3A, %add3A : i32
    %add3A_7 = arith.constant 32 : i32
    %add3A_8 = arith.addi %sub3A_6, %add3A_7 : i32
    %sub3A_9 = arith.constant 1 : i32
    %sub3A_10 = arith.subi %add3A_8, %sub3A_9 : i32
    %jit3A = arith.constant 32 : i32
    %div3A = arith.divsi %sub3A_10, %jit3A : i32
    %sign3A = arith.constant 0 : i32
    %sign3A_11 = arith.cmpi sgt, %sub3A_10, %sign3A : i32
    %sign3A_12 = arith.extui %sign3A_11 : i1 to i32
    %sign3A_13 = arith.constant 0 : i32
    %sign3A_14 = arith.cmpi slt, %sub3A_10, %sign3A_13 : i32
    %sign3A_15 = arith.extui %sign3A_14 : i1 to i32
    %sign3A_16 = arith.subi %sign3A_12, %sign3A_15 : i32
    %sign3A_17 = arith.constant 0 : i32
    %sign3A_18 = arith.cmpi sgt, %jit3A, %sign3A_17 : i32
    %sign3A_19 = arith.extui %sign3A_18 : i1 to i32
    %sign3A_20 = arith.constant 0 : i32
    %sign3A_21 = arith.cmpi slt, %jit3A, %sign3A_20 : i32
    %sign3A_22 = arith.extui %sign3A_21 : i1 to i32
    %sign3A_23 = arith.subi %sign3A_19, %sign3A_22 : i32
    %ne3A = arith.cmpi ne, %sign3A_16, %sign3A_23 : i32
    %rem3A = arith.remsi %sub3A_10, %jit3A : i32
    %ne3A_24 = arith.constant 0 : i32
    %ne3A_25 = arith.cmpi ne, %rem3A, %ne3A_24 : i32
    %and3A = arith.andi %ne3A, %ne3A_25 : i1
    %sub3A_26 = arith.constant 1 : i32
    %sub3A_27 = arith.subi %div3A, %sub3A_26 : i32
    %select_n3A = arith.select %and3A, %sub3A_27, %div3A : i32
    %add3A_28 = arith.constant 3750 : i32
    %add3A_29 = arith.addi %add3A_28, %add3A : i32
    %add3A_30 = arith.constant 0 : i32
    %add3A_31 = arith.addi %add3A_29, %add3A_30 : i32
    %mul3A_32 = arith.constant 128 : i32
    %mul3A_33 = arith.muli %add3A_31, %mul3A_32 : i32
    %dma_start3A = arith.constant 0 : i32
    %dma_start3A_34 = arith.constant 0 : i32
    %dma_start3A_35 = arith.constant 0 : i32
    %dma_start3A_36 = tpu.memref_slice %arg8[%dma_start3A, %dma_start3A_35] : memref<2x128xi32, #tpu.memory_space<vmem>> -> memref<1x128xi32, #tpu.memory_space<vmem>>
    %dma_start3A_37 = tpu.memref_squeeze %dma_start3A_36 : memref<1x128xi32, #tpu.memory_space<vmem>> -> memref<128xi32, #tpu.memory_space<vmem>>
    %dma_start3A_38 = tpu.memref_slice %arg4[%mul3A_33] : memref<640000xi32, #tpu.memory_space<hbm>> -> memref<128xi32, #tpu.memory_space<hbm>>
    %dma_start3A_39 = tpu.memref_slice %arg12[%dma_start3A_34] : memref<2x!tpu.dma_semaphore, #tpu.memory_space<semaphore_mem>> -> memref<1x!tpu.dma_semaphore, #tpu.memory_space<semaphore_mem>>
    %dma_start3A_40 = tpu.memref_squeeze %dma_start3A_39 : memref<1x!tpu.dma_semaphore, #tpu.memory_space<semaphore_mem>> -> memref<!tpu.dma_semaphore, #tpu.memory_space<semaphore_mem>>
    %dma_start3A_41 = arith.constant 0 : i32
    %dma_start3A_42 = tpu.memref_slice %arg8[%dma_start3A, %dma_start3A_41] : memref<2x128xi32, #tpu.memory_space<vmem>> -> memref<1x128xi32, #tpu.memory_space<vmem>>
    %dma_start3A_43 = tpu.memref_squeeze %dma_start3A_42 : memref<1x128xi32, #tpu.memory_space<vmem>> -> memref<128xi32, #tpu.memory_space<vmem>>
    %dma_start3A_44 = tpu.memref_slice %arg4[%mul3A_33] : memref<640000xi32, #tpu.memory_space<hbm>> -> memref<128xi32, #tpu.memory_space<hbm>>
    tpu.enqueue_dma source(%dma_start3A_44 : memref<128xi32, #tpu.memory_space<hbm>>) target(%dma_start3A_43 : memref<128xi32, #tpu.memory_space<vmem>>) target_semaphore(%dma_start3A_40 : memref<!tpu.dma_semaphore, #tpu.memory_space<semaphore_mem>>)
    %sub3A_45 = arith.constant 0 : i32
    %sub3A_46 = arith.subi %select_n3A, %sub3A_45 : i32
    %sub3A_47 = arith.constant 1 : i32
    %sub3A_48 = arith.constant 1 : i32
    %sub3A_49 = arith.subi %sub3A_47, %sub3A_48 : i32
    %add3A_50 = arith.addi %sub3A_46, %sub3A_49 : i32
    %div3A_51 = arith.constant 1 : i32
    %div3A_52 = arith.divsi %add3A_50, %div3A_51 : i32
    %while3A = arith.constant 1 : i32
    %while3A_53 = arith.constant 0 : i32
    %while3A_54 = arith.constant 0 : i32
    %while3A_55 = arith.subi %div3A_52, %while3A_54 : i32
    %while3A_56 = arith.addi %while3A_54, %while3A_55 : i32
    %while3A_57 = arith.constant 1 : i32
    %while3A_58 = arith.divsi %while3A_55, %while3A_57 : i32
    %while3A_59 = arith.muli %while3A_58, %while3A_57 : i32
    %while3A_60 = arith.addi %while3A_54, %while3A_59 : i32
    %while3A_61 = arith.constant 1 : i32
    scf.for %while3A_67 = %while3A_54 to %while3A_60 step %while3A_61  : i32 {
      %mul3A_68 = arith.muli %while3A_67, %while3A : i32
      %add3A_69 = arith.addi %while3A_53, %mul3A_68 : i32
      %rem3A_70 = arith.constant 2 : i32
      %rem3A_71 = arith.remsi %add3A_69, %rem3A_70 : i32
      %add3A_72 = arith.constant 3750 : i32
      %add3A_73 = arith.addi %add3A_72, %add3A : i32
      %mul3A_74 = arith.constant 32 : i32
      %mul3A_75 = arith.muli %add3A_69, %mul3A_74 : i32
      %add3A_76 = arith.addi %add3A_73, %mul3A_75 : i32
      %mul3A_77 = arith.constant 128 : i32
      %mul3A_78 = arith.muli %add3A_76, %mul3A_77 : i32
      %dma_wait3A = arith.constant 0 : i32
      %dma_wait3A_79 = tpu.memref_slice %arg8[%rem3A_71, %dma_wait3A] : memref<2x128xi32, #tpu.memory_space<vmem>> -> memref<1x128xi32, #tpu.memory_space<vmem>>
      %dma_wait3A_80 = tpu.memref_squeeze %dma_wait3A_79 : memref<1x128xi32, #tpu.memory_space<vmem>> -> memref<128xi32, #tpu.memory_space<vmem>>
      %dma_wait3A_81 = tpu.memref_slice %arg4[%mul3A_78] : memref<640000xi32, #tpu.memory_space<hbm>> -> memref<128xi32, #tpu.memory_space<hbm>>
      %dma_wait3A_82 = tpu.memref_slice %arg12[%rem3A_71] : memref<2x!tpu.dma_semaphore, #tpu.memory_space<semaphore_mem>> -> memref<1x!tpu.dma_semaphore, #tpu.memory_space<semaphore_mem>>
      %dma_wait3A_83 = tpu.memref_squeeze %dma_wait3A_82 : memref<1x!tpu.dma_semaphore, #tpu.memory_space<semaphore_mem>> -> memref<!tpu.dma_semaphore, #tpu.memory_space<semaphore_mem>>
      %dma_wait3A_84 = arith.constant 0 : i32
      %dma_wait3A_85 = tpu.memref_slice %arg8[%rem3A_71, %dma_wait3A_84] : memref<2x128xi32, #tpu.memory_space<vmem>> -> memref<1x128xi32, #tpu.memory_space<vmem>>
      %dma_wait3A_86 = tpu.memref_squeeze %dma_wait3A_85 : memref<1x128xi32, #tpu.memory_space<vmem>> -> memref<128xi32, #tpu.memory_space<vmem>>
      %dma_wait3A_87 = tpu.memref_slice %arg4[%mul3A_78] : memref<640000xi32, #tpu.memory_space<hbm>> -> memref<128xi32, #tpu.memory_space<hbm>>
      tpu.wait_dma2 semaphore(%dma_wait3A_83 : memref<!tpu.dma_semaphore, #tpu.memory_space<semaphore_mem>>) src(%dma_wait3A_87 : memref<128xi32, #tpu.memory_space<hbm>>) dst(%dma_wait3A_86 : memref<128xi32, #tpu.memory_space<vmem>>)
      %add3A_88 = arith.constant 1 : i32
      %add3A_89 = arith.addi %add3A_69, %add3A_88 : i32
      %lt3A = arith.cmpi slt, %add3A_89, %select_n3A : i32
      %convert_element_type3A = arith.extui %lt3A : i1 to i32
      %cond3A = arith.constant 0 : i32
      %cond3A_90 = arith.cmpi ne, %convert_element_type3A, %cond3A : i32
      scf.if %cond3A_90 {
        %add3A_232 = arith.constant 1 : i32
        %add3A_233 = arith.addi %add3A_69, %add3A_232 : i32
        %sub3A_234 = arith.constant 1 : i32
        %sub3A_235 = arith.subi %sub3A_234, %rem3A_71 : i32
        %add3A_236 = arith.constant 3750 : i32
        %add3A_237 = arith.addi %add3A_236, %add3A : i32
        %mul3A_238 = arith.constant 32 : i32
        %mul3A_239 = arith.muli %add3A_233, %mul3A_238 : i32
        %add3A_240 = arith.addi %add3A_237, %mul3A_239 : i32
        %mul3A_241 = arith.constant 128 : i32
        %mul3A_242 = arith.muli %add3A_240, %mul3A_241 : i32
        %dma_start3A_243 = arith.constant 0 : i32
        %dma_start3A_244 = tpu.memref_slice %arg8[%sub3A_235, %dma_start3A_243] : memref<2x128xi32, #tpu.memory_space<vmem>> -> memref<1x128xi32, #tpu.memory_space<vmem>>
        %dma_start3A_245 = tpu.memref_squeeze %dma_start3A_244 : memref<1x128xi32, #tpu.memory_space<vmem>> -> memref<128xi32, #tpu.memory_space<vmem>>
        %dma_start3A_246 = tpu.memref_slice %arg4[%mul3A_242] : memref<640000xi32, #tpu.memory_space<hbm>> -> memref<128xi32, #tpu.memory_space<hbm>>
        %dma_start3A_247 = tpu.memref_slice %arg12[%sub3A_235] : memref<2x!tpu.dma_semaphore, #tpu.memory_space<semaphore_mem>> -> memref<1x!tpu.dma_semaphore, #tpu.memory_space<semaphore_mem>>
        %dma_start3A_248 = tpu.memref_squeeze %dma_start3A_247 : memref<1x!tpu.dma_semaphore, #tpu.memory_space<semaphore_mem>> -> memref<!tpu.dma_semaphore, #tpu.memory_space<semaphore_mem>>
        %dma_start3A_249 = arith.constant 0 : i32
        %dma_start3A_250 = tpu.memref_slice %arg8[%sub3A_235, %dma_start3A_249] : memref<2x128xi32, #tpu.memory_space<vmem>> -> memref<1x128xi32, #tpu.memory_space<vmem>>
        %dma_start3A_251 = tpu.memref_squeeze %dma_start3A_250 : memref<1x128xi32, #tpu.memory_space<vmem>> -> memref<128xi32, #tpu.memory_space<vmem>>
        %dma_start3A_252 = tpu.memref_slice %arg4[%mul3A_242] : memref<640000xi32, #tpu.memory_space<hbm>> -> memref<128xi32, #tpu.memory_space<hbm>>
        tpu.enqueue_dma source(%dma_start3A_252 : memref<128xi32, #tpu.memory_space<hbm>>) target(%dma_start3A_251 : memref<128xi32, #tpu.memory_space<vmem>>) target_semaphore(%dma_start3A_248 : memref<!tpu.dma_semaphore, #tpu.memory_space<semaphore_mem>>)
      } else {
      }
      %ge3A = arith.constant 2 : i32
      %ge3A_91 = arith.cmpi sge, %add3A_69, %ge3A : i32
      %convert_element_type3A_92 = arith.extui %ge3A_91 : i1 to i32
      %cond3A_93 = arith.constant 0 : i32
      %cond3A_94 = arith.cmpi ne, %convert_element_type3A_92, %cond3A_93 : i32
      scf.if %cond3A_94 {
        %sub3A_232 = arith.constant 3750 : i32
        %sub3A_233 = arith.subi %add3A_76, %sub3A_232 : i32
        %sub3A_234 = arith.constant 64 : i32
        %sub3A_235 = arith.subi %sub3A_233, %sub3A_234 : i32
        %mul3A_236 = arith.constant 128 : i32
        %mul3A_237 = arith.muli %sub3A_235, %mul3A_236 : i32
        %sub3A_238 = arith.constant 3750 : i32
        %sub3A_239 = arith.subi %add3A_76, %sub3A_238 : i32
        %sub3A_240 = arith.constant 64 : i32
        %sub3A_241 = arith.subi %sub3A_239, %sub3A_240 : i32
        %mul3A_242 = arith.constant 128 : i32
        %mul3A_243 = arith.muli %sub3A_241, %mul3A_242 : i32
        %mul3A_244 = arith.constant 16 : i32
        %mul3A_245 = arith.muli %mul3A_243, %mul3A_244 : i32
        %dma_wait3A_246 = arith.constant 0 : i32
        %dma_wait3A_247 = arith.constant 0 : i32
        %dma_wait3A_248 = tpu.memref_slice %arg9[%rem3A_71, %dma_wait3A_246, %dma_wait3A_247] : memref<2x128x128xf32, #tpu.memory_space<vmem>> -> memref<1x128x128xf32, #tpu.memory_space<vmem>>
        %dma_wait3A_249 = tpu.memref_squeeze %dma_wait3A_248 : memref<1x128x128xf32, #tpu.memory_space<vmem>> -> memref<128x128xf32, #tpu.memory_space<vmem>>
        %dma_wait3A_250 = arith.constant 0 : i32
        %dma_wait3A_251 = tpu.memref_slice %arg5[%mul3A_237, %dma_wait3A_250] : memref<160000x128xf32, #tpu.memory_space<hbm>> -> memref<128x128xf32, #tpu.memory_space<hbm>>
        %dma_wait3A_252 = tpu.memref_slice %arg14[%rem3A_71] : memref<2x!tpu.dma_semaphore, #tpu.memory_space<semaphore_mem>> -> memref<1x!tpu.dma_semaphore, #tpu.memory_space<semaphore_mem>>
        %dma_wait3A_253 = tpu.memref_squeeze %dma_wait3A_252 : memref<1x!tpu.dma_semaphore, #tpu.memory_space<semaphore_mem>> -> memref<!tpu.dma_semaphore, #tpu.memory_space<semaphore_mem>>
        %dma_wait3A_254 = arith.constant 0 : i32
        %dma_wait3A_255 = tpu.memref_slice %arg5[%mul3A_237, %dma_wait3A_254] : memref<160000x128xf32, #tpu.memory_space<hbm>> -> memref<128x128xf32, #tpu.memory_space<hbm>>
        %dma_wait3A_256 = arith.constant 0 : i32
        %dma_wait3A_257 = arith.constant 0 : i32
        %dma_wait3A_258 = tpu.memref_slice %arg9[%rem3A_71, %dma_wait3A_256, %dma_wait3A_257] : memref<2x128x128xf32, #tpu.memory_space<vmem>> -> memref<1x128x128xf32, #tpu.memory_space<vmem>>
        %dma_wait3A_259 = tpu.memref_squeeze %dma_wait3A_258 : memref<1x128x128xf32, #tpu.memory_space<vmem>> -> memref<128x128xf32, #tpu.memory_space<vmem>>
        tpu.wait_dma2 semaphore(%dma_wait3A_253 : memref<!tpu.dma_semaphore, #tpu.memory_space<semaphore_mem>>) src(%dma_wait3A_259 : memref<128x128xf32, #tpu.memory_space<vmem>>) dst(%dma_wait3A_255 : memref<128x128xf32, #tpu.memory_space<hbm>>)
        %dma_wait3A_260 = arith.constant 0 : i32
        %dma_wait3A_261 = tpu.memref_slice %arg10[%rem3A_71, %dma_wait3A_260] : memref<2x2048xf32, #tpu.memory_space<vmem>> -> memref<1x2048xf32, #tpu.memory_space<vmem>>
        %dma_wait3A_262 = tpu.memref_squeeze %dma_wait3A_261 : memref<1x2048xf32, #tpu.memory_space<vmem>> -> memref<2048xf32, #tpu.memory_space<vmem>>
        %dma_wait3A_263 = tpu.memref_slice %arg6[%mul3A_245] : memref<2560000xf32, #tpu.memory_space<hbm>> -> memref<2048xf32, #tpu.memory_space<hbm>>
        %dma_wait3A_264 = tpu.memref_slice %arg15[%rem3A_71] : memref<2x!tpu.dma_semaphore, #tpu.memory_space<semaphore_mem>> -> memref<1x!tpu.dma_semaphore, #tpu.memory_space<semaphore_mem>>
        %dma_wait3A_265 = tpu.memref_squeeze %dma_wait3A_264 : memref<1x!tpu.dma_semaphore, #tpu.memory_space<semaphore_mem>> -> memref<!tpu.dma_semaphore, #tpu.memory_space<semaphore_mem>>
        %dma_wait3A_266 = tpu.memref_slice %arg6[%mul3A_245] : memref<2560000xf32, #tpu.memory_space<hbm>> -> memref<2048xf32, #tpu.memory_space<hbm>>
        %dma_wait3A_267 = arith.constant 0 : i32
        %dma_wait3A_268 = tpu.memref_slice %arg10[%rem3A_71, %dma_wait3A_267] : memref<2x2048xf32, #tpu.memory_space<vmem>> -> memref<1x2048xf32, #tpu.memory_space<vmem>>
        %dma_wait3A_269 = tpu.memref_squeeze %dma_wait3A_268 : memref<1x2048xf32, #tpu.memory_space<vmem>> -> memref<2048xf32, #tpu.memory_space<vmem>>
        tpu.wait_dma2 semaphore(%dma_wait3A_265 : memref<!tpu.dma_semaphore, #tpu.memory_space<semaphore_mem>>) src(%dma_wait3A_269 : memref<2048xf32, #tpu.memory_space<vmem>>) dst(%dma_wait3A_266 : memref<2048xf32, #tpu.memory_space<hbm>>)
      } else {
      }
      %dma_start3A_95 = arith.constant 0 : i32
      %dma_start3A_96 = arith.constant 0 : i32
      %dma_start3A_97 = tpu.memref_slice %arg9[%rem3A_71, %dma_start3A_95, %dma_start3A_96] : memref<2x128x128xf32, #tpu.memory_space<vmem>> -> memref<1x128x128xf32, #tpu.memory_space<vmem>>
      %dma_start3A_98 = tpu.memref_squeeze %dma_start3A_97 : memref<1x128x128xf32, #tpu.memory_space<vmem>> -> memref<128x128xf32, #tpu.memory_space<vmem>>
      %dma_start3A_99 = arith.constant 0 : i32
      %dma_start3A_100 = tpu.memref_slice %arg8[%rem3A_71, %dma_start3A_99] : memref<2x128xi32, #tpu.memory_space<vmem>> -> memref<1x128xi32, #tpu.memory_space<vmem>>
      %dma_start3A_101 = tpu.memref_squeeze %dma_start3A_100 : memref<1x128xi32, #tpu.memory_space<vmem>> -> memref<128xi32, #tpu.memory_space<vmem>>
      %dma_start3A_102 = arith.constant 0 : i32
      %dma_start3A_103 = arith.constant 0 : i32
      %dma_start3A_104 = tpu.memref_slice %arg7[%dma_start3A_102, %dma_start3A_103] : memref<10240x128xf32, #tpu.memory_space<vmem_shared>> -> memref<10240x128xf32, #tpu.memory_space<vmem_shared>>
      %dma_start3A_105 = tpu.memref_slice %arg13[%rem3A_71] : memref<2x!tpu.dma_semaphore, #tpu.memory_space<semaphore_mem>> -> memref<1x!tpu.dma_semaphore, #tpu.memory_space<semaphore_mem>>
      %dma_start3A_106 = tpu.memref_squeeze %dma_start3A_105 : memref<1x!tpu.dma_semaphore, #tpu.memory_space<semaphore_mem>> -> memref<!tpu.dma_semaphore, #tpu.memory_space<semaphore_mem>>
      tpu.enqueue_indirect_dma source(%dma_start3A_104 : memref<10240x128xf32, #tpu.memory_space<vmem_shared>>) target(%dma_start3A_98 : memref<128x128xf32, #tpu.memory_space<vmem>>) offsets(%dma_start3A_101 : memref<128xi32, #tpu.memory_space<vmem>>) semaphore(%dma_start3A_106 : memref<!tpu.dma_semaphore, #tpu.memory_space<semaphore_mem>>)
      %broadcast_in_dim3A_107 = vector.broadcast %rem3A_71 : i32 to vector<16xi32>
      %get3A = arith.index_cast %rem3A_71 : i32 to index
      %get3A_108 = arith.constant 0 : index
      %get3A_109 = tpu.vector_load %arg8[%get3A, %get3A_108] {strides = array<i32>} : memref<2x128xi32, #tpu.memory_space<vmem>>, vector<16xi32>,
      %gather3A = tpu.vector_load_idx %arg11[%get3A_109] : memref<10240xf32, #tpu.memory_space<vmem>>[vector<16xi32>], vector<16xf32>,
      %add3A_110 = arith.constant 0 : i32
      %add3A_111 = vector.broadcast %add3A_110 : i32 to vector<16xi32>
      %add3A_112 = arith.addi %iota3A, %add3A_111 : vector<16xi32>
      %mul3A_113 = arith.constant 16 : i32
      %mul3A_114 = vector.broadcast %mul3A_113 : i32 to vector<16xi32>
      %mul3A_115 = arith.muli %add3A_112, %mul3A_114 : vector<16xi32>
      tpu.vector_store_idx %arg10[%broadcast_in_dim3A_107, %mul3A_115], %gather3A : memref<2x2048xf32, #tpu.memory_space<vmem>>[vector<16xi32>, vector<16xi32>], vector<16xf32>,
      %get3A_116 = arith.index_cast %rem3A_71 : i32 to index
      %get3A_117 = arith.constant 16 : index
      %get3A_118 = tpu.vector_load %arg8[%get3A_116, %get3A_117] {strides = array<i32>} : memref<2x128xi32, #tpu.memory_space<vmem>>, vector<16xi32>,
      %gather3A_119 = tpu.vector_load_idx %arg11[%get3A_118] : memref<10240xf32, #tpu.memory_space<vmem>>[vector<16xi32>], vector<16xf32>,
      %add3A_120 = arith.constant 16 : i32
      %add3A_121 = vector.broadcast %add3A_120 : i32 to vector<16xi32>
      %add3A_122 = arith.addi %iota3A, %add3A_121 : vector<16xi32>
      %mul3A_123 = arith.constant 16 : i32
      %mul3A_124 = vector.broadcast %mul3A_123 : i32 to vector<16xi32>
      %mul3A_125 = arith.muli %add3A_122, %mul3A_124 : vector<16xi32>
      tpu.vector_store_idx %arg10[%broadcast_in_dim3A_107, %mul3A_125], %gather3A_119 : memref<2x2048xf32, #tpu.memory_space<vmem>>[vector<16xi32>, vector<16xi32>], vector<16xf32>,
      %get3A_126 = arith.index_cast %rem3A_71 : i32 to index
      %get3A_127 = arith.constant 32 : index
      %get3A_128 = tpu.vector_load %arg8[%get3A_126, %get3A_127] {strides = array<i32>} : memref<2x128xi32, #tpu.memory_space<vmem>>, vector<16xi32>,
      %gather3A_129 = tpu.vector_load_idx %arg11[%get3A_128] : memref<10240xf32, #tpu.memory_space<vmem>>[vector<16xi32>], vector<16xf32>,
      %add3A_130 = arith.constant 32 : i32
      %add3A_131 = vector.broadcast %add3A_130 : i32 to vector<16xi32>
      %add3A_132 = arith.addi %iota3A, %add3A_131 : vector<16xi32>
      %mul3A_133 = arith.constant 16 : i32
      %mul3A_134 = vector.broadcast %mul3A_133 : i32 to vector<16xi32>
      %mul3A_135 = arith.muli %add3A_132, %mul3A_134 : vector<16xi32>
      tpu.vector_store_idx %arg10[%broadcast_in_dim3A_107, %mul3A_135], %gather3A_129 : memref<2x2048xf32, #tpu.memory_space<vmem>>[vector<16xi32>, vector<16xi32>], vector<16xf32>,
      %get3A_136 = arith.index_cast %rem3A_71 : i32 to index
      %get3A_137 = arith.constant 48 : index
      %get3A_138 = tpu.vector_load %arg8[%get3A_136, %get3A_137] {strides = array<i32>} : memref<2x128xi32, #tpu.memory_space<vmem>>, vector<16xi32>,
      %gather3A_139 = tpu.vector_load_idx %arg11[%get3A_138] : memref<10240xf32, #tpu.memory_space<vmem>>[vector<16xi32>], vector<16xf32>,
      %add3A_140 = arith.constant 48 : i32
      %add3A_141 = vector.broadcast %add3A_140 : i32 to vector<16xi32>
      %add3A_142 = arith.addi %iota3A, %add3A_141 : vector<16xi32>
      %mul3A_143 = arith.constant 16 : i32
      %mul3A_144 = vector.broadcast %mul3A_143 : i32 to vector<16xi32>
      %mul3A_145 = arith.muli %add3A_142, %mul3A_144 : vector<16xi32>
      tpu.vector_store_idx %arg10[%broadcast_in_dim3A_107, %mul3A_145], %gather3A_139 : memref<2x2048xf32, #tpu.memory_space<vmem>>[vector<16xi32>, vector<16xi32>], vector<16xf32>,
      %get3A_146 = arith.index_cast %rem3A_71 : i32 to index
      %get3A_147 = arith.constant 64 : index
      %get3A_148 = tpu.vector_load %arg8[%get3A_146, %get3A_147] {strides = array<i32>} : memref<2x128xi32, #tpu.memory_space<vmem>>, vector<16xi32>,
      %gather3A_149 = tpu.vector_load_idx %arg11[%get3A_148] : memref<10240xf32, #tpu.memory_space<vmem>>[vector<16xi32>], vector<16xf32>,
      %add3A_150 = arith.constant 64 : i32
      %add3A_151 = vector.broadcast %add3A_150 : i32 to vector<16xi32>
      %add3A_152 = arith.addi %iota3A, %add3A_151 : vector<16xi32>
      %mul3A_153 = arith.constant 16 : i32
      %mul3A_154 = vector.broadcast %mul3A_153 : i32 to vector<16xi32>
      %mul3A_155 = arith.muli %add3A_152, %mul3A_154 : vector<16xi32>
      tpu.vector_store_idx %arg10[%broadcast_in_dim3A_107, %mul3A_155], %gather3A_149 : memref<2x2048xf32, #tpu.memory_space<vmem>>[vector<16xi32>, vector<16xi32>], vector<16xf32>,
      %get3A_156 = arith.index_cast %rem3A_71 : i32 to index
      %get3A_157 = arith.constant 80 : index
      %get3A_158 = tpu.vector_load %arg8[%get3A_156, %get3A_157] {strides = array<i32>} : memref<2x128xi32, #tpu.memory_space<vmem>>, vector<16xi32>,
      %gather3A_159 = tpu.vector_load_idx %arg11[%get3A_158] : memref<10240xf32, #tpu.memory_space<vmem>>[vector<16xi32>], vector<16xf32>,
      %add3A_160 = arith.constant 80 : i32
      %add3A_161 = vector.broadcast %add3A_160 : i32 to vector<16xi32>
      %add3A_162 = arith.addi %iota3A, %add3A_161 : vector<16xi32>
      %mul3A_163 = arith.constant 16 : i32
      %mul3A_164 = vector.broadcast %mul3A_163 : i32 to vector<16xi32>
      %mul3A_165 = arith.muli %add3A_162, %mul3A_164 : vector<16xi32>
      tpu.vector_store_idx %arg10[%broadcast_in_dim3A_107, %mul3A_165], %gather3A_159 : memref<2x2048xf32, #tpu.memory_space<vmem>>[vector<16xi32>, vector<16xi32>], vector<16xf32>,
      %get3A_166 = arith.index_cast %rem3A_71 : i32 to index
      %get3A_167 = arith.constant 96 : index
      %get3A_168 = tpu.vector_load %arg8[%get3A_166, %get3A_167] {strides = array<i32>} : memref<2x128xi32, #tpu.memory_space<vmem>>, vector<16xi32>,
      %gather3A_169 = tpu.vector_load_idx %arg11[%get3A_168] : memref<10240xf32, #tpu.memory_space<vmem>>[vector<16xi32>], vector<16xf32>,
      %add3A_170 = arith.constant 96 : i32
      %add3A_171 = vector.broadcast %add3A_170 : i32 to vector<16xi32>
      %add3A_172 = arith.addi %iota3A, %add3A_171 : vector<16xi32>
      %mul3A_173 = arith.constant 16 : i32
      %mul3A_174 = vector.broadcast %mul3A_173 : i32 to vector<16xi32>
      %mul3A_175 = arith.muli %add3A_172, %mul3A_174 : vector<16xi32>
      tpu.vector_store_idx %arg10[%broadcast_in_dim3A_107, %mul3A_175], %gather3A_169 : memref<2x2048xf32, #tpu.memory_space<vmem>>[vector<16xi32>, vector<16xi32>], vector<16xf32>,
      %get3A_176 = arith.index_cast %rem3A_71 : i32 to index
      %get3A_177 = arith.constant 112 : index
      %get3A_178 = tpu.vector_load %arg8[%get3A_176, %get3A_177] {strides = array<i32>} : memref<2x128xi32, #tpu.memory_space<vmem>>, vector<16xi32>,
      %gather3A_179 = tpu.vector_load_idx %arg11[%get3A_178] : memref<10240xf32, #tpu.memory_space<vmem>>[vector<16xi32>], vector<16xf32>,
      %add3A_180 = arith.constant 112 : i32
      %add3A_181 = vector.broadcast %add3A_180 : i32 to vector<16xi32>
      %add3A_182 = arith.addi %iota3A, %add3A_181 : vector<16xi32>
      %mul3A_183 = arith.constant 16 : i32
      %mul3A_184 = vector.broadcast %mul3A_183 : i32 to vector<16xi32>
      %mul3A_185 = arith.muli %add3A_182, %mul3A_184 : vector<16xi32>
      tpu.vector_store_idx %arg10[%broadcast_in_dim3A_107, %mul3A_185], %gather3A_179 : memref<2x2048xf32, #tpu.memory_space<vmem>>[vector<16xi32>, vector<16xi32>], vector<16xf32>,
      %dma_wait3A_186 = arith.constant 0 : i32
      %dma_wait3A_187 = arith.constant 0 : i32
      %dma_wait3A_188 = tpu.memref_slice %arg9[%rem3A_71, %dma_wait3A_186, %dma_wait3A_187] : memref<2x128x128xf32, #tpu.memory_space<vmem>> -> memref<1x128x128xf32, #tpu.memory_space<vmem>>
      %dma_wait3A_189 = tpu.memref_squeeze %dma_wait3A_188 : memref<1x128x128xf32, #tpu.memory_space<vmem>> -> memref<128x128xf32, #tpu.memory_space<vmem>>
      %dma_wait3A_190 = arith.constant 0 : i32
      %dma_wait3A_191 = tpu.memref_slice %arg8[%rem3A_71, %dma_wait3A_190] : memref<2x128xi32, #tpu.memory_space<vmem>> -> memref<1x128xi32, #tpu.memory_space<vmem>>
      %dma_wait3A_192 = tpu.memref_squeeze %dma_wait3A_191 : memref<1x128xi32, #tpu.memory_space<vmem>> -> memref<128xi32, #tpu.memory_space<vmem>>
      %dma_wait3A_193 = arith.constant 0 : i32
      %dma_wait3A_194 = arith.constant 0 : i32
      %dma_wait3A_195 = tpu.memref_slice %arg7[%dma_wait3A_193, %dma_wait3A_194] : memref<10240x128xf32, #tpu.memory_space<vmem_shared>> -> memref<10240x128xf32, #tpu.memory_space<vmem_shared>>
      %dma_wait3A_196 = tpu.memref_slice %arg13[%rem3A_71] : memref<2x!tpu.dma_semaphore, #tpu.memory_space<semaphore_mem>> -> memref<1x!tpu.dma_semaphore, #tpu.memory_space<semaphore_mem>>
      %dma_wait3A_197 = tpu.memref_squeeze %dma_wait3A_196 : memref<1x!tpu.dma_semaphore, #tpu.memory_space<semaphore_mem>> -> memref<!tpu.dma_semaphore, #tpu.memory_space<semaphore_mem>>
      tpu.wait_indirect_dma semaphore(%dma_wait3A_197 : memref<!tpu.dma_semaphore, #tpu.memory_space<semaphore_mem>>) src(%dma_wait3A_195 : memref<10240x128xf32, #tpu.memory_space<vmem_shared>>) dst(%dma_wait3A_189 : memref<128x128xf32, #tpu.memory_space<vmem>>)
      %sub3A_198 = arith.constant 3750 : i32
      %sub3A_199 = arith.subi %add3A_76, %sub3A_198 : i32
      %mul3A_200 = arith.constant 128 : i32
      %mul3A_201 = arith.muli %sub3A_199, %mul3A_200 : i32
      %dma_start3A_202 = arith.constant 0 : i32
      %dma_start3A_203 = arith.constant 0 : i32
      %dma_start3A_204 = tpu.memref_slice %arg9[%rem3A_71, %dma_start3A_202, %dma_start3A_203] : memref<2x128x128xf32, #tpu.memory_space<vmem>> -> memref<1x128x128xf32, #tpu.memory_space<vmem>>
      %dma_start3A_205 = tpu.memref_squeeze %dma_start3A_204 : memref<1x128x128xf32, #tpu.memory_space<vmem>> -> memref<128x128xf32, #tpu.memory_space<vmem>>
      %dma_start3A_206 = arith.constant 0 : i32
      %dma_start3A_207 = tpu.memref_slice %arg5[%mul3A_201, %dma_start3A_206] : memref<160000x128xf32, #tpu.memory_space<hbm>> -> memref<128x128xf32, #tpu.memory_space<hbm>>
      %dma_start3A_208 = tpu.memref_slice %arg14[%rem3A_71] : memref<2x!tpu.dma_semaphore, #tpu.memory_space<semaphore_mem>> -> memref<1x!tpu.dma_semaphore, #tpu.memory_space<semaphore_mem>>
      %dma_start3A_209 = tpu.memref_squeeze %dma_start3A_208 : memref<1x!tpu.dma_semaphore, #tpu.memory_space<semaphore_mem>> -> memref<!tpu.dma_semaphore, #tpu.memory_space<semaphore_mem>>
      %dma_start3A_210 = arith.constant 0 : i32
      %dma_start3A_211 = tpu.memref_slice %arg5[%mul3A_201, %dma_start3A_210] : memref<160000x128xf32, #tpu.memory_space<hbm>> -> memref<128x128xf32, #tpu.memory_space<hbm>>
      %dma_start3A_212 = arith.constant 0 : i32
      %dma_start3A_213 = arith.constant 0 : i32
      %dma_start3A_214 = tpu.memref_slice %arg9[%rem3A_71, %dma_start3A_212, %dma_start3A_213] : memref<2x128x128xf32, #tpu.memory_space<vmem>> -> memref<1x128x128xf32, #tpu.memory_space<vmem>>
      %dma_start3A_215 = tpu.memref_squeeze %dma_start3A_214 : memref<1x128x128xf32, #tpu.memory_space<vmem>> -> memref<128x128xf32, #tpu.memory_space<vmem>>
      tpu.enqueue_dma source(%dma_start3A_215 : memref<128x128xf32, #tpu.memory_space<vmem>>) target(%dma_start3A_211 : memref<128x128xf32, #tpu.memory_space<hbm>>) target_semaphore(%dma_start3A_209 : memref<!tpu.dma_semaphore, #tpu.memory_space<semaphore_mem>>)
      %sub3A_216 = arith.constant 3750 : i32
      %sub3A_217 = arith.subi %add3A_76, %sub3A_216 : i32
      %mul3A_218 = arith.constant 128 : i32
      %mul3A_219 = arith.muli %sub3A_217, %mul3A_218 : i32
      %mul3A_220 = arith.constant 16 : i32
      %mul3A_221 = arith.muli %mul3A_219, %mul3A_220 : i32
      %dma_start3A_222 = arith.constant 0 : i32
      %dma_start3A_223 = tpu.memref_slice %arg10[%rem3A_71, %dma_start3A_222] : memref<2x2048xf32, #tpu.memory_space<vmem>> -> memref<1x2048xf32, #tpu.memory_space<vmem>>
      %dma_start3A_224 = tpu.memref_squeeze %dma_start3A_223 : memref<1x2048xf32, #tpu.memory_space<vmem>> -> memref<2048xf32, #tpu.memory_space<vmem>>
      %dma_start3A_225 = tpu.memref_slice %arg6[%mul3A_221] : memref<2560000xf32, #tpu.memory_space<hbm>> -> memref<2048xf32, #tpu.memory_space<hbm>>
      %dma_start3A_226 = tpu.memref_slice %arg15[%rem3A_71] : memref<2x!tpu.dma_semaphore, #tpu.memory_space<semaphore_mem>> -> memref<1x!tpu.dma_semaphore, #tpu.memory_space<semaphore_mem>>
      %dma_start3A_227 = tpu.memref_squeeze %dma_start3A_226 : memref<1x!tpu.dma_semaphore, #tpu.memory_space<semaphore_mem>> -> memref<!tpu.dma_semaphore, #tpu.memory_space<semaphore_mem>>
      %dma_start3A_228 = tpu.memref_slice %arg6[%mul3A_221] : memref<2560000xf32, #tpu.memory_space<hbm>> -> memref<2048xf32, #tpu.memory_space<hbm>>
      %dma_start3A_229 = arith.constant 0 : i32
      %dma_start3A_230 = tpu.memref_slice %arg10[%rem3A_71, %dma_start3A_229] : memref<2x2048xf32, #tpu.memory_space<vmem>> -> memref<1x2048xf32, #tpu.memory_space<vmem>>
      %dma_start3A_231 = tpu.memref_squeeze %dma_start3A_230 : memref<1x2048xf32, #tpu.memory_space<vmem>> -> memref<2048xf32, #tpu.memory_space<vmem>>
      tpu.enqueue_dma source(%dma_start3A_231 : memref<2048xf32, #tpu.memory_space<vmem>>) target(%dma_start3A_228 : memref<2048xf32, #tpu.memory_space<hbm>>) target_semaphore(%dma_start3A_227 : memref<!tpu.dma_semaphore, #tpu.memory_space<semaphore_mem>>)
    }
    %while3A_62 = arith.constant 1 : i32
    scf.for %while3A_67 = %while3A_60 to %while3A_56 step %while3A_62  : i32 {
      %mul3A_68 = arith.muli %while3A_67, %while3A : i32
      %add3A_69 = arith.addi %while3A_53, %mul3A_68 : i32
      %rem3A_70 = arith.constant 2 : i32
      %rem3A_71 = arith.remsi %add3A_69, %rem3A_70 : i32
      %add3A_72 = arith.constant 3750 : i32
      %add3A_73 = arith.addi %add3A_72, %add3A : i32
      %mul3A_74 = arith.constant 32 : i32
      %mul3A_75 = arith.muli %add3A_69, %mul3A_74 : i32
      %add3A_76 = arith.addi %add3A_73, %mul3A_75 : i32
      %mul3A_77 = arith.constant 128 : i32
      %mul3A_78 = arith.muli %add3A_76, %mul3A_77 : i32
      %dma_wait3A = arith.constant 0 : i32
      %dma_wait3A_79 = tpu.memref_slice %arg8[%rem3A_71, %dma_wait3A] : memref<2x128xi32, #tpu.memory_space<vmem>> -> memref<1x128xi32, #tpu.memory_space<vmem>>
      %dma_wait3A_80 = tpu.memref_squeeze %dma_wait3A_79 : memref<1x128xi32, #tpu.memory_space<vmem>> -> memref<128xi32, #tpu.memory_space<vmem>>
      %dma_wait3A_81 = tpu.memref_slice %arg4[%mul3A_78] : memref<640000xi32, #tpu.memory_space<hbm>> -> memref<128xi32, #tpu.memory_space<hbm>>
      %dma_wait3A_82 = tpu.memref_slice %arg12[%rem3A_71] : memref<2x!tpu.dma_semaphore, #tpu.memory_space<semaphore_mem>> -> memref<1x!tpu.dma_semaphore, #tpu.memory_space<semaphore_mem>>
      %dma_wait3A_83 = tpu.memref_squeeze %dma_wait3A_82 : memref<1x!tpu.dma_semaphore, #tpu.memory_space<semaphore_mem>> -> memref<!tpu.dma_semaphore, #tpu.memory_space<semaphore_mem>>
      %dma_wait3A_84 = arith.constant 0 : i32
      %dma_wait3A_85 = tpu.memref_slice %arg8[%rem3A_71, %dma_wait3A_84] : memref<2x128xi32, #tpu.memory_space<vmem>> -> memref<1x128xi32, #tpu.memory_space<vmem>>
      %dma_wait3A_86 = tpu.memref_squeeze %dma_wait3A_85 : memref<1x128xi32, #tpu.memory_space<vmem>> -> memref<128xi32, #tpu.memory_space<vmem>>
      %dma_wait3A_87 = tpu.memref_slice %arg4[%mul3A_78] : memref<640000xi32, #tpu.memory_space<hbm>> -> memref<128xi32, #tpu.memory_space<hbm>>
      tpu.wait_dma2 semaphore(%dma_wait3A_83 : memref<!tpu.dma_semaphore, #tpu.memory_space<semaphore_mem>>) src(%dma_wait3A_87 : memref<128xi32, #tpu.memory_space<hbm>>) dst(%dma_wait3A_86 : memref<128xi32, #tpu.memory_space<vmem>>)
      %add3A_88 = arith.constant 1 : i32
      %add3A_89 = arith.addi %add3A_69, %add3A_88 : i32
      %lt3A = arith.cmpi slt, %add3A_89, %select_n3A : i32
      %convert_element_type3A = arith.extui %lt3A : i1 to i32
      %cond3A = arith.constant 0 : i32
      %cond3A_90 = arith.cmpi ne, %convert_element_type3A, %cond3A : i32
      scf.if %cond3A_90 {
        %add3A_232 = arith.constant 1 : i32
        %add3A_233 = arith.addi %add3A_69, %add3A_232 : i32
        %sub3A_234 = arith.constant 1 : i32
        %sub3A_235 = arith.subi %sub3A_234, %rem3A_71 : i32
        %add3A_236 = arith.constant 3750 : i32
        %add3A_237 = arith.addi %add3A_236, %add3A : i32
        %mul3A_238 = arith.constant 32 : i32
        %mul3A_239 = arith.muli %add3A_233, %mul3A_238 : i32
        %add3A_240 = arith.addi %add3A_237, %mul3A_239 : i32
        %mul3A_241 = arith.constant 128 : i32
        %mul3A_242 = arith.muli %add3A_240, %mul3A_241 : i32
        %dma_start3A_243 = arith.constant 0 : i32
        %dma_start3A_244 = tpu.memref_slice %arg8[%sub3A_235, %dma_start3A_243] : memref<2x128xi32, #tpu.memory_space<vmem>> -> memref<1x128xi32, #tpu.memory_space<vmem>>
        %dma_start3A_245 = tpu.memref_squeeze %dma_start3A_244 : memref<1x128xi32, #tpu.memory_space<vmem>> -> memref<128xi32, #tpu.memory_space<vmem>>
        %dma_start3A_246 = tpu.memref_slice %arg4[%mul3A_242] : memref<640000xi32, #tpu.memory_space<hbm>> -> memref<128xi32, #tpu.memory_space<hbm>>
        %dma_start3A_247 = tpu.memref_slice %arg12[%sub3A_235] : memref<2x!tpu.dma_semaphore, #tpu.memory_space<semaphore_mem>> -> memref<1x!tpu.dma_semaphore, #tpu.memory_space<semaphore_mem>>
        %dma_start3A_248 = tpu.memref_squeeze %dma_start3A_247 : memref<1x!tpu.dma_semaphore, #tpu.memory_space<semaphore_mem>> -> memref<!tpu.dma_semaphore, #tpu.memory_space<semaphore_mem>>
        %dma_start3A_249 = arith.constant 0 : i32
        %dma_start3A_250 = tpu.memref_slice %arg8[%sub3A_235, %dma_start3A_249] : memref<2x128xi32, #tpu.memory_space<vmem>> -> memref<1x128xi32, #tpu.memory_space<vmem>>
        %dma_start3A_251 = tpu.memref_squeeze %dma_start3A_250 : memref<1x128xi32, #tpu.memory_space<vmem>> -> memref<128xi32, #tpu.memory_space<vmem>>
        %dma_start3A_252 = tpu.memref_slice %arg4[%mul3A_242] : memref<640000xi32, #tpu.memory_space<hbm>> -> memref<128xi32, #tpu.memory_space<hbm>>
        tpu.enqueue_dma source(%dma_start3A_252 : memref<128xi32, #tpu.memory_space<hbm>>) target(%dma_start3A_251 : memref<128xi32, #tpu.memory_space<vmem>>) target_semaphore(%dma_start3A_248 : memref<!tpu.dma_semaphore, #tpu.memory_space<semaphore_mem>>)
      } else {
      }
      %ge3A = arith.constant 2 : i32
      %ge3A_91 = arith.cmpi sge, %add3A_69, %ge3A : i32
      %convert_element_type3A_92 = arith.extui %ge3A_91 : i1 to i32
      %cond3A_93 = arith.constant 0 : i32
      %cond3A_94 = arith.cmpi ne, %convert_element_type3A_92, %cond3A_93 : i32
      scf.if %cond3A_94 {
        %sub3A_232 = arith.constant 3750 : i32
        %sub3A_233 = arith.subi %add3A_76, %sub3A_232 : i32
        %sub3A_234 = arith.constant 64 : i32
        %sub3A_235 = arith.subi %sub3A_233, %sub3A_234 : i32
        %mul3A_236 = arith.constant 128 : i32
        %mul3A_237 = arith.muli %sub3A_235, %mul3A_236 : i32
        %sub3A_238 = arith.constant 3750 : i32
        %sub3A_239 = arith.subi %add3A_76, %sub3A_238 : i32
        %sub3A_240 = arith.constant 64 : i32
        %sub3A_241 = arith.subi %sub3A_239, %sub3A_240 : i32
        %mul3A_242 = arith.constant 128 : i32
        %mul3A_243 = arith.muli %sub3A_241, %mul3A_242 : i32
        %mul3A_244 = arith.constant 16 : i32
        %mul3A_245 = arith.muli %mul3A_243, %mul3A_244 : i32
        %dma_wait3A_246 = arith.constant 0 : i32
        %dma_wait3A_247 = arith.constant 0 : i32
        %dma_wait3A_248 = tpu.memref_slice %arg9[%rem3A_71, %dma_wait3A_246, %dma_wait3A_247] : memref<2x128x128xf32, #tpu.memory_space<vmem>> -> memref<1x128x128xf32, #tpu.memory_space<vmem>>
        %dma_wait3A_249 = tpu.memref_squeeze %dma_wait3A_248 : memref<1x128x128xf32, #tpu.memory_space<vmem>> -> memref<128x128xf32, #tpu.memory_space<vmem>>
        %dma_wait3A_250 = arith.constant 0 : i32
        %dma_wait3A_251 = tpu.memref_slice %arg5[%mul3A_237, %dma_wait3A_250] : memref<160000x128xf32, #tpu.memory_space<hbm>> -> memref<128x128xf32, #tpu.memory_space<hbm>>
        %dma_wait3A_252 = tpu.memref_slice %arg14[%rem3A_71] : memref<2x!tpu.dma_semaphore, #tpu.memory_space<semaphore_mem>> -> memref<1x!tpu.dma_semaphore, #tpu.memory_space<semaphore_mem>>
        %dma_wait3A_253 = tpu.memref_squeeze %dma_wait3A_252 : memref<1x!tpu.dma_semaphore, #tpu.memory_space<semaphore_mem>> -> memref<!tpu.dma_semaphore, #tpu.memory_space<semaphore_mem>>
        %dma_wait3A_254 = arith.constant 0 : i32
        %dma_wait3A_255 = tpu.memref_slice %arg5[%mul3A_237, %dma_wait3A_254] : memref<160000x128xf32, #tpu.memory_space<hbm>> -> memref<128x128xf32, #tpu.memory_space<hbm>>
        %dma_wait3A_256 = arith.constant 0 : i32
        %dma_wait3A_257 = arith.constant 0 : i32
        %dma_wait3A_258 = tpu.memref_slice %arg9[%rem3A_71, %dma_wait3A_256, %dma_wait3A_257] : memref<2x128x128xf32, #tpu.memory_space<vmem>> -> memref<1x128x128xf32, #tpu.memory_space<vmem>>
        %dma_wait3A_259 = tpu.memref_squeeze %dma_wait3A_258 : memref<1x128x128xf32, #tpu.memory_space<vmem>> -> memref<128x128xf32, #tpu.memory_space<vmem>>
        tpu.wait_dma2 semaphore(%dma_wait3A_253 : memref<!tpu.dma_semaphore, #tpu.memory_space<semaphore_mem>>) src(%dma_wait3A_259 : memref<128x128xf32, #tpu.memory_space<vmem>>) dst(%dma_wait3A_255 : memref<128x128xf32, #tpu.memory_space<hbm>>)
        %dma_wait3A_260 = arith.constant 0 : i32
        %dma_wait3A_261 = tpu.memref_slice %arg10[%rem3A_71, %dma_wait3A_260] : memref<2x2048xf32, #tpu.memory_space<vmem>> -> memref<1x2048xf32, #tpu.memory_space<vmem>>
        %dma_wait3A_262 = tpu.memref_squeeze %dma_wait3A_261 : memref<1x2048xf32, #tpu.memory_space<vmem>> -> memref<2048xf32, #tpu.memory_space<vmem>>
        %dma_wait3A_263 = tpu.memref_slice %arg6[%mul3A_245] : memref<2560000xf32, #tpu.memory_space<hbm>> -> memref<2048xf32, #tpu.memory_space<hbm>>
        %dma_wait3A_264 = tpu.memref_slice %arg15[%rem3A_71] : memref<2x!tpu.dma_semaphore, #tpu.memory_space<semaphore_mem>> -> memref<1x!tpu.dma_semaphore, #tpu.memory_space<semaphore_mem>>
        %dma_wait3A_265 = tpu.memref_squeeze %dma_wait3A_264 : memref<1x!tpu.dma_semaphore, #tpu.memory_space<semaphore_mem>> -> memref<!tpu.dma_semaphore, #tpu.memory_space<semaphore_mem>>
        %dma_wait3A_266 = tpu.memref_slice %arg6[%mul3A_245] : memref<2560000xf32, #tpu.memory_space<hbm>> -> memref<2048xf32, #tpu.memory_space<hbm>>
        %dma_wait3A_267 = arith.constant 0 : i32
        %dma_wait3A_268 = tpu.memref_slice %arg10[%rem3A_71, %dma_wait3A_267] : memref<2x2048xf32, #tpu.memory_space<vmem>> -> memref<1x2048xf32, #tpu.memory_space<vmem>>
        %dma_wait3A_269 = tpu.memref_squeeze %dma_wait3A_268 : memref<1x2048xf32, #tpu.memory_space<vmem>> -> memref<2048xf32, #tpu.memory_space<vmem>>
        tpu.wait_dma2 semaphore(%dma_wait3A_265 : memref<!tpu.dma_semaphore, #tpu.memory_space<semaphore_mem>>) src(%dma_wait3A_269 : memref<2048xf32, #tpu.memory_space<vmem>>) dst(%dma_wait3A_266 : memref<2048xf32, #tpu.memory_space<hbm>>)
      } else {
      }
      %dma_start3A_95 = arith.constant 0 : i32
      %dma_start3A_96 = arith.constant 0 : i32
      %dma_start3A_97 = tpu.memref_slice %arg9[%rem3A_71, %dma_start3A_95, %dma_start3A_96] : memref<2x128x128xf32, #tpu.memory_space<vmem>> -> memref<1x128x128xf32, #tpu.memory_space<vmem>>
      %dma_start3A_98 = tpu.memref_squeeze %dma_start3A_97 : memref<1x128x128xf32, #tpu.memory_space<vmem>> -> memref<128x128xf32, #tpu.memory_space<vmem>>
      %dma_start3A_99 = arith.constant 0 : i32
      %dma_start3A_100 = tpu.memref_slice %arg8[%rem3A_71, %dma_start3A_99] : memref<2x128xi32, #tpu.memory_space<vmem>> -> memref<1x128xi32, #tpu.memory_space<vmem>>
      %dma_start3A_101 = tpu.memref_squeeze %dma_start3A_100 : memref<1x128xi32, #tpu.memory_space<vmem>> -> memref<128xi32, #tpu.memory_space<vmem>>
      %dma_start3A_102 = arith.constant 0 : i32
      %dma_start3A_103 = arith.constant 0 : i32
      %dma_start3A_104 = tpu.memref_slice %arg7[%dma_start3A_102, %dma_start3A_103] : memref<10240x128xf32, #tpu.memory_space<vmem_shared>> -> memref<10240x128xf32, #tpu.memory_space<vmem_shared>>
      %dma_start3A_105 = tpu.memref_slice %arg13[%rem3A_71] : memref<2x!tpu.dma_semaphore, #tpu.memory_space<semaphore_mem>> -> memref<1x!tpu.dma_semaphore, #tpu.memory_space<semaphore_mem>>
      %dma_start3A_106 = tpu.memref_squeeze %dma_start3A_105 : memref<1x!tpu.dma_semaphore, #tpu.memory_space<semaphore_mem>> -> memref<!tpu.dma_semaphore, #tpu.memory_space<semaphore_mem>>
      tpu.enqueue_indirect_dma source(%dma_start3A_104 : memref<10240x128xf32, #tpu.memory_space<vmem_shared>>) target(%dma_start3A_98 : memref<128x128xf32, #tpu.memory_space<vmem>>) offsets(%dma_start3A_101 : memref<128xi32, #tpu.memory_space<vmem>>) semaphore(%dma_start3A_106 : memref<!tpu.dma_semaphore, #tpu.memory_space<semaphore_mem>>)
      %broadcast_in_dim3A_107 = vector.broadcast %rem3A_71 : i32 to vector<16xi32>
      %get3A = arith.index_cast %rem3A_71 : i32 to index
      %get3A_108 = arith.constant 0 : index
      %get3A_109 = tpu.vector_load %arg8[%get3A, %get3A_108] {strides = array<i32>} : memref<2x128xi32, #tpu.memory_space<vmem>>, vector<16xi32>,
      %gather3A = tpu.vector_load_idx %arg11[%get3A_109] : memref<10240xf32, #tpu.memory_space<vmem>>[vector<16xi32>], vector<16xf32>,
      %add3A_110 = arith.constant 0 : i32
      %add3A_111 = vector.broadcast %add3A_110 : i32 to vector<16xi32>
      %add3A_112 = arith.addi %iota3A, %add3A_111 : vector<16xi32>
      %mul3A_113 = arith.constant 16 : i32
      %mul3A_114 = vector.broadcast %mul3A_113 : i32 to vector<16xi32>
      %mul3A_115 = arith.muli %add3A_112, %mul3A_114 : vector<16xi32>
      tpu.vector_store_idx %arg10[%broadcast_in_dim3A_107, %mul3A_115], %gather3A : memref<2x2048xf32, #tpu.memory_space<vmem>>[vector<16xi32>, vector<16xi32>], vector<16xf32>,
      %get3A_116 = arith.index_cast %rem3A_71 : i32 to index
      %get3A_117 = arith.constant 16 : index
      %get3A_118 = tpu.vector_load %arg8[%get3A_116, %get3A_117] {strides = array<i32>} : memref<2x128xi32, #tpu.memory_space<vmem>>, vector<16xi32>,
      %gather3A_119 = tpu.vector_load_idx %arg11[%get3A_118] : memref<10240xf32, #tpu.memory_space<vmem>>[vector<16xi32>], vector<16xf32>,
      %add3A_120 = arith.constant 16 : i32
      %add3A_121 = vector.broadcast %add3A_120 : i32 to vector<16xi32>
      %add3A_122 = arith.addi %iota3A, %add3A_121 : vector<16xi32>
      %mul3A_123 = arith.constant 16 : i32
      %mul3A_124 = vector.broadcast %mul3A_123 : i32 to vector<16xi32>
      %mul3A_125 = arith.muli %add3A_122, %mul3A_124 : vector<16xi32>
      tpu.vector_store_idx %arg10[%broadcast_in_dim3A_107, %mul3A_125], %gather3A_119 : memref<2x2048xf32, #tpu.memory_space<vmem>>[vector<16xi32>, vector<16xi32>], vector<16xf32>,
      %get3A_126 = arith.index_cast %rem3A_71 : i32 to index
      %get3A_127 = arith.constant 32 : index
      %get3A_128 = tpu.vector_load %arg8[%get3A_126, %get3A_127] {strides = array<i32>} : memref<2x128xi32, #tpu.memory_space<vmem>>, vector<16xi32>,
      %gather3A_129 = tpu.vector_load_idx %arg11[%get3A_128] : memref<10240xf32, #tpu.memory_space<vmem>>[vector<16xi32>], vector<16xf32>,
      %add3A_130 = arith.constant 32 : i32
      %add3A_131 = vector.broadcast %add3A_130 : i32 to vector<16xi32>
      %add3A_132 = arith.addi %iota3A, %add3A_131 : vector<16xi32>
      %mul3A_133 = arith.constant 16 : i32
      %mul3A_134 = vector.broadcast %mul3A_133 : i32 to vector<16xi32>
      %mul3A_135 = arith.muli %add3A_132, %mul3A_134 : vector<16xi32>
      tpu.vector_store_idx %arg10[%broadcast_in_dim3A_107, %mul3A_135], %gather3A_129 : memref<2x2048xf32, #tpu.memory_space<vmem>>[vector<16xi32>, vector<16xi32>], vector<16xf32>,
      %get3A_136 = arith.index_cast %rem3A_71 : i32 to index
      %get3A_137 = arith.constant 48 : index
      %get3A_138 = tpu.vector_load %arg8[%get3A_136, %get3A_137] {strides = array<i32>} : memref<2x128xi32, #tpu.memory_space<vmem>>, vector<16xi32>,
      %gather3A_139 = tpu.vector_load_idx %arg11[%get3A_138] : memref<10240xf32, #tpu.memory_space<vmem>>[vector<16xi32>], vector<16xf32>,
      %add3A_140 = arith.constant 48 : i32
      %add3A_141 = vector.broadcast %add3A_140 : i32 to vector<16xi32>
      %add3A_142 = arith.addi %iota3A, %add3A_141 : vector<16xi32>
      %mul3A_143 = arith.constant 16 : i32
      %mul3A_144 = vector.broadcast %mul3A_143 : i32 to vector<16xi32>
      %mul3A_145 = arith.muli %add3A_142, %mul3A_144 : vector<16xi32>
      tpu.vector_store_idx %arg10[%broadcast_in_dim3A_107, %mul3A_145], %gather3A_139 : memref<2x2048xf32, #tpu.memory_space<vmem>>[vector<16xi32>, vector<16xi32>], vector<16xf32>,
      %get3A_146 = arith.index_cast %rem3A_71 : i32 to index
      %get3A_147 = arith.constant 64 : index
      %get3A_148 = tpu.vector_load %arg8[%get3A_146, %get3A_147] {strides = array<i32>} : memref<2x128xi32, #tpu.memory_space<vmem>>, vector<16xi32>,
      %gather3A_149 = tpu.vector_load_idx %arg11[%get3A_148] : memref<10240xf32, #tpu.memory_space<vmem>>[vector<16xi32>], vector<16xf32>,
      %add3A_150 = arith.constant 64 : i32
      %add3A_151 = vector.broadcast %add3A_150 : i32 to vector<16xi32>
      %add3A_152 = arith.addi %iota3A, %add3A_151 : vector<16xi32>
      %mul3A_153 = arith.constant 16 : i32
      %mul3A_154 = vector.broadcast %mul3A_153 : i32 to vector<16xi32>
      %mul3A_155 = arith.muli %add3A_152, %mul3A_154 : vector<16xi32>
      tpu.vector_store_idx %arg10[%broadcast_in_dim3A_107, %mul3A_155], %gather3A_149 : memref<2x2048xf32, #tpu.memory_space<vmem>>[vector<16xi32>, vector<16xi32>], vector<16xf32>,
      %get3A_156 = arith.index_cast %rem3A_71 : i32 to index
      %get3A_157 = arith.constant 80 : index
      %get3A_158 = tpu.vector_load %arg8[%get3A_156, %get3A_157] {strides = array<i32>} : memref<2x128xi32, #tpu.memory_space<vmem>>, vector<16xi32>,
      %gather3A_159 = tpu.vector_load_idx %arg11[%get3A_158] : memref<10240xf32, #tpu.memory_space<vmem>>[vector<16xi32>], vector<16xf32>,
      %add3A_160 = arith.constant 80 : i32
      %add3A_161 = vector.broadcast %add3A_160 : i32 to vector<16xi32>
      %add3A_162 = arith.addi %iota3A, %add3A_161 : vector<16xi32>
      %mul3A_163 = arith.constant 16 : i32
      %mul3A_164 = vector.broadcast %mul3A_163 : i32 to vector<16xi32>
      %mul3A_165 = arith.muli %add3A_162, %mul3A_164 : vector<16xi32>
      tpu.vector_store_idx %arg10[%broadcast_in_dim3A_107, %mul3A_165], %gather3A_159 : memref<2x2048xf32, #tpu.memory_space<vmem>>[vector<16xi32>, vector<16xi32>], vector<16xf32>,
      %get3A_166 = arith.index_cast %rem3A_71 : i32 to index
      %get3A_167 = arith.constant 96 : index
      %get3A_168 = tpu.vector_load %arg8[%get3A_166, %get3A_167] {strides = array<i32>} : memref<2x128xi32, #tpu.memory_space<vmem>>, vector<16xi32>,
      %gather3A_169 = tpu.vector_load_idx %arg11[%get3A_168] : memref<10240xf32, #tpu.memory_space<vmem>>[vector<16xi32>], vector<16xf32>,
      %add3A_170 = arith.constant 96 : i32
      %add3A_171 = vector.broadcast %add3A_170 : i32 to vector<16xi32>
      %add3A_172 = arith.addi %iota3A, %add3A_171 : vector<16xi32>
      %mul3A_173 = arith.constant 16 : i32
      %mul3A_174 = vector.broadcast %mul3A_173 : i32 to vector<16xi32>
      %mul3A_175 = arith.muli %add3A_172, %mul3A_174 : vector<16xi32>
      tpu.vector_store_idx %arg10[%broadcast_in_dim3A_107, %mul3A_175], %gather3A_169 : memref<2x2048xf32, #tpu.memory_space<vmem>>[vector<16xi32>, vector<16xi32>], vector<16xf32>,
      %get3A_176 = arith.index_cast %rem3A_71 : i32 to index
      %get3A_177 = arith.constant 112 : index
      %get3A_178 = tpu.vector_load %arg8[%get3A_176, %get3A_177] {strides = array<i32>} : memref<2x128xi32, #tpu.memory_space<vmem>>, vector<16xi32>,
      %gather3A_179 = tpu.vector_load_idx %arg11[%get3A_178] : memref<10240xf32, #tpu.memory_space<vmem>>[vector<16xi32>], vector<16xf32>,
      %add3A_180 = arith.constant 112 : i32
      %add3A_181 = vector.broadcast %add3A_180 : i32 to vector<16xi32>
      %add3A_182 = arith.addi %iota3A, %add3A_181 : vector<16xi32>
      %mul3A_183 = arith.constant 16 : i32
      %mul3A_184 = vector.broadcast %mul3A_183 : i32 to vector<16xi32>
      %mul3A_185 = arith.muli %add3A_182, %mul3A_184 : vector<16xi32>
      tpu.vector_store_idx %arg10[%broadcast_in_dim3A_107, %mul3A_185], %gather3A_179 : memref<2x2048xf32, #tpu.memory_space<vmem>>[vector<16xi32>, vector<16xi32>], vector<16xf32>,
      %dma_wait3A_186 = arith.constant 0 : i32
      %dma_wait3A_187 = arith.constant 0 : i32
      %dma_wait3A_188 = tpu.memref_slice %arg9[%rem3A_71, %dma_wait3A_186, %dma_wait3A_187] : memref<2x128x128xf32, #tpu.memory_space<vmem>> -> memref<1x128x128xf32, #tpu.memory_space<vmem>>
      %dma_wait3A_189 = tpu.memref_squeeze %dma_wait3A_188 : memref<1x128x128xf32, #tpu.memory_space<vmem>> -> memref<128x128xf32, #tpu.memory_space<vmem>>
      %dma_wait3A_190 = arith.constant 0 : i32
      %dma_wait3A_191 = tpu.memref_slice %arg8[%rem3A_71, %dma_wait3A_190] : memref<2x128xi32, #tpu.memory_space<vmem>> -> memref<1x128xi32, #tpu.memory_space<vmem>>
      %dma_wait3A_192 = tpu.memref_squeeze %dma_wait3A_191 : memref<1x128xi32, #tpu.memory_space<vmem>> -> memref<128xi32, #tpu.memory_space<vmem>>
      %dma_wait3A_193 = arith.constant 0 : i32
      %dma_wait3A_194 = arith.constant 0 : i32
      %dma_wait3A_195 = tpu.memref_slice %arg7[%dma_wait3A_193, %dma_wait3A_194] : memref<10240x128xf32, #tpu.memory_space<vmem_shared>> -> memref<10240x128xf32, #tpu.memory_space<vmem_shared>>
      %dma_wait3A_196 = tpu.memref_slice %arg13[%rem3A_71] : memref<2x!tpu.dma_semaphore, #tpu.memory_space<semaphore_mem>> -> memref<1x!tpu.dma_semaphore, #tpu.memory_space<semaphore_mem>>
      %dma_wait3A_197 = tpu.memref_squeeze %dma_wait3A_196 : memref<1x!tpu.dma_semaphore, #tpu.memory_space<semaphore_mem>> -> memref<!tpu.dma_semaphore, #tpu.memory_space<semaphore_mem>>
      tpu.wait_indirect_dma semaphore(%dma_wait3A_197 : memref<!tpu.dma_semaphore, #tpu.memory_space<semaphore_mem>>) src(%dma_wait3A_195 : memref<10240x128xf32, #tpu.memory_space<vmem_shared>>) dst(%dma_wait3A_189 : memref<128x128xf32, #tpu.memory_space<vmem>>)
      %sub3A_198 = arith.constant 3750 : i32
      %sub3A_199 = arith.subi %add3A_76, %sub3A_198 : i32
      %mul3A_200 = arith.constant 128 : i32
      %mul3A_201 = arith.muli %sub3A_199, %mul3A_200 : i32
      %dma_start3A_202 = arith.constant 0 : i32
      %dma_start3A_203 = arith.constant 0 : i32
      %dma_start3A_204 = tpu.memref_slice %arg9[%rem3A_71, %dma_start3A_202, %dma_start3A_203] : memref<2x128x128xf32, #tpu.memory_space<vmem>> -> memref<1x128x128xf32, #tpu.memory_space<vmem>>
      %dma_start3A_205 = tpu.memref_squeeze %dma_start3A_204 : memref<1x128x128xf32, #tpu.memory_space<vmem>> -> memref<128x128xf32, #tpu.memory_space<vmem>>
      %dma_start3A_206 = arith.constant 0 : i32
      %dma_start3A_207 = tpu.memref_slice %arg5[%mul3A_201, %dma_start3A_206] : memref<160000x128xf32, #tpu.memory_space<hbm>> -> memref<128x128xf32, #tpu.memory_space<hbm>>
      %dma_start3A_208 = tpu.memref_slice %arg14[%rem3A_71] : memref<2x!tpu.dma_semaphore, #tpu.memory_space<semaphore_mem>> -> memref<1x!tpu.dma_semaphore, #tpu.memory_space<semaphore_mem>>
      %dma_start3A_209 = tpu.memref_squeeze %dma_start3A_208 : memref<1x!tpu.dma_semaphore, #tpu.memory_space<semaphore_mem>> -> memref<!tpu.dma_semaphore, #tpu.memory_space<semaphore_mem>>
      %dma_start3A_210 = arith.constant 0 : i32
      %dma_start3A_211 = tpu.memref_slice %arg5[%mul3A_201, %dma_start3A_210] : memref<160000x128xf32, #tpu.memory_space<hbm>> -> memref<128x128xf32, #tpu.memory_space<hbm>>
      %dma_start3A_212 = arith.constant 0 : i32
      %dma_start3A_213 = arith.constant 0 : i32
      %dma_start3A_214 = tpu.memref_slice %arg9[%rem3A_71, %dma_start3A_212, %dma_start3A_213] : memref<2x128x128xf32, #tpu.memory_space<vmem>> -> memref<1x128x128xf32, #tpu.memory_space<vmem>>
      %dma_start3A_215 = tpu.memref_squeeze %dma_start3A_214 : memref<1x128x128xf32, #tpu.memory_space<vmem>> -> memref<128x128xf32, #tpu.memory_space<vmem>>
      tpu.enqueue_dma source(%dma_start3A_215 : memref<128x128xf32, #tpu.memory_space<vmem>>) target(%dma_start3A_211 : memref<128x128xf32, #tpu.memory_space<hbm>>) target_semaphore(%dma_start3A_209 : memref<!tpu.dma_semaphore, #tpu.memory_space<semaphore_mem>>)
      %sub3A_216 = arith.constant 3750 : i32
      %sub3A_217 = arith.subi %add3A_76, %sub3A_216 : i32
      %mul3A_218 = arith.constant 128 : i32
      %mul3A_219 = arith.muli %sub3A_217, %mul3A_218 : i32
      %mul3A_220 = arith.constant 16 : i32
      %mul3A_221 = arith.muli %mul3A_219, %mul3A_220 : i32
      %dma_start3A_222 = arith.constant 0 : i32
      %dma_start3A_223 = tpu.memref_slice %arg10[%rem3A_71, %dma_start3A_222] : memref<2x2048xf32, #tpu.memory_space<vmem>> -> memref<1x2048xf32, #tpu.memory_space<vmem>>
      %dma_start3A_224 = tpu.memref_squeeze %dma_start3A_223 : memref<1x2048xf32, #tpu.memory_space<vmem>> -> memref<2048xf32, #tpu.memory_space<vmem>>
      %dma_start3A_225 = tpu.memref_slice %arg6[%mul3A_221] : memref<2560000xf32, #tpu.memory_space<hbm>> -> memref<2048xf32, #tpu.memory_space<hbm>>
      %dma_start3A_226 = tpu.memref_slice %arg15[%rem3A_71] : memref<2x!tpu.dma_semaphore, #tpu.memory_space<semaphore_mem>> -> memref<1x!tpu.dma_semaphore, #tpu.memory_space<semaphore_mem>>
      %dma_start3A_227 = tpu.memref_squeeze %dma_start3A_226 : memref<1x!tpu.dma_semaphore, #tpu.memory_space<semaphore_mem>> -> memref<!tpu.dma_semaphore, #tpu.memory_space<semaphore_mem>>
      %dma_start3A_228 = tpu.memref_slice %arg6[%mul3A_221] : memref<2560000xf32, #tpu.memory_space<hbm>> -> memref<2048xf32, #tpu.memory_space<hbm>>
      %dma_start3A_229 = arith.constant 0 : i32
      %dma_start3A_230 = tpu.memref_slice %arg10[%rem3A_71, %dma_start3A_229] : memref<2x2048xf32, #tpu.memory_space<vmem>> -> memref<1x2048xf32, #tpu.memory_space<vmem>>
      %dma_start3A_231 = tpu.memref_squeeze %dma_start3A_230 : memref<1x2048xf32, #tpu.memory_space<vmem>> -> memref<2048xf32, #tpu.memory_space<vmem>>
      tpu.enqueue_dma source(%dma_start3A_231 : memref<2048xf32, #tpu.memory_space<vmem>>) target(%dma_start3A_228 : memref<2048xf32, #tpu.memory_space<hbm>>) target_semaphore(%dma_start3A_227 : memref<!tpu.dma_semaphore, #tpu.memory_space<semaphore_mem>>)
    }
    %scan3A = arith.constant 0 : i32
    %scan3A_63 = arith.constant 2 : i32
    %scan3A_64 = arith.addi %scan3A, %scan3A_63 : i32
    %scan3A_65 = arith.constant 1 : i32
    scf.for %scan3A_67 = %scan3A to %scan3A_64 step %scan3A_65  : i32 {
      %mul3A_68 = arith.constant 1 : i32
      %mul3A_69 = arith.muli %scan3A_67, %mul3A_68 : i32
      %add3A_70 = arith.constant 0 : i32
      %add3A_71 = arith.addi %add3A_70, %mul3A_69 : i32
      %dma_wait3A = arith.constant 0 : i32
      %dma_wait3A_72 = arith.constant 0 : i32
      %dma_wait3A_73 = tpu.memref_slice %arg9[%add3A_71, %dma_wait3A, %dma_wait3A_72] : memref<2x128x128xf32, #tpu.memory_space<vmem>> -> memref<1x128x128xf32, #tpu.memory_space<vmem>>
      %dma_wait3A_74 = tpu.memref_squeeze %dma_wait3A_73 : memref<1x128x128xf32, #tpu.memory_space<vmem>> -> memref<128x128xf32, #tpu.memory_space<vmem>>
      %dma_wait3A_75 = arith.constant 0 : i32
      %dma_wait3A_76 = arith.constant 0 : i32
      %dma_wait3A_77 = tpu.memref_slice %arg5[%dma_wait3A_75, %dma_wait3A_76] : memref<160000x128xf32, #tpu.memory_space<hbm>> -> memref<128x128xf32, #tpu.memory_space<hbm>>
      %dma_wait3A_78 = tpu.memref_slice %arg14[%add3A_71] : memref<2x!tpu.dma_semaphore, #tpu.memory_space<semaphore_mem>> -> memref<1x!tpu.dma_semaphore, #tpu.memory_space<semaphore_mem>>
      %dma_wait3A_79 = tpu.memref_squeeze %dma_wait3A_78 : memref<1x!tpu.dma_semaphore, #tpu.memory_space<semaphore_mem>> -> memref<!tpu.dma_semaphore, #tpu.memory_space<semaphore_mem>>
      %dma_wait3A_80 = arith.constant 0 : i32
      %dma_wait3A_81 = arith.constant 0 : i32
      %dma_wait3A_82 = tpu.memref_slice %arg5[%dma_wait3A_80, %dma_wait3A_81] : memref<160000x128xf32, #tpu.memory_space<hbm>> -> memref<128x128xf32, #tpu.memory_space<hbm>>
      %dma_wait3A_83 = arith.constant 0 : i32
      %dma_wait3A_84 = arith.constant 0 : i32
      %dma_wait3A_85 = tpu.memref_slice %arg9[%add3A_71, %dma_wait3A_83, %dma_wait3A_84] : memref<2x128x128xf32, #tpu.memory_space<vmem>> -> memref<1x128x128xf32, #tpu.memory_space<vmem>>
      %dma_wait3A_86 = tpu.memref_squeeze %dma_wait3A_85 : memref<1x128x128xf32, #tpu.memory_space<vmem>> -> memref<128x128xf32, #tpu.memory_space<vmem>>
      tpu.wait_dma2 semaphore(%dma_wait3A_79 : memref<!tpu.dma_semaphore, #tpu.memory_space<semaphore_mem>>) src(%dma_wait3A_86 : memref<128x128xf32, #tpu.memory_space<vmem>>) dst(%dma_wait3A_82 : memref<128x128xf32, #tpu.memory_space<hbm>>)
      %dma_wait3A_87 = arith.constant 0 : i32
      %dma_wait3A_88 = tpu.memref_slice %arg10[%add3A_71, %dma_wait3A_87] : memref<2x2048xf32, #tpu.memory_space<vmem>> -> memref<1x2048xf32, #tpu.memory_space<vmem>>
      %dma_wait3A_89 = tpu.memref_squeeze %dma_wait3A_88 : memref<1x2048xf32, #tpu.memory_space<vmem>> -> memref<2048xf32, #tpu.memory_space<vmem>>
      %dma_wait3A_90 = arith.constant 0 : i32
      %dma_wait3A_91 = tpu.memref_slice %arg6[%dma_wait3A_90] : memref<2560000xf32, #tpu.memory_space<hbm>> -> memref<2048xf32, #tpu.memory_space<hbm>>
      %dma_wait3A_92 = tpu.memref_slice %arg15[%add3A_71] : memref<2x!tpu.dma_semaphore, #tpu.memory_space<semaphore_mem>> -> memref<1x!tpu.dma_semaphore, #tpu.memory_space<semaphore_mem>>
      %dma_wait3A_93 = tpu.memref_squeeze %dma_wait3A_92 : memref<1x!tpu.dma_semaphore, #tpu.memory_space<semaphore_mem>> -> memref<!tpu.dma_semaphore, #tpu.memory_space<semaphore_mem>>
      %dma_wait3A_94 = arith.constant 0 : i32
      %dma_wait3A_95 = tpu.memref_slice %arg6[%dma_wait3A_94] : memref<2560000xf32, #tpu.memory_space<hbm>> -> memref<2048xf32, #tpu.memory_space<hbm>>
      %dma_wait3A_96 = arith.constant 0 : i32
      %dma_wait3A_97 = tpu.memref_slice %arg10[%add3A_71, %dma_wait3A_96] : memref<2x2048xf32, #tpu.memory_space<vmem>> -> memref<1x2048xf32, #tpu.memory_space<vmem>>
      %dma_wait3A_98 = tpu.memref_squeeze %dma_wait3A_97 : memref<1x2048xf32, #tpu.memory_space<vmem>> -> memref<2048xf32, #tpu.memory_space<vmem>>
      tpu.wait_dma2 semaphore(%dma_wait3A_93 : memref<!tpu.dma_semaphore, #tpu.memory_space<semaphore_mem>>) src(%dma_wait3A_98 : memref<2048xf32, #tpu.memory_space<vmem>>) dst(%dma_wait3A_95 : memref<2048xf32, #tpu.memory_space<hbm>>)
    }
    %scan3A_66 = arith.constant 2 : i32
    return
  }
}

module attributes {stable_mosaic.version = 14 : i64} {
  func.func @_k2_kernel(%arg0: memref<20480x128xf32, #tpu.memory_space<vmem>>, %arg1: memref<32x10240xf32, #tpu.memory_space<vmem>>, %arg2: memref<128x128xf32, #tpu.memory_space<vmem>>, %arg3: memref<1x128xf32, #tpu.memory_space<vmem>>, %arg4: memref<10240x128xf32, #tpu.memory_space<vmem>>, %arg5: memref<10240x16xf32, #tpu.memory_space<vmem>>) attributes {dimension_semantics = [], scalar_prefetch = 0 : i64, scratch_operands = 0 : i64, tpu.core_type = #tpu.core_type<tc>} {
    %get3A = arith.constant 0 : index
    %get3A_0 = arith.constant 0 : index
    %get3A_1 = vector.load %arg0[%get3A, %get3A_0] : memref<20480x128xf32, #tpu.memory_space<vmem>>, vector<10240x128xf32>
    %get3A_2 = arith.constant 10240 : index
    %get3A_3 = arith.constant 0 : index
    %get3A_4 = vector.load %arg0[%get3A_2, %get3A_3] : memref<20480x128xf32, #tpu.memory_space<vmem>>, vector<10240x128xf32>
    %add3A = arith.addf %get3A_1, %get3A_4 : vector<10240x128xf32>
    %get3A_5 = arith.constant 0 : index
    %get3A_6 = arith.constant 0 : index
    %get3A_7 = vector.load %arg1[%get3A_5, %get3A_6] : memref<32x10240xf32, #tpu.memory_space<vmem>>, vector<32x10240xf32>
    %broadcast_in_dim3A = arith.constant 1.000000e+00 : f32
    %broadcast_in_dim3A_8 = vector.broadcast %broadcast_in_dim3A : f32 to vector<32x1xf32>
    %dot_general3A = arith.constant dense<0.000000e+00> : vector<10240x1xf32>
    %dot_general3A_9 = tpu.matmul %get3A_7, %broadcast_in_dim3A_8, %dot_general3A {dimension_numbers = #tpu.dot_dimension_numbers<[0], [0], [1], [1], [0, 1, 1, 1], [], []>, transpose_lhs_hint = false} : vector<32x10240xf32>, vector<32x1xf32>, vector<10240x1xf32> -> vector<10240x1xf32>
    %max3A = arith.constant 1.000000e+00 : f32
    %max3A_10 = vector.broadcast %max3A : f32 to vector<10240x1xf32>
    %max3A_11 = arith.maximumf %dot_general3A_9, %max3A_10 : vector<10240x1xf32>
    %div3A = arith.constant 1.000000e+00 : f32
    %div3A_12 = vector.broadcast %div3A : f32 to vector<10240x1xf32>
    %div3A_13 = arith.divf %div3A_12, %max3A_11 : vector<10240x1xf32>
    %get3A_14 = arith.constant 0 : index
    %get3A_15 = arith.constant 0 : index
    %get3A_16 = vector.load %arg2[%get3A_14, %get3A_15] : memref<128x128xf32, #tpu.memory_space<vmem>>, vector<128x128xf32>
    %dot_general3A_17 = arith.constant dense<0.000000e+00> : vector<10240x128xf32>
    %dot_general3A_18 = tpu.matmul %add3A, %get3A_16, %dot_general3A_17 {dimension_numbers = #tpu.dot_dimension_numbers<[1], [0], [0], [1], [0, 0, 1, 1], [], []>, transpose_lhs_hint = false} : vector<10240x128xf32>, vector<128x128xf32>, vector<10240x128xf32> -> vector<10240x128xf32>
    %get3A_19 = arith.constant 0 : index
    %get3A_20 = arith.constant 0 : index
    %get3A_21 = vector.load %arg3[%get3A_19, %get3A_20] : memref<1x128xf32, #tpu.memory_space<vmem>>, vector<1x128xf32>
    %mul3A = vector.broadcast %dot_general3A_9 : vector<10240x1xf32> to vector<10240x128xf32>
    %mul3A_22 = vector.broadcast %get3A_21 : vector<1x128xf32> to vector<10240x128xf32>
    %mul3A_23 = arith.mulf %mul3A, %mul3A_22 : vector<10240x128xf32>
    %add3A_24 = arith.addf %dot_general3A_18, %mul3A_23 : vector<10240x128xf32>
    %mul3A_25 = vector.broadcast %div3A_13 : vector<10240x1xf32> to vector<10240x128xf32>
    %mul3A_26 = arith.mulf %add3A_24, %mul3A_25 : vector<10240x128xf32>
    %swap3A = arith.constant 0 : index
    %swap3A_27 = arith.constant 0 : index
    %swap3A_28 = vector.load %arg4[%swap3A, %swap3A_27] : memref<10240x128xf32, #tpu.memory_space<vmem>>, vector<10240x128xf32>
    tpu.vector_store %arg4[%swap3A, %swap3A_27], %mul3A_26 {strides = array<i32>} : memref<10240x128xf32, #tpu.memory_space<vmem>>, vector<10240x128xf32>,
    %broadcast_in_dim3A_29 = vector.shape_cast %div3A_13 : vector<10240x1xf32> to vector<10240x1xf32>
    %broadcast_in_dim3A_30 = vector.broadcast %broadcast_in_dim3A_29 : vector<10240x1xf32> to vector<10240x16xf32>
    %swap3A_31 = arith.constant 0 : index
    %swap3A_32 = arith.constant 0 : index
    %swap3A_33 = vector.load %arg5[%swap3A_31, %swap3A_32] : memref<10240x16xf32, #tpu.memory_space<vmem>>, vector<10240x16xf32>
    tpu.vector_store %arg5[%swap3A_31, %swap3A_32], %broadcast_in_dim3A_30 {strides = array<i32>} : memref<10240x16xf32, #tpu.memory_space<vmem>>, vector<10240x16xf32>,
    return
  }
}

module attributes {stable_mosaic.version = 14 : i64} {
  func.func @_k4_kernel(%arg0: i32, %arg1: memref<6400x128xf32, #tpu.memory_space<vmem>>, %arg2: memref<128x128xf32, #tpu.memory_space<vmem>>, %arg3: memref<1x128xf32, #tpu.memory_space<vmem>>, %arg4: memref<6400x16xf32, #tpu.memory_space<vmem>>, %arg5: memref<6400x128xf32, #tpu.memory_space<vmem>>, %arg6: memref<6400x128xf32, #tpu.memory_space<vmem>>) attributes {dimension_semantics = [#tpu.dimension_semantics<arbitrary>], iteration_bounds = array<i64: 25>, scalar_prefetch = 0 : i64, scratch_operands = 0 : i64, tpu.core_type = #tpu.core_type<tc>, window_params = [{transform_indices = @transform_0, window_bounds = array<i64: 6400, 128>}, {pipeline_mode = #tpu.pipeline_mode<synchronous>, transform_indices = @transform_1, window_bounds = array<i64: 128, 128>}, {pipeline_mode = #tpu.pipeline_mode<synchronous>, transform_indices = @transform_2, window_bounds = array<i64: 1, 128>}, {transform_indices = @transform_3, window_bounds = array<i64: 6400, 16>}, {transform_indices = @transform_4, window_bounds = array<i64: 6400, 128>}, {transform_indices = @transform_5, window_bounds = array<i64: 6400, 128>}]} {
    %get3A = arith.constant 0 : index
    %get3A_0 = arith.constant 0 : index
    %get3A_1 = vector.load %arg1[%get3A, %get3A_0] : memref<6400x128xf32, #tpu.memory_space<vmem>>, vector<6400x128xf32>
    %get3A_2 = arith.constant 0 : index
    %get3A_3 = arith.constant 0 : index
    %get3A_4 = vector.load %arg2[%get3A_2, %get3A_3] : memref<128x128xf32, #tpu.memory_space<vmem>>, vector<128x128xf32>
    %dot_general3A = arith.constant dense<0.000000e+00> : vector<6400x128xf32>
    %dot_general3A_5 = tpu.matmul %get3A_1, %get3A_4, %dot_general3A {dimension_numbers = #tpu.dot_dimension_numbers<[1], [0], [0], [1], [0, 0, 1, 1], [], []>, transpose_lhs_hint = false} : vector<6400x128xf32>, vector<128x128xf32>, vector<6400x128xf32> -> vector<6400x128xf32>
    %get3A_6 = arith.constant 0 : index
    %get3A_7 = arith.constant 0 : index
    %get3A_8 = vector.load %arg3[%get3A_6, %get3A_7] : memref<1x128xf32, #tpu.memory_space<vmem>>, vector<1x128xf32>
    %add3A = vector.broadcast %get3A_8 : vector<1x128xf32> to vector<6400x128xf32>
    %add3A_9 = arith.addf %dot_general3A_5, %add3A : vector<6400x128xf32>
    %get3A_10 = arith.constant 0 : index
    %get3A_11 = arith.constant 0 : index
    %get3A_12 = vector.load %arg4[%get3A_10, %get3A_11] : memref<6400x16xf32, #tpu.memory_space<vmem>>, vector<6400x1xf32>
    %mul3A = vector.broadcast %get3A_12 : vector<6400x1xf32> to vector<6400x128xf32>
    %mul3A_13 = arith.mulf %add3A_9, %mul3A : vector<6400x128xf32>
    %get3A_14 = arith.constant 0 : index
    %get3A_15 = arith.constant 0 : index
    %get3A_16 = vector.load %arg5[%get3A_14, %get3A_15] : memref<6400x128xf32, #tpu.memory_space<vmem>>, vector<6400x128xf32>
    %add3A_17 = arith.addf %mul3A_13, %get3A_16 : vector<6400x128xf32>
    %swap3A = arith.constant 0 : index
    %swap3A_18 = arith.constant 0 : index
    %swap3A_19 = vector.load %arg6[%swap3A, %swap3A_18] : memref<6400x128xf32, #tpu.memory_space<vmem>>, vector<6400x128xf32>
    tpu.vector_store %arg6[%swap3A, %swap3A_18], %add3A_17 {strides = array<i32>} : memref<6400x128xf32, #tpu.memory_space<vmem>>, vector<6400x128xf32>,
    return
  }
  func.func @transform_0(%arg0: i32) -> (i32, i32) {
    %add3A = arith.constant 0 : i32
    %add3A_0 = arith.addi %arg0, %add3A : i32
    %c0_i32 = arith.constant 0 : i32
    %c0_i32_1 = arith.constant 0 : i32
    return %add3A_0, %c0_i32 : i32, i32
  }
  func.func @transform_1(%arg0: i32) -> (i32, i32) {
    %c0_i32 = arith.constant 0 : i32
    %c0_i32_0 = arith.constant 0 : i32
    %c0_i32_1 = arith.constant 0 : i32
    return %c0_i32, %c0_i32_0 : i32, i32
  }
  func.func @transform_2(%arg0: i32) -> (i32, i32) {
    %c0_i32 = arith.constant 0 : i32
    %c0_i32_0 = arith.constant 0 : i32
    %c0_i32_1 = arith.constant 0 : i32
    return %c0_i32, %c0_i32_0 : i32, i32
  }
  func.func @transform_3(%arg0: i32) -> (i32, i32) {
    %c0_i32 = arith.constant 0 : i32
    %c0_i32_0 = arith.constant 0 : i32
    return %arg0, %c0_i32 : i32, i32
  }
  func.func @transform_4(%arg0: i32) -> (i32, i32) {
    %c0_i32 = arith.constant 0 : i32
    %c0_i32_0 = arith.constant 0 : i32
    return %arg0, %c0_i32 : i32, i32
  }
  func.func @transform_5(%arg0: i32) -> (i32, i32) {
    %add3A = arith.constant 0 : i32
    %add3A_0 = arith.addi %arg0, %add3A : i32
    %c0_i32 = arith.constant 0 : i32
    %c0_i32_1 = arith.constant 0 : i32
    return %add3A_0, %c0_i32 : i32, i32
  }
}

module attributes {stable_mosaic.version = 14 : i64} {
  func.func @body(%arg0: i32, %arg1: memref<640000x128xf32, #tpu.memory_space<hbm>>, %arg2: memref<6400x128xf32, #tpu.memory_space<vmem>>, %arg3: memref<128x128xf32, #tpu.memory_space<vmem>>, %arg4: memref<1x128xf32, #tpu.memory_space<vmem>>, %arg5: memref<6400x16xf32, #tpu.memory_space<vmem>>, %arg6: memref<6400x128xf32, #tpu.memory_space<vmem>>, %arg7: memref<6400x128xf32, #tpu.memory_space<vmem>>) attributes {dimension_semantics = [#tpu.dimension_semantics<arbitrary>], iteration_bounds = array<i64: 25>, scalar_prefetch = 0 : i64, scratch_operands = 0 : i64, tpu.core_type = #tpu.core_type<tc>, window_params = [{}, {transform_indices = @transform_1, window_bounds = array<i64: 6400, 128>}, {pipeline_mode = #tpu.pipeline_mode<synchronous>, transform_indices = @transform_2, window_bounds = array<i64: 128, 128>}, {pipeline_mode = #tpu.pipeline_mode<synchronous>, transform_indices = @transform_3, window_bounds = array<i64: 1, 128>}, {transform_indices = @transform_4, window_bounds = array<i64: 6400, 16>}, {transform_indices = @transform_5, window_bounds = array<i64: 6400, 128>}, {transform_indices = @transform_6, window_bounds = array<i64: 6400, 128>}]} {
    %get3A = arith.constant 0 : index
    %get3A_0 = arith.constant 0 : index
    %get3A_1 = vector.load %arg2[%get3A, %get3A_0] : memref<6400x128xf32, #tpu.memory_space<vmem>>, vector<6400x128xf32>
    %get3A_2 = arith.constant 0 : index
    %get3A_3 = arith.constant 0 : index
    %get3A_4 = vector.load %arg3[%get3A_2, %get3A_3] : memref<128x128xf32, #tpu.memory_space<vmem>>, vector<128x128xf32>
    %dot_general3A = arith.constant dense<0.000000e+00> : vector<6400x128xf32>
    %dot_general3A_5 = tpu.matmul %get3A_1, %get3A_4, %dot_general3A {dimension_numbers = #tpu.dot_dimension_numbers<[1], [0], [0], [1], [0, 0, 1, 1], [], []>, transpose_lhs_hint = false} : vector<6400x128xf32>, vector<128x128xf32>, vector<6400x128xf32> -> vector<6400x128xf32>
    %get3A_6 = arith.constant 0 : index
    %get3A_7 = arith.constant 0 : index
    %get3A_8 = vector.load %arg4[%get3A_6, %get3A_7] : memref<1x128xf32, #tpu.memory_space<vmem>>, vector<1x128xf32>
    %add3A = vector.broadcast %get3A_8 : vector<1x128xf32> to vector<6400x128xf32>
    %add3A_9 = arith.addf %dot_general3A_5, %add3A : vector<6400x128xf32>
    %get3A_10 = arith.constant 0 : index
    %get3A_11 = arith.constant 0 : index
    %get3A_12 = vector.load %arg5[%get3A_10, %get3A_11] : memref<6400x16xf32, #tpu.memory_space<vmem>>, vector<6400x1xf32>
    %mul3A = vector.broadcast %get3A_12 : vector<6400x1xf32> to vector<6400x128xf32>
    %mul3A_13 = arith.mulf %add3A_9, %mul3A : vector<6400x128xf32>
    %get3A_14 = arith.constant 0 : index
    %get3A_15 = arith.constant 0 : index
    %get3A_16 = vector.load %arg6[%get3A_14, %get3A_15] : memref<6400x128xf32, #tpu.memory_space<vmem>>, vector<6400x128xf32>
    %add3A_17 = arith.addf %mul3A_13, %get3A_16 : vector<6400x128xf32>
    %swap3A = arith.constant 0 : index
    %swap3A_18 = arith.constant 0 : index
    %swap3A_19 = vector.load %arg7[%swap3A, %swap3A_18] : memref<6400x128xf32, #tpu.memory_space<vmem>>, vector<6400x128xf32>
    tpu.vector_store %arg7[%swap3A, %swap3A_18], %add3A_17 {strides = array<i32>} : memref<6400x128xf32, #tpu.memory_space<vmem>>, vector<6400x128xf32>,
    return
  }
  func.func @transform_1(%arg0: i32) -> (i32, i32) {
    %add3A = arith.constant 25 : i32
    %add3A_0 = arith.addi %arg0, %add3A : i32
    %c0_i32 = arith.constant 0 : i32
    %c0_i32_1 = arith.constant 0 : i32
    return %add3A_0, %c0_i32 : i32, i32
  }
  func.func @transform_2(%arg0: i32) -> (i32, i32) {
    %c0_i32 = arith.constant 0 : i32
    %c0_i32_0 = arith.constant 0 : i32
    %c0_i32_1 = arith.constant 0 : i32
    return %c0_i32, %c0_i32_0 : i32, i32
  }
  func.func @transform_3(%arg0: i32) -> (i32, i32) {
    %c0_i32 = arith.constant 0 : i32
    %c0_i32_0 = arith.constant 0 : i32
    %c0_i32_1 = arith.constant 0 : i32
    return %c0_i32, %c0_i32_0 : i32, i32
  }
  func.func @transform_4(%arg0: i32) -> (i32, i32) {
    %c0_i32 = arith.constant 0 : i32
    %c0_i32_0 = arith.constant 0 : i32
    return %arg0, %c0_i32 : i32, i32
  }
  func.func @transform_5(%arg0: i32) -> (i32, i32) {
    %c0_i32 = arith.constant 0 : i32
    %c0_i32_0 = arith.constant 0 : i32
    return %arg0, %c0_i32 : i32, i32
  }
  func.func @transform_6(%arg0: i32) -> (i32, i32) {
    %add3A = arith.constant 25 : i32
    %add3A_0 = arith.addi %arg0, %add3A : i32
    %c0_i32 = arith.constant 0 : i32
    %c0_i32_1 = arith.constant 0 : i32
    return %add3A_0, %c0_i32 : i32, i32
  }
}

module attributes {stable_mosaic.version = 14 : i64} {
  func.func @body(%arg0: i32, %arg1: memref<640000x128xf32, #tpu.memory_space<hbm>>, %arg2: memref<6400x128xf32, #tpu.memory_space<vmem>>, %arg3: memref<128x128xf32, #tpu.memory_space<vmem>>, %arg4: memref<1x128xf32, #tpu.memory_space<vmem>>, %arg5: memref<6400x16xf32, #tpu.memory_space<vmem>>, %arg6: memref<6400x128xf32, #tpu.memory_space<vmem>>, %arg7: memref<6400x128xf32, #tpu.memory_space<vmem>>) attributes {dimension_semantics = [#tpu.dimension_semantics<arbitrary>], iteration_bounds = array<i64: 25>, scalar_prefetch = 0 : i64, scratch_operands = 0 : i64, tpu.core_type = #tpu.core_type<tc>, window_params = [{}, {transform_indices = @transform_1, window_bounds = array<i64: 6400, 128>}, {pipeline_mode = #tpu.pipeline_mode<synchronous>, transform_indices = @transform_2, window_bounds = array<i64: 128, 128>}, {pipeline_mode = #tpu.pipeline_mode<synchronous>, transform_indices = @transform_3, window_bounds = array<i64: 1, 128>}, {transform_indices = @transform_4, window_bounds = array<i64: 6400, 16>}, {transform_indices = @transform_5, window_bounds = array<i64: 6400, 128>}, {transform_indices = @transform_6, window_bounds = array<i64: 6400, 128>}]} {
    %get3A = arith.constant 0 : index
    %get3A_0 = arith.constant 0 : index
    %get3A_1 = vector.load %arg2[%get3A, %get3A_0] : memref<6400x128xf32, #tpu.memory_space<vmem>>, vector<6400x128xf32>
    %get3A_2 = arith.constant 0 : index
    %get3A_3 = arith.constant 0 : index
    %get3A_4 = vector.load %arg3[%get3A_2, %get3A_3] : memref<128x128xf32, #tpu.memory_space<vmem>>, vector<128x128xf32>
    %dot_general3A = arith.constant dense<0.000000e+00> : vector<6400x128xf32>
    %dot_general3A_5 = tpu.matmul %get3A_1, %get3A_4, %dot_general3A {dimension_numbers = #tpu.dot_dimension_numbers<[1], [0], [0], [1], [0, 0, 1, 1], [], []>, transpose_lhs_hint = false} : vector<6400x128xf32>, vector<128x128xf32>, vector<6400x128xf32> -> vector<6400x128xf32>
    %get3A_6 = arith.constant 0 : index
    %get3A_7 = arith.constant 0 : index
    %get3A_8 = vector.load %arg4[%get3A_6, %get3A_7] : memref<1x128xf32, #tpu.memory_space<vmem>>, vector<1x128xf32>
    %add3A = vector.broadcast %get3A_8 : vector<1x128xf32> to vector<6400x128xf32>
    %add3A_9 = arith.addf %dot_general3A_5, %add3A : vector<6400x128xf32>
    %get3A_10 = arith.constant 0 : index
    %get3A_11 = arith.constant 0 : index
    %get3A_12 = vector.load %arg5[%get3A_10, %get3A_11] : memref<6400x16xf32, #tpu.memory_space<vmem>>, vector<6400x1xf32>
    %mul3A = vector.broadcast %get3A_12 : vector<6400x1xf32> to vector<6400x128xf32>
    %mul3A_13 = arith.mulf %add3A_9, %mul3A : vector<6400x128xf32>
    %get3A_14 = arith.constant 0 : index
    %get3A_15 = arith.constant 0 : index
    %get3A_16 = vector.load %arg6[%get3A_14, %get3A_15] : memref<6400x128xf32, #tpu.memory_space<vmem>>, vector<6400x128xf32>
    %add3A_17 = arith.addf %mul3A_13, %get3A_16 : vector<6400x128xf32>
    %swap3A = arith.constant 0 : index
    %swap3A_18 = arith.constant 0 : index
    %swap3A_19 = vector.load %arg7[%swap3A, %swap3A_18] : memref<6400x128xf32, #tpu.memory_space<vmem>>, vector<6400x128xf32>
    tpu.vector_store %arg7[%swap3A, %swap3A_18], %add3A_17 {strides = array<i32>} : memref<6400x128xf32, #tpu.memory_space<vmem>>, vector<6400x128xf32>,
    return
  }
  func.func @transform_1(%arg0: i32) -> (i32, i32) {
    %add3A = arith.constant 50 : i32
    %add3A_0 = arith.addi %arg0, %add3A : i32
    %c0_i32 = arith.constant 0 : i32
    %c0_i32_1 = arith.constant 0 : i32
    return %add3A_0, %c0_i32 : i32, i32
  }
  func.func @transform_2(%arg0: i32) -> (i32, i32) {
    %c0_i32 = arith.constant 0 : i32
    %c0_i32_0 = arith.constant 0 : i32
    %c0_i32_1 = arith.constant 0 : i32
    return %c0_i32, %c0_i32_0 : i32, i32
  }
  func.func @transform_3(%arg0: i32) -> (i32, i32) {
    %c0_i32 = arith.constant 0 : i32
    %c0_i32_0 = arith.constant 0 : i32
    %c0_i32_1 = arith.constant 0 : i32
    return %c0_i32, %c0_i32_0 : i32, i32
  }
  func.func @transform_4(%arg0: i32) -> (i32, i32) {
    %c0_i32 = arith.constant 0 : i32
    %c0_i32_0 = arith.constant 0 : i32
    return %arg0, %c0_i32 : i32, i32
  }
  func.func @transform_5(%arg0: i32) -> (i32, i32) {
    %c0_i32 = arith.constant 0 : i32
    %c0_i32_0 = arith.constant 0 : i32
    return %arg0, %c0_i32 : i32, i32
  }
  func.func @transform_6(%arg0: i32) -> (i32, i32) {
    %add3A = arith.constant 50 : i32
    %add3A_0 = arith.addi %arg0, %add3A : i32
    %c0_i32 = arith.constant 0 : i32
    %c0_i32_1 = arith.constant 0 : i32
    return %add3A_0, %c0_i32 : i32, i32
  }
}

module attributes {stable_mosaic.version = 14 : i64} {
  func.func @body(%arg0: i32, %arg1: memref<640000x128xf32, #tpu.memory_space<hbm>>, %arg2: memref<6400x128xf32, #tpu.memory_space<vmem>>, %arg3: memref<128x128xf32, #tpu.memory_space<vmem>>, %arg4: memref<1x128xf32, #tpu.memory_space<vmem>>, %arg5: memref<6400x16xf32, #tpu.memory_space<vmem>>, %arg6: memref<6400x128xf32, #tpu.memory_space<vmem>>, %arg7: memref<6400x128xf32, #tpu.memory_space<vmem>>) attributes {dimension_semantics = [#tpu.dimension_semantics<arbitrary>], iteration_bounds = array<i64: 25>, scalar_prefetch = 0 : i64, scratch_operands = 0 : i64, tpu.core_type = #tpu.core_type<tc>, window_params = [{}, {transform_indices = @transform_1, window_bounds = array<i64: 6400, 128>}, {pipeline_mode = #tpu.pipeline_mode<synchronous>, transform_indices = @transform_2, window_bounds = array<i64: 128, 128>}, {pipeline_mode = #tpu.pipeline_mode<synchronous>, transform_indices = @transform_3, window_bounds = array<i64: 1, 128>}, {transform_indices = @transform_4, window_bounds = array<i64: 6400, 16>}, {transform_indices = @transform_5, window_bounds = array<i64: 6400, 128>}, {transform_indices = @transform_6, window_bounds = array<i64: 6400, 128>}]} {
    %get3A = arith.constant 0 : index
    %get3A_0 = arith.constant 0 : index
    %get3A_1 = vector.load %arg2[%get3A, %get3A_0] : memref<6400x128xf32, #tpu.memory_space<vmem>>, vector<6400x128xf32>
    %get3A_2 = arith.constant 0 : index
    %get3A_3 = arith.constant 0 : index
    %get3A_4 = vector.load %arg3[%get3A_2, %get3A_3] : memref<128x128xf32, #tpu.memory_space<vmem>>, vector<128x128xf32>
    %dot_general3A = arith.constant dense<0.000000e+00> : vector<6400x128xf32>
    %dot_general3A_5 = tpu.matmul %get3A_1, %get3A_4, %dot_general3A {dimension_numbers = #tpu.dot_dimension_numbers<[1], [0], [0], [1], [0, 0, 1, 1], [], []>, transpose_lhs_hint = false} : vector<6400x128xf32>, vector<128x128xf32>, vector<6400x128xf32> -> vector<6400x128xf32>
    %get3A_6 = arith.constant 0 : index
    %get3A_7 = arith.constant 0 : index
    %get3A_8 = vector.load %arg4[%get3A_6, %get3A_7] : memref<1x128xf32, #tpu.memory_space<vmem>>, vector<1x128xf32>
    %add3A = vector.broadcast %get3A_8 : vector<1x128xf32> to vector<6400x128xf32>
    %add3A_9 = arith.addf %dot_general3A_5, %add3A : vector<6400x128xf32>
    %get3A_10 = arith.constant 0 : index
    %get3A_11 = arith.constant 0 : index
    %get3A_12 = vector.load %arg5[%get3A_10, %get3A_11] : memref<6400x16xf32, #tpu.memory_space<vmem>>, vector<6400x1xf32>
    %mul3A = vector.broadcast %get3A_12 : vector<6400x1xf32> to vector<6400x128xf32>
    %mul3A_13 = arith.mulf %add3A_9, %mul3A : vector<6400x128xf32>
    %get3A_14 = arith.constant 0 : index
    %get3A_15 = arith.constant 0 : index
    %get3A_16 = vector.load %arg6[%get3A_14, %get3A_15] : memref<6400x128xf32, #tpu.memory_space<vmem>>, vector<6400x128xf32>
    %add3A_17 = arith.addf %mul3A_13, %get3A_16 : vector<6400x128xf32>
    %swap3A = arith.constant 0 : index
    %swap3A_18 = arith.constant 0 : index
    %swap3A_19 = vector.load %arg7[%swap3A, %swap3A_18] : memref<6400x128xf32, #tpu.memory_space<vmem>>, vector<6400x128xf32>
    tpu.vector_store %arg7[%swap3A, %swap3A_18], %add3A_17 {strides = array<i32>} : memref<6400x128xf32, #tpu.memory_space<vmem>>, vector<6400x128xf32>,
    return
  }
  func.func @transform_1(%arg0: i32) -> (i32, i32) {
    %add3A = arith.constant 75 : i32
    %add3A_0 = arith.addi %arg0, %add3A : i32
    %c0_i32 = arith.constant 0 : i32
    %c0_i32_1 = arith.constant 0 : i32
    return %add3A_0, %c0_i32 : i32, i32
  }
  func.func @transform_2(%arg0: i32) -> (i32, i32) {
    %c0_i32 = arith.constant 0 : i32
    %c0_i32_0 = arith.constant 0 : i32
    %c0_i32_1 = arith.constant 0 : i32
    return %c0_i32, %c0_i32_0 : i32, i32
  }
  func.func @transform_3(%arg0: i32) -> (i32, i32) {
    %c0_i32 = arith.constant 0 : i32
    %c0_i32_0 = arith.constant 0 : i32
    %c0_i32_1 = arith.constant 0 : i32
    return %c0_i32, %c0_i32_0 : i32, i32
  }
  func.func @transform_4(%arg0: i32) -> (i32, i32) {
    %c0_i32 = arith.constant 0 : i32
    %c0_i32_0 = arith.constant 0 : i32
    return %arg0, %c0_i32 : i32, i32
  }
  func.func @transform_5(%arg0: i32) -> (i32, i32) {
    %c0_i32 = arith.constant 0 : i32
    %c0_i32_0 = arith.constant 0 : i32
    return %arg0, %c0_i32 : i32, i32
  }
  func.func @transform_6(%arg0: i32) -> (i32, i32) {
    %add3A = arith.constant 75 : i32
    %add3A_0 = arith.addi %arg0, %add3A : i32
    %c0_i32 = arith.constant 0 : i32
    %c0_i32_1 = arith.constant 0 : i32
    return %add3A_0, %c0_i32 : i32, i32
  }
}

</mosaic_0001>

<sc_bundles>
// kernel: kernel.12.cloned.1.call-start
scs
__scs_entry_jumppad:
0x0: {  	(pc) =	sbr.rel $0x88, $3  }
0x1: {  	(tag) =	ssettag $0x0;
	lr =	simm.s32 $0x1  }
0x2: {  	[smem:$0x3F9B] =	sst lr;
	_ =	strace $0xD0000000  }
0x3: {  	_ = 	snop  }
0x4: {  	_ = 	snop  }
0x5: {  	_ = 	snop  }
0x6: {  	_ = 	snop  }
0x7: {  	_ = 	snop  }
__scs_overlays_trampoline_lowered:
0x8: {  	[smem:$0x3FAA] =	sst s0  }
0x9: {  	[smem:$0x3FAB] =	sst s1  }
0xa: {  	[smem:$0x3FAC] =	sst s2  }
0xb: {  	[smem:$0x3FAD] =	sst s3  }
0xc: {  	[smem:$0x3FAE] =	sst s4  }
0xd: {  	[smem:$0x3FAF] =	sst s5  }
0xe: {  	[smem:$0x3FB0] =	sst s6  }
0xf: {  	[smem:$0x3FB1] =	sst s7  }
0x10: {  	[smem:$0x3FB2] =	sst s8  }
0x11: {  	[smem:$0x3FB3] =	sst s9;
	s0 =	simm.s32 @!p0 $0x0  }
0x12: {  	s1 =	sld [smem:$0x3F99];
	s0 =	simm.s32 @p0 $0x1  }
0x13: {  	[smem:$0x3FB4] =	sst s0;
	s0 =	simm.s32 @!p1 $0x0  }
0x14: {  	s2 =	sld [smem:$0x3F98];
	s0 =	simm.s32 @p1 $0x1  }
0x15: {  	[smem:$0x3FB5] =	sst s0;
	s0 =	simm.s32 @!p2 $0x0  }
0x16: {  	s3 =	sld [smem:$0x3FDB];
	s0 =	simm.s32 @p2 $0x1  }
0x17: {  	s4 =	simm.s32 $0x1BF5;
	[smem:$0x3FB7] =	sst s0  }
0x18: {  	s0 =	sld [smem:$0x3F9A];
	_ =	swait.ge [sflag:s4], $0x0  }
0x19: {  	s7 =	sld [smem:$0x3F9B]  }
0x1a: {  	s8 =	sadd.s32 $0xFFFFE003, lr  }
0x1b: {  	s9 =	sadd.s32 $0xFFFFFEF7, lr;
	s5 =	simm.s32 $0xFFFFFFFF;
	p2 =	slt.u32 s8, $0xFFFFF086  }
0x1c: {  	p1 =	slt.u32 s9, $0xF7A;
	s5 =	simm.s32 @!p2 $0x0  }
0x1d: {  	s5 =	simm.s32 @p1 $0x1;
	p0 =	seq.s32 s7, s2  }
0x1e: {  	s7 =	smul.u32 @!p0 $0xF7A, s2;
	p2 =	seq.s32 @!p0 s5, $0x0  }
0x1f: {  	s9 =	smul.u32 $0xF7A, s1;
	s8 =	simm.s32 @!p0 $0x1BF5;
	p2 =	por !p2, p0  }
0x20: {  	[sflag:s8] =	ssyncset.s32 @!p0 $0xFFFFF086;
	s6 =	sadd.s32 @!p0 s3, s7;
	s7 =	simm.s32 @!p0 $0x108  }
0x21: {  	s3 =	sadd.s32 s3, s9;
	s6 =	sadd.s32 @!p0 $0x88, s6;
	s7 =	simm.s32 @p2 $0x1082  }
0x22: {  	[simem:s7], [sflag:s8] =	dma.local @!p0 [hbm:s6], $0xF7A  }
0x23: {  	s9 =	sor.u32 $0xD0000000, s2;
	s6 =	simm.s32 $0x108;
	_ =	swait.ge @!p0 [sflag:s8], $0x0  }
0x24: {  	s3 =	sadd.s32 $0x88, s3;
	s6 =	simm.s32 @!p1 $0x1082;
	[sflag:s4] =	ssyncset.s32 $0xFFFFF086  }
0x25: {  	[simem:s6], [sflag:s4] =	dma.local [hbm:s3], $0xF7A  }
0x26: {  	[smem:$0x3F9B] =	sst s1;
	(tag) =	ssettag s2;
	_ =	strace s9  }
0x27: {  	s1 =	sld [smem:$0x3FAB]  }
0x28: {  	s2 =	sld [smem:$0x3FAC]  }
0x29: {  	s4 =	sld [smem:$0x3FAE]  }
0x2a: {  	p0 =	seq.s32 s5, $0x0;
	s5 =	sld [smem:$0x3FAF]  }
0x2b: {  	s6 =	sld [smem:$0x3FB0]  }
0x2c: {  	s7 =	sld [smem:$0x3FB1]  }
0x2d: {  	s3 =	simm.s32 $0x108;
	s8 =	sld [smem:$0x3FB2]  }
0x2e: {  	s3 =	simm.s32 @!p0 $0x1082;
	s9 =	sld [smem:$0x3FB3]  }
0x2f: {  	lr =	sadd.s32 s0, s3;
	s0 =	sld [smem:$0x3FAA]  }
0x30: {  	s3 =	sld [smem:$0x3FAD]  }
0x31: {  	[smem:$0x3FB6] =	sst s10  }
0x32: {  	s10 =	sld [smem:$0x3FB4];
	_ =	sdelay $0x3  }
0x33: {  	p0 =	seq.s32 s10, $0x1;
	s10 =	sld [smem:$0x3FB6];
	_ =	sdelay $0x3  }
0x34: {  	[smem:$0x3FB6] =	sst s10  }
0x35: {  	s10 =	sld [smem:$0x3FB5];
	_ =	sdelay $0x3  }
0x36: {  	p1 =	seq.s32 s10, $0x1;
	s10 =	sld [smem:$0x3FB6];
	_ =	sdelay $0x3  }
0x37: {  	[smem:$0x3FB6] =	sst s10  }
0x38: {  	s10 =	sld [smem:$0x3FB7]  }
0x39: {  	_ = 	snop;
	(pc) =	sbr.ind lr, $3  }
0x3a: {  	_ = 	snop  }
0x3b: {  	_ = 	snop  }
0x3c: {  	p2 =	seq.s32 s10, $0x1;
	s10 =	sld [smem:$0x3FB6]  }
0x3d: {  	_ =	shalt  }
0x3e: {  	_ =	shalt  }
0x3f: {  	_ =	shalt  }
0x40: {  	_ =	shalt  }
0x41: {  	_ =	shalt  }
0x42: {  	_ =	shalt  }
0x43: {  	_ =	shalt  }
0x44: {  	_ =	shalt  }
0x45: {  	_ =	shalt  }
0x46: {  	_ =	shalt  }
0x47: {  	_ =	shalt  }
0x48: {  	_ =	shalt  }
0x49: {  	_ =	shalt  }
0x4a: {  	_ =	shalt  }
0x4b: {  	_ =	shalt  }
0x4c: {  	_ =	shalt  }
0x4d: {  	_ =	shalt  }
0x4e: {  	_ =	shalt  }
0x4f: {  	_ =	shalt  }
0x50: {  	_ =	shalt  }
0x51: {  	_ =	shalt  }
0x52: {  	_ =	shalt  }
0x53: {  	_ =	shalt  }
0x54: {  	_ =	shalt  }
0x55: {  	_ =	shalt  }
0x56: {  	_ =	shalt  }
0x57: {  	_ =	shalt  }
0x58: {  	_ =	shalt  }
0x59: {  	_ =	shalt  }
0x5a: {  	_ =	shalt  }
0x5b: {  	_ =	shalt  }
0x5c: {  	_ =	shalt  }
0x5d: {  	_ =	shalt  }
0x5e: {  	_ =	shalt  }
0x5f: {  	_ =	shalt  }
0x60: {  	_ =	shalt  }
0x61: {  	_ =	shalt  }
0x62: {  	_ =	shalt  }
0x63: {  	_ =	shalt  }
0x64: {  	_ =	shalt  }
0x65: {  	_ =	shalt  }
0x66: {  	_ =	shalt  }
0x67: {  	_ =	shalt  }
0x68: {  	_ =	shalt  }
0x69: {  	_ =	shalt  }
0x6a: {  	_ =	shalt  }
0x6b: {  	_ =	shalt  }
0x6c: {  	_ =	shalt  }
0x6d: {  	_ =	shalt  }
0x6e: {  	_ =	shalt  }
0x6f: {  	_ =	shalt  }
0x70: {  	_ =	shalt  }
0x71: {  	_ =	shalt  }
0x72: {  	_ =	shalt  }
0x73: {  	_ =	shalt  }
0x74: {  	_ =	shalt  }
0x75: {  	_ =	shalt  }
0x76: {  	_ =	shalt  }
0x77: {  	_ =	shalt  }
0x78: {  	_ =	shalt  }
0x79: {  	_ =	shalt  }
0x7a: {  	_ =	shalt  }
0x7b: {  	_ =	shalt  }
0x7c: {  	_ =	shalt  }
0x7d: {  	_ =	shalt  }
0x7e: {  	_ =	shalt  }
0x7f: {  	_ =	shalt  }
0x80: {  	_ =	shalt  }
0x81: {  	_ =	shalt  }
0x82: {  	_ =	shalt  }
0x83: {  	_ =	shalt  }
0x84: {  	_ =	shalt  }
0x85: {  	_ =	shalt  }
0x86: {  	_ =	shalt  }
0x87: {  	_ =	shalt  }
.Lfunc_end0:
.L_simem_size_0:
called_computation_lowered:
.L_overlay_start_0:
0x88: {  	s2 =	sld [smem:$0x3FD9]  }
0x89: {  	s3 =	sld [smem:$0x3FFE];
	_ =	sdelay $0x1  }
0x8a: {  	s1 =	srdreg.scid  }
0x8b: {  	s0 =	sand.u32 $0x1, s1  }
0x8c: {  	s17 =	sshll.u32 s0, $0xA;
	s2 =	sadd.s32 s3, s2  }
0x8d: {  	s2 =	sadd.s32 s2, s17  }
0x8e: {  	[smem:$0x3FC2] =	sst s2  }
0x8f: {  	_ = 	snop  }
0x90: {  	s2 =	sld [smem:$0x3FC9]  }
0x91: {  	s18 =	sld [smem:$0x3FD0];
	(tm) =	ssettm $0x1  }
0x92: {  	s4 =	sld [smem:$0x3FFB];
	_ =	sdelay $0x3  }
0x93: {  	_ =	strace s4  }
0x94: {  	s4 =	sld [smem:$0x3FFC];
	_ =	sdelay $0x3  }
0x95: {  	_ =	strace s4  }
0x96: {  	s4 =	sld [smem:$0x3FFD];
	_ =	sdelay $0x3  }
0x97: {  	_ =	strace s4  }
0x98: {  	_ =	strace $0x8FFFFFFF  }
0x99: {  	s19 =	sld [smem:$0x3FDB];
	_ =	sdelay $0x1  }
0x9a: {  	s5 =	simm.s32 $_scs_section_size  }
0x9b: {  	s6 =	simm.s32 $_size__tile_overlayer_lowered;
	s7 =	simm.s32 $_tile_overlayer_lowered  }
0x9c: {  	s22 =	simm.s32 $0x1BFF;
	s21 =	sshll.u32 s7, $0x1;
	s4 =	sadd.s32 s5, s19  }
0x9d: {  	s8 =	simm.s32 $0x0;
	s20 =	sshll.u32 s6, $0x1;
	s6 =	sadd.s32 s21, s4  }
0x9e: {  	[timem:s8], [sflag:s22] =	dma.local [hbm:s6], s20  }
0x9f: {  	_ =	swait.ge [sflag:s22], s20  }
0xa0: {  	s5 =	ssub.s32 $0x0, s20;
	[sflag:s22] =	ssyncset.done $0x0  }
0xa1: {  	[sflag:s22] =	ssyncadd.s32 s5;
	_ =	sdelay $0x1  }
0xa2: {  	s23 =	simm.s32 $0x1B8B  }
0xa3: {  	_ =	swait.ge [sflag:s23], $0x1  }
0xa4: {  	[sflag:s23] =	ssyncset.done $0x0  }
0xa5: {  	s25 =	simm.s32 $0x1B8E;
	s24 =	sld [smem:$0x3FFE];
	[sflag:s23] =	ssyncadd.s32 $0xFFFFFFFF  }
0xa6: {  	s26 =	simm.s32 $execute0_lowered;
	[smem:$0x3FD2] =	sst s25  }
0xa7: {  	s6 =	sshll.u32 s26, $0x1;
	_ =	strace $0x80000046;
	[dreg:$0x1] =	wrdreg $0xFFFFFFFF  }
0xa8: {  	s28 =	simm.s32 $_size_execute0_lowered;
	s4 =	sadd.s32 s4, s6;
	[dreg:$0x0] =	wrdreg $0x0  }
0xa9: {  	s6 =	sshll.u32 s28, $0x1;
	[dreg:$0x2] =	wrdreg s4  }
0xaa: {  	[dreg:$0x3] =	wrdreg s6  }
0xab: {  	[dreg:$0x4] =	wrdreg $0xC0  }
0xac: {  	_ =	task [dreg:s8], $0x5FFFF  }
0xad: {  	[dreg:$0x1] =	wrdreg $0xFFFFFFFF  }
0xae: {  	[dreg:$0x0] =	wrdreg $0x60  }
0xaf: {  	[dreg:$0x2] =	wrdreg s2  }
0xb0: {  	[dreg:$0x3] =	wrdreg s24  }
0xb1: {  	[dreg:$0x4] =	wrdreg s18  }
0xb2: {  	[dreg:$0x5] =	wrdreg $0x0  }
0xb3: {  	[dreg:$0x6] =	wrdreg $0x9  }
0xb4: {  	_ =	task.clear_ibuf [dreg:s8], $0x7FFFF;
	_ =	strace $0x90000046  }
0xb5: {  	s29 =	simm.s32 $0x9;
	_ =	strace $0x80000048  }
0xb6: {  	_ =	swait.ge [sflag:s29], $0x1  }
0xb7: {  	[sflag:s29] =	ssyncadd.s32 $0xFFFFFFFF  }
0xb8: {  	_ =	strace $0x90000048  }
0xb9: {  	_ =	sfence  }
0xba: {  	s30 =	sld [smem:$0x0];
	_ =	sdelay $0x2  }
0xbb: {  	s31 =	sshll.u32 s1, $0xD;
	s1 =	sshrl.u32 s1, $0x2  }
0xbc: {  	s3 =	sand.u32 $0x4000, s31;
	s1 =	sadd.s32 s1, s30  }
0xbd: {  	s0 =	sor.u32 s3, s0;
	s1 =	sshll.u32 s1, $0x11  }
0xbe: {  	s0 =	sor.u32 s1, s0  }
0xbf: {  	s0 =	sadd.s32 $0x8F2B, s0  }
0xc0: {  	[sflag:s0] =	ssyncadd.remote.s32 $0x1  }
0xc1: {  	_ =	sfence.sel $0xFFFF  }
0xc2: {  	[dreg:$0x0] =	wrdreg $0xFFFFFFFF;
	(pc) =	sbr.abs _section_cstart, $3  }
0xc3: {  	[dreg:$0x1] =	wrdreg $0xFFFFFFFF  }
0xc4: {  	_ =	task.clear_ibuf [dreg:s8], $0x2FFFF;
	_ =	strace $0x9FFFFFFF  }
0xc5: {  	(tm) =	ssettm $0x7FFFFFFF  }
tec
execute0_lowered:
.L_overlay_start_1:
0x0: {  	(tag) =	ssettag $0x1  }
0x1: {  	s14 =	rddreg [dreg:$0x0]  }
0x2: {  	s5 =	rddreg [dreg:$0x1]  }
0x3: {  	s9 =	rddreg [dreg:$0x2]  }
0x4: {  	s2 =	rddreg [dreg:$0x3]  }
0x5: {  	s4 =	srdreg.scid;
	s1 =	stileid.u32;
	s0 =	simm.s32 $0x0  }
0x6: {  	s19 =	simm.s32 $0x5;
	s20 =	simm.s32 $0x14000;
	s21 =	simm.s32 $0x80  }
0x7: {  	s22 =	simm.s32 $0x1C100;
	s15 =	sand.u32 $0x1, s4;
	s23 =	sshll.u32 s1, $0x1  }
0x8: {  	[smem:$0x7FF] =	sst s0;
	s4 =	sadd.s32 $0x3200, s5;
	s10 =	smul.u32 $0x50000, s1  }
0x9: {  	s13 =	smul.u32 $0x2800, s1;
	s30 =	sshll.u32 s1, $0xC;
	s18 =	sshll.u32 s1, $0x8  }
0xa: {  	s7 =	sor.u32 s15, s23;
	_ =	strace $0x80000047;
	s8 =	ssub.s32 $0x2, s15  }
0xb: {  	s12 =	smul.u32 $0x28000, s15;
	s17 =	sshll.u32 s15, $0xB;
	s15 =	sshll.u32 s15, $0x7  }
0xc: {  	s23 =	simm.s32 $0x0;
	s6 =	smul.u32 $0x500, s7;
	s24 =	sshrl.u32 s8, $0x1  }
0xd: {  	s25 =	sshrl.u32 s10, $0x2;
	s26 =	ssub.s32 $0x13A7, s7;
	s28 =	sshll.u32 s7, $0x4  }
0xe: {  	s29 =	sshll.u32 s7, $0xB;
	s31 =	sor.u32 s15, s18;
	s18 =	simm.s32 $0x14100  }
0xf: {  	s16 =	ssub.s32 s8, s24;
	s12 =	sadd.s32 s13, s12;
	s7 =	sadd.s32 s4, s28  }
0x10: {  	s8 =	sadd.s32 s14, s29;
	s11 =	sadd.s32 s6, s5;
	s5 =	sadd.s32 s25, s2  }
0x11: {  	s6 =	sshrl.u32 s26, $0x5;
	s9 =	sadd.s32 s9, s12;
	s10 =	sadd.s32 $0x16C00, s11  }
0x12: {  	s11 =	smax.u32 s16, $0x1;
	s12 =	sadd.s32 $0x4000, s5;
	s16 =	sadd.s32 s30, s14  }
0x13: {  	s13 =	sadd.s32 $0x8000, s5;
	s14 =	sadd.s32 $0xC000, s5;
	s16 =	sadd.s32 s17, s16  }
0x14: {  	v0 =	vimm.f32 $0.0e+00;
	v1 =	vimm.f32 $1.000000000e+00;
	s15 =	sadd.s32 $0x10000, s5;
	s17 =	sor.u32 $0x1000, s31;
	s16 =	sadd.s32 $0x10000, s16  }
.LBB2_1:
0x15: {  	s24 =	simm.s32 $0x0;
	s25 =	simm.s32 $0x200  }
.LBB2_2:
0x16: {  	p0 =	sne.s32 s25, $0xFE00;
	[tilespmem:s24+$0x14170] =	vst v0  }
0x17: {  	[tilespmem:s24+$0x14100] =	vst v0  }
0x18: {  	[tilespmem:s24+$0x14110] =	vst v0  }
.Ltmp0:
0x19: {  	[tilespmem:s24+$0x14120] =	vst v0;
	(pc) =	sbr.rel @p0 .LBB2_2-.Ltmp0, $4  }
0x1a: {  	[tilespmem:s24+$0x14130] =	vst v0  }
0x1b: {  	[tilespmem:s24+$0x14140] =	vst v0  }
0x1c: {  	[tilespmem:s24+$0x14150] =	vst v0  }
0x1d: {  	[tilespmem:s24+$0x14160] =	vst v0;
	s24 =	sshra.s32 s25, $0x2;
	s25 =	sadd.s32 $0x200, s25  }
0x1e: {  	[tilespmem:s24+$0x14170] =	vst v0  }
0x1f: {  	[tilespmem:s24+$0x14100] =	vst v0  }
0x20: {  	[tilespmem:s24+$0x14110] =	vst v0  }
0x21: {  	[tilespmem:s24+$0x14120] =	vst v0  }
0x22: {  	[tilespmem:s24+$0x14130] =	vst v0  }
0x23: {  	[tilespmem:s24+$0x14140] =	vst v0  }
0x24: {  	[tilespmem:s24+$0x14150] =	vst v0  }
0x25: {  	[tilespmem:s24+$0x14160] =	vst v0  }
0x26: {  	[spmem:s5] =	stream.linear.scatter [tilespmem:s18], [sflag:$0x5], $0x4000, $0x38;
	[tilespmem:$0x1E900] =	vst v63  }
0x27: {  	_ =	swait.ge [sflag:s19], $0x4000  }
0x28: {  	[sflag:s19] =	ssyncset.done $0x0  }
0x29: {  	[sflag:s19] =	ssyncadd.s32 $0xFFFFC000  }
0x2a: {  	[spmem:s12] =	stream.linear.scatter [tilespmem:s18], [sflag:$0x5], $0x4000, $0x38;
	[tilespmem:$0x1E900] =	vst v63  }
0x2b: {  	_ =	swait.ge [sflag:s19], $0x4000  }
0x2c: {  	[sflag:s19] =	ssyncset.done $0x0  }
0x2d: {  	[sflag:s19] =	ssyncadd.s32 $0xFFFFC000  }
0x2e: {  	[spmem:s13] =	stream.linear.scatter [tilespmem:s18], [sflag:$0x5], $0x4000, $0x38;
	[tilespmem:$0x1E900] =	vst v63  }
0x2f: {  	_ =	swait.ge [sflag:s19], $0x4000  }
0x30: {  	[sflag:s19] =	ssyncset.done $0x0  }
0x31: {  	[sflag:s19] =	ssyncadd.s32 $0xFFFFC000  }
0x32: {  	[spmem:s14] =	stream.linear.scatter [tilespmem:s18], [sflag:$0x5], $0x4000, $0x38;
	[tilespmem:$0x1E900] =	vst v63  }
0x33: {  	_ =	swait.ge [sflag:s19], $0x4000  }
0x34: {  	[sflag:s19] =	ssyncset.done $0x0  }
0x35: {  	[sflag:s19] =	ssyncadd.s32 $0xFFFFC000  }
0x36: {  	[spmem:s15] =	stream.linear.scatter [tilespmem:s18], [sflag:$0x5], $0x4000, $0x38;
	[tilespmem:$0x1E900] =	vst v63  }
0x37: {  	_ =	swait.ge [sflag:s19], $0x4000  }
0x38: {  	[sflag:s19] =	ssyncset.done $0x0  }
0x39: {  	s24 =	simm.s32 $0x40;
	s25 =	simm.s32 $0x0;
	[sflag:s19] =	ssyncadd.s32 $0xFFFFC000  }
.LBB2_4:
0x3a: {  	p0 =	sne.s32 s24, $0x9FC0;
	[tilespmem:s25+$0x1C100] =	vst v0;
	s25 =	smov.u32 s24;
	s24 =	sadd.s32 $0x40, s24  }
.Ltmp1:
0x3b: {  	(pc) =	sbr.rel @p0 .LBB2_4-.Ltmp1, $2  }
0x3c: {  	_ =	sdelay $0x2  }
0x3d: {  	s25 =	sshra.s32 s25, $0x2  }
0x3e: {  	[tilespmem:s25+$0x1C100] =	vst v0  }
0x3f: {  	s24 =	simm.s32 $0x0;
	[bflag:$0x0] =	sbarrier.arrive $0xFFFF  }
0x40: {  	[tilespmem:s20], [sflag:$0x1] =	stream.linear.gather [hbm4b:s7+s24], $0x80, $0x38;
	[tilespmem:$0x1E900] =	vst v63  }
0x41: {  	s25 =	smov.u32 s17;
	s26 =	smov.u32 s16  }
0x42: {  	[tilespmem:s18], [sflag:$0x3] =	stream.linear.gather [hbm4b:s8+s24], $0x4000, $0x38;
	[tilespmem:$0x1E900] =	vst v63  }
.LBB2_6:
0x43: {  	s28 =	sand.u32 $0x1, s24  }
0x44: {  	s29 =	sadd.s32 $0x1, s28  }
0x45: {  	s24 =	sadd.s32 $0x1, s24;
	_ =	swait.ge [sflag:s29], $0x80  }
0x46: {  	p0 =	sge.u32 s24, s6;
	[sflag:s29] =	ssyncset.done $0x0  }
0x47: {  	s3 =	sadd.s32 $0x3, s28;
	s30 =	sxor.u32 @!p0 $0x1, s28;
	[sflag:s29] =	ssyncadd.s32 $0xFFFFFF80  }
0x48: {  	s31 =	sshll.u32 @!p0 s30, $0x7;
	s0 =	sadd.s32 @!p0 $0x1, s30;
	_ =	swait.ge [sflag:s3], $0x4000  }
0x49: {  	s29 =	sor.u32 @!p0 $0x14000, s31;
	s31 =	sshrl.u32 @!p0 s25, $0x3;
	[sflag:s3] =	ssyncset.done $0x0  }
0x4a: {  	s31 =	sadd.s32 @!p0 s4, s31;
	[sflag:s3] =	ssyncadd.s32 $0xFFFFC000;
	s3 =	simm.s32 @!p0 $0x0  }
0x4b: {  	[tilespmem:s29], [sflag:s0] =	stream.linear.gather @!p0 [hbm4b:s31+s3], $0x80, $0x38;
	[tilespmem:$0x1E900] =	vst v63  }
0x4c: {  	s0 =	sshll.u32 s28, $0x7;
	s29 =	sshll.u32 @!p0 s30, $0xE  }
0x4d: {  	s28 =	sshll.u32 s28, $0xE;
	s30 =	sadd.s32 @!p0 $0x3, s30;
	s29 =	sadd.s32 @!p0 $0x14100, s29  }
0x4e: {  	[tilespmem:s29], [sflag:s30] =	stream.linear.gather @!p0 [hbm4b:s26+s3], $0x4000, $0x38;
	[tilespmem:$0x1E900] =	vst v63  }
0x4f: {  	s31 =	sor.u32 $0x14000, s0;
	s28 =	sadd.s32 $0x14100, s28  }
0x50: {  	[spmem:s2] =	stream.indirect.scatter.add.f32 [tilespmem:s28], [sflag:$0x5], $0x80, s31, s21, $0xb8;
	[tilespmem:$0x1E900] =	vst v63  }
0x51: {  	_ =	swait.ge [sflag:s19], $0x4000  }
0x52: {  	[sflag:s19] =	ssyncset.done $0x0  }
0x53: {  	[sflag:s19] =	ssyncadd.s32 $0xFFFFC000  }
0x54: {  	v2 =	vld [tilespmem:s0+$0x14000];
	_ =	sdelay $0x7  }
0x55: {  	[tilespmem:v2+s22+$0x0] =	vst.idx.add.f32.msk $0xffff, v1  }
0x56: {  	v2 =	vld [tilespmem:s0+$0x14010];
	_ =	sdelay $0x7  }
0x57: {  	[tilespmem:v2+s22+$0x0] =	vst.idx.add.f32.msk $0xffff, v1  }
0x58: {  	v2 =	vld [tilespmem:s0+$0x14020];
	_ =	sdelay $0x7  }
0x59: {  	[tilespmem:v2+s22+$0x0] =	vst.idx.add.f32.msk $0xffff, v1  }
0x5a: {  	v2 =	vld [tilespmem:s0+$0x14030];
	_ =	sdelay $0x7  }
0x5b: {  	[tilespmem:v2+s22+$0x0] =	vst.idx.add.f32.msk $0xffff, v1  }
0x5c: {  	v2 =	vld [tilespmem:s0+$0x14040];
	_ =	sdelay $0x7  }
0x5d: {  	[tilespmem:v2+s22+$0x0] =	vst.idx.add.f32.msk $0xffff, v1  }
0x5e: {  	v2 =	vld [tilespmem:s0+$0x14050];
	_ =	sdelay $0x7  }
0x5f: {  	[tilespmem:v2+s22+$0x0] =	vst.idx.add.f32.msk $0xffff, v1  }
0x60: {  	v2 =	vld [tilespmem:s0+$0x14060];
	_ =	sdelay $0x7  }
0x61: {  	[tilespmem:v2+s22+$0x0] =	vst.idx.add.f32.msk $0xffff, v1  }
0x62: {  	v2 =	vld [tilespmem:s0+$0x14070];
	_ =	sdelay $0x2  }
0x63: {  	p0 =	sne.s32 s6, s24  }
.Ltmp2:
0x64: {  	_ = 	snop;
	(pc) =	sbr.rel @p0 .LBB2_6-.Ltmp2, $2  }
0x65: {  	_ =	sdelay $0x2  }
0x66: {  	s25 =	sadd.s32 $0x1000, s25;
	s26 =	sadd.s32 $0x10000, s26;
	[tilespmem:v2+s22+$0x0] =	vst.idx.add.f32.msk $0xffff, v1  }
0x67: {  	s0 =	sshll.u32 s1, $0x6  }
0x68: {  	[bflag:$0x0] =	sbarrier.arrive $0xFFFF;
	s3 =	sshrl.u32 s5, $0x3;
	s0 =	sor.u32 $0x1C05, s0  }
0x69: {  	[hbm:s9], [sflag:s0] =	dma.local [spmem:s3], $0x2800  }
0x6a: {  	s23 =	sadd.s32 $0x1, s23;
	_ =	swait.ge [sflag:s19], $0x2800  }
0x6b: {  	p0 =	sne.s32 s23, s11;
	[sflag:s19] =	ssyncset.done $0x0  }
.Ltmp3:
0x6c: {  	s31 =	simm.s32 $0x0;
	[sflag:s19] =	ssyncadd.s32 $0xFFFFD800;
	(pc) =	sbr.rel @p0 .LBB2_1-.Ltmp3, $4  }
0x6d: {  	[hbm4b:s10+s31] =	stream.linear.scatter [tilespmem:s22], [sflag:$0x5], $0x2800, $0x38;
	[tilespmem:$0x1E900] =	vst v63  }
0x6e: {  	_ =	swait.ge [sflag:s19], $0x2800  }
0x6f: {  	[sflag:s19] =	ssyncset.done $0x0  }
0x70: {  	[sflag:s19] =	ssyncadd.s32 $0xFFFFD800  }
0x71: {  	_ =	sfence.sel $0x180000  }
0x72: {  	[bflag:$0x0] =	sbarrier.arrive $0xFFFF  }
0x73: {  	_ =	strace $0x90000047  }
0x74: {  	[bflag:$0x2] =	sbarrier.arrive $0xFFFF  }
0x75: {  	p0 =	sne.s32 s1, $0x0;
	s0 =	rddreg [dreg:$0x4]  }
0x76: {  	s0 =	sadd.s32 @!p0 $0x100000, s0  }
0x77: {  	[sflag:s0] =	ssyncadd.tile.s32 @!p0 $0x1;
	_ =	shalt  }
.Lfunc_end2:
_tile_overlayer_lowered:
.L_overlay_start_2:
0x78: {  	(tag) =	ssettag $0x2  }
0x79: {  	s0 =	rddreg [dreg:$0x0];
	s2 =	stileid.u32  }
0x7a: {  	s1 =	rddreg [dreg:$0x1];
	p0 =	sne.s32 s2, $0x0  }
0x7b: {  	s3 =	rddreg [dreg:$0x2];
	[bflag:$0x3] =	sbarrier.arrive $0xFFFF;
	s2 =	simm.s32 @!p0 $0x1C05  }
0x7c: {  	[timem:s3], [sflag:s2] =	dma.local @!p0 [hbm:s0], s1  }
0x7d: {  	s0 =	simm.s32 @!p0 $0x5  }
0x7e: {  	_ =	swait.ge @!p0 [sflag:s0], s1  }
0x7f: {  	s1 =	ssub.s32 @!p0 $0x0, s1;
	[sflag:s0] =	ssyncset.done @!p0 $0x0  }
0x80: {  	[sflag:s0] =	ssyncadd.s32 @!p0 s1  }
0x81: {  	[bflag:$0x3] =	sbarrier.arrive $0xFFFF  }
0x82: {  	_ =	shalt  }

// kernel: kernel.15.cloned.1.call-start
scs
__scs_entry_jumppad:
0x0: {  	(pc) =	sbr.rel $0x88, $3  }
0x1: {  	(tag) =	ssettag $0x0;
	lr =	simm.s32 $0x1  }
0x2: {  	[smem:$0x3F9B] =	sst lr;
	_ =	strace $0xD0000000  }
0x3: {  	_ = 	snop  }
0x4: {  	_ = 	snop  }
0x5: {  	_ = 	snop  }
0x6: {  	_ = 	snop  }
0x7: {  	_ = 	snop  }
__scs_overlays_trampoline_lowered:
0x8: {  	[smem:$0x3FAA] =	sst s0  }
0x9: {  	[smem:$0x3FAB] =	sst s1  }
0xa: {  	[smem:$0x3FAC] =	sst s2  }
0xb: {  	[smem:$0x3FAD] =	sst s3  }
0xc: {  	[smem:$0x3FAE] =	sst s4  }
0xd: {  	[smem:$0x3FAF] =	sst s5  }
0xe: {  	[smem:$0x3FB0] =	sst s6  }
0xf: {  	[smem:$0x3FB1] =	sst s7  }
0x10: {  	[smem:$0x3FB2] =	sst s8  }
0x11: {  	[smem:$0x3FB3] =	sst s9;
	s0 =	simm.s32 @!p0 $0x0  }
0x12: {  	s1 =	sld [smem:$0x3F99];
	s0 =	simm.s32 @p0 $0x1  }
0x13: {  	[smem:$0x3FB4] =	sst s0;
	s0 =	simm.s32 @!p1 $0x0  }
0x14: {  	s2 =	sld [smem:$0x3F98];
	s0 =	simm.s32 @p1 $0x1  }
0x15: {  	[smem:$0x3FB5] =	sst s0;
	s0 =	simm.s32 @!p2 $0x0  }
0x16: {  	s3 =	sld [smem:$0x3FDB];
	s0 =	simm.s32 @p2 $0x1  }
0x17: {  	s4 =	simm.s32 $0x1BF5;
	[smem:$0x3FB7] =	sst s0  }
0x18: {  	s0 =	sld [smem:$0x3F9A];
	_ =	swait.ge [sflag:s4], $0x0  }
0x19: {  	s7 =	sld [smem:$0x3F9B]  }
0x1a: {  	s8 =	sadd.s32 $0xFFFFE003, lr  }
0x1b: {  	s9 =	sadd.s32 $0xFFFFFEF7, lr;
	s5 =	simm.s32 $0xFFFFFFFF;
	p2 =	slt.u32 s8, $0xFFFFF086  }
0x1c: {  	p1 =	slt.u32 s9, $0xF7A;
	s5 =	simm.s32 @!p2 $0x0  }
0x1d: {  	s5 =	simm.s32 @p1 $0x1;
	p0 =	seq.s32 s7, s2  }
0x1e: {  	s7 =	smul.u32 @!p0 $0xF7A, s2;
	p2 =	seq.s32 @!p0 s5, $0x0  }
0x1f: {  	s9 =	smul.u32 $0xF7A, s1;
	s8 =	simm.s32 @!p0 $0x1BF5;
	p2 =	por !p2, p0  }
0x20: {  	[sflag:s8] =	ssyncset.s32 @!p0 $0xFFFFF086;
	s6 =	sadd.s32 @!p0 s3, s7;
	s7 =	simm.s32 @!p0 $0x108  }
0x21: {  	s3 =	sadd.s32 s3, s9;
	s6 =	sadd.s32 @!p0 $0x88, s6;
	s7 =	simm.s32 @p2 $0x1082  }
0x22: {  	[simem:s7], [sflag:s8] =	dma.local @!p0 [hbm:s6], $0xF7A  }
0x23: {  	s9 =	sor.u32 $0xD0000000, s2;
	s6 =	simm.s32 $0x108;
	_ =	swait.ge @!p0 [sflag:s8], $0x0  }
0x24: {  	s3 =	sadd.s32 $0x88, s3;
	s6 =	simm.s32 @!p1 $0x1082;
	[sflag:s4] =	ssyncset.s32 $0xFFFFF086  }
0x25: {  	[simem:s6], [sflag:s4] =	dma.local [hbm:s3], $0xF7A  }
0x26: {  	[smem:$0x3F9B] =	sst s1;
	(tag) =	ssettag s2;
	_ =	strace s9  }
0x27: {  	s1 =	sld [smem:$0x3FAB]  }
0x28: {  	s2 =	sld [smem:$0x3FAC]  }
0x29: {  	s4 =	sld [smem:$0x3FAE]  }
0x2a: {  	p0 =	seq.s32 s5, $0x0;
	s5 =	sld [smem:$0x3FAF]  }
0x2b: {  	s6 =	sld [smem:$0x3FB0]  }
0x2c: {  	s7 =	sld [smem:$0x3FB1]  }
0x2d: {  	s3 =	simm.s32 $0x108;
	s8 =	sld [smem:$0x3FB2]  }
0x2e: {  	s3 =	simm.s32 @!p0 $0x1082;
	s9 =	sld [smem:$0x3FB3]  }
0x2f: {  	lr =	sadd.s32 s0, s3;
	s0 =	sld [smem:$0x3FAA]  }
0x30: {  	s3 =	sld [smem:$0x3FAD]  }
0x31: {  	[smem:$0x3FB6] =	sst s10  }
0x32: {  	s10 =	sld [smem:$0x3FB4];
	_ =	sdelay $0x3  }
0x33: {  	p0 =	seq.s32 s10, $0x1;
	s10 =	sld [smem:$0x3FB6];
	_ =	sdelay $0x3  }
0x34: {  	[smem:$0x3FB6] =	sst s10  }
0x35: {  	s10 =	sld [smem:$0x3FB5];
	_ =	sdelay $0x3  }
0x36: {  	p1 =	seq.s32 s10, $0x1;
	s10 =	sld [smem:$0x3FB6];
	_ =	sdelay $0x3  }
0x37: {  	[smem:$0x3FB6] =	sst s10  }
0x38: {  	s10 =	sld [smem:$0x3FB7]  }
0x39: {  	_ = 	snop;
	(pc) =	sbr.ind lr, $3  }
0x3a: {  	_ = 	snop  }
0x3b: {  	_ = 	snop  }
0x3c: {  	p2 =	seq.s32 s10, $0x1;
	s10 =	sld [smem:$0x3FB6]  }
0x3d: {  	_ =	shalt  }
0x3e: {  	_ =	shalt  }
0x3f: {  	_ =	shalt  }
0x40: {  	_ =	shalt  }
0x41: {  	_ =	shalt  }
0x42: {  	_ =	shalt  }
0x43: {  	_ =	shalt  }
0x44: {  	_ =	shalt  }
0x45: {  	_ =	shalt  }
0x46: {  	_ =	shalt  }
0x47: {  	_ =	shalt  }
0x48: {  	_ =	shalt  }
0x49: {  	_ =	shalt  }
0x4a: {  	_ =	shalt  }
0x4b: {  	_ =	shalt  }
0x4c: {  	_ =	shalt  }
0x4d: {  	_ =	shalt  }
0x4e: {  	_ =	shalt  }
0x4f: {  	_ =	shalt  }
0x50: {  	_ =	shalt  }
0x51: {  	_ =	shalt  }
0x52: {  	_ =	shalt  }
0x53: {  	_ =	shalt  }
0x54: {  	_ =	shalt  }
0x55: {  	_ =	shalt  }
0x56: {  	_ =	shalt  }
0x57: {  	_ =	shalt  }
0x58: {  	_ =	shalt  }
0x59: {  	_ =	shalt  }
0x5a: {  	_ =	shalt  }
0x5b: {  	_ =	shalt  }
0x5c: {  	_ =	shalt  }
0x5d: {  	_ =	shalt  }
0x5e: {  	_ =	shalt  }
0x5f: {  	_ =	shalt  }
0x60: {  	_ =	shalt  }
0x61: {  	_ =	shalt  }
0x62: {  	_ =	shalt  }
0x63: {  	_ =	shalt  }
0x64: {  	_ =	shalt  }
0x65: {  	_ =	shalt  }
0x66: {  	_ =	shalt  }
0x67: {  	_ =	shalt  }
0x68: {  	_ =	shalt  }
0x69: {  	_ =	shalt  }
0x6a: {  	_ =	shalt  }
0x6b: {  	_ =	shalt  }
0x6c: {  	_ =	shalt  }
0x6d: {  	_ =	shalt  }
0x6e: {  	_ =	shalt  }
0x6f: {  	_ =	shalt  }
0x70: {  	_ =	shalt  }
0x71: {  	_ =	shalt  }
0x72: {  	_ =	shalt  }
0x73: {  	_ =	shalt  }
0x74: {  	_ =	shalt  }
0x75: {  	_ =	shalt  }
0x76: {  	_ =	shalt  }
0x77: {  	_ =	shalt  }
0x78: {  	_ =	shalt  }
0x79: {  	_ =	shalt  }
0x7a: {  	_ =	shalt  }
0x7b: {  	_ =	shalt  }
0x7c: {  	_ =	shalt  }
0x7d: {  	_ =	shalt  }
0x7e: {  	_ =	shalt  }
0x7f: {  	_ =	shalt  }
0x80: {  	_ =	shalt  }
0x81: {  	_ =	shalt  }
0x82: {  	_ =	shalt  }
0x83: {  	_ =	shalt  }
0x84: {  	_ =	shalt  }
0x85: {  	_ =	shalt  }
0x86: {  	_ =	shalt  }
0x87: {  	_ =	shalt  }
.Lfunc_end0:
.L_simem_size_0:
called_computation.1_lowered:
.L_overlay_start_0:
0x88: {  	s2 =	sld [smem:$0x3FD9]  }
0x89: {  	s3 =	sld [smem:$0x3FFE];
	_ =	sdelay $0x1  }
0x8a: {  	s1 =	srdreg.scid  }
0x8b: {  	s0 =	sand.u32 $0x1, s1  }
0x8c: {  	s16 =	sshll.u32 s0, $0xA;
	s2 =	sadd.s32 s3, s2  }
0x8d: {  	s2 =	sadd.s32 s2, s16  }
0x8e: {  	[smem:$0x3FC2] =	sst s2  }
0x8f: {  	_ = 	snop  }
0x90: {  	(tm) =	ssettm $0x1  }
0x91: {  	s17 =	sld [smem:$0x3FFB];
	_ =	sdelay $0x3  }
0x92: {  	_ =	strace s17  }
0x93: {  	s2 =	sld [smem:$0x3FFC];
	_ =	sdelay $0x3  }
0x94: {  	_ =	strace s2  }
0x95: {  	s2 =	sld [smem:$0x3FFD];
	_ =	sdelay $0x3  }
0x96: {  	_ =	strace s2  }
0x97: {  	_ =	strace $0x8FFFFFFF  }
0x98: {  	s18 =	sld [smem:$0x3FDB];
	_ =	sdelay $0x1  }
0x99: {  	s19 =	simm.s32 $_scs_section_size  }
0x9a: {  	s4 =	simm.s32 $_size__tile_overlayer_lowered;
	s5 =	simm.s32 $_tile_overlayer_lowered  }
0x9b: {  	s22 =	simm.s32 $0x1BFF;
	s21 =	sshll.u32 s5, $0x1;
	s2 =	sadd.s32 s19, s18  }
0x9c: {  	s6 =	simm.s32 $0x0;
	s20 =	sshll.u32 s4, $0x1;
	s4 =	sadd.s32 s21, s2  }
0x9d: {  	[timem:s6], [sflag:s22] =	dma.local [hbm:s4], s20  }
0x9e: {  	_ =	swait.ge [sflag:s22], s20  }
0x9f: {  	s3 =	ssub.s32 $0x0, s20;
	[sflag:s22] =	ssyncset.done $0x0  }
0xa0: {  	[sflag:s22] =	ssyncadd.s32 s3;
	_ =	sdelay $0x1  }
0xa1: {  	s23 =	simm.s32 $0x1B8B  }
0xa2: {  	_ =	swait.ge [sflag:s23], $0x1  }
0xa3: {  	[sflag:s23] =	ssyncset.done $0x0  }
0xa4: {  	s25 =	simm.s32 $0x1B8E;
	s24 =	sld [smem:$0x3FFE];
	[sflag:s23] =	ssyncadd.s32 $0xFFFFFFFF  }
0xa5: {  	s26 =	simm.s32 $execute0_lowered;
	[smem:$0x3FD2] =	sst s25  }
0xa6: {  	s4 =	sshll.u32 s26, $0x1;
	_ =	strace $0x80000049;
	[dreg:$0x1] =	wrdreg $0xFFFFFFFF  }
0xa7: {  	s28 =	simm.s32 $_size_execute0_lowered;
	s2 =	sadd.s32 s2, s4;
	[dreg:$0x0] =	wrdreg $0x0  }
0xa8: {  	s4 =	sshll.u32 s28, $0x1;
	[dreg:$0x2] =	wrdreg s2  }
0xa9: {  	[dreg:$0x3] =	wrdreg s4  }
0xaa: {  	[dreg:$0x4] =	wrdreg $0xC0  }
0xab: {  	_ =	task [dreg:s6], $0x5FFFF  }
0xac: {  	[dreg:$0x1] =	wrdreg $0xFFFFFFFF  }
0xad: {  	[dreg:$0x0] =	wrdreg $0x60  }
0xae: {  	[dreg:$0x2] =	wrdreg s24  }
0xaf: {  	[dreg:$0x3] =	wrdreg $0x0  }
0xb0: {  	[dreg:$0x4] =	wrdreg $0x9  }
0xb1: {  	_ =	task.clear_ibuf [dreg:s6], $0x5FFFF;
	_ =	strace $0x90000049  }
0xb2: {  	s29 =	simm.s32 $0x9;
	_ =	strace $0x8000004B  }
0xb3: {  	_ =	swait.ge [sflag:s29], $0x1  }
0xb4: {  	[sflag:s29] =	ssyncadd.s32 $0xFFFFFFFF  }
0xb5: {  	_ =	strace $0x9000004B  }
0xb6: {  	_ =	sfence  }
0xb7: {  	s30 =	sld [smem:$0x0];
	_ =	sdelay $0x2  }
0xb8: {  	s31 =	sshll.u32 s1, $0xD;
	s1 =	sshrl.u32 s1, $0x2  }
0xb9: {  	s3 =	sand.u32 $0x4000, s31;
	s1 =	sadd.s32 s1, s30  }
0xba: {  	s0 =	sor.u32 s3, s0;
	s1 =	sshll.u32 s1, $0x11  }
0xbb: {  	s0 =	sor.u32 s1, s0  }
0xbc: {  	s0 =	sadd.s32 $0x8F2B, s0  }
0xbd: {  	[sflag:s0] =	ssyncadd.remote.s32 $0x1  }
0xbe: {  	_ =	sfence.sel $0xFFFF  }
0xbf: {  	[dreg:$0x0] =	wrdreg $0xFFFFFFFF;
	(pc) =	sbr.abs _section_cstart, $3  }
0xc0: {  	[dreg:$0x1] =	wrdreg $0xFFFFFFFF  }
0xc1: {  	_ =	task.clear_ibuf [dreg:s6], $0x2FFFF;
	_ =	strace $0x9FFFFFFF  }
0xc2: {  	(tm) =	ssettm $0x7FFFFFFF  }
0xc3: {  	_ =	shalt  }
tec
execute0_lowered:
.L_overlay_start_1:
0x0: {  	(tag) =	ssettag $0x1  }
0x1: {  	v0 =	vimm.s32 $0x370  }
0x2: {  	vm14 =	vcmask $0x300;
	v1 =	vimm.s32 $0x30201000;
	vm13 =	vcmask $0x704  }
0x3: {  	vm12 =	vcmask $0xB08;
	vm0 =	vcmask $0xF00;
	vm11 =	vcmask $0xF0C  }
0x4: {  	vm10 =	vcmask $0x1310;
	v2 =	vimm.s32 $0x70605040;
	vm9 =	vcmask $0x1714  }
0x5: {  	vm8 =	vcmask $0x1B18;
	vm15 =	vcmask $0x1F10;
	vm7 =	vcmask $0x1F1C  }
0x6: {  	vm6 =	vcmask $0x2320;
	vm5 =	vcmask $0x2724;
	vm4 =	vcmask $0x2B28  }
0x7: {  	vm3 =	vcmask $0x2F2C;
	vm2 =	vcmask $0x3330;
	vm1 =	vcmask $0x3734  }
0x8: {  	v3 =	vimm.s32 $0x770;
	v4 =	vimm.s32 $0x970;
	v5 =	vimm.s32 $0xB70  }
0x9: {  	v6 =	vimm.s32 $0xD70;
	v7 =	vimm.s32 $0xF70;
	v0 =	vsel vm14, $0x200, v0  }
0xa: {  	v1 =	vunpack.c.0.s8.s32 v1;
	v2 =	vunpack.c.0.s8.s32 v2;
	v3 =	vsel vm14, $0x600, v3  }
0xb: {  	v4 =	vsel vm14, $0x800, v4;
	v5 =	vsel vm14, $0xA00, v5;
	v6 =	vsel vm14, $0xC00, v6  }
0xc: {  	v7 =	vsel vm14, $0xE00, v7;
	v0 =	vsel vm13, $0x210, v0;
	v3 =	vsel vm13, $0x610, v3  }
0xd: {  	v4 =	vsel vm13, $0x810, v4;
	v5 =	vsel vm13, $0xA10, v5;
	v6 =	vsel vm13, $0xC10, v6  }
0xe: {  	v7 =	vsel vm13, $0xE10, v7;
	v0 =	vsel vm12, $0x220, v0;
	v1 =	vnsel vm0, $0x170, v1  }
0xf: {  	v3 =	vsel vm12, $0x620, v3;
	v4 =	vsel vm12, $0x820, v4;
	v5 =	vsel vm12, $0xA20, v5  }
0x10: {  	v6 =	vsel vm12, $0xC20, v6;
	v7 =	vsel vm12, $0xE20, v7;
	v0 =	vsel vm11, $0x230, v0  }
0x11: {  	v1 =	vsel vm15, v2, v1;
	vm15 =	vcmask $0x3B38;
	v3 =	vsel vm11, $0x630, v3  }
0x12: {  	v4 =	vsel vm11, $0x830, v4;
	v5 =	vsel vm11, $0xA30, v5;
	v6 =	vsel vm11, $0xC30, v6  }
0x13: {  	v7 =	vsel vm11, $0xE30, v7;
	v0 =	vsel vm10, $0x240, v0;
	v1 =	vsel vm6, $0x100, v1  }
0x14: {  	v3 =	vsel vm10, $0x640, v3;
	v4 =	vsel vm10, $0x840, v4;
	v5 =	vsel vm10, $0xA40, v5  }
0x15: {  	v6 =	vsel vm10, $0xC40, v6;
	v7 =	vsel vm10, $0xE40, v7;
	v0 =	vsel vm9, $0x250, v0  }
0x16: {  	v1 =	vsel vm5, $0x110, v1;
	v3 =	vsel vm9, $0x650, v3;
	v4 =	vsel vm9, $0x850, v4  }
0x17: {  	v5 =	vsel vm9, $0xA50, v5;
	v6 =	vsel vm9, $0xC50, v6;
	v7 =	vsel vm9, $0xE50, v7  }
0x18: {  	v0 =	vsel vm8, $0x260, v0;
	v1 =	vsel vm4, $0x120, v1;
	v3 =	vsel vm8, $0x660, v3  }
0x19: {  	v4 =	vsel vm8, $0x860, v4;
	v5 =	vsel vm8, $0xA60, v5;
	v6 =	vsel vm8, $0xC60, v6  }
0x1a: {  	v7 =	vsel vm8, $0xE60, v7;
	v0 =	vsel vm7, $0x270, v0;
	v1 =	vsel vm3, $0x130, v1  }
0x1b: {  	v3 =	vsel vm7, $0x670, v3;
	v4 =	vsel vm7, $0x870, v4;
	v0 =	vsel vm6, $0x300, v0  }
0x1c: {  	v5 =	vsel vm7, $0xA70, v5;
	v6 =	vsel vm7, $0xC70, v6;
	v0 =	vsel vm5, $0x310, v0  }
0x1d: {  	v7 =	vsel vm7, $0xE70, v7;
	v1 =	vsel vm2, $0x140, v1;
	v0 =	vsel vm4, $0x320, v0  }
0x1e: {  	s5 =	rddreg [dreg:$0x0];
	v3 =	vsel vm6, $0x700, v3;
	v4 =	vsel vm6, $0x900, v4;
	v0 =	vsel vm3, $0x330, v0  }
0x1f: {  	s2 =	rddreg [dreg:$0x1];
	v5 =	vsel vm6, $0xB00, v5;
	v6 =	vsel vm6, $0xD00, v6;
	v0 =	vsel vm2, $0x340, v0  }
0x20: {  	s0 =	stileid.u32;
	s3 =	simm.s32 $0x0;
	s22 =	srdreg.scid;
	v7 =	vsel vm6, $0xF00, v7;
	v1 =	vsel vm1, $0x150, v1;
	v2 =	vsel vm1, $0x350, v0  }
0x21: {  	s18 =	simm.s32 $0x80;
	s19 =	simm.s32 $0x5;
	s20 =	simm.s32 $0x7;
	v0 =	vsel vm15, $0x160, v1;
	v1 =	vsel vm15, $0x360, v2;
	v2 =	vimm.s32 $0x570  }
0x22: {  	s21 =	simm.s32 $0x6;
	s4 =	smul.u32 $0x2800, s0;
	[smem:$0x7FF] =	sst s3;
	v3 =	vsel vm5, $0x710, v3;
	v4 =	vsel vm5, $0x910, v4;
	v2 =	vsel vm14, $0x400, v2  }
0x23: {  	s7 =	sadd.s32 $0x8D400, s5;
	s8 =	sadd.s32 $0x3F200, s5;
	s11 =	sand.u32 $0x1, s22;
	v5 =	vsel vm5, $0xB10, v5;
	v6 =	vsel vm5, $0xD10, v6;
	v2 =	vsel vm13, $0x410, v2  }
0x24: {  	s23 =	smul.u32 $0x50000, s0;
	s10 =	sshll.u32 s0, $0x1;
	s26 =	sshll.u32 s0, $0x6;
	v7 =	vsel vm5, $0xF10, v7;
	v3 =	vsel vm4, $0x720, v3;
	v2 =	vsel vm12, $0x420, v2  }
0x25: {  	s13 =	sshll.u32 s0, $0x8;
	s30 =	sshll.u32 s0, $0xC;
	s16 =	sshll.u32 s0, $0x9;
	v4 =	vsel vm4, $0x920, v4;
	v5 =	vsel vm4, $0xB20, v5;
	v2 =	vsel vm11, $0x430, v2  }
0x26: {  	s22 =	simm.s32 $0x8;
	_ =	strace $0x8000004A;
	[dreg:$0x4] =	wrdreg s7;
	v6 =	vsel vm4, $0xD20, v6;
	v7 =	vsel vm4, $0xF20, v7;
	v2 =	vsel vm10, $0x440, v2  }
0x27: {  	[dreg:$0x5] =	wrdreg s8;
	s24 =	ssub.s32 $0x2, s11;
	s25 =	sor.u32 s11, s10;
	v3 =	vsel vm3, $0x730, v3;
	v4 =	vsel vm3, $0x930, v4;
	v2 =	vsel vm9, $0x450, v2  }
0x28: {  	s15 =	sshll.u32 s11, $0x7;
	s31 =	sshll.u32 s11, $0xB;
	s17 =	sshll.u32 s11, $0x8;
	v5 =	vsel vm3, $0xB30, v5;
	v6 =	vsel vm3, $0xD30, v6;
	v2 =	vsel vm8, $0x460, v2  }
0x29: {  	[dreg:$0x3] =	wrdreg s18;
	s18 =	simm.s32 $0x1C100;
	s6 =	sadd.s32 s4, s5;
	v7 =	vsel vm3, $0xF30, v7;
	v3 =	vsel vm2, $0x740, v3;
	v2 =	vsel vm7, $0x470, v2  }
0x2a: {  	s4 =	sadd.s32 $0x3EC00, s5;
	s5 =	sadd.s32 $0x3200, s5;
	s9 =	sshrl.u32 s24, $0x1;
	v4 =	vsel vm2, $0x940, v4;
	v5 =	vsel vm2, $0xB40, v5;
	v2 =	vsel vm6, $0x500, v2  }
0x2b: {  	s7 =	sshrl.u32 s23, $0x2;
	s28 =	ssub.s32 $0x501, s25;
	s29 =	sor.u32 s15, s13;
	v6 =	vsel vm2, $0xD40, v6;
	v7 =	vsel vm2, $0xF40, v7;
	v2 =	vsel vm5, $0x510, v2  }
0x2c: {  	s13 =	sor.u32 s17, s16;
	s15 =	simm.s32 $0x9;
	s16 =	simm.s32 $0x1D100;
	v3 =	vsel vm1, $0x750, v3;
	v4 =	vsel vm1, $0x950, v4;
	v2 =	vsel vm4, $0x520, v2  }
0x2d: {  	s23 =	simm.s32 $0x0;
	s12 =	ssub.s32 s24, s9;
	s14 =	sadd.s32 s7, s2;
	v5 =	vsel vm1, $0xB50, v5;
	v6 =	vsel vm1, $0xD50, v6;
	v2 =	vsel vm3, $0x530, v2  }
0x2e: {  	s6 =	sadd.s32 $0x16C00, s6;
	s7 =	sor.u32 $0x1C09, s26;
	s9 =	sshll.u32 s25, $0x4;
	v7 =	vsel vm1, $0xF50, v7;
	v3 =	vsel vm15, $0x760, v3;
	v2 =	vsel vm2, $0x540, v2  }
0x2f: {  	s8 =	sshrl.u32 s28, $0x5;
	s11 =	sor.u32 $0x1000, s29;
	s9 =	sadd.s32 s5, s9;
	v4 =	vsel vm15, $0x960, v4;
	v5 =	vsel vm15, $0xB60, v5;
	v2 =	vsel vm1, $0x550, v2  }
0x30: {  	s10 =	smax.u32 s12, $0x1;
	s12 =	sor.u32 s31, s30;
	s14 =	sshrl.u32 s14, $0x3;
	v6 =	vsel vm15, $0xD60, v6;
	v7 =	vsel vm15, $0xF60, v7;
	v2 =	vsel vm15, $0x560, v2  }
.LBB2_1:
0x31: {  	[spmem:s14], [sflag:s7] =	dma.local [hbm:s6], $0x2800  }
0x32: {  	_ =	swait.ge [sflag:s15], $0x2800  }
0x33: {  	[sflag:s15] =	ssyncset.done $0x0  }
0x34: {  	[sflag:s15] =	ssyncadd.s32 $0xFFFFD800  }
0x35: {  	[tilespmem:s16], [sflag:$0x9] =	stream.linear.gather [hbm4b:s4+s3], $0x2800, $0x38;
	[tilespmem:$0x1F900] =	vst v63  }
0x36: {  	_ =	swait.ge [sflag:s15], $0x2800  }
0x37: {  	s0 =	simm.s32 $0x14000;
	[sflag:s15] =	ssyncset.done $0x0  }
0x38: {  	s24 =	smov.u32 s13;
	s25 =	smov.u32 s12;
	[sflag:s15] =	ssyncadd.s32 $0xFFFFD800  }
0x39: {  	s26 =	smov.u32 s11;
	s29 =	simm.s32 $0x0;
	[bflag:$0x0] =	sbarrier.arrive $0xFFFF  }
0x3a: {  	[tilespmem:s0], [sflag:$0x1] =	stream.linear.gather [hbm4b:s9+s3], $0x80, $0x38;
	[tilespmem:$0x1F900] =	vst v63  }
.LBB2_2:
0x3b: {  	s30 =	sand.u32 $0x1, s29  }
0x3c: {  	s28 =	sadd.s32 $0x1, s29;
	s31 =	sadd.s32 $0x1, s30  }
0x3d: {  	p0 =	sge.u32 s28, s8;
	_ =	swait.ge [sflag:s31], $0x80  }
0x3e: {  	s1 =	sxor.u32 @!p0 $0x1, s30;
	s17 =	simm.s32 @!p0 $0x0;
	[sflag:s31] =	ssyncset.done $0x0  }
0x3f: {  	s0 =	sshll.u32 @!p0 s1, $0x7;
	[sflag:s31] =	ssyncadd.s32 $0xFFFFFF80;
	s31 =	sshrl.u32 @!p0 s26, $0x3  }
0x40: {  	s1 =	sadd.s32 @!p0 $0x1, s1;
	s0 =	sor.u32 @!p0 $0x14000, s0;
	s31 =	sadd.s32 @!p0 s5, s31  }
0x41: {  	[tilespmem:s0], [sflag:s1] =	stream.linear.gather @!p0 [hbm4b:s31+s17], $0x80, $0x38;
	[tilespmem:$0x1F900] =	vst v63  }
0x42: {  	p0 =	slt.u32 s29, $0x2  }
0x43: {  	s0 =	sadd.s32 @!p0 $0x5, s30  }
0x44: {  	_ =	swait.ge @!p0 [sflag:s0], $0x4000  }
0x45: {  	[sflag:s0] =	ssyncset.done @!p0 $0x0  }
0x46: {  	s17 =	sshll.u32 s30, $0x9;
	[sflag:s0] =	ssyncadd.s32 @!p0 $0xFFFFC000;
	s0 =	sadd.s32 @!p0 $0x7, s30  }
0x47: {  	s31 =	sshll.u32 s30, $0xE;
	s29 =	sshrl.u32 s17, $0x2;
	_ =	swait.ge @!p0 [sflag:s0], $0x800  }
0x48: {  	s17 =	sor.u32 $0x14000, s29;
	s1 =	rddreg [dreg:$0x3];
	[sflag:s0] =	ssyncset.done @!p0 $0x0  }
0x49: {  	[sflag:s0] =	ssyncadd.s32 @!p0 $0xFFFFF800;
	s0 =	sadd.s32 $0x14100, s31;
	s31 =	sadd.s32 $0x3, s30  }
0x4a: {  	[tilespmem:s0], [sflag:s31] =	stream.indirect.gather [spmem:s2], $0x80, s17, s1, $0xb8;
	[tilespmem:$0x1F900] =	vst v63  }
0x4b: {  	v8 =	vld [tilespmem:s29+$0x14000];
	_ =	sdelay $0x3  }
0x4c: {  	v9 =	vmov s30  }
0x4d: {  	v9 =	vshll.u32 v9, $0x7  }
0x4e: {  	v9 =	vbroadcast v9, $0x0;
	_ =	sdelay $0x1  }
0x4f: {  	v10 =	vor.u32 v0, v9;
	v8 =	vld.idx.msk [tilespmem:v8+s16+$0x0], $0xffff;
	_ =	sdelay $0x4  }
0x50: {  	[tilespmem:v10+s18+$0x0] =	vst.idx.msk $0xffff, v8  }
0x51: {  	v8 =	vld [tilespmem:s29+$0x14010];
	_ =	sdelay $0x7  }
0x52: {  	v58 =	vor.u32 v1, v9;
	v8 =	vld.idx.msk [tilespmem:v8+s16+$0x0], $0xffff;
	_ =	sdelay $0x4  }
0x53: {  	[tilespmem:v58+s18+$0x0] =	vst.idx.msk $0xffff, v8  }
0x54: {  	v8 =	vld [tilespmem:s29+$0x14020];
	_ =	sdelay $0x7  }
0x55: {  	v59 =	vor.u32 v2, v9;
	v8 =	vld.idx.msk [tilespmem:v8+s16+$0x0], $0xffff;
	_ =	sdelay $0x4  }
0x56: {  	[tilespmem:v59+s18+$0x0] =	vst.idx.msk $0xffff, v8  }
0x57: {  	v8 =	vld [tilespmem:s29+$0x14030];
	_ =	sdelay $0x7  }
0x58: {  	v60 =	vor.u32 v3, v9;
	v8 =	vld.idx.msk [tilespmem:v8+s16+$0x0], $0xffff;
	_ =	sdelay $0x4  }
0x59: {  	[tilespmem:v60+s18+$0x0] =	vst.idx.msk $0xffff, v8  }
0x5a: {  	v8 =	vld [tilespmem:s29+$0x14040];
	_ =	sdelay $0x7  }
0x5b: {  	v61 =	vor.u32 v4, v9;
	v8 =	vld.idx.msk [tilespmem:v8+s16+$0x0], $0xffff;
	_ =	sdelay $0x4  }
0x5c: {  	[tilespmem:v61+s18+$0x0] =	vst.idx.msk $0xffff, v8  }
0x5d: {  	v8 =	vld [tilespmem:s29+$0x14050];
	_ =	sdelay $0x7  }
0x5e: {  	v62 =	vor.u32 v5, v9;
	v8 =	vld.idx.msk [tilespmem:v8+s16+$0x0], $0xffff;
	_ =	sdelay $0x4  }
0x5f: {  	[tilespmem:v62+s18+$0x0] =	vst.idx.msk $0xffff, v8  }
0x60: {  	v8 =	vld [tilespmem:s29+$0x14060];
	_ =	sdelay $0x7  }
0x61: {  	v63 =	vor.u32 v6, v9;
	v8 =	vld.idx.msk [tilespmem:v8+s16+$0x0], $0xffff;
	_ =	sdelay $0x4  }
0x62: {  	[tilespmem:v63+s18+$0x0] =	vst.idx.msk $0xffff, v8  }
0x63: {  	v8 =	vld [tilespmem:s29+$0x14070];
	_ =	sdelay $0x7  }
0x64: {  	v9 =	vor.u32 v7, v9;
	v8 =	vld.idx.msk [tilespmem:v8+s16+$0x0], $0xffff;
	_ =	sdelay $0x4  }
0x65: {  	[tilespmem:v9+s18+$0x0] =	vst.idx.msk $0xffff, v8  }
0x66: {  	_ =	swait.ge [sflag:s31], $0x4000  }
0x67: {  	s17 =	sand.u32 $0x1FFFF800, s25;
	s1 =	rddreg [dreg:$0x4];
	[sflag:s31] =	ssyncset.done $0x0  }
0x68: {  	[sflag:s31] =	ssyncadd.s32 $0xFFFFC000;
	s31 =	sadd.s32 $0x5, s30;
	s1 =	sadd.s32 s1, s17  }
0x69: {  	[hbm4b:s1+s3] =	stream.linear.scatter [tilespmem:s0], [sflag:s31], $0x4000, $0x38;
	[tilespmem:$0x1F900] =	vst v63  }
0x6a: {  	s17 =	rddreg [dreg:$0x5];
	s31 =	sand.u32 $0x1FFFFF00, s24  }
0x6b: {  	s1 =	sadd.s32 $0x7, s30;
	s30 =	sor.u32 $0x1C100, s29;
	s0 =	sadd.s32 s17, s31  }
0x6c: {  	[hbm4b:s0+s3] =	stream.linear.scatter [tilespmem:s30], [sflag:s1], $0x80, $0x38;
	[tilespmem:$0x1F900] =	vst v63  }
0x6d: {  	s17 =	sor.u32 $0x1C200, s29;
	s31 =	sadd.s32 $0x10, s0  }
0x6e: {  	[hbm4b:s31+s3] =	stream.linear.scatter [tilespmem:s17], [sflag:s1], $0x80, $0x38;
	[tilespmem:$0x1F900] =	vst v63  }
0x6f: {  	s17 =	sor.u32 $0x1C300, s29;
	s31 =	sadd.s32 $0x20, s0  }
0x70: {  	[hbm4b:s31+s3] =	stream.linear.scatter [tilespmem:s17], [sflag:s1], $0x80, $0x38;
	[tilespmem:$0x1F900] =	vst v63  }
0x71: {  	s17 =	sor.u32 $0x1C400, s29;
	s31 =	sadd.s32 $0x30, s0  }
0x72: {  	[hbm4b:s31+s3] =	stream.linear.scatter [tilespmem:s17], [sflag:s1], $0x80, $0x38;
	[tilespmem:$0x1F900] =	vst v63  }
0x73: {  	s17 =	sor.u32 $0x1C500, s29;
	s31 =	sadd.s32 $0x40, s0  }
0x74: {  	[hbm4b:s31+s3] =	stream.linear.scatter [tilespmem:s17], [sflag:s1], $0x80, $0x38;
	[tilespmem:$0x1F900] =	vst v63  }
0x75: {  	s17 =	sor.u32 $0x1C600, s29;
	s31 =	sadd.s32 $0x50, s0  }
0x76: {  	[hbm4b:s31+s3] =	stream.linear.scatter [tilespmem:s17], [sflag:s1], $0x80, $0x38;
	[tilespmem:$0x1F900] =	vst v63  }
0x77: {  	s17 =	sor.u32 $0x1C700, s29;
	s31 =	sadd.s32 $0x60, s0  }
0x78: {  	[hbm4b:s31+s3] =	stream.linear.scatter [tilespmem:s17], [sflag:s1], $0x80, $0x38;
	[tilespmem:$0x1F900] =	vst v63  }
0x79: {  	s17 =	sor.u32 $0x1C800, s29;
	s31 =	sadd.s32 $0x70, s0  }
0x7a: {  	[hbm4b:s31+s3] =	stream.linear.scatter [tilespmem:s17], [sflag:s1], $0x80, $0x38;
	[tilespmem:$0x1F900] =	vst v63  }
0x7b: {  	s17 =	sor.u32 $0x1C900, s29;
	s31 =	sadd.s32 $0x80, s0  }
0x7c: {  	[hbm4b:s31+s3] =	stream.linear.scatter [tilespmem:s17], [sflag:s1], $0x80, $0x38;
	[tilespmem:$0x1F900] =	vst v63  }
0x7d: {  	s17 =	sor.u32 $0x1CA00, s29;
	s31 =	sadd.s32 $0x90, s0  }
0x7e: {  	[hbm4b:s31+s3] =	stream.linear.scatter [tilespmem:s17], [sflag:s1], $0x80, $0x38;
	[tilespmem:$0x1F900] =	vst v63  }
0x7f: {  	s17 =	sor.u32 $0x1CB00, s29;
	s31 =	sadd.s32 $0xA0, s0  }
0x80: {  	[hbm4b:s31+s3] =	stream.linear.scatter [tilespmem:s17], [sflag:s1], $0x80, $0x38;
	[tilespmem:$0x1F900] =	vst v63  }
0x81: {  	s17 =	sor.u32 $0x1CC00, s29;
	s31 =	sadd.s32 $0xB0, s0  }
0x82: {  	[hbm4b:s31+s3] =	stream.linear.scatter [tilespmem:s17], [sflag:s1], $0x80, $0x38;
	[tilespmem:$0x1F900] =	vst v63  }
0x83: {  	s17 =	sor.u32 $0x1CD00, s29;
	s31 =	sadd.s32 $0xC0, s0  }
0x84: {  	[hbm4b:s31+s3] =	stream.linear.scatter [tilespmem:s17], [sflag:s1], $0x80, $0x38;
	[tilespmem:$0x1F900] =	vst v63  }
0x85: {  	p0 =	seq.s32 s8, s28;
	s17 =	sor.u32 $0x1CE00, s29;
	s31 =	sadd.s32 $0xD0, s0  }
0x86: {  	[hbm4b:s31+s3] =	stream.linear.scatter [tilespmem:s17], [sflag:s1], $0x80, $0x38;
	[tilespmem:$0x1F900] =	vst v63  }
.Ltmp0:
0x87: {  	s26 =	sadd.s32 $0x1000, s26;
	s25 =	sadd.s32 $0x10000, s25;
	(pc) =	sbr.rel @!p0 .LBB2_2-.Ltmp0, $4  }
0x88: {  	s24 =	sadd.s32 $0x2000, s24;
	s17 =	sor.u32 $0x1CF00, s29;
	s31 =	sadd.s32 $0xE0, s0  }
0x89: {  	[hbm4b:s31+s3] =	stream.linear.scatter [tilespmem:s17], [sflag:s1], $0x80, $0x38;
	[tilespmem:$0x1F900] =	vst v63  }
0x8a: {  	s0 =	sadd.s32 $0xF0, s0;
	s31 =	sor.u32 $0x1D000, s29;
	s29 =	smov.u32 s28  }
0x8b: {  	[hbm4b:s0+s3] =	stream.linear.scatter [tilespmem:s31], [sflag:s1], $0x80, $0x38;
	[tilespmem:$0x1F900] =	vst v63  }
0x8c: {  	_ =	swait.ge [sflag:s19], $0x4000  }
0x8d: {  	[sflag:s19] =	ssyncset.done $0x0  }
0x8e: {  	[sflag:s19] =	ssyncadd.s32 $0xFFFFC000  }
0x8f: {  	_ =	swait.ge [sflag:s20], $0x800  }
0x90: {  	[sflag:s20] =	ssyncset.done $0x0  }
0x91: {  	s23 =	sadd.s32 $0x1, s23;
	[sflag:s20] =	ssyncadd.s32 $0xFFFFF800  }
0x92: {  	p0 =	seq.s32 s23, s10;
	_ =	swait.ge [sflag:s21], $0x4000  }
.Ltmp1:
0x93: {  	[sflag:s21] =	ssyncset.done $0x0;
	(pc) =	sbr.rel @!p0 .LBB2_1-.Ltmp1, $4  }
0x94: {  	[sflag:s21] =	ssyncadd.s32 $0xFFFFC000  }
0x95: {  	_ =	swait.ge [sflag:s22], $0x800  }
0x96: {  	[sflag:s22] =	ssyncset.done $0x0  }
0x97: {  	[sflag:s22] =	ssyncadd.s32 $0xFFFFF800  }
0x98: {  	_ =	sfence.sel $0x180000  }
0x99: {  	[bflag:$0x0] =	sbarrier.arrive $0xFFFF  }
0x9a: {  	_ =	strace $0x9000004A  }
0x9b: {  	s0 =	stileid.u32;
	[bflag:$0x2] =	sbarrier.arrive $0xFFFF  }
0x9c: {  	p0 =	sne.s32 s0, $0x0;
	s0 =	rddreg [dreg:$0x2]  }
0x9d: {  	s0 =	sadd.s32 @!p0 $0x100000, s0  }
0x9e: {  	[sflag:s0] =	ssyncadd.tile.s32 @!p0 $0x1;
	_ =	shalt  }
.Lfunc_end2:
_tile_overlayer_lowered:
.L_overlay_start_2:
0x9f: {  	(tag) =	ssettag $0x2  }
0xa0: {  	s0 =	rddreg [dreg:$0x0];
	s2 =	stileid.u32  }
0xa1: {  	s1 =	rddreg [dreg:$0x1];
	p0 =	sne.s32 s2, $0x0  }
0xa2: {  	s3 =	rddreg [dreg:$0x2];
	[bflag:$0x3] =	sbarrier.arrive $0xFFFF;
	s2 =	simm.s32 @!p0 $0x1C09  }
0xa3: {  	[timem:s3], [sflag:s2] =	dma.local @!p0 [hbm:s0], s1  }
0xa4: {  	s0 =	simm.s32 @!p0 $0x9  }
0xa5: {  	_ =	swait.ge @!p0 [sflag:s0], s1  }
0xa6: {  	s1 =	ssub.s32 @!p0 $0x0, s1;
	[sflag:s0] =	ssyncset.done @!p0 $0x0  }
0xa7: {  	[sflag:s0] =	ssyncadd.s32 @!p0 s1  }
0xa8: {  	[bflag:$0x3] =	sbarrier.arrive $0xFFFF  }
0xa9: {  	_ =	shalt  }

// kernel: kernel.18.cloned.1.call-start
scs
__scs_entry_jumppad:
0x0: {  	(pc) =	sbr.rel $0x88, $3  }
0x1: {  	(tag) =	ssettag $0x0;
	lr =	simm.s32 $0x1  }
0x2: {  	[smem:$0x3F9B] =	sst lr;
	_ =	strace $0xD0000000  }
0x3: {  	_ = 	snop  }
0x4: {  	_ = 	snop  }
0x5: {  	_ = 	snop  }
0x6: {  	_ = 	snop  }
0x7: {  	_ = 	snop  }
__scs_overlays_trampoline_lowered:
0x8: {  	[smem:$0x3FAA] =	sst s0  }
0x9: {  	[smem:$0x3FAB] =	sst s1  }
0xa: {  	[smem:$0x3FAC] =	sst s2  }
0xb: {  	[smem:$0x3FAD] =	sst s3  }
0xc: {  	[smem:$0x3FAE] =	sst s4  }
0xd: {  	[smem:$0x3FAF] =	sst s5  }
0xe: {  	[smem:$0x3FB0] =	sst s6  }
0xf: {  	[smem:$0x3FB1] =	sst s7  }
0x10: {  	[smem:$0x3FB2] =	sst s8  }
0x11: {  	[smem:$0x3FB3] =	sst s9;
	s0 =	simm.s32 @!p0 $0x0  }
0x12: {  	s1 =	sld [smem:$0x3F99];
	s0 =	simm.s32 @p0 $0x1  }
0x13: {  	[smem:$0x3FB4] =	sst s0;
	s0 =	simm.s32 @!p1 $0x0  }
0x14: {  	s2 =	sld [smem:$0x3F98];
	s0 =	simm.s32 @p1 $0x1  }
0x15: {  	[smem:$0x3FB5] =	sst s0;
	s0 =	simm.s32 @!p2 $0x0  }
0x16: {  	s3 =	sld [smem:$0x3FDB];
	s0 =	simm.s32 @p2 $0x1  }
0x17: {  	s4 =	simm.s32 $0x1BF5;
	[smem:$0x3FB7] =	sst s0  }
0x18: {  	s0 =	sld [smem:$0x3F9A];
	_ =	swait.ge [sflag:s4], $0x0  }
0x19: {  	s7 =	sld [smem:$0x3F9B]  }
0x1a: {  	s8 =	sadd.s32 $0xFFFFE003, lr  }
0x1b: {  	s9 =	sadd.s32 $0xFFFFFEF7, lr;
	s5 =	simm.s32 $0xFFFFFFFF;
	p2 =	slt.u32 s8, $0xFFFFF086  }
0x1c: {  	p1 =	slt.u32 s9, $0xF7A;
	s5 =	simm.s32 @!p2 $0x0  }
0x1d: {  	s5 =	simm.s32 @p1 $0x1;
	p0 =	seq.s32 s7, s2  }
0x1e: {  	s7 =	smul.u32 @!p0 $0xF7A, s2;
	p2 =	seq.s32 @!p0 s5, $0x0  }
0x1f: {  	s9 =	smul.u32 $0xF7A, s1;
	s8 =	simm.s32 @!p0 $0x1BF5;
	p2 =	por !p2, p0  }
0x20: {  	[sflag:s8] =	ssyncset.s32 @!p0 $0xFFFFF086;
	s6 =	sadd.s32 @!p0 s3, s7;
	s7 =	simm.s32 @!p0 $0x108  }
0x21: {  	s3 =	sadd.s32 s3, s9;
	s6 =	sadd.s32 @!p0 $0x88, s6;
	s7 =	simm.s32 @p2 $0x1082  }
0x22: {  	[simem:s7], [sflag:s8] =	dma.local @!p0 [hbm:s6], $0xF7A  }
0x23: {  	s9 =	sor.u32 $0xD0000000, s2;
	s6 =	simm.s32 $0x108;
	_ =	swait.ge @!p0 [sflag:s8], $0x0  }
0x24: {  	s3 =	sadd.s32 $0x88, s3;
	s6 =	simm.s32 @!p1 $0x1082;
	[sflag:s4] =	ssyncset.s32 $0xFFFFF086  }
0x25: {  	[simem:s6], [sflag:s4] =	dma.local [hbm:s3], $0xF7A  }
0x26: {  	[smem:$0x3F9B] =	sst s1;
	(tag) =	ssettag s2;
	_ =	strace s9  }
0x27: {  	s1 =	sld [smem:$0x3FAB]  }
0x28: {  	s2 =	sld [smem:$0x3FAC]  }
0x29: {  	s4 =	sld [smem:$0x3FAE]  }
0x2a: {  	p0 =	seq.s32 s5, $0x0;
	s5 =	sld [smem:$0x3FAF]  }
0x2b: {  	s6 =	sld [smem:$0x3FB0]  }
0x2c: {  	s7 =	sld [smem:$0x3FB1]  }
0x2d: {  	s3 =	simm.s32 $0x108;
	s8 =	sld [smem:$0x3FB2]  }
0x2e: {  	s3 =	simm.s32 @!p0 $0x1082;
	s9 =	sld [smem:$0x3FB3]  }
0x2f: {  	lr =	sadd.s32 s0, s3;
	s0 =	sld [smem:$0x3FAA]  }
0x30: {  	s3 =	sld [smem:$0x3FAD]  }
0x31: {  	[smem:$0x3FB6] =	sst s10  }
0x32: {  	s10 =	sld [smem:$0x3FB4];
	_ =	sdelay $0x3  }
0x33: {  	p0 =	seq.s32 s10, $0x1;
	s10 =	sld [smem:$0x3FB6];
	_ =	sdelay $0x3  }
0x34: {  	[smem:$0x3FB6] =	sst s10  }
0x35: {  	s10 =	sld [smem:$0x3FB5];
	_ =	sdelay $0x3  }
0x36: {  	p1 =	seq.s32 s10, $0x1;
	s10 =	sld [smem:$0x3FB6];
	_ =	sdelay $0x3  }
0x37: {  	[smem:$0x3FB6] =	sst s10  }
0x38: {  	s10 =	sld [smem:$0x3FB7]  }
0x39: {  	_ = 	snop;
	(pc) =	sbr.ind lr, $3  }
0x3a: {  	_ = 	snop  }
0x3b: {  	_ = 	snop  }
0x3c: {  	p2 =	seq.s32 s10, $0x1;
	s10 =	sld [smem:$0x3FB6]  }
0x3d: {  	_ =	shalt  }
0x3e: {  	_ =	shalt  }
0x3f: {  	_ =	shalt  }
0x40: {  	_ =	shalt  }
0x41: {  	_ =	shalt  }
0x42: {  	_ =	shalt  }
0x43: {  	_ =	shalt  }
0x44: {  	_ =	shalt  }
0x45: {  	_ =	shalt  }
0x46: {  	_ =	shalt  }
0x47: {  	_ =	shalt  }
0x48: {  	_ =	shalt  }
0x49: {  	_ =	shalt  }
0x4a: {  	_ =	shalt  }
0x4b: {  	_ =	shalt  }
0x4c: {  	_ =	shalt  }
0x4d: {  	_ =	shalt  }
0x4e: {  	_ =	shalt  }
0x4f: {  	_ =	shalt  }
0x50: {  	_ =	shalt  }
0x51: {  	_ =	shalt  }
0x52: {  	_ =	shalt  }
0x53: {  	_ =	shalt  }
0x54: {  	_ =	shalt  }
0x55: {  	_ =	shalt  }
0x56: {  	_ =	shalt  }
0x57: {  	_ =	shalt  }
0x58: {  	_ =	shalt  }
0x59: {  	_ =	shalt  }
0x5a: {  	_ =	shalt  }
0x5b: {  	_ =	shalt  }
0x5c: {  	_ =	shalt  }
0x5d: {  	_ =	shalt  }
0x5e: {  	_ =	shalt  }
0x5f: {  	_ =	shalt  }
0x60: {  	_ =	shalt  }
0x61: {  	_ =	shalt  }
0x62: {  	_ =	shalt  }
0x63: {  	_ =	shalt  }
0x64: {  	_ =	shalt  }
0x65: {  	_ =	shalt  }
0x66: {  	_ =	shalt  }
0x67: {  	_ =	shalt  }
0x68: {  	_ =	shalt  }
0x69: {  	_ =	shalt  }
0x6a: {  	_ =	shalt  }
0x6b: {  	_ =	shalt  }
0x6c: {  	_ =	shalt  }
0x6d: {  	_ =	shalt  }
0x6e: {  	_ =	shalt  }
0x6f: {  	_ =	shalt  }
0x70: {  	_ =	shalt  }
0x71: {  	_ =	shalt  }
0x72: {  	_ =	shalt  }
0x73: {  	_ =	shalt  }
0x74: {  	_ =	shalt  }
0x75: {  	_ =	shalt  }
0x76: {  	_ =	shalt  }
0x77: {  	_ =	shalt  }
0x78: {  	_ =	shalt  }
0x79: {  	_ =	shalt  }
0x7a: {  	_ =	shalt  }
0x7b: {  	_ =	shalt  }
0x7c: {  	_ =	shalt  }
0x7d: {  	_ =	shalt  }
0x7e: {  	_ =	shalt  }
0x7f: {  	_ =	shalt  }
0x80: {  	_ =	shalt  }
0x81: {  	_ =	shalt  }
0x82: {  	_ =	shalt  }
0x83: {  	_ =	shalt  }
0x84: {  	_ =	shalt  }
0x85: {  	_ =	shalt  }
0x86: {  	_ =	shalt  }
0x87: {  	_ =	shalt  }
.Lfunc_end0:
.L_simem_size_0:
called_computation.2_lowered:
.L_overlay_start_0:
0x88: {  	s2 =	sld [smem:$0x3FD9]  }
0x89: {  	s3 =	sld [smem:$0x3FFE];
	_ =	sdelay $0x1  }
0x8a: {  	s1 =	srdreg.scid  }
0x8b: {  	s0 =	sand.u32 $0x1, s1  }
0x8c: {  	s17 =	sshll.u32 s0, $0xA;
	s2 =	sadd.s32 s3, s2  }
0x8d: {  	s2 =	sadd.s32 s2, s17  }
0x8e: {  	[smem:$0x3FC2] =	sst s2  }
0x8f: {  	_ = 	snop  }
0x90: {  	(tm) =	ssettm $0x1  }
0x91: {  	s18 =	sld [smem:$0x3FFB];
	_ =	sdelay $0x3  }
0x92: {  	_ =	strace s18  }
0x93: {  	s2 =	sld [smem:$0x3FFC];
	_ =	sdelay $0x3  }
0x94: {  	_ =	strace s2  }
0x95: {  	s2 =	sld [smem:$0x3FFD];
	_ =	sdelay $0x3  }
0x96: {  	_ =	strace s2  }
0x97: {  	_ =	strace $0x8FFFFFFF  }
0x98: {  	s19 =	sld [smem:$0x3FDB];
	_ =	sdelay $0x1  }
0x99: {  	s20 =	simm.s32 $_scs_section_size  }
0x9a: {  	s4 =	simm.s32 $_size__tile_overlayer_lowered;
	s5 =	simm.s32 $_tile_overlayer_lowered  }
0x9b: {  	s6 =	simm.s32 $0x1BFF;
	s21 =	sshll.u32 s5, $0x1;
	s3 =	sadd.s32 s20, s19  }
0x9c: {  	s22 =	simm.s32 $0x0;
	s4 =	sshll.u32 s4, $0x1;
	s5 =	sadd.s32 s21, s3  }
0x9d: {  	[timem:s22], [sflag:s6] =	dma.local [hbm:s5], s4  }
0x9e: {  	_ =	swait.ge [sflag:s6], s4  }
0x9f: {  	s4 =	ssub.s32 $0x0, s4;
	[sflag:s6] =	ssyncset.done $0x0  }
0xa0: {  	[sflag:s6] =	ssyncadd.s32 s4;
	_ =	sdelay $0x1  }
0xa1: {  	s23 =	simm.s32 $0x1B8B  }
0xa2: {  	_ =	swait.ge [sflag:s23], $0x1  }
0xa3: {  	[sflag:s23] =	ssyncset.done $0x0  }
0xa4: {  	[sflag:s23] =	ssyncadd.s32 $0xFFFFFFFF  }
0xa5: {  	s4 =	sld [smem:$0x0]  }
0xa6: {  	s5 =	sand.u32 $0xFFFFFFFE, s1  }
0xa7: {  	p0 =	sne.s32 s1, s5  }
0xa8: {  	s5 =	sshll.u32 @p0 s5, $0xE  }
0xa9: {  	s5 =	sadd.s32 @p0 $0x11B8D, s5;
	s6 =	sshll.u32 @p0 s4, $0x11  }
0xaa: {  	s5 =	sor.u32 @p0 s6, s5  }
0xab: {  	[sflag:s5] =	ssyncadd.remote.s32 @p0 $0x1;
	_ =	sdelay $0x1  }
0xac: {  	s5 =	simm.s32 @p0 $0x1B8D  }
0xad: {  	_ =	swait.eq @p0 [sflag:s5], $0x1  }
0xae: {  	[sflag:s5] =	ssyncadd.s32 @p0 $0xFFFFFFFF  }
0xaf: {  	s6 =	sshll.u32 @!p0 s1, $0xE  }
0xb0: {  	s6 =	sor.u32 @!p0 $0x4000, s6;
	s5 =	simm.s32 @!p0 $0x1B8D  }
0xb1: {  	s4 =	sshll.u32 @!p0 s4, $0x11;
	s6 =	sadd.s32 @!p0 $0x11B8D, s6;
	_ =	swait.eq @!p0 [sflag:s5], $0x1  }
0xb2: {  	s4 =	sor.u32 @!p0 s4, s6;
	[sflag:s5] =	ssyncadd.s32 @!p0 $0xFFFFFFFF  }
0xb3: {  	s25 =	simm.s32 $0x1B8E;
	s24 =	sld [smem:$0x3FFE];
	[sflag:s4] =	ssyncadd.remote.s32 @!p0 $0x1  }
0xb4: {  	s26 =	simm.s32 $execute0_lowered;
	[smem:$0x3FD2] =	sst s25  }
0xb5: {  	s5 =	sshll.u32 s26, $0x1;
	_ =	strace $0x8000004C;
	[dreg:$0x1] =	wrdreg $0xFFFFFFFF  }
0xb6: {  	s28 =	simm.s32 $_size_execute0_lowered;
	s3 =	sadd.s32 s3, s5;
	[dreg:$0x0] =	wrdreg $0x0  }
0xb7: {  	s5 =	sshll.u32 s28, $0x1;
	[dreg:$0x2] =	wrdreg s3  }
0xb8: {  	[dreg:$0x3] =	wrdreg s5  }
0xb9: {  	[dreg:$0x4] =	wrdreg $0xC0  }
0xba: {  	_ =	task [dreg:s22], $0x5FFFF  }
0xbb: {  	[dreg:$0x1] =	wrdreg $0xFFFFFFFF  }
0xbc: {  	[dreg:$0x0] =	wrdreg $0x60  }
0xbd: {  	[dreg:$0x2] =	wrdreg s24  }
0xbe: {  	[dreg:$0x3] =	wrdreg $0x0  }
0xbf: {  	[dreg:$0x4] =	wrdreg $0xA  }
0xc0: {  	_ =	task.clear_ibuf [dreg:s22], $0x5FFFF;
	_ =	strace $0x9000004C  }
0xc1: {  	s29 =	simm.s32 $0xA;
	_ =	strace $0x8000004E  }
0xc2: {  	_ =	swait.ge [sflag:s29], $0x1  }
0xc3: {  	[sflag:s29] =	ssyncadd.s32 $0xFFFFFFFF  }
0xc4: {  	_ =	strace $0x9000004E  }
0xc5: {  	_ =	sfence  }
0xc6: {  	s30 =	sld [smem:$0x0];
	_ =	sdelay $0x2  }
0xc7: {  	s31 =	sshll.u32 s1, $0xD;
	s1 =	sshrl.u32 s1, $0x2  }
0xc8: {  	s4 =	sand.u32 $0x4000, s31;
	s1 =	sadd.s32 s1, s30  }
0xc9: {  	s0 =	sor.u32 s4, s0;
	s1 =	sshll.u32 s1, $0x11  }
0xca: {  	s0 =	sor.u32 s1, s0  }
0xcb: {  	s0 =	sadd.s32 $0x8F2B, s0  }
0xcc: {  	[sflag:s0] =	ssyncadd.remote.s32 $0x1  }
0xcd: {  	_ =	sfence.sel $0xFFFF  }
0xce: {  	[dreg:$0x0] =	wrdreg $0xFFFFFFFF;
	(pc) =	sbr.abs _section_cstart, $3  }
0xcf: {  	[dreg:$0x1] =	wrdreg $0xFFFFFFFF  }
0xd0: {  	_ =	task.clear_ibuf [dreg:s22], $0x2FFFF;
	_ =	strace $0x9FFFFFFF  }
0xd1: {  	(tm) =	ssettm $0x7FFFFFFF  }
tec
execute0_lowered:
.L_overlay_start_1:
0x0: {  	(tag) =	ssettag $0x1  }
0x1: {  	v0 =	vimm.s32 $0x370  }
0x2: {  	vm14 =	vcmask $0x300;
	v1 =	vimm.s32 $0x30201000;
	vm13 =	vcmask $0x704  }
0x3: {  	vm12 =	vcmask $0xB08;
	vm0 =	vcmask $0xF00;
	vm11 =	vcmask $0xF0C  }
0x4: {  	vm10 =	vcmask $0x1310;
	v2 =	vimm.s32 $0x70605040;
	vm9 =	vcmask $0x1714  }
0x5: {  	vm8 =	vcmask $0x1B18;
	vm15 =	vcmask $0x1F10;
	vm7 =	vcmask $0x1F1C  }
0x6: {  	vm6 =	vcmask $0x2320;
	vm5 =	vcmask $0x2724;
	vm4 =	vcmask $0x2B28  }
0x7: {  	vm3 =	vcmask $0x2F2C;
	vm2 =	vcmask $0x3330;
	vm1 =	vcmask $0x3734  }
0x8: {  	v3 =	vimm.s32 $0x770;
	v4 =	vimm.s32 $0x970;
	v5 =	vimm.s32 $0xB70  }
0x9: {  	v6 =	vimm.s32 $0xD70;
	v7 =	vimm.s32 $0xF70;
	v0 =	vsel vm14, $0x200, v0  }
0xa: {  	v1 =	vunpack.c.0.s8.s32 v1;
	v2 =	vunpack.c.0.s8.s32 v2;
	v3 =	vsel vm14, $0x600, v3  }
0xb: {  	v4 =	vsel vm14, $0x800, v4;
	v5 =	vsel vm14, $0xA00, v5;
	v6 =	vsel vm14, $0xC00, v6  }
0xc: {  	v7 =	vsel vm14, $0xE00, v7;
	v0 =	vsel vm13, $0x210, v0;
	v3 =	vsel vm13, $0x610, v3  }
0xd: {  	v4 =	vsel vm13, $0x810, v4;
	v5 =	vsel vm13, $0xA10, v5;
	v6 =	vsel vm13, $0xC10, v6  }
0xe: {  	v7 =	vsel vm13, $0xE10, v7;
	v0 =	vsel vm12, $0x220, v0;
	v1 =	vnsel vm0, $0x170, v1  }
0xf: {  	v3 =	vsel vm12, $0x620, v3;
	v4 =	vsel vm12, $0x820, v4;
	v5 =	vsel vm12, $0xA20, v5  }
0x10: {  	v6 =	vsel vm12, $0xC20, v6;
	v7 =	vsel vm12, $0xE20, v7;
	v0 =	vsel vm11, $0x230, v0  }
0x11: {  	v1 =	vsel vm15, v2, v1;
	vm15 =	vcmask $0x3B38;
	v3 =	vsel vm11, $0x630, v3  }
0x12: {  	v4 =	vsel vm11, $0x830, v4;
	v5 =	vsel vm11, $0xA30, v5;
	v6 =	vsel vm11, $0xC30, v6  }
0x13: {  	v7 =	vsel vm11, $0xE30, v7;
	v0 =	vsel vm10, $0x240, v0;
	v1 =	vsel vm6, $0x100, v1  }
0x14: {  	v3 =	vsel vm10, $0x640, v3;
	v4 =	vsel vm10, $0x840, v4;
	v5 =	vsel vm10, $0xA40, v5  }
0x15: {  	v6 =	vsel vm10, $0xC40, v6;
	v7 =	vsel vm10, $0xE40, v7;
	v0 =	vsel vm9, $0x250, v0  }
0x16: {  	v1 =	vsel vm5, $0x110, v1;
	v3 =	vsel vm9, $0x650, v3;
	v4 =	vsel vm9, $0x850, v4  }
0x17: {  	v5 =	vsel vm9, $0xA50, v5;
	v6 =	vsel vm9, $0xC50, v6;
	v7 =	vsel vm9, $0xE50, v7  }
0x18: {  	v0 =	vsel vm8, $0x260, v0;
	v1 =	vsel vm4, $0x120, v1;
	v3 =	vsel vm8, $0x660, v3  }
0x19: {  	v4 =	vsel vm8, $0x860, v4;
	v5 =	vsel vm8, $0xA60, v5;
	v6 =	vsel vm8, $0xC60, v6  }
0x1a: {  	v7 =	vsel vm8, $0xE60, v7;
	v0 =	vsel vm7, $0x270, v0;
	v1 =	vsel vm3, $0x130, v1  }
0x1b: {  	v3 =	vsel vm7, $0x670, v3;
	v4 =	vsel vm7, $0x870, v4;
	v0 =	vsel vm6, $0x300, v0  }
0x1c: {  	v5 =	vsel vm7, $0xA70, v5;
	v6 =	vsel vm7, $0xC70, v6;
	v0 =	vsel vm5, $0x310, v0  }
0x1d: {  	v7 =	vsel vm7, $0xE70, v7;
	v1 =	vsel vm2, $0x140, v1;
	v0 =	vsel vm4, $0x320, v0  }
0x1e: {  	s5 =	rddreg [dreg:$0x0];
	v3 =	vsel vm6, $0x700, v3;
	v4 =	vsel vm6, $0x900, v4;
	v0 =	vsel vm3, $0x330, v0  }
0x1f: {  	s1 =	rddreg [dreg:$0x1];
	s3 =	simm.s32 $0x0;
	v5 =	vsel vm6, $0xB00, v5;
	v6 =	vsel vm6, $0xD00, v6;
	v0 =	vsel vm2, $0x340, v0  }
0x20: {  	s0 =	stileid.u32;
	s8 =	srdreg.scid;
	s18 =	simm.s32 $0x80;
	v7 =	vsel vm6, $0xF00, v7;
	v1 =	vsel vm1, $0x150, v1;
	v2 =	vsel vm1, $0x350, v0  }
0x21: {  	s19 =	simm.s32 $0x5;
	s20 =	simm.s32 $0x7;
	[smem:$0x7FF] =	sst s3;
	v0 =	vsel vm15, $0x160, v1;
	v1 =	vsel vm15, $0x360, v2;
	v2 =	vimm.s32 $0x570  }
0x22: {  	s21 =	simm.s32 $0x6;
	s4 =	smul.u32 $0x2800, s0;
	s7 =	sadd.s32 $0x34C600, s5;
	v3 =	vsel vm5, $0x710, v3;
	v4 =	vsel vm5, $0x910, v4;
	v2 =	vsel vm14, $0x400, v2  }
0x23: {  	s11 =	sand.u32 $0x1, s8;
	s22 =	sadd.s32 $0x2FE400, s5;
	s9 =	smul.u32 $0x50000, s0;
	v5 =	vsel vm5, $0xB10, v5;
	v6 =	vsel vm5, $0xD10, v6;
	v2 =	vsel vm13, $0x410, v2  }
0x24: {  	s24 =	sshll.u32 s0, $0x1;
	s26 =	sshll.u32 s0, $0x6;
	s30 =	sshll.u32 s0, $0x8;
	v7 =	vsel vm5, $0xF10, v7;
	v3 =	vsel vm4, $0x720, v3;
	v2 =	vsel vm12, $0x420, v2  }
0x25: {  	s31 =	sshll.u32 s0, $0xC;
	_ =	strace $0x8000004D;
	[dreg:$0x4] =	wrdreg s7;
	v4 =	vsel vm4, $0x920, v4;
	v5 =	vsel vm4, $0xB20, v5;
	v2 =	vsel vm11, $0x430, v2  }
0x26: {  	s16 =	sshll.u32 s0, $0x9;
	s8 =	ssub.s32 $0x2, s11;
	[dreg:$0x5] =	wrdreg s22;
	v6 =	vsel vm4, $0xD20, v6;
	v7 =	vsel vm4, $0xF20, v7;
	v2 =	vsel vm10, $0x440, v2  }
0x27: {  	s7 =	sor.u32 s11, s24;
	s13 =	sshll.u32 s11, $0x7;
	s15 =	sshll.u32 s11, $0xB;
	v3 =	vsel vm3, $0x730, v3;
	v4 =	vsel vm3, $0x930, v4;
	v2 =	vsel vm9, $0x450, v2  }
0x28: {  	s17 =	sshll.u32 s11, $0x8;
	[dreg:$0x3] =	wrdreg s18;
	s18 =	simm.s32 $0x1C100;
	v5 =	vsel vm3, $0xB30, v5;
	v6 =	vsel vm3, $0xD30, v6;
	v2 =	vsel vm8, $0x460, v2  }
0x29: {  	s22 =	simm.s32 $0x8;
	s6 =	sadd.s32 s4, s5;
	s4 =	sadd.s32 $0x3EC00, s5;
	v7 =	vsel vm3, $0xF30, v7;
	v3 =	vsel vm2, $0x740, v3;
	v2 =	vsel vm7, $0x470, v2  }
0x2a: {  	s5 =	sadd.s32 $0x3200, s5;
	s23 =	sshrl.u32 s8, $0x1;
	s25 =	sshrl.u32 s9, $0x2;
	v4 =	vsel vm2, $0x940, v4;
	v5 =	vsel vm2, $0xB40, v5;
	v2 =	vsel vm6, $0x500, v2  }
0x2b: {  	s28 =	ssub.s32 $0x501, s7;
	s12 =	sshll.u32 s7, $0x4;
	s7 =	sor.u32 $0x1C09, s26;
	v6 =	vsel vm2, $0xD40, v6;
	v7 =	vsel vm2, $0xF40, v7;
	v2 =	vsel vm5, $0x510, v2  }
0x2c: {  	s10 =	ssub.s32 s8, s23;
	s14 =	sadd.s32 s25, s1;
	s6 =	sadd.s32 $0x16C00, s6;
	v3 =	vsel vm1, $0x750, v3;
	v4 =	vsel vm1, $0x950, v4;
	v2 =	vsel vm4, $0x520, v2  }
0x2d: {  	s8 =	sshrl.u32 s28, $0x5;
	s29 =	sadd.s32 s5, s12;
	s12 =	sor.u32 s13, s30;
	v5 =	vsel vm1, $0xB50, v5;
	v6 =	vsel vm1, $0xD50, v6;
	v2 =	vsel vm3, $0x530, v2  }
0x2e: {  	s13 =	sor.u32 s17, s16;
	s16 =	simm.s32 $0x1D100;
	s23 =	simm.s32 $0x0;
	v7 =	vsel vm1, $0xF50, v7;
	v3 =	vsel vm15, $0x760, v3;
	v2 =	vsel vm2, $0x540, v2  }
0x2f: {  	s9 =	sadd.s32 $0x4E20, s29;
	s10 =	smax.u32 s10, $0x1;
	s11 =	sadd.s32 $0x28100, s12;
	v4 =	vsel vm15, $0x960, v4;
	v5 =	vsel vm15, $0xB60, v5;
	v2 =	vsel vm1, $0x550, v2  }
0x30: {  	s12 =	sor.u32 s15, s31;
	s14 =	sshrl.u32 s14, $0x3;
	s15 =	simm.s32 $0x9;
	v6 =	vsel vm15, $0xD60, v6;
	v7 =	vsel vm15, $0xF60, v7;
	v2 =	vsel vm15, $0x560, v2  }
.LBB2_1:
0x31: {  	[spmem:s14], [sflag:s7] =	dma.local [hbm:s6], $0x2800  }
0x32: {  	_ =	swait.ge [sflag:s15], $0x2800  }
0x33: {  	[sflag:s15] =	ssyncset.done $0x0  }
0x34: {  	[sflag:s15] =	ssyncadd.s32 $0xFFFFD800  }
0x35: {  	[tilespmem:s16], [sflag:$0x9] =	stream.linear.gather [hbm4b:s4+s3], $0x2800, $0x38;
	[tilespmem:$0x1F900] =	vst v63  }
0x36: {  	_ =	swait.ge [sflag:s15], $0x2800  }
0x37: {  	s0 =	simm.s32 $0x14000;
	[sflag:s15] =	ssyncset.done $0x0  }
0x38: {  	s24 =	smov.u32 s13;
	s25 =	smov.u32 s12;
	[sflag:s15] =	ssyncadd.s32 $0xFFFFD800  }
0x39: {  	s26 =	smov.u32 s11;
	s29 =	simm.s32 $0x0;
	[bflag:$0x0] =	sbarrier.arrive $0xFFFF  }
0x3a: {  	[tilespmem:s0], [sflag:$0x1] =	stream.linear.gather [hbm4b:s9+s3], $0x80, $0x38;
	[tilespmem:$0x1F900] =	vst v63  }
.LBB2_2:
0x3b: {  	s30 =	sand.u32 $0x1, s29  }
0x3c: {  	s28 =	sadd.s32 $0x1, s29;
	s31 =	sadd.s32 $0x1, s30  }
0x3d: {  	p0 =	sge.u32 s28, s8;
	_ =	swait.ge [sflag:s31], $0x80  }
0x3e: {  	s0 =	sxor.u32 @!p0 $0x1, s30;
	s17 =	simm.s32 @!p0 $0x0;
	[sflag:s31] =	ssyncset.done $0x0  }
0x3f: {  	s2 =	sshll.u32 @!p0 s0, $0x7;
	[sflag:s31] =	ssyncadd.s32 $0xFFFFFF80;
	s31 =	sshrl.u32 @!p0 s26, $0x3  }
0x40: {  	s0 =	sadd.s32 @!p0 $0x1, s0;
	s2 =	sor.u32 @!p0 $0x14000, s2;
	s31 =	sadd.s32 @!p0 s5, s31  }
0x41: {  	[tilespmem:s2], [sflag:s0] =	stream.linear.gather @!p0 [hbm4b:s31+s17], $0x80, $0x38;
	[tilespmem:$0x1F900] =	vst v63  }
0x42: {  	p0 =	slt.u32 s29, $0x2  }
0x43: {  	s0 =	sadd.s32 @!p0 $0x5, s30  }
0x44: {  	_ =	swait.ge @!p0 [sflag:s0], $0x4000  }
0x45: {  	[sflag:s0] =	ssyncset.done @!p0 $0x0  }
0x46: {  	s17 =	sshll.u32 s30, $0x9;
	[sflag:s0] =	ssyncadd.s32 @!p0 $0xFFFFC000;
	s0 =	sadd.s32 @!p0 $0x7, s30  }
0x47: {  	s31 =	sshll.u32 s30, $0xE;
	s29 =	sshrl.u32 s17, $0x2;
	_ =	swait.ge @!p0 [sflag:s0], $0x800  }
0x48: {  	s17 =	sor.u32 $0x14000, s29;
	s2 =	rddreg [dreg:$0x3];
	[sflag:s0] =	ssyncset.done @!p0 $0x0  }
0x49: {  	[sflag:s0] =	ssyncadd.s32 @!p0 $0xFFFFF800;
	s0 =	sadd.s32 $0x14100, s31;
	s31 =	sadd.s32 $0x3, s30  }
0x4a: {  	[tilespmem:s0], [sflag:s31] =	stream.indirect.gather [spmem:s1], $0x80, s17, s2, $0xb8;
	[tilespmem:$0x1F900] =	vst v63  }
0x4b: {  	v8 =	vld [tilespmem:s29+$0x14000];
	_ =	sdelay $0x3  }
0x4c: {  	v9 =	vmov s30  }
0x4d: {  	v9 =	vshll.u32 v9, $0x7  }
0x4e: {  	v9 =	vbroadcast v9, $0x0;
	_ =	sdelay $0x1  }
0x4f: {  	v10 =	vor.u32 v0, v9;
	v8 =	vld.idx.msk [tilespmem:v8+s16+$0x0], $0xffff;
	_ =	sdelay $0x4  }
0x50: {  	[tilespmem:v10+s18+$0x0] =	vst.idx.msk $0xffff, v8  }
0x51: {  	v8 =	vld [tilespmem:s29+$0x14010];
	_ =	sdelay $0x7  }
0x52: {  	v58 =	vor.u32 v1, v9;
	v8 =	vld.idx.msk [tilespmem:v8+s16+$0x0], $0xffff;
	_ =	sdelay $0x4  }
0x53: {  	[tilespmem:v58+s18+$0x0] =	vst.idx.msk $0xffff, v8  }
0x54: {  	v8 =	vld [tilespmem:s29+$0x14020];
	_ =	sdelay $0x7  }
0x55: {  	v59 =	vor.u32 v2, v9;
	v8 =	vld.idx.msk [tilespmem:v8+s16+$0x0], $0xffff;
	_ =	sdelay $0x4  }
0x56: {  	[tilespmem:v59+s18+$0x0] =	vst.idx.msk $0xffff, v8  }
0x57: {  	v8 =	vld [tilespmem:s29+$0x14030];
	_ =	sdelay $0x7  }
0x58: {  	v60 =	vor.u32 v3, v9;
	v8 =	vld.idx.msk [tilespmem:v8+s16+$0x0], $0xffff;
	_ =	sdelay $0x4  }
0x59: {  	[tilespmem:v60+s18+$0x0] =	vst.idx.msk $0xffff, v8  }
0x5a: {  	v8 =	vld [tilespmem:s29+$0x14040];
	_ =	sdelay $0x7  }
0x5b: {  	v61 =	vor.u32 v4, v9;
	v8 =	vld.idx.msk [tilespmem:v8+s16+$0x0], $0xffff;
	_ =	sdelay $0x4  }
0x5c: {  	[tilespmem:v61+s18+$0x0] =	vst.idx.msk $0xffff, v8  }
0x5d: {  	v8 =	vld [tilespmem:s29+$0x14050];
	_ =	sdelay $0x7  }
0x5e: {  	v62 =	vor.u32 v5, v9;
	v8 =	vld.idx.msk [tilespmem:v8+s16+$0x0], $0xffff;
	_ =	sdelay $0x4  }
0x5f: {  	[tilespmem:v62+s18+$0x0] =	vst.idx.msk $0xffff, v8  }
0x60: {  	v8 =	vld [tilespmem:s29+$0x14060];
	_ =	sdelay $0x7  }
0x61: {  	v63 =	vor.u32 v6, v9;
	v8 =	vld.idx.msk [tilespmem:v8+s16+$0x0], $0xffff;
	_ =	sdelay $0x4  }
0x62: {  	[tilespmem:v63+s18+$0x0] =	vst.idx.msk $0xffff, v8  }
0x63: {  	v8 =	vld [tilespmem:s29+$0x14070];
	_ =	sdelay $0x7  }
0x64: {  	v9 =	vor.u32 v7, v9;
	v8 =	vld.idx.msk [tilespmem:v8+s16+$0x0], $0xffff;
	_ =	sdelay $0x4  }
0x65: {  	[tilespmem:v9+s18+$0x0] =	vst.idx.msk $0xffff, v8  }
0x66: {  	_ =	swait.ge [sflag:s31], $0x4000  }
0x67: {  	s17 =	sand.u32 $0x1FFFF800, s25;
	s2 =	rddreg [dreg:$0x4];
	[sflag:s31] =	ssyncset.done $0x0  }
0x68: {  	[sflag:s31] =	ssyncadd.s32 $0xFFFFC000;
	s31 =	sadd.s32 $0x5, s30;
	s2 =	sadd.s32 s2, s17  }
0x69: {  	[hbm4b:s2+s3] =	stream.linear.scatter [tilespmem:s0], [sflag:s31], $0x4000, $0x38;
	[tilespmem:$0x1F900] =	vst v63  }
0x6a: {  	s17 =	rddreg [dreg:$0x5];
	s31 =	sand.u32 $0x1FFFFF00, s24  }
0x6b: {  	s2 =	sadd.s32 $0x7, s30;
	s30 =	sor.u32 $0x1C100, s29;
	s0 =	sadd.s32 s17, s31  }
0x6c: {  	[hbm4b:s0+s3] =	stream.linear.scatter [tilespmem:s30], [sflag:s2], $0x80, $0x38;
	[tilespmem:$0x1F900] =	vst v63  }
0x6d: {  	s17 =	sor.u32 $0x1C200, s29;
	s31 =	sadd.s32 $0x10, s0  }
0x6e: {  	[hbm4b:s31+s3] =	stream.linear.scatter [tilespmem:s17], [sflag:s2], $0x80, $0x38;
	[tilespmem:$0x1F900] =	vst v63  }
0x6f: {  	s17 =	sor.u32 $0x1C300, s29;
	s31 =	sadd.s32 $0x20, s0  }
0x70: {  	[hbm4b:s31+s3] =	stream.linear.scatter [tilespmem:s17], [sflag:s2], $0x80, $0x38;
	[tilespmem:$0x1F900] =	vst v63  }
0x71: {  	s17 =	sor.u32 $0x1C400, s29;
	s31 =	sadd.s32 $0x30, s0  }
0x72: {  	[hbm4b:s31+s3] =	stream.linear.scatter [tilespmem:s17], [sflag:s2], $0x80, $0x38;
	[tilespmem:$0x1F900] =	vst v63  }
0x73: {  	s17 =	sor.u32 $0x1C500, s29;
	s31 =	sadd.s32 $0x40, s0  }
0x74: {  	[hbm4b:s31+s3] =	stream.linear.scatter [tilespmem:s17], [sflag:s2], $0x80, $0x38;
	[tilespmem:$0x1F900] =	vst v63  }
0x75: {  	s17 =	sor.u32 $0x1C600, s29;
	s31 =	sadd.s32 $0x50, s0  }
0x76: {  	[hbm4b:s31+s3] =	stream.linear.scatter [tilespmem:s17], [sflag:s2], $0x80, $0x38;
	[tilespmem:$0x1F900] =	vst v63  }
0x77: {  	s17 =	sor.u32 $0x1C700, s29;
	s31 =	sadd.s32 $0x60, s0  }
0x78: {  	[hbm4b:s31+s3] =	stream.linear.scatter [tilespmem:s17], [sflag:s2], $0x80, $0x38;
	[tilespmem:$0x1F900] =	vst v63  }
0x79: {  	s17 =	sor.u32 $0x1C800, s29;
	s31 =	sadd.s32 $0x70, s0  }
0x7a: {  	[hbm4b:s31+s3] =	stream.linear.scatter [tilespmem:s17], [sflag:s2], $0x80, $0x38;
	[tilespmem:$0x1F900] =	vst v63  }
0x7b: {  	s17 =	sor.u32 $0x1C900, s29;
	s31 =	sadd.s32 $0x80, s0  }
0x7c: {  	[hbm4b:s31+s3] =	stream.linear.scatter [tilespmem:s17], [sflag:s2], $0x80, $0x38;
	[tilespmem:$0x1F900] =	vst v63  }
0x7d: {  	s17 =	sor.u32 $0x1CA00, s29;
	s31 =	sadd.s32 $0x90, s0  }
0x7e: {  	[hbm4b:s31+s3] =	stream.linear.scatter [tilespmem:s17], [sflag:s2], $0x80, $0x38;
	[tilespmem:$0x1F900] =	vst v63  }
0x7f: {  	s17 =	sor.u32 $0x1CB00, s29;
	s31 =	sadd.s32 $0xA0, s0  }
0x80: {  	[hbm4b:s31+s3] =	stream.linear.scatter [tilespmem:s17], [sflag:s2], $0x80, $0x38;
	[tilespmem:$0x1F900] =	vst v63  }
0x81: {  	s17 =	sor.u32 $0x1CC00, s29;
	s31 =	sadd.s32 $0xB0, s0  }
0x82: {  	[hbm4b:s31+s3] =	stream.linear.scatter [tilespmem:s17], [sflag:s2], $0x80, $0x38;
	[tilespmem:$0x1F900] =	vst v63  }
0x83: {  	s17 =	sor.u32 $0x1CD00, s29;
	s31 =	sadd.s32 $0xC0, s0  }
0x84: {  	[hbm4b:s31+s3] =	stream.linear.scatter [tilespmem:s17], [sflag:s2], $0x80, $0x38;
	[tilespmem:$0x1F900] =	vst v63  }
0x85: {  	p0 =	seq.s32 s8, s28;
	s17 =	sor.u32 $0x1CE00, s29;
	s31 =	sadd.s32 $0xD0, s0  }
0x86: {  	[hbm4b:s31+s3] =	stream.linear.scatter [tilespmem:s17], [sflag:s2], $0x80, $0x38;
	[tilespmem:$0x1F900] =	vst v63  }
.Ltmp0:
0x87: {  	s26 =	sadd.s32 $0x1000, s26;
	s25 =	sadd.s32 $0x10000, s25;
	(pc) =	sbr.rel @!p0 .LBB2_2-.Ltmp0, $4  }
0x88: {  	s24 =	sadd.s32 $0x2000, s24;
	s17 =	sor.u32 $0x1CF00, s29;
	s31 =	sadd.s32 $0xE0, s0  }
0x89: {  	[hbm4b:s31+s3] =	stream.linear.scatter [tilespmem:s17], [sflag:s2], $0x80, $0x38;
	[tilespmem:$0x1F900] =	vst v63  }
0x8a: {  	s0 =	sadd.s32 $0xF0, s0;
	s31 =	sor.u32 $0x1D000, s29;
	s29 =	smov.u32 s28  }
0x8b: {  	[hbm4b:s0+s3] =	stream.linear.scatter [tilespmem:s31], [sflag:s2], $0x80, $0x38;
	[tilespmem:$0x1F900] =	vst v63  }
0x8c: {  	_ =	swait.ge [sflag:s19], $0x4000  }
0x8d: {  	[sflag:s19] =	ssyncset.done $0x0  }
0x8e: {  	[sflag:s19] =	ssyncadd.s32 $0xFFFFC000  }
0x8f: {  	_ =	swait.ge [sflag:s20], $0x800  }
0x90: {  	[sflag:s20] =	ssyncset.done $0x0  }
0x91: {  	s23 =	sadd.s32 $0x1, s23;
	[sflag:s20] =	ssyncadd.s32 $0xFFFFF800  }
0x92: {  	p0 =	seq.s32 s23, s10;
	_ =	swait.ge [sflag:s21], $0x4000  }
.Ltmp1:
0x93: {  	[sflag:s21] =	ssyncset.done $0x0;
	(pc) =	sbr.rel @!p0 .LBB2_1-.Ltmp1, $4  }
0x94: {  	[sflag:s21] =	ssyncadd.s32 $0xFFFFC000  }
0x95: {  	_ =	swait.ge [sflag:s22], $0x800  }
0x96: {  	[sflag:s22] =	ssyncset.done $0x0  }
0x97: {  	[sflag:s22] =	ssyncadd.s32 $0xFFFFF800  }
0x98: {  	_ =	sfence.sel $0x180000  }
0x99: {  	[bflag:$0x0] =	sbarrier.arrive $0xFFFF  }
0x9a: {  	_ =	strace $0x9000004D  }
0x9b: {  	s0 =	stileid.u32;
	[bflag:$0x2] =	sbarrier.arrive $0xFFFF  }
0x9c: {  	p0 =	sne.s32 s0, $0x0;
	s0 =	rddreg [dreg:$0x2]  }
0x9d: {  	s0 =	sadd.s32 @!p0 $0x100000, s0  }
0x9e: {  	[sflag:s0] =	ssyncadd.tile.s32 @!p0 $0x1;
	_ =	shalt  }
.Lfunc_end2:
_tile_overlayer_lowered:
.L_overlay_start_2:
0x9f: {  	(tag) =	ssettag $0x2  }
0xa0: {  	s0 =	rddreg [dreg:$0x0];
	s2 =	stileid.u32  }
0xa1: {  	s1 =	rddreg [dreg:$0x1];
	p0 =	sne.s32 s2, $0x0  }
0xa2: {  	s3 =	rddreg [dreg:$0x2];
	[bflag:$0x3] =	sbarrier.arrive $0xFFFF;
	s2 =	simm.s32 @!p0 $0x1C09  }
0xa3: {  	[timem:s3], [sflag:s2] =	dma.local @!p0 [hbm:s0], s1  }
0xa4: {  	s0 =	simm.s32 @!p0 $0x9  }
0xa5: {  	_ =	swait.ge @!p0 [sflag:s0], s1  }
0xa6: {  	s1 =	ssub.s32 @!p0 $0x0, s1;
	[sflag:s0] =	ssyncset.done @!p0 $0x0  }
0xa7: {  	[sflag:s0] =	ssyncadd.s32 @!p0 s1  }
0xa8: {  	[bflag:$0x3] =	sbarrier.arrive $0xFFFF  }
0xa9: {  	_ =	shalt  }

// kernel: kernel.21.cloned.1.call-start
scs
__scs_entry_jumppad:
0x0: {  	(pc) =	sbr.rel $0x88, $3  }
0x1: {  	(tag) =	ssettag $0x0;
	lr =	simm.s32 $0x1  }
0x2: {  	[smem:$0x3F9B] =	sst lr;
	_ =	strace $0xD0000000  }
0x3: {  	_ = 	snop  }
0x4: {  	_ = 	snop  }
0x5: {  	_ = 	snop  }
0x6: {  	_ = 	snop  }
0x7: {  	_ = 	snop  }
__scs_overlays_trampoline_lowered:
0x8: {  	[smem:$0x3FAA] =	sst s0  }
0x9: {  	[smem:$0x3FAB] =	sst s1  }
0xa: {  	[smem:$0x3FAC] =	sst s2  }
0xb: {  	[smem:$0x3FAD] =	sst s3  }
0xc: {  	[smem:$0x3FAE] =	sst s4  }
0xd: {  	[smem:$0x3FAF] =	sst s5  }
0xe: {  	[smem:$0x3FB0] =	sst s6  }
0xf: {  	[smem:$0x3FB1] =	sst s7  }
0x10: {  	[smem:$0x3FB2] =	sst s8  }
0x11: {  	[smem:$0x3FB3] =	sst s9;
	s0 =	simm.s32 @!p0 $0x0  }
0x12: {  	s1 =	sld [smem:$0x3F99];
	s0 =	simm.s32 @p0 $0x1  }
0x13: {  	[smem:$0x3FB4] =	sst s0;
	s0 =	simm.s32 @!p1 $0x0  }
0x14: {  	s2 =	sld [smem:$0x3F98];
	s0 =	simm.s32 @p1 $0x1  }
0x15: {  	[smem:$0x3FB5] =	sst s0;
	s0 =	simm.s32 @!p2 $0x0  }
0x16: {  	s3 =	sld [smem:$0x3FDB];
	s0 =	simm.s32 @p2 $0x1  }
0x17: {  	s4 =	simm.s32 $0x1BF5;
	[smem:$0x3FB7] =	sst s0  }
0x18: {  	s0 =	sld [smem:$0x3F9A];
	_ =	swait.ge [sflag:s4], $0x0  }
0x19: {  	s7 =	sld [smem:$0x3F9B]  }
0x1a: {  	s8 =	sadd.s32 $0xFFFFE003, lr  }
0x1b: {  	s9 =	sadd.s32 $0xFFFFFEF7, lr;
	s5 =	simm.s32 $0xFFFFFFFF;
	p2 =	slt.u32 s8, $0xFFFFF086  }
0x1c: {  	p1 =	slt.u32 s9, $0xF7A;
	s5 =	simm.s32 @!p2 $0x0  }
0x1d: {  	s5 =	simm.s32 @p1 $0x1;
	p0 =	seq.s32 s7, s2  }
0x1e: {  	s7 =	smul.u32 @!p0 $0xF7A, s2;
	p2 =	seq.s32 @!p0 s5, $0x0  }
0x1f: {  	s9 =	smul.u32 $0xF7A, s1;
	s8 =	simm.s32 @!p0 $0x1BF5;
	p2 =	por !p2, p0  }
0x20: {  	[sflag:s8] =	ssyncset.s32 @!p0 $0xFFFFF086;
	s6 =	sadd.s32 @!p0 s3, s7;
	s7 =	simm.s32 @!p0 $0x108  }
0x21: {  	s3 =	sadd.s32 s3, s9;
	s6 =	sadd.s32 @!p0 $0x88, s6;
	s7 =	simm.s32 @p2 $0x1082  }
0x22: {  	[simem:s7], [sflag:s8] =	dma.local @!p0 [hbm:s6], $0xF7A  }
0x23: {  	s9 =	sor.u32 $0xD0000000, s2;
	s6 =	simm.s32 $0x108;
	_ =	swait.ge @!p0 [sflag:s8], $0x0  }
0x24: {  	s3 =	sadd.s32 $0x88, s3;
	s6 =	simm.s32 @!p1 $0x1082;
	[sflag:s4] =	ssyncset.s32 $0xFFFFF086  }
0x25: {  	[simem:s6], [sflag:s4] =	dma.local [hbm:s3], $0xF7A  }
0x26: {  	[smem:$0x3F9B] =	sst s1;
	(tag) =	ssettag s2;
	_ =	strace s9  }
0x27: {  	s1 =	sld [smem:$0x3FAB]  }
0x28: {  	s2 =	sld [smem:$0x3FAC]  }
0x29: {  	s4 =	sld [smem:$0x3FAE]  }
0x2a: {  	p0 =	seq.s32 s5, $0x0;
	s5 =	sld [smem:$0x3FAF]  }
0x2b: {  	s6 =	sld [smem:$0x3FB0]  }
0x2c: {  	s7 =	sld [smem:$0x3FB1]  }
0x2d: {  	s3 =	simm.s32 $0x108;
	s8 =	sld [smem:$0x3FB2]  }
0x2e: {  	s3 =	simm.s32 @!p0 $0x1082;
	s9 =	sld [smem:$0x3FB3]  }
0x2f: {  	lr =	sadd.s32 s0, s3;
	s0 =	sld [smem:$0x3FAA]  }
0x30: {  	s3 =	sld [smem:$0x3FAD]  }
0x31: {  	[smem:$0x3FB6] =	sst s10  }
0x32: {  	s10 =	sld [smem:$0x3FB4];
	_ =	sdelay $0x3  }
0x33: {  	p0 =	seq.s32 s10, $0x1;
	s10 =	sld [smem:$0x3FB6];
	_ =	sdelay $0x3  }
0x34: {  	[smem:$0x3FB6] =	sst s10  }
0x35: {  	s10 =	sld [smem:$0x3FB5];
	_ =	sdelay $0x3  }
0x36: {  	p1 =	seq.s32 s10, $0x1;
	s10 =	sld [smem:$0x3FB6];
	_ =	sdelay $0x3  }
0x37: {  	[smem:$0x3FB6] =	sst s10  }
0x38: {  	s10 =	sld [smem:$0x3FB7]  }
0x39: {  	_ = 	snop;
	(pc) =	sbr.ind lr, $3  }
0x3a: {  	_ = 	snop  }
0x3b: {  	_ = 	snop  }
0x3c: {  	p2 =	seq.s32 s10, $0x1;
	s10 =	sld [smem:$0x3FB6]  }
0x3d: {  	_ =	shalt  }
0x3e: {  	_ =	shalt  }
0x3f: {  	_ =	shalt  }
0x40: {  	_ =	shalt  }
0x41: {  	_ =	shalt  }
0x42: {  	_ =	shalt  }
0x43: {  	_ =	shalt  }
0x44: {  	_ =	shalt  }
0x45: {  	_ =	shalt  }
0x46: {  	_ =	shalt  }
0x47: {  	_ =	shalt  }
0x48: {  	_ =	shalt  }
0x49: {  	_ =	shalt  }
0x4a: {  	_ =	shalt  }
0x4b: {  	_ =	shalt  }
0x4c: {  	_ =	shalt  }
0x4d: {  	_ =	shalt  }
0x4e: {  	_ =	shalt  }
0x4f: {  	_ =	shalt  }
0x50: {  	_ =	shalt  }
0x51: {  	_ =	shalt  }
0x52: {  	_ =	shalt  }
0x53: {  	_ =	shalt  }
0x54: {  	_ =	shalt  }
0x55: {  	_ =	shalt  }
0x56: {  	_ =	shalt  }
0x57: {  	_ =	shalt  }
0x58: {  	_ =	shalt  }
0x59: {  	_ =	shalt  }
0x5a: {  	_ =	shalt  }
0x5b: {  	_ =	shalt  }
0x5c: {  	_ =	shalt  }
0x5d: {  	_ =	shalt  }
0x5e: {  	_ =	shalt  }
0x5f: {  	_ =	shalt  }
0x60: {  	_ =	shalt  }
0x61: {  	_ =	shalt  }
0x62: {  	_ =	shalt  }
0x63: {  	_ =	shalt  }
0x64: {  	_ =	shalt  }
0x65: {  	_ =	shalt  }
0x66: {  	_ =	shalt  }
0x67: {  	_ =	shalt  }
0x68: {  	_ =	shalt  }
0x69: {  	_ =	shalt  }
0x6a: {  	_ =	shalt  }
0x6b: {  	_ =	shalt  }
0x6c: {  	_ =	shalt  }
0x6d: {  	_ =	shalt  }
0x6e: {  	_ =	shalt  }
0x6f: {  	_ =	shalt  }
0x70: {  	_ =	shalt  }
0x71: {  	_ =	shalt  }
0x72: {  	_ =	shalt  }
0x73: {  	_ =	shalt  }
0x74: {  	_ =	shalt  }
0x75: {  	_ =	shalt  }
0x76: {  	_ =	shalt  }
0x77: {  	_ =	shalt  }
0x78: {  	_ =	shalt  }
0x79: {  	_ =	shalt  }
0x7a: {  	_ =	shalt  }
0x7b: {  	_ =	shalt  }
0x7c: {  	_ =	shalt  }
0x7d: {  	_ =	shalt  }
0x7e: {  	_ =	shalt  }
0x7f: {  	_ =	shalt  }
0x80: {  	_ =	shalt  }
0x81: {  	_ =	shalt  }
0x82: {  	_ =	shalt  }
0x83: {  	_ =	shalt  }
0x84: {  	_ =	shalt  }
0x85: {  	_ =	shalt  }
0x86: {  	_ =	shalt  }
0x87: {  	_ =	shalt  }
.Lfunc_end0:
.L_simem_size_0:
called_computation.3_lowered:
.L_overlay_start_0:
0x88: {  	s2 =	sld [smem:$0x3FD9]  }
0x89: {  	s3 =	sld [smem:$0x3FFE];
	_ =	sdelay $0x1  }
0x8a: {  	s1 =	srdreg.scid  }
0x8b: {  	s0 =	sand.u32 $0x1, s1  }
0x8c: {  	s17 =	sshll.u32 s0, $0xA;
	s2 =	sadd.s32 s3, s2  }
0x8d: {  	s2 =	sadd.s32 s2, s17  }
0x8e: {  	[smem:$0x3FC2] =	sst s2  }
0x8f: {  	_ = 	snop  }
0x90: {  	(tm) =	ssettm $0x1  }
0x91: {  	s18 =	sld [smem:$0x3FFB];
	_ =	sdelay $0x3  }
0x92: {  	_ =	strace s18  }
0x93: {  	s2 =	sld [smem:$0x3FFC];
	_ =	sdelay $0x3  }
0x94: {  	_ =	strace s2  }
0x95: {  	s2 =	sld [smem:$0x3FFD];
	_ =	sdelay $0x3  }
0x96: {  	_ =	strace s2  }
0x97: {  	_ =	strace $0x8FFFFFFF  }
0x98: {  	s19 =	sld [smem:$0x3FDB];
	_ =	sdelay $0x1  }
0x99: {  	s20 =	simm.s32 $_scs_section_size  }
0x9a: {  	s4 =	simm.s32 $_size__tile_overlayer_lowered;
	s5 =	simm.s32 $_tile_overlayer_lowered  }
0x9b: {  	s6 =	simm.s32 $0x1BFF;
	s21 =	sshll.u32 s5, $0x1;
	s3 =	sadd.s32 s20, s19  }
0x9c: {  	s22 =	simm.s32 $0x0;
	s4 =	sshll.u32 s4, $0x1;
	s5 =	sadd.s32 s21, s3  }
0x9d: {  	[timem:s22], [sflag:s6] =	dma.local [hbm:s5], s4  }
0x9e: {  	_ =	swait.ge [sflag:s6], s4  }
0x9f: {  	s4 =	ssub.s32 $0x0, s4;
	[sflag:s6] =	ssyncset.done $0x0  }
0xa0: {  	[sflag:s6] =	ssyncadd.s32 s4;
	_ =	sdelay $0x1  }
0xa1: {  	s23 =	simm.s32 $0x1B8B  }
0xa2: {  	_ =	swait.ge [sflag:s23], $0x1  }
0xa3: {  	[sflag:s23] =	ssyncset.done $0x0  }
0xa4: {  	[sflag:s23] =	ssyncadd.s32 $0xFFFFFFFF  }
0xa5: {  	s4 =	sld [smem:$0x0]  }
0xa6: {  	s5 =	sand.u32 $0xFFFFFFFE, s1  }
0xa7: {  	p0 =	sne.s32 s1, s5  }
0xa8: {  	s5 =	sshll.u32 @p0 s5, $0xE  }
0xa9: {  	s5 =	sadd.s32 @p0 $0x11B8D, s5;
	s6 =	sshll.u32 @p0 s4, $0x11  }
0xaa: {  	s5 =	sor.u32 @p0 s6, s5  }
0xab: {  	[sflag:s5] =	ssyncadd.remote.s32 @p0 $0x1;
	_ =	sdelay $0x1  }
0xac: {  	s5 =	simm.s32 @p0 $0x1B8D  }
0xad: {  	_ =	swait.eq @p0 [sflag:s5], $0x1  }
0xae: {  	[sflag:s5] =	ssyncadd.s32 @p0 $0xFFFFFFFF  }
0xaf: {  	s6 =	sshll.u32 @!p0 s1, $0xE  }
0xb0: {  	s6 =	sor.u32 @!p0 $0x4000, s6;
	s5 =	simm.s32 @!p0 $0x1B8D  }
0xb1: {  	s4 =	sshll.u32 @!p0 s4, $0x11;
	s6 =	sadd.s32 @!p0 $0x11B8D, s6;
	_ =	swait.eq @!p0 [sflag:s5], $0x1  }
0xb2: {  	s4 =	sor.u32 @!p0 s4, s6;
	[sflag:s5] =	ssyncadd.s32 @!p0 $0xFFFFFFFF  }
0xb3: {  	s25 =	simm.s32 $0x1B8E;
	s24 =	sld [smem:$0x3FFE];
	[sflag:s4] =	ssyncadd.remote.s32 @!p0 $0x1  }
0xb4: {  	s26 =	simm.s32 $execute0_lowered;
	[smem:$0x3FD2] =	sst s25  }
0xb5: {  	s5 =	sshll.u32 s26, $0x1;
	_ =	strace $0x8000004F;
	[dreg:$0x1] =	wrdreg $0xFFFFFFFF  }
0xb6: {  	s28 =	simm.s32 $_size_execute0_lowered;
	s3 =	sadd.s32 s3, s5;
	[dreg:$0x0] =	wrdreg $0x0  }
0xb7: {  	s5 =	sshll.u32 s28, $0x1;
	[dreg:$0x2] =	wrdreg s3  }
0xb8: {  	[dreg:$0x3] =	wrdreg s5  }
0xb9: {  	[dreg:$0x4] =	wrdreg $0xC0  }
0xba: {  	_ =	task [dreg:s22], $0x5FFFF  }
0xbb: {  	[dreg:$0x1] =	wrdreg $0xFFFFFFFF  }
0xbc: {  	[dreg:$0x0] =	wrdreg $0x60  }
0xbd: {  	[dreg:$0x2] =	wrdreg s24  }
0xbe: {  	[dreg:$0x3] =	wrdreg $0x0  }
0xbf: {  	[dreg:$0x4] =	wrdreg $0xB  }
0xc0: {  	_ =	task.clear_ibuf [dreg:s22], $0x5FFFF;
	_ =	strace $0x9000004F  }
0xc1: {  	s29 =	simm.s32 $0xB;
	_ =	strace $0x80000051  }
0xc2: {  	_ =	swait.ge [sflag:s29], $0x1  }
0xc3: {  	[sflag:s29] =	ssyncadd.s32 $0xFFFFFFFF  }
0xc4: {  	_ =	strace $0x90000051  }
0xc5: {  	_ =	sfence  }
0xc6: {  	s30 =	sld [smem:$0x0];
	_ =	sdelay $0x2  }
0xc7: {  	s31 =	sshll.u32 s1, $0xD;
	s1 =	sshrl.u32 s1, $0x2  }
0xc8: {  	s4 =	sand.u32 $0x4000, s31;
	s1 =	sadd.s32 s1, s30  }
0xc9: {  	s0 =	sor.u32 s4, s0;
	s1 =	sshll.u32 s1, $0x11  }
0xca: {  	s0 =	sor.u32 s1, s0  }
0xcb: {  	s0 =	sadd.s32 $0x8F2B, s0  }
0xcc: {  	[sflag:s0] =	ssyncadd.remote.s32 $0x1  }
0xcd: {  	_ =	sfence.sel $0xFFFF  }
0xce: {  	[dreg:$0x0] =	wrdreg $0xFFFFFFFF;
	(pc) =	sbr.abs _section_cstart, $3  }
0xcf: {  	[dreg:$0x1] =	wrdreg $0xFFFFFFFF  }
0xd0: {  	_ =	task.clear_ibuf [dreg:s22], $0x2FFFF;
	_ =	strace $0x9FFFFFFF  }
0xd1: {  	(tm) =	ssettm $0x7FFFFFFF  }
tec
execute0_lowered:
.L_overlay_start_1:
0x0: {  	(tag) =	ssettag $0x1  }
0x1: {  	v0 =	vimm.s32 $0x370  }
0x2: {  	vm14 =	vcmask $0x300;
	v1 =	vimm.s32 $0x30201000;
	vm13 =	vcmask $0x704  }
0x3: {  	vm12 =	vcmask $0xB08;
	vm0 =	vcmask $0xF00;
	vm11 =	vcmask $0xF0C  }
0x4: {  	vm10 =	vcmask $0x1310;
	v2 =	vimm.s32 $0x70605040;
	vm9 =	vcmask $0x1714  }
0x5: {  	vm8 =	vcmask $0x1B18;
	vm15 =	vcmask $0x1F10;
	vm7 =	vcmask $0x1F1C  }
0x6: {  	vm6 =	vcmask $0x2320;
	vm5 =	vcmask $0x2724;
	vm4 =	vcmask $0x2B28  }
0x7: {  	vm3 =	vcmask $0x2F2C;
	vm2 =	vcmask $0x3330;
	vm1 =	vcmask $0x3734  }
0x8: {  	v3 =	vimm.s32 $0x770;
	v4 =	vimm.s32 $0x970;
	v5 =	vimm.s32 $0xB70  }
0x9: {  	v6 =	vimm.s32 $0xD70;
	v7 =	vimm.s32 $0xF70;
	v0 =	vsel vm14, $0x200, v0  }
0xa: {  	v1 =	vunpack.c.0.s8.s32 v1;
	v2 =	vunpack.c.0.s8.s32 v2;
	v3 =	vsel vm14, $0x600, v3  }
0xb: {  	v4 =	vsel vm14, $0x800, v4;
	v5 =	vsel vm14, $0xA00, v5;
	v6 =	vsel vm14, $0xC00, v6  }
0xc: {  	v7 =	vsel vm14, $0xE00, v7;
	v0 =	vsel vm13, $0x210, v0;
	v3 =	vsel vm13, $0x610, v3  }
0xd: {  	v4 =	vsel vm13, $0x810, v4;
	v5 =	vsel vm13, $0xA10, v5;
	v6 =	vsel vm13, $0xC10, v6  }
0xe: {  	v7 =	vsel vm13, $0xE10, v7;
	v0 =	vsel vm12, $0x220, v0;
	v1 =	vnsel vm0, $0x170, v1  }
0xf: {  	v3 =	vsel vm12, $0x620, v3;
	v4 =	vsel vm12, $0x820, v4;
	v5 =	vsel vm12, $0xA20, v5  }
0x10: {  	v6 =	vsel vm12, $0xC20, v6;
	v7 =	vsel vm12, $0xE20, v7;
	v0 =	vsel vm11, $0x230, v0  }
0x11: {  	v1 =	vsel vm15, v2, v1;
	vm15 =	vcmask $0x3B38;
	v3 =	vsel vm11, $0x630, v3  }
0x12: {  	v4 =	vsel vm11, $0x830, v4;
	v5 =	vsel vm11, $0xA30, v5;
	v6 =	vsel vm11, $0xC30, v6  }
0x13: {  	v7 =	vsel vm11, $0xE30, v7;
	v0 =	vsel vm10, $0x240, v0;
	v1 =	vsel vm6, $0x100, v1  }
0x14: {  	v3 =	vsel vm10, $0x640, v3;
	v4 =	vsel vm10, $0x840, v4;
	v5 =	vsel vm10, $0xA40, v5  }
0x15: {  	v6 =	vsel vm10, $0xC40, v6;
	v7 =	vsel vm10, $0xE40, v7;
	v0 =	vsel vm9, $0x250, v0  }
0x16: {  	v1 =	vsel vm5, $0x110, v1;
	v3 =	vsel vm9, $0x650, v3;
	v4 =	vsel vm9, $0x850, v4  }
0x17: {  	v5 =	vsel vm9, $0xA50, v5;
	v6 =	vsel vm9, $0xC50, v6;
	v7 =	vsel vm9, $0xE50, v7  }
0x18: {  	v0 =	vsel vm8, $0x260, v0;
	v1 =	vsel vm4, $0x120, v1;
	v3 =	vsel vm8, $0x660, v3  }
0x19: {  	v4 =	vsel vm8, $0x860, v4;
	v5 =	vsel vm8, $0xA60, v5;
	v6 =	vsel vm8, $0xC60, v6  }
0x1a: {  	v7 =	vsel vm8, $0xE60, v7;
	v0 =	vsel vm7, $0x270, v0;
	v1 =	vsel vm3, $0x130, v1  }
0x1b: {  	v3 =	vsel vm7, $0x670, v3;
	v4 =	vsel vm7, $0x870, v4;
	v0 =	vsel vm6, $0x300, v0  }
0x1c: {  	v5 =	vsel vm7, $0xA70, v5;
	v6 =	vsel vm7, $0xC70, v6;
	v0 =	vsel vm5, $0x310, v0  }
0x1d: {  	v7 =	vsel vm7, $0xE70, v7;
	v1 =	vsel vm2, $0x140, v1;
	v0 =	vsel vm4, $0x320, v0  }
0x1e: {  	s5 =	rddreg [dreg:$0x0];
	v3 =	vsel vm6, $0x700, v3;
	v4 =	vsel vm6, $0x900, v4;
	v0 =	vsel vm3, $0x330, v0  }
0x1f: {  	s1 =	rddreg [dreg:$0x1];
	s3 =	simm.s32 $0x0;
	v5 =	vsel vm6, $0xB00, v5;
	v6 =	vsel vm6, $0xD00, v6;
	v0 =	vsel vm2, $0x340, v0  }
0x20: {  	s0 =	stileid.u32;
	s8 =	srdreg.scid;
	s18 =	simm.s32 $0x80;
	v7 =	vsel vm6, $0xF00, v7;
	v1 =	vsel vm1, $0x150, v1;
	v2 =	vsel vm1, $0x350, v0  }
0x21: {  	s19 =	simm.s32 $0x5;
	s20 =	simm.s32 $0x7;
	[smem:$0x7FF] =	sst s3;
	v0 =	vsel vm15, $0x160, v1;
	v1 =	vsel vm15, $0x360, v2;
	v2 =	vimm.s32 $0x570  }
0x22: {  	s21 =	simm.s32 $0x6;
	s4 =	smul.u32 $0x2800, s0;
	s7 =	sadd.s32 $0x60B800, s5;
	v3 =	vsel vm5, $0x710, v3;
	v4 =	vsel vm5, $0x910, v4;
	v2 =	vsel vm14, $0x400, v2  }
0x23: {  	s11 =	sand.u32 $0x1, s8;
	s22 =	sadd.s32 $0x5BD600, s5;
	s9 =	smul.u32 $0x50000, s0;
	v5 =	vsel vm5, $0xB10, v5;
	v6 =	vsel vm5, $0xD10, v6;
	v2 =	vsel vm13, $0x410, v2  }
0x24: {  	s24 =	sshll.u32 s0, $0x1;
	s26 =	sshll.u32 s0, $0x6;
	s30 =	sshll.u32 s0, $0x8;
	v7 =	vsel vm5, $0xF10, v7;
	v3 =	vsel vm4, $0x720, v3;
	v2 =	vsel vm12, $0x420, v2  }
0x25: {  	s31 =	sshll.u32 s0, $0xC;
	_ =	strace $0x80000050;
	[dreg:$0x4] =	wrdreg s7;
	v4 =	vsel vm4, $0x920, v4;
	v5 =	vsel vm4, $0xB20, v5;
	v2 =	vsel vm11, $0x430, v2  }
0x26: {  	s16 =	sshll.u32 s0, $0x9;
	s8 =	ssub.s32 $0x2, s11;
	[dreg:$0x5] =	wrdreg s22;
	v6 =	vsel vm4, $0xD20, v6;
	v7 =	vsel vm4, $0xF20, v7;
	v2 =	vsel vm10, $0x440, v2  }
0x27: {  	s7 =	sor.u32 s11, s24;
	s13 =	sshll.u32 s11, $0x7;
	s15 =	sshll.u32 s11, $0xB;
	v3 =	vsel vm3, $0x730, v3;
	v4 =	vsel vm3, $0x930, v4;
	v2 =	vsel vm9, $0x450, v2  }
0x28: {  	s17 =	sshll.u32 s11, $0x8;
	[dreg:$0x3] =	wrdreg s18;
	s18 =	simm.s32 $0x1C100;
	v5 =	vsel vm3, $0xB30, v5;
	v6 =	vsel vm3, $0xD30, v6;
	v2 =	vsel vm8, $0x460, v2  }
0x29: {  	s22 =	simm.s32 $0x8;
	s6 =	sadd.s32 s4, s5;
	s4 =	sadd.s32 $0x3EC00, s5;
	v7 =	vsel vm3, $0xF30, v7;
	v3 =	vsel vm2, $0x740, v3;
	v2 =	vsel vm7, $0x470, v2  }
0x2a: {  	s5 =	sadd.s32 $0x3200, s5;
	s23 =	sshrl.u32 s8, $0x1;
	s25 =	sshrl.u32 s9, $0x2;
	v4 =	vsel vm2, $0x940, v4;
	v5 =	vsel vm2, $0xB40, v5;
	v2 =	vsel vm6, $0x500, v2  }
0x2b: {  	s28 =	ssub.s32 $0x501, s7;
	s12 =	sshll.u32 s7, $0x4;
	s7 =	sor.u32 $0x1C09, s26;
	v6 =	vsel vm2, $0xD40, v6;
	v7 =	vsel vm2, $0xF40, v7;
	v2 =	vsel vm5, $0x510, v2  }
0x2c: {  	s10 =	ssub.s32 s8, s23;
	s14 =	sadd.s32 s25, s1;
	s6 =	sadd.s32 $0x16C00, s6;
	v3 =	vsel vm1, $0x750, v3;
	v4 =	vsel vm1, $0x950, v4;
	v2 =	vsel vm4, $0x520, v2  }
0x2d: {  	s8 =	sshrl.u32 s28, $0x5;
	s29 =	sadd.s32 s5, s12;
	s12 =	sor.u32 s13, s30;
	v5 =	vsel vm1, $0xB50, v5;
	v6 =	vsel vm1, $0xD50, v6;
	v2 =	vsel vm3, $0x530, v2  }
0x2e: {  	s13 =	sor.u32 s17, s16;
	s16 =	simm.s32 $0x1D100;
	s23 =	simm.s32 $0x0;
	v7 =	vsel vm1, $0xF50, v7;
	v3 =	vsel vm15, $0x760, v3;
	v2 =	vsel vm2, $0x540, v2  }
0x2f: {  	s9 =	sadd.s32 $0x9C40, s29;
	s10 =	smax.u32 s10, $0x1;
	s11 =	sadd.s32 $0x4F200, s12;
	v4 =	vsel vm15, $0x960, v4;
	v5 =	vsel vm15, $0xB60, v5;
	v2 =	vsel vm1, $0x550, v2  }
0x30: {  	s12 =	sor.u32 s15, s31;
	s14 =	sshrl.u32 s14, $0x3;
	s15 =	simm.s32 $0x9;
	v6 =	vsel vm15, $0xD60, v6;
	v7 =	vsel vm15, $0xF60, v7;
	v2 =	vsel vm15, $0x560, v2  }
.LBB2_1:
0x31: {  	[spmem:s14], [sflag:s7] =	dma.local [hbm:s6], $0x2800  }
0x32: {  	_ =	swait.ge [sflag:s15], $0x2800  }
0x33: {  	[sflag:s15] =	ssyncset.done $0x0  }
0x34: {  	[sflag:s15] =	ssyncadd.s32 $0xFFFFD800  }
0x35: {  	[tilespmem:s16], [sflag:$0x9] =	stream.linear.gather [hbm4b:s4+s3], $0x2800, $0x38;
	[tilespmem:$0x1F900] =	vst v63  }
0x36: {  	_ =	swait.ge [sflag:s15], $0x2800  }
0x37: {  	s0 =	simm.s32 $0x14000;
	[sflag:s15] =	ssyncset.done $0x0  }
0x38: {  	s24 =	smov.u32 s13;
	s25 =	smov.u32 s12;
	[sflag:s15] =	ssyncadd.s32 $0xFFFFD800  }
0x39: {  	s26 =	smov.u32 s11;
	s29 =	simm.s32 $0x0;
	[bflag:$0x0] =	sbarrier.arrive $0xFFFF  }
0x3a: {  	[tilespmem:s0], [sflag:$0x1] =	stream.linear.gather [hbm4b:s9+s3], $0x80, $0x38;
	[tilespmem:$0x1F900] =	vst v63  }
.LBB2_2:
0x3b: {  	s30 =	sand.u32 $0x1, s29  }
0x3c: {  	s28 =	sadd.s32 $0x1, s29;
	s31 =	sadd.s32 $0x1, s30  }
0x3d: {  	p0 =	sge.u32 s28, s8;
	_ =	swait.ge [sflag:s31], $0x80  }
0x3e: {  	s0 =	sxor.u32 @!p0 $0x1, s30;
	s17 =	simm.s32 @!p0 $0x0;
	[sflag:s31] =	ssyncset.done $0x0  }
0x3f: {  	s2 =	sshll.u32 @!p0 s0, $0x7;
	[sflag:s31] =	ssyncadd.s32 $0xFFFFFF80;
	s31 =	sshrl.u32 @!p0 s26, $0x3  }
0x40: {  	s0 =	sadd.s32 @!p0 $0x1, s0;
	s2 =	sor.u32 @!p0 $0x14000, s2;
	s31 =	sadd.s32 @!p0 s5, s31  }
0x41: {  	[tilespmem:s2], [sflag:s0] =	stream.linear.gather @!p0 [hbm4b:s31+s17], $0x80, $0x38;
	[tilespmem:$0x1F900] =	vst v63  }
0x42: {  	p0 =	slt.u32 s29, $0x2  }
0x43: {  	s0 =	sadd.s32 @!p0 $0x5, s30  }
0x44: {  	_ =	swait.ge @!p0 [sflag:s0], $0x4000  }
0x45: {  	[sflag:s0] =	ssyncset.done @!p0 $0x0  }
0x46: {  	s17 =	sshll.u32 s30, $0x9;
	[sflag:s0] =	ssyncadd.s32 @!p0 $0xFFFFC000;
	s0 =	sadd.s32 @!p0 $0x7, s30  }
0x47: {  	s31 =	sshll.u32 s30, $0xE;
	s29 =	sshrl.u32 s17, $0x2;
	_ =	swait.ge @!p0 [sflag:s0], $0x800  }
0x48: {  	s17 =	sor.u32 $0x14000, s29;
	s2 =	rddreg [dreg:$0x3];
	[sflag:s0] =	ssyncset.done @!p0 $0x0  }
0x49: {  	[sflag:s0] =	ssyncadd.s32 @!p0 $0xFFFFF800;
	s0 =	sadd.s32 $0x14100, s31;
	s31 =	sadd.s32 $0x3, s30  }
0x4a: {  	[tilespmem:s0], [sflag:s31] =	stream.indirect.gather [spmem:s1], $0x80, s17, s2, $0xb8;
	[tilespmem:$0x1F900] =	vst v63  }
0x4b: {  	v8 =	vld [tilespmem:s29+$0x14000];
	_ =	sdelay $0x3  }
0x4c: {  	v9 =	vmov s30  }
0x4d: {  	v9 =	vshll.u32 v9, $0x7  }
0x4e: {  	v9 =	vbroadcast v9, $0x0;
	_ =	sdelay $0x1  }
0x4f: {  	v10 =	vor.u32 v0, v9;
	v8 =	vld.idx.msk [tilespmem:v8+s16+$0x0], $0xffff;
	_ =	sdelay $0x4  }
0x50: {  	[tilespmem:v10+s18+$0x0] =	vst.idx.msk $0xffff, v8  }
0x51: {  	v8 =	vld [tilespmem:s29+$0x14010];
	_ =	sdelay $0x7  }
0x52: {  	v58 =	vor.u32 v1, v9;
	v8 =	vld.idx.msk [tilespmem:v8+s16+$0x0], $0xffff;
	_ =	sdelay $0x4  }
0x53: {  	[tilespmem:v58+s18+$0x0] =	vst.idx.msk $0xffff, v8  }
0x54: {  	v8 =	vld [tilespmem:s29+$0x14020];
	_ =	sdelay $0x7  }
0x55: {  	v59 =	vor.u32 v2, v9;
	v8 =	vld.idx.msk [tilespmem:v8+s16+$0x0], $0xffff;
	_ =	sdelay $0x4  }
0x56: {  	[tilespmem:v59+s18+$0x0] =	vst.idx.msk $0xffff, v8  }
0x57: {  	v8 =	vld [tilespmem:s29+$0x14030];
	_ =	sdelay $0x7  }
0x58: {  	v60 =	vor.u32 v3, v9;
	v8 =	vld.idx.msk [tilespmem:v8+s16+$0x0], $0xffff;
	_ =	sdelay $0x4  }
0x59: {  	[tilespmem:v60+s18+$0x0] =	vst.idx.msk $0xffff, v8  }
0x5a: {  	v8 =	vld [tilespmem:s29+$0x14040];
	_ =	sdelay $0x7  }
0x5b: {  	v61 =	vor.u32 v4, v9;
	v8 =	vld.idx.msk [tilespmem:v8+s16+$0x0], $0xffff;
	_ =	sdelay $0x4  }
0x5c: {  	[tilespmem:v61+s18+$0x0] =	vst.idx.msk $0xffff, v8  }
0x5d: {  	v8 =	vld [tilespmem:s29+$0x14050];
	_ =	sdelay $0x7  }
0x5e: {  	v62 =	vor.u32 v5, v9;
	v8 =	vld.idx.msk [tilespmem:v8+s16+$0x0], $0xffff;
	_ =	sdelay $0x4  }
0x5f: {  	[tilespmem:v62+s18+$0x0] =	vst.idx.msk $0xffff, v8  }
0x60: {  	v8 =	vld [tilespmem:s29+$0x14060];
	_ =	sdelay $0x7  }
0x61: {  	v63 =	vor.u32 v6, v9;
	v8 =	vld.idx.msk [tilespmem:v8+s16+$0x0], $0xffff;
	_ =	sdelay $0x4  }
0x62: {  	[tilespmem:v63+s18+$0x0] =	vst.idx.msk $0xffff, v8  }
0x63: {  	v8 =	vld [tilespmem:s29+$0x14070];
	_ =	sdelay $0x7  }
0x64: {  	v9 =	vor.u32 v7, v9;
	v8 =	vld.idx.msk [tilespmem:v8+s16+$0x0], $0xffff;
	_ =	sdelay $0x4  }
0x65: {  	[tilespmem:v9+s18+$0x0] =	vst.idx.msk $0xffff, v8  }
0x66: {  	_ =	swait.ge [sflag:s31], $0x4000  }
0x67: {  	s17 =	sand.u32 $0x1FFFF800, s25;
	s2 =	rddreg [dreg:$0x4];
	[sflag:s31] =	ssyncset.done $0x0  }
0x68: {  	[sflag:s31] =	ssyncadd.s32 $0xFFFFC000;
	s31 =	sadd.s32 $0x5, s30;
	s2 =	sadd.s32 s2, s17  }
0x69: {  	[hbm4b:s2+s3] =	stream.linear.scatter [tilespmem:s0], [sflag:s31], $0x4000, $0x38;
	[tilespmem:$0x1F900] =	vst v63  }
0x6a: {  	s17 =	rddreg [dreg:$0x5];
	s31 =	sand.u32 $0x1FFFFF00, s24  }
0x6b: {  	s2 =	sadd.s32 $0x7, s30;
	s30 =	sor.u32 $0x1C100, s29;
	s0 =	sadd.s32 s17, s31  }
0x6c: {  	[hbm4b:s0+s3] =	stream.linear.scatter [tilespmem:s30], [sflag:s2], $0x80, $0x38;
	[tilespmem:$0x1F900] =	vst v63  }
0x6d: {  	s17 =	sor.u32 $0x1C200, s29;
	s31 =	sadd.s32 $0x10, s0  }
0x6e: {  	[hbm4b:s31+s3] =	stream.linear.scatter [tilespmem:s17], [sflag:s2], $0x80, $0x38;
	[tilespmem:$0x1F900] =	vst v63  }
0x6f: {  	s17 =	sor.u32 $0x1C300, s29;
	s31 =	sadd.s32 $0x20, s0  }
0x70: {  	[hbm4b:s31+s3] =	stream.linear.scatter [tilespmem:s17], [sflag:s2], $0x80, $0x38;
	[tilespmem:$0x1F900] =	vst v63  }
0x71: {  	s17 =	sor.u32 $0x1C400, s29;
	s31 =	sadd.s32 $0x30, s0  }
0x72: {  	[hbm4b:s31+s3] =	stream.linear.scatter [tilespmem:s17], [sflag:s2], $0x80, $0x38;
	[tilespmem:$0x1F900] =	vst v63  }
0x73: {  	s17 =	sor.u32 $0x1C500, s29;
	s31 =	sadd.s32 $0x40, s0  }
0x74: {  	[hbm4b:s31+s3] =	stream.linear.scatter [tilespmem:s17], [sflag:s2], $0x80, $0x38;
	[tilespmem:$0x1F900] =	vst v63  }
0x75: {  	s17 =	sor.u32 $0x1C600, s29;
	s31 =	sadd.s32 $0x50, s0  }
0x76: {  	[hbm4b:s31+s3] =	stream.linear.scatter [tilespmem:s17], [sflag:s2], $0x80, $0x38;
	[tilespmem:$0x1F900] =	vst v63  }
0x77: {  	s17 =	sor.u32 $0x1C700, s29;
	s31 =	sadd.s32 $0x60, s0  }
0x78: {  	[hbm4b:s31+s3] =	stream.linear.scatter [tilespmem:s17], [sflag:s2], $0x80, $0x38;
	[tilespmem:$0x1F900] =	vst v63  }
0x79: {  	s17 =	sor.u32 $0x1C800, s29;
	s31 =	sadd.s32 $0x70, s0  }
0x7a: {  	[hbm4b:s31+s3] =	stream.linear.scatter [tilespmem:s17], [sflag:s2], $0x80, $0x38;
	[tilespmem:$0x1F900] =	vst v63  }
0x7b: {  	s17 =	sor.u32 $0x1C900, s29;
	s31 =	sadd.s32 $0x80, s0  }
0x7c: {  	[hbm4b:s31+s3] =	stream.linear.scatter [tilespmem:s17], [sflag:s2], $0x80, $0x38;
	[tilespmem:$0x1F900] =	vst v63  }
0x7d: {  	s17 =	sor.u32 $0x1CA00, s29;
	s31 =	sadd.s32 $0x90, s0  }
0x7e: {  	[hbm4b:s31+s3] =	stream.linear.scatter [tilespmem:s17], [sflag:s2], $0x80, $0x38;
	[tilespmem:$0x1F900] =	vst v63  }
0x7f: {  	s17 =	sor.u32 $0x1CB00, s29;
	s31 =	sadd.s32 $0xA0, s0  }
0x80: {  	[hbm4b:s31+s3] =	stream.linear.scatter [tilespmem:s17], [sflag:s2], $0x80, $0x38;
	[tilespmem:$0x1F900] =	vst v63  }
0x81: {  	s17 =	sor.u32 $0x1CC00, s29;
	s31 =	sadd.s32 $0xB0, s0  }
0x82: {  	[hbm4b:s31+s3] =	stream.linear.scatter [tilespmem:s17], [sflag:s2], $0x80, $0x38;
	[tilespmem:$0x1F900] =	vst v63  }
0x83: {  	s17 =	sor.u32 $0x1CD00, s29;
	s31 =	sadd.s32 $0xC0, s0  }
0x84: {  	[hbm4b:s31+s3] =	stream.linear.scatter [tilespmem:s17], [sflag:s2], $0x80, $0x38;
	[tilespmem:$0x1F900] =	vst v63  }
0x85: {  	p0 =	seq.s32 s8, s28;
	s17 =	sor.u32 $0x1CE00, s29;
	s31 =	sadd.s32 $0xD0, s0  }
0x86: {  	[hbm4b:s31+s3] =	stream.linear.scatter [tilespmem:s17], [sflag:s2], $0x80, $0x38;
	[tilespmem:$0x1F900] =	vst v63  }
.Ltmp0:
0x87: {  	s26 =	sadd.s32 $0x1000, s26;
	s25 =	sadd.s32 $0x10000, s25;
	(pc) =	sbr.rel @!p0 .LBB2_2-.Ltmp0, $4  }
0x88: {  	s24 =	sadd.s32 $0x2000, s24;
	s17 =	sor.u32 $0x1CF00, s29;
	s31 =	sadd.s32 $0xE0, s0  }
0x89: {  	[hbm4b:s31+s3] =	stream.linear.scatter [tilespmem:s17], [sflag:s2], $0x80, $0x38;
	[tilespmem:$0x1F900] =	vst v63  }
0x8a: {  	s0 =	sadd.s32 $0xF0, s0;
	s31 =	sor.u32 $0x1D000, s29;
	s29 =	smov.u32 s28  }
0x8b: {  	[hbm4b:s0+s3] =	stream.linear.scatter [tilespmem:s31], [sflag:s2], $0x80, $0x38;
	[tilespmem:$0x1F900] =	vst v63  }
0x8c: {  	_ =	swait.ge [sflag:s19], $0x4000  }
0x8d: {  	[sflag:s19] =	ssyncset.done $0x0  }
0x8e: {  	[sflag:s19] =	ssyncadd.s32 $0xFFFFC000  }
0x8f: {  	_ =	swait.ge [sflag:s20], $0x800  }
0x90: {  	[sflag:s20] =	ssyncset.done $0x0  }
0x91: {  	s23 =	sadd.s32 $0x1, s23;
	[sflag:s20] =	ssyncadd.s32 $0xFFFFF800  }
0x92: {  	p0 =	seq.s32 s23, s10;
	_ =	swait.ge [sflag:s21], $0x4000  }
.Ltmp1:
0x93: {  	[sflag:s21] =	ssyncset.done $0x0;
	(pc) =	sbr.rel @!p0 .LBB2_1-.Ltmp1, $4  }
0x94: {  	[sflag:s21] =	ssyncadd.s32 $0xFFFFC000  }
0x95: {  	_ =	swait.ge [sflag:s22], $0x800  }
0x96: {  	[sflag:s22] =	ssyncset.done $0x0  }
0x97: {  	[sflag:s22] =	ssyncadd.s32 $0xFFFFF800  }
0x98: {  	_ =	sfence.sel $0x180000  }
0x99: {  	[bflag:$0x0] =	sbarrier.arrive $0xFFFF  }
0x9a: {  	_ =	strace $0x90000050  }
0x9b: {  	s0 =	stileid.u32;
	[bflag:$0x2] =	sbarrier.arrive $0xFFFF  }
0x9c: {  	p0 =	sne.s32 s0, $0x0;
	s0 =	rddreg [dreg:$0x2]  }
0x9d: {  	s0 =	sadd.s32 @!p0 $0x100000, s0  }
0x9e: {  	[sflag:s0] =	ssyncadd.tile.s32 @!p0 $0x1;
	_ =	shalt  }
.Lfunc_end2:
_tile_overlayer_lowered:
.L_overlay_start_2:
0x9f: {  	(tag) =	ssettag $0x2  }
0xa0: {  	s0 =	rddreg [dreg:$0x0];
	s2 =	stileid.u32  }
0xa1: {  	s1 =	rddreg [dreg:$0x1];
	p0 =	sne.s32 s2, $0x0  }
0xa2: {  	s3 =	rddreg [dreg:$0x2];
	[bflag:$0x3] =	sbarrier.arrive $0xFFFF;
	s2 =	simm.s32 @!p0 $0x1C09  }
0xa3: {  	[timem:s3], [sflag:s2] =	dma.local @!p0 [hbm:s0], s1  }
0xa4: {  	s0 =	simm.s32 @!p0 $0x9  }
0xa5: {  	_ =	swait.ge @!p0 [sflag:s0], s1  }
0xa6: {  	s1 =	ssub.s32 @!p0 $0x0, s1;
	[sflag:s0] =	ssyncset.done @!p0 $0x0  }
0xa7: {  	[sflag:s0] =	ssyncadd.s32 @!p0 s1  }
0xa8: {  	[bflag:$0x3] =	sbarrier.arrive $0xFFFF  }
0xa9: {  	_ =	shalt  }

// kernel: kernel.24.cloned.1.call-start
scs
__scs_entry_jumppad:
0x0: {  	(pc) =	sbr.rel $0x88, $3  }
0x1: {  	(tag) =	ssettag $0x0;
	lr =	simm.s32 $0x1  }
0x2: {  	[smem:$0x3F9B] =	sst lr;
	_ =	strace $0xD0000000  }
0x3: {  	_ = 	snop  }
0x4: {  	_ = 	snop  }
0x5: {  	_ = 	snop  }
0x6: {  	_ = 	snop  }
0x7: {  	_ = 	snop  }
__scs_overlays_trampoline_lowered:
0x8: {  	[smem:$0x3FAA] =	sst s0  }
0x9: {  	[smem:$0x3FAB] =	sst s1  }
0xa: {  	[smem:$0x3FAC] =	sst s2  }
0xb: {  	[smem:$0x3FAD] =	sst s3  }
0xc: {  	[smem:$0x3FAE] =	sst s4  }
0xd: {  	[smem:$0x3FAF] =	sst s5  }
0xe: {  	[smem:$0x3FB0] =	sst s6  }
0xf: {  	[smem:$0x3FB1] =	sst s7  }
0x10: {  	[smem:$0x3FB2] =	sst s8  }
0x11: {  	[smem:$0x3FB3] =	sst s9;
	s0 =	simm.s32 @!p0 $0x0  }
0x12: {  	s1 =	sld [smem:$0x3F99];
	s0 =	simm.s32 @p0 $0x1  }
0x13: {  	[smem:$0x3FB4] =	sst s0;
	s0 =	simm.s32 @!p1 $0x0  }
0x14: {  	s2 =	sld [smem:$0x3F98];
	s0 =	simm.s32 @p1 $0x1  }
0x15: {  	[smem:$0x3FB5] =	sst s0;
	s0 =	simm.s32 @!p2 $0x0  }
0x16: {  	s3 =	sld [smem:$0x3FDB];
	s0 =	simm.s32 @p2 $0x1  }
0x17: {  	s4 =	simm.s32 $0x1BF5;
	[smem:$0x3FB7] =	sst s0  }
0x18: {  	s0 =	sld [smem:$0x3F9A];
	_ =	swait.ge [sflag:s4], $0x0  }
0x19: {  	s7 =	sld [smem:$0x3F9B]  }
0x1a: {  	s8 =	sadd.s32 $0xFFFFE003, lr  }
0x1b: {  	s9 =	sadd.s32 $0xFFFFFEF7, lr;
	s5 =	simm.s32 $0xFFFFFFFF;
	p2 =	slt.u32 s8, $0xFFFFF086  }
0x1c: {  	p1 =	slt.u32 s9, $0xF7A;
	s5 =	simm.s32 @!p2 $0x0  }
0x1d: {  	s5 =	simm.s32 @p1 $0x1;
	p0 =	seq.s32 s7, s2  }
0x1e: {  	s7 =	smul.u32 @!p0 $0xF7A, s2;
	p2 =	seq.s32 @!p0 s5, $0x0  }
0x1f: {  	s9 =	smul.u32 $0xF7A, s1;
	s8 =	simm.s32 @!p0 $0x1BF5;
	p2 =	por !p2, p0  }
0x20: {  	[sflag:s8] =	ssyncset.s32 @!p0 $0xFFFFF086;
	s6 =	sadd.s32 @!p0 s3, s7;
	s7 =	simm.s32 @!p0 $0x108  }
0x21: {  	s3 =	sadd.s32 s3, s9;
	s6 =	sadd.s32 @!p0 $0x88, s6;
	s7 =	simm.s32 @p2 $0x1082  }
0x22: {  	[simem:s7], [sflag:s8] =	dma.local @!p0 [hbm:s6], $0xF7A  }
0x23: {  	s9 =	sor.u32 $0xD0000000, s2;
	s6 =	simm.s32 $0x108;
	_ =	swait.ge @!p0 [sflag:s8], $0x0  }
0x24: {  	s3 =	sadd.s32 $0x88, s3;
	s6 =	simm.s32 @!p1 $0x1082;
	[sflag:s4] =	ssyncset.s32 $0xFFFFF086  }
0x25: {  	[simem:s6], [sflag:s4] =	dma.local [hbm:s3], $0xF7A  }
0x26: {  	[smem:$0x3F9B] =	sst s1;
	(tag) =	ssettag s2;
	_ =	strace s9  }
0x27: {  	s1 =	sld [smem:$0x3FAB]  }
0x28: {  	s2 =	sld [smem:$0x3FAC]  }
0x29: {  	s4 =	sld [smem:$0x3FAE]  }
0x2a: {  	p0 =	seq.s32 s5, $0x0;
	s5 =	sld [smem:$0x3FAF]  }
0x2b: {  	s6 =	sld [smem:$0x3FB0]  }
0x2c: {  	s7 =	sld [smem:$0x3FB1]  }
0x2d: {  	s3 =	simm.s32 $0x108;
	s8 =	sld [smem:$0x3FB2]  }
0x2e: {  	s3 =	simm.s32 @!p0 $0x1082;
	s9 =	sld [smem:$0x3FB3]  }
0x2f: {  	lr =	sadd.s32 s0, s3;
	s0 =	sld [smem:$0x3FAA]  }
0x30: {  	s3 =	sld [smem:$0x3FAD]  }
0x31: {  	[smem:$0x3FB6] =	sst s10  }
0x32: {  	s10 =	sld [smem:$0x3FB4];
	_ =	sdelay $0x3  }
0x33: {  	p0 =	seq.s32 s10, $0x1;
	s10 =	sld [smem:$0x3FB6];
	_ =	sdelay $0x3  }
0x34: {  	[smem:$0x3FB6] =	sst s10  }
0x35: {  	s10 =	sld [smem:$0x3FB5];
	_ =	sdelay $0x3  }
0x36: {  	p1 =	seq.s32 s10, $0x1;
	s10 =	sld [smem:$0x3FB6];
	_ =	sdelay $0x3  }
0x37: {  	[smem:$0x3FB6] =	sst s10  }
0x38: {  	s10 =	sld [smem:$0x3FB7]  }
0x39: {  	_ = 	snop;
	(pc) =	sbr.ind lr, $3  }
0x3a: {  	_ = 	snop  }
0x3b: {  	_ = 	snop  }
0x3c: {  	p2 =	seq.s32 s10, $0x1;
	s10 =	sld [smem:$0x3FB6]  }
0x3d: {  	_ =	shalt  }
0x3e: {  	_ =	shalt  }
0x3f: {  	_ =	shalt  }
0x40: {  	_ =	shalt  }
0x41: {  	_ =	shalt  }
0x42: {  	_ =	shalt  }
0x43: {  	_ =	shalt  }
0x44: {  	_ =	shalt  }
0x45: {  	_ =	shalt  }
0x46: {  	_ =	shalt  }
0x47: {  	_ =	shalt  }
0x48: {  	_ =	shalt  }
0x49: {  	_ =	shalt  }
0x4a: {  	_ =	shalt  }
0x4b: {  	_ =	shalt  }
0x4c: {  	_ =	shalt  }
0x4d: {  	_ =	shalt  }
0x4e: {  	_ =	shalt  }
0x4f: {  	_ =	shalt  }
0x50: {  	_ =	shalt  }
0x51: {  	_ =	shalt  }
0x52: {  	_ =	shalt  }
0x53: {  	_ =	shalt  }
0x54: {  	_ =	shalt  }
0x55: {  	_ =	shalt  }
0x56: {  	_ =	shalt  }
0x57: {  	_ =	shalt  }
0x58: {  	_ =	shalt  }
0x59: {  	_ =	shalt  }
0x5a: {  	_ =	shalt  }
0x5b: {  	_ =	shalt  }
0x5c: {  	_ =	shalt  }
0x5d: {  	_ =	shalt  }
0x5e: {  	_ =	shalt  }
0x5f: {  	_ =	shalt  }
0x60: {  	_ =	shalt  }
0x61: {  	_ =	shalt  }
0x62: {  	_ =	shalt  }
0x63: {  	_ =	shalt  }
0x64: {  	_ =	shalt  }
0x65: {  	_ =	shalt  }
0x66: {  	_ =	shalt  }
0x67: {  	_ =	shalt  }
0x68: {  	_ =	shalt  }
0x69: {  	_ =	shalt  }
0x6a: {  	_ =	shalt  }
0x6b: {  	_ =	shalt  }
0x6c: {  	_ =	shalt  }
0x6d: {  	_ =	shalt  }
0x6e: {  	_ =	shalt  }
0x6f: {  	_ =	shalt  }
0x70: {  	_ =	shalt  }
0x71: {  	_ =	shalt  }
0x72: {  	_ =	shalt  }
0x73: {  	_ =	shalt  }
0x74: {  	_ =	shalt  }
0x75: {  	_ =	shalt  }
0x76: {  	_ =	shalt  }
0x77: {  	_ =	shalt  }
0x78: {  	_ =	shalt  }
0x79: {  	_ =	shalt  }
0x7a: {  	_ =	shalt  }
0x7b: {  	_ =	shalt  }
0x7c: {  	_ =	shalt  }
0x7d: {  	_ =	shalt  }
0x7e: {  	_ =	shalt  }
0x7f: {  	_ =	shalt  }
0x80: {  	_ =	shalt  }
0x81: {  	_ =	shalt  }
0x82: {  	_ =	shalt  }
0x83: {  	_ =	shalt  }
0x84: {  	_ =	shalt  }
0x85: {  	_ =	shalt  }
0x86: {  	_ =	shalt  }
0x87: {  	_ =	shalt  }
.Lfunc_end0:
.L_simem_size_0:
called_computation.4_lowered:
.L_overlay_start_0:
0x88: {  	s2 =	sld [smem:$0x3FD9]  }
0x89: {  	s3 =	sld [smem:$0x3FFE];
	_ =	sdelay $0x1  }
0x8a: {  	s1 =	srdreg.scid  }
0x8b: {  	s0 =	sand.u32 $0x1, s1  }
0x8c: {  	s17 =	sshll.u32 s0, $0xA;
	s2 =	sadd.s32 s3, s2  }
0x8d: {  	s2 =	sadd.s32 s2, s17  }
0x8e: {  	[smem:$0x3FC2] =	sst s2  }
0x8f: {  	_ = 	snop  }
0x90: {  	s18 =	sld [smem:$0x3FD0];
	(tm) =	ssettm $0x1  }
0x91: {  	s19 =	sld [smem:$0x3FFB];
	_ =	sdelay $0x3  }
0x92: {  	_ =	strace s19  }
0x93: {  	s2 =	sld [smem:$0x3FFC];
	_ =	sdelay $0x3  }
0x94: {  	_ =	strace s2  }
0x95: {  	s2 =	sld [smem:$0x3FFD];
	_ =	sdelay $0x3  }
0x96: {  	_ =	strace s2  }
0x97: {  	_ =	strace $0x8FFFFFFF  }
0x98: {  	s20 =	sld [smem:$0x3FDB];
	_ =	sdelay $0x1  }
0x99: {  	s4 =	simm.s32 $_scs_section_size  }
0x9a: {  	s5 =	simm.s32 $_size__tile_overlayer_lowered;
	s6 =	simm.s32 $_tile_overlayer_lowered  }
0x9b: {  	s7 =	simm.s32 $0x1BFF;
	s21 =	sshll.u32 s6, $0x1;
	s4 =	sadd.s32 s4, s20  }
0x9c: {  	s22 =	simm.s32 $0x0;
	s5 =	sshll.u32 s5, $0x1;
	s6 =	sadd.s32 s21, s4  }
0x9d: {  	[timem:s22], [sflag:s7] =	dma.local [hbm:s6], s5  }
0x9e: {  	_ =	swait.ge [sflag:s7], s5  }
0x9f: {  	s5 =	ssub.s32 $0x0, s5;
	[sflag:s7] =	ssyncset.done $0x0  }
0xa0: {  	[sflag:s7] =	ssyncadd.s32 s5;
	_ =	sdelay $0x1  }
0xa1: {  	s23 =	simm.s32 $0x1B8B  }
0xa2: {  	_ =	swait.ge [sflag:s23], $0x1  }
0xa3: {  	[sflag:s23] =	ssyncset.done $0x0  }
0xa4: {  	[sflag:s23] =	ssyncadd.s32 $0xFFFFFFFF  }
0xa5: {  	s5 =	sld [smem:$0x0]  }
0xa6: {  	s6 =	sand.u32 $0xFFFFFFFE, s1  }
0xa7: {  	p0 =	sne.s32 s1, s6  }
0xa8: {  	s6 =	sshll.u32 @p0 s6, $0xE  }
0xa9: {  	s6 =	sadd.s32 @p0 $0x11B8D, s6;
	s7 =	sshll.u32 @p0 s5, $0x11  }
0xaa: {  	s6 =	sor.u32 @p0 s7, s6  }
0xab: {  	[sflag:s6] =	ssyncadd.remote.s32 @p0 $0x1;
	_ =	sdelay $0x1  }
0xac: {  	s6 =	simm.s32 @p0 $0x1B8D  }
0xad: {  	_ =	swait.eq @p0 [sflag:s6], $0x1  }
0xae: {  	[sflag:s6] =	ssyncadd.s32 @p0 $0xFFFFFFFF  }
0xaf: {  	s7 =	sshll.u32 @!p0 s1, $0xE  }
0xb0: {  	s7 =	sor.u32 @!p0 $0x4000, s7;
	s6 =	simm.s32 @!p0 $0x1B8D  }
0xb1: {  	s5 =	sshll.u32 @!p0 s5, $0x11;
	s7 =	sadd.s32 @!p0 $0x11B8D, s7;
	_ =	swait.eq @!p0 [sflag:s6], $0x1  }
0xb2: {  	s5 =	sor.u32 @!p0 s5, s7;
	[sflag:s6] =	ssyncadd.s32 @!p0 $0xFFFFFFFF  }
0xb3: {  	s25 =	simm.s32 $0x1B8E;
	s24 =	sld [smem:$0x3FFE];
	[sflag:s5] =	ssyncadd.remote.s32 @!p0 $0x1  }
0xb4: {  	s26 =	simm.s32 $execute0_lowered;
	[smem:$0x3FD2] =	sst s25  }
0xb5: {  	s6 =	sshll.u32 s26, $0x1;
	_ =	strace $0x80000052;
	[dreg:$0x1] =	wrdreg $0xFFFFFFFF  }
0xb6: {  	s28 =	simm.s32 $_size_execute0_lowered;
	s4 =	sadd.s32 s4, s6;
	[dreg:$0x0] =	wrdreg $0x0  }
0xb7: {  	s6 =	sshll.u32 s28, $0x1;
	[dreg:$0x2] =	wrdreg s4  }
0xb8: {  	[dreg:$0x3] =	wrdreg s6  }
0xb9: {  	[dreg:$0x4] =	wrdreg $0xC0  }
0xba: {  	_ =	task [dreg:s22], $0x5FFFF  }
0xbb: {  	[dreg:$0x1] =	wrdreg $0xFFFFFFFF  }
0xbc: {  	[dreg:$0x0] =	wrdreg $0x60  }
0xbd: {  	[dreg:$0x2] =	wrdreg s24  }
0xbe: {  	[dreg:$0x3] =	wrdreg s18  }
0xbf: {  	[dreg:$0x4] =	wrdreg $0x0  }
0xc0: {  	[dreg:$0x5] =	wrdreg $0xC  }
0xc1: {  	_ =	task.clear_ibuf [dreg:s22], $0x6FFFF;
	_ =	strace $0x90000052  }
0xc2: {  	s29 =	simm.s32 $0xC;
	_ =	strace $0x80000054  }
0xc3: {  	_ =	swait.ge [sflag:s29], $0x1  }
0xc4: {  	[sflag:s29] =	ssyncadd.s32 $0xFFFFFFFF  }
0xc5: {  	_ =	strace $0x90000054  }
0xc6: {  	_ =	sfence  }
0xc7: {  	s30 =	sld [smem:$0x0];
	_ =	sdelay $0x2  }
0xc8: {  	s31 =	sshll.u32 s1, $0xD;
	s1 =	sshrl.u32 s1, $0x2  }
0xc9: {  	s4 =	sand.u32 $0x4000, s31;
	s1 =	sadd.s32 s1, s30  }
0xca: {  	s0 =	sor.u32 s4, s0;
	s1 =	sshll.u32 s1, $0x11  }
0xcb: {  	s0 =	sor.u32 s1, s0  }
0xcc: {  	s0 =	sadd.s32 $0x8F2B, s0  }
0xcd: {  	[sflag:s0] =	ssyncadd.remote.s32 $0x1  }
0xce: {  	_ =	sfence.sel $0xFFFF  }
0xcf: {  	[dreg:$0x0] =	wrdreg $0xFFFFFFFF;
	(pc) =	sbr.abs _section_cstart, $3  }
0xd0: {  	[dreg:$0x1] =	wrdreg $0xFFFFFFFF  }
0xd1: {  	_ =	task.clear_ibuf [dreg:s22], $0x2FFFF;
	_ =	strace $0x9FFFFFFF  }
0xd2: {  	(tm) =	ssettm $0x7FFFFFFF  }
0xd3: {  	_ =	shalt  }
tec
execute0_lowered:
.L_overlay_start_1:
0x0: {  	(tag) =	ssettag $0x1  }
0x1: {  	v0 =	vimm.s32 $0x370  }
0x2: {  	vm14 =	vcmask $0x300;
	v1 =	vimm.s32 $0x30201000;
	vm13 =	vcmask $0x704  }
0x3: {  	vm12 =	vcmask $0xB08;
	vm0 =	vcmask $0xF00;
	vm11 =	vcmask $0xF0C  }
0x4: {  	vm10 =	vcmask $0x1310;
	v2 =	vimm.s32 $0x70605040;
	vm9 =	vcmask $0x1714  }
0x5: {  	vm8 =	vcmask $0x1B18;
	vm15 =	vcmask $0x1F10;
	vm7 =	vcmask $0x1F1C  }
0x6: {  	vm6 =	vcmask $0x2320;
	vm5 =	vcmask $0x2724;
	vm4 =	vcmask $0x2B28  }
0x7: {  	vm3 =	vcmask $0x2F2C;
	vm2 =	vcmask $0x3330;
	vm1 =	vcmask $0x3734  }
0x8: {  	v3 =	vimm.s32 $0x770;
	v4 =	vimm.s32 $0x970;
	v5 =	vimm.s32 $0xB70  }
0x9: {  	v6 =	vimm.s32 $0xD70;
	v7 =	vimm.s32 $0xF70;
	v0 =	vsel vm14, $0x200, v0  }
0xa: {  	v1 =	vunpack.c.0.s8.s32 v1;
	v2 =	vunpack.c.0.s8.s32 v2;
	v3 =	vsel vm14, $0x600, v3  }
0xb: {  	v4 =	vsel vm14, $0x800, v4;
	v5 =	vsel vm14, $0xA00, v5;
	v6 =	vsel vm14, $0xC00, v6  }
0xc: {  	v7 =	vsel vm14, $0xE00, v7;
	v0 =	vsel vm13, $0x210, v0;
	v3 =	vsel vm13, $0x610, v3  }
0xd: {  	v4 =	vsel vm13, $0x810, v4;
	v5 =	vsel vm13, $0xA10, v5;
	v6 =	vsel vm13, $0xC10, v6  }
0xe: {  	v7 =	vsel vm13, $0xE10, v7;
	v0 =	vsel vm12, $0x220, v0;
	v1 =	vnsel vm0, $0x170, v1  }
0xf: {  	v3 =	vsel vm12, $0x620, v3;
	v4 =	vsel vm12, $0x820, v4;
	v5 =	vsel vm12, $0xA20, v5  }
0x10: {  	v6 =	vsel vm12, $0xC20, v6;
	v7 =	vsel vm12, $0xE20, v7;
	v0 =	vsel vm11, $0x230, v0  }
0x11: {  	v1 =	vsel vm15, v2, v1;
	vm15 =	vcmask $0x3B38;
	v3 =	vsel vm11, $0x630, v3  }
0x12: {  	v4 =	vsel vm11, $0x830, v4;
	v5 =	vsel vm11, $0xA30, v5;
	v6 =	vsel vm11, $0xC30, v6  }
0x13: {  	v7 =	vsel vm11, $0xE30, v7;
	v0 =	vsel vm10, $0x240, v0;
	v1 =	vsel vm6, $0x100, v1  }
0x14: {  	v3 =	vsel vm10, $0x640, v3;
	v4 =	vsel vm10, $0x840, v4;
	v5 =	vsel vm10, $0xA40, v5  }
0x15: {  	v6 =	vsel vm10, $0xC40, v6;
	v7 =	vsel vm10, $0xE40, v7;
	v0 =	vsel vm9, $0x250, v0  }
0x16: {  	v1 =	vsel vm5, $0x110, v1;
	v3 =	vsel vm9, $0x650, v3;
	v4 =	vsel vm9, $0x850, v4  }
0x17: {  	v5 =	vsel vm9, $0xA50, v5;
	v6 =	vsel vm9, $0xC50, v6;
	v7 =	vsel vm9, $0xE50, v7  }
0x18: {  	v0 =	vsel vm8, $0x260, v0;
	v1 =	vsel vm4, $0x120, v1;
	v3 =	vsel vm8, $0x660, v3  }
0x19: {  	v4 =	vsel vm8, $0x860, v4;
	v5 =	vsel vm8, $0xA60, v5;
	v6 =	vsel vm8, $0xC60, v6  }
0x1a: {  	v7 =	vsel vm8, $0xE60, v7;
	v0 =	vsel vm7, $0x270, v0;
	v1 =	vsel vm3, $0x130, v1  }
0x1b: {  	v3 =	vsel vm7, $0x670, v3;
	v4 =	vsel vm7, $0x870, v4;
	v0 =	vsel vm6, $0x300, v0  }
0x1c: {  	v5 =	vsel vm7, $0xA70, v5;
	v6 =	vsel vm7, $0xC70, v6;
	v0 =	vsel vm5, $0x310, v0  }
0x1d: {  	s5 =	rddreg [dreg:$0x0];
	v7 =	vsel vm7, $0xE70, v7;
	v1 =	vsel vm2, $0x140, v1;
	v0 =	vsel vm4, $0x320, v0  }
0x1e: {  	s0 =	rddreg [dreg:$0x1];
	v3 =	vsel vm6, $0x700, v3;
	v4 =	vsel vm6, $0x900, v4;
	v0 =	vsel vm3, $0x330, v0  }
0x1f: {  	s1 =	rddreg [dreg:$0x2];
	v5 =	vsel vm6, $0xB00, v5;
	v6 =	vsel vm6, $0xD00, v6;
	v0 =	vsel vm2, $0x340, v0  }
0x20: {  	s3 =	simm.s32 $0x0;
	s22 =	stileid.u32;
	s6 =	srdreg.scid;
	v7 =	vsel vm6, $0xF00, v7;
	v1 =	vsel vm1, $0x150, v1;
	v2 =	vsel vm1, $0x350, v0  }
0x21: {  	s18 =	simm.s32 $0x80;
	s19 =	simm.s32 $0x5;
	[dreg:$0x6] =	wrdreg s0;
	v0 =	vsel vm15, $0x160, v1;
	v1 =	vsel vm15, $0x360, v2;
	v2 =	vimm.s32 $0x570  }
0x22: {  	s20 =	simm.s32 $0x7;
	s21 =	simm.s32 $0x6;
	[smem:$0x7FF] =	sst s3;
	v3 =	vsel vm5, $0x710, v3;
	v4 =	vsel vm5, $0x910, v4;
	v2 =	vsel vm14, $0x400, v2  }
0x23: {  	s4 =	smul.u32 $0x2800, s22;
	s11 =	sand.u32 $0x1, s6;
	s23 =	sadd.s32 $0x87C800, s5;
	v5 =	vsel vm5, $0xB10, v5;
	v6 =	vsel vm5, $0xD10, v6;
	v2 =	vsel vm13, $0x410, v2  }
0x24: {  	s9 =	smul.u32 $0x50000, s22;
	s25 =	sshll.u32 s22, $0x1;
	s29 =	sshll.u32 s22, $0x6;
	v7 =	vsel vm5, $0xF10, v7;
	v3 =	vsel vm4, $0x720, v3;
	v2 =	vsel vm12, $0x420, v2  }
0x25: {  	s12 =	sshll.u32 s22, $0x8;
	s31 =	sshll.u32 s22, $0xC;
	s16 =	sshll.u32 s22, $0x9;
	v4 =	vsel vm4, $0x920, v4;
	v5 =	vsel vm4, $0xB20, v5;
	v2 =	vsel vm11, $0x430, v2  }
0x26: {  	s22 =	simm.s32 $0x8;
	_ =	strace $0x80000053;
	s8 =	ssub.s32 $0x2, s11;
	v6 =	vsel vm4, $0xD20, v6;
	v7 =	vsel vm4, $0xF20, v7;
	v2 =	vsel vm10, $0x440, v2  }
0x27: {  	[dreg:$0x5] =	wrdreg s23;
	s28 =	sor.u32 s11, s25;
	s13 =	sshll.u32 s11, $0x7;
	v3 =	vsel vm3, $0x730, v3;
	v4 =	vsel vm3, $0x930, v4;
	v2 =	vsel vm9, $0x450, v2  }
0x28: {  	s15 =	sshll.u32 s11, $0xB;
	s17 =	sshll.u32 s11, $0x8;
	[dreg:$0x4] =	wrdreg s18;
	v5 =	vsel vm3, $0xB30, v5;
	v6 =	vsel vm3, $0xD30, v6;
	v2 =	vsel vm8, $0x460, v2  }
0x29: {  	s18 =	simm.s32 $0x1C100;
	s23 =	simm.s32 $0x0;
	s7 =	sadd.s32 s4, s5;
	v7 =	vsel vm3, $0xF30, v7;
	v3 =	vsel vm2, $0x740, v3;
	v2 =	vsel vm7, $0x470, v2  }
0x2a: {  	s4 =	sadd.s32 $0x3EC00, s5;
	s5 =	sadd.s32 $0x3200, s5;
	s24 =	sshrl.u32 s8, $0x1;
	v4 =	vsel vm2, $0x940, v4;
	v5 =	vsel vm2, $0xB40, v5;
	v2 =	vsel vm6, $0x500, v2  }
0x2b: {  	s26 =	sshrl.u32 s9, $0x2;
	s30 =	ssub.s32 $0x501, s28;
	s9 =	sshll.u32 s28, $0x4;
	v6 =	vsel vm2, $0xD40, v6;
	v7 =	vsel vm2, $0xF40, v7;
	v2 =	vsel vm5, $0x510, v2  }
0x2c: {  	s12 =	sor.u32 s13, s12;
	s13 =	sor.u32 s17, s16;
	s16 =	simm.s32 $0x1D100;
	v3 =	vsel vm1, $0x750, v3;
	v4 =	vsel vm1, $0x950, v4;
	v2 =	vsel vm4, $0x520, v2  }
0x2d: {  	s10 =	ssub.s32 s8, s24;
	s14 =	sadd.s32 s26, s1;
	s6 =	sadd.s32 $0x16C00, s7;
	v5 =	vsel vm1, $0xB50, v5;
	v6 =	vsel vm1, $0xD50, v6;
	v2 =	vsel vm3, $0x530, v2  }
0x2e: {  	s7 =	sor.u32 $0x1C09, s29;
	s8 =	sshrl.u32 s30, $0x5;
	s9 =	sadd.s32 s5, s9;
	v7 =	vsel vm1, $0xF50, v7;
	v3 =	vsel vm15, $0x760, v3;
	v2 =	vsel vm2, $0x540, v2  }
0x2f: {  	s11 =	sadd.s32 $0x76300, s12;
	s12 =	sor.u32 s15, s31;
	s15 =	simm.s32 $0x9;
	v4 =	vsel vm15, $0x960, v4;
	v5 =	vsel vm15, $0xB60, v5;
	v2 =	vsel vm1, $0x550, v2  }
0x30: {  	s9 =	sadd.s32 $0xEA60, s9;
	s10 =	smax.u32 s10, $0x1;
	s14 =	sshrl.u32 s14, $0x3;
	v6 =	vsel vm15, $0xD60, v6;
	v7 =	vsel vm15, $0xF60, v7;
	v2 =	vsel vm15, $0x560, v2  }
.LBB2_1:
0x31: {  	[spmem:s14], [sflag:s7] =	dma.local [hbm:s6], $0x2800  }
0x32: {  	_ =	swait.ge [sflag:s15], $0x2800  }
0x33: {  	[sflag:s15] =	ssyncset.done $0x0  }
0x34: {  	[sflag:s15] =	ssyncadd.s32 $0xFFFFD800  }
0x35: {  	[tilespmem:s16], [sflag:$0x9] =	stream.linear.gather [hbm4b:s4+s3], $0x2800, $0x38;
	[tilespmem:$0x1F900] =	vst v63  }
0x36: {  	_ =	swait.ge [sflag:s15], $0x2800  }
0x37: {  	s0 =	simm.s32 $0x14000;
	[sflag:s15] =	ssyncset.done $0x0  }
0x38: {  	s24 =	smov.u32 s13;
	s25 =	smov.u32 s12;
	[sflag:s15] =	ssyncadd.s32 $0xFFFFD800  }
0x39: {  	s26 =	smov.u32 s11;
	s29 =	simm.s32 $0x0;
	[bflag:$0x0] =	sbarrier.arrive $0xFFFF  }
0x3a: {  	[tilespmem:s0], [sflag:$0x1] =	stream.linear.gather [hbm4b:s9+s3], $0x80, $0x38;
	[tilespmem:$0x1F900] =	vst v63  }
.LBB2_2:
0x3b: {  	s30 =	sand.u32 $0x1, s29  }
0x3c: {  	s28 =	sadd.s32 $0x1, s29;
	s31 =	sadd.s32 $0x1, s30  }
0x3d: {  	p0 =	sge.u32 s28, s8;
	_ =	swait.ge [sflag:s31], $0x80  }
0x3e: {  	s0 =	sxor.u32 @!p0 $0x1, s30;
	s17 =	simm.s32 @!p0 $0x0;
	[sflag:s31] =	ssyncset.done $0x0  }
0x3f: {  	s2 =	sshll.u32 @!p0 s0, $0x7;
	[sflag:s31] =	ssyncadd.s32 $0xFFFFFF80;
	s31 =	sshrl.u32 @!p0 s26, $0x3  }
0x40: {  	s0 =	sadd.s32 @!p0 $0x1, s0;
	s2 =	sor.u32 @!p0 $0x14000, s2;
	s31 =	sadd.s32 @!p0 s5, s31  }
0x41: {  	[tilespmem:s2], [sflag:s0] =	stream.linear.gather @!p0 [hbm4b:s31+s17], $0x80, $0x38;
	[tilespmem:$0x1F900] =	vst v63  }
0x42: {  	p0 =	slt.u32 s29, $0x2  }
0x43: {  	s0 =	sadd.s32 @!p0 $0x5, s30  }
0x44: {  	_ =	swait.ge @!p0 [sflag:s0], $0x4000  }
0x45: {  	[sflag:s0] =	ssyncset.done @!p0 $0x0  }
0x46: {  	s17 =	sshll.u32 s30, $0x9;
	[sflag:s0] =	ssyncadd.s32 @!p0 $0xFFFFC000;
	s0 =	sadd.s32 @!p0 $0x7, s30  }
0x47: {  	s31 =	sshll.u32 s30, $0xE;
	s29 =	sshrl.u32 s17, $0x2;
	_ =	swait.ge @!p0 [sflag:s0], $0x800  }
0x48: {  	s17 =	sor.u32 $0x14000, s29;
	s2 =	rddreg [dreg:$0x4];
	[sflag:s0] =	ssyncset.done @!p0 $0x0  }
0x49: {  	[sflag:s0] =	ssyncadd.s32 @!p0 $0xFFFFF800;
	s0 =	sadd.s32 $0x14100, s31;
	s31 =	sadd.s32 $0x3, s30  }
0x4a: {  	[tilespmem:s0], [sflag:s31] =	stream.indirect.gather [spmem:s1], $0x80, s17, s2, $0xb8;
	[tilespmem:$0x1F900] =	vst v63  }
0x4b: {  	v8 =	vld [tilespmem:s29+$0x14000];
	_ =	sdelay $0x3  }
0x4c: {  	v9 =	vmov s30  }
0x4d: {  	v9 =	vshll.u32 v9, $0x7  }
0x4e: {  	v9 =	vbroadcast v9, $0x0;
	_ =	sdelay $0x1  }
0x4f: {  	v10 =	vor.u32 v0, v9;
	v8 =	vld.idx.msk [tilespmem:v8+s16+$0x0], $0xffff;
	_ =	sdelay $0x4  }
0x50: {  	[tilespmem:v10+s18+$0x0] =	vst.idx.msk $0xffff, v8  }
0x51: {  	v8 =	vld [tilespmem:s29+$0x14010];
	_ =	sdelay $0x7  }
0x52: {  	v58 =	vor.u32 v1, v9;
	v8 =	vld.idx.msk [tilespmem:v8+s16+$0x0], $0xffff;
	_ =	sdelay $0x4  }
0x53: {  	[tilespmem:v58+s18+$0x0] =	vst.idx.msk $0xffff, v8  }
0x54: {  	v8 =	vld [tilespmem:s29+$0x14020];
	_ =	sdelay $0x7  }
0x55: {  	v59 =	vor.u32 v2, v9;
	v8 =	vld.idx.msk [tilespmem:v8+s16+$0x0], $0xffff;
	_ =	sdelay $0x4  }
0x56: {  	[tilespmem:v59+s18+$0x0] =	vst.idx.msk $0xffff, v8  }
0x57: {  	v8 =	vld [tilespmem:s29+$0x14030];
	_ =	sdelay $0x7  }
0x58: {  	v60 =	vor.u32 v3, v9;
	v8 =	vld.idx.msk [tilespmem:v8+s16+$0x0], $0xffff;
	_ =	sdelay $0x4  }
0x59: {  	[tilespmem:v60+s18+$0x0] =	vst.idx.msk $0xffff, v8  }
0x5a: {  	v8 =	vld [tilespmem:s29+$0x14040];
	_ =	sdelay $0x7  }
0x5b: {  	v61 =	vor.u32 v4, v9;
	v8 =	vld.idx.msk [tilespmem:v8+s16+$0x0], $0xffff;
	_ =	sdelay $0x4  }
0x5c: {  	[tilespmem:v61+s18+$0x0] =	vst.idx.msk $0xffff, v8  }
0x5d: {  	v8 =	vld [tilespmem:s29+$0x14050];
	_ =	sdelay $0x7  }
0x5e: {  	v62 =	vor.u32 v5, v9;
	v8 =	vld.idx.msk [tilespmem:v8+s16+$0x0], $0xffff;
	_ =	sdelay $0x4  }
0x5f: {  	[tilespmem:v62+s18+$0x0] =	vst.idx.msk $0xffff, v8  }
0x60: {  	v8 =	vld [tilespmem:s29+$0x14060];
	_ =	sdelay $0x7  }
0x61: {  	v63 =	vor.u32 v6, v9;
	v8 =	vld.idx.msk [tilespmem:v8+s16+$0x0], $0xffff;
	_ =	sdelay $0x4  }
0x62: {  	[tilespmem:v63+s18+$0x0] =	vst.idx.msk $0xffff, v8  }
0x63: {  	v8 =	vld [tilespmem:s29+$0x14070];
	_ =	sdelay $0x7  }
0x64: {  	v9 =	vor.u32 v7, v9;
	v8 =	vld.idx.msk [tilespmem:v8+s16+$0x0], $0xffff;
	_ =	sdelay $0x4  }
0x65: {  	[tilespmem:v9+s18+$0x0] =	vst.idx.msk $0xffff, v8  }
0x66: {  	_ =	swait.ge [sflag:s31], $0x4000  }
0x67: {  	s17 =	sand.u32 $0x1FFFF800, s25;
	s2 =	rddreg [dreg:$0x5];
	[sflag:s31] =	ssyncset.done $0x0  }
0x68: {  	[sflag:s31] =	ssyncadd.s32 $0xFFFFC000;
	s31 =	sadd.s32 $0x5, s30;
	s2 =	sadd.s32 s2, s17  }
0x69: {  	[hbm4b:s2+s3] =	stream.linear.scatter [tilespmem:s0], [sflag:s31], $0x4000, $0x38;
	[tilespmem:$0x1F900] =	vst v63  }
0x6a: {  	s17 =	rddreg [dreg:$0x6];
	s31 =	sand.u32 $0x1FFFFF00, s24  }
0x6b: {  	s2 =	sadd.s32 $0x7, s30;
	s30 =	sor.u32 $0x1C100, s29;
	s0 =	sadd.s32 s17, s31  }
0x6c: {  	[hbm4b:s0+s3] =	stream.linear.scatter [tilespmem:s30], [sflag:s2], $0x80, $0x38;
	[tilespmem:$0x1F900] =	vst v63  }
0x6d: {  	s17 =	sor.u32 $0x1C200, s29;
	s31 =	sadd.s32 $0x10, s0  }
0x6e: {  	[hbm4b:s31+s3] =	stream.linear.scatter [tilespmem:s17], [sflag:s2], $0x80, $0x38;
	[tilespmem:$0x1F900] =	vst v63  }
0x6f: {  	s17 =	sor.u32 $0x1C300, s29;
	s31 =	sadd.s32 $0x20, s0  }
0x70: {  	[hbm4b:s31+s3] =	stream.linear.scatter [tilespmem:s17], [sflag:s2], $0x80, $0x38;
	[tilespmem:$0x1F900] =	vst v63  }
0x71: {  	s17 =	sor.u32 $0x1C400, s29;
	s31 =	sadd.s32 $0x30, s0  }
0x72: {  	[hbm4b:s31+s3] =	stream.linear.scatter [tilespmem:s17], [sflag:s2], $0x80, $0x38;
	[tilespmem:$0x1F900] =	vst v63  }
0x73: {  	s17 =	sor.u32 $0x1C500, s29;
	s31 =	sadd.s32 $0x40, s0  }
0x74: {  	[hbm4b:s31+s3] =	stream.linear.scatter [tilespmem:s17], [sflag:s2], $0x80, $0x38;
	[tilespmem:$0x1F900] =	vst v63  }
0x75: {  	s17 =	sor.u32 $0x1C600, s29;
	s31 =	sadd.s32 $0x50, s0  }
0x76: {  	[hbm4b:s31+s3] =	stream.linear.scatter [tilespmem:s17], [sflag:s2], $0x80, $0x38;
	[tilespmem:$0x1F900] =	vst v63  }
0x77: {  	s17 =	sor.u32 $0x1C700, s29;
	s31 =	sadd.s32 $0x60, s0  }
0x78: {  	[hbm4b:s31+s3] =	stream.linear.scatter [tilespmem:s17], [sflag:s2], $0x80, $0x38;
	[tilespmem:$0x1F900] =	vst v63  }
0x79: {  	s17 =	sor.u32 $0x1C800, s29;
	s31 =	sadd.s32 $0x70, s0  }
0x7a: {  	[hbm4b:s31+s3] =	stream.linear.scatter [tilespmem:s17], [sflag:s2], $0x80, $0x38;
	[tilespmem:$0x1F900] =	vst v63  }
0x7b: {  	s17 =	sor.u32 $0x1C900, s29;
	s31 =	sadd.s32 $0x80, s0  }
0x7c: {  	[hbm4b:s31+s3] =	stream.linear.scatter [tilespmem:s17], [sflag:s2], $0x80, $0x38;
	[tilespmem:$0x1F900] =	vst v63  }
0x7d: {  	s17 =	sor.u32 $0x1CA00, s29;
	s31 =	sadd.s32 $0x90, s0  }
0x7e: {  	[hbm4b:s31+s3] =	stream.linear.scatter [tilespmem:s17], [sflag:s2], $0x80, $0x38;
	[tilespmem:$0x1F900] =	vst v63  }
0x7f: {  	s17 =	sor.u32 $0x1CB00, s29;
	s31 =	sadd.s32 $0xA0, s0  }
0x80: {  	[hbm4b:s31+s3] =	stream.linear.scatter [tilespmem:s17], [sflag:s2], $0x80, $0x38;
	[tilespmem:$0x1F900] =	vst v63  }
0x81: {  	s17 =	sor.u32 $0x1CC00, s29;
	s31 =	sadd.s32 $0xB0, s0  }
0x82: {  	[hbm4b:s31+s3] =	stream.linear.scatter [tilespmem:s17], [sflag:s2], $0x80, $0x38;
	[tilespmem:$0x1F900] =	vst v63  }
0x83: {  	s17 =	sor.u32 $0x1CD00, s29;
	s31 =	sadd.s32 $0xC0, s0  }
0x84: {  	[hbm4b:s31+s3] =	stream.linear.scatter [tilespmem:s17], [sflag:s2], $0x80, $0x38;
	[tilespmem:$0x1F900] =	vst v63  }
0x85: {  	p0 =	seq.s32 s8, s28;
	s17 =	sor.u32 $0x1CE00, s29;
	s31 =	sadd.s32 $0xD0, s0  }
0x86: {  	[hbm4b:s31+s3] =	stream.linear.scatter [tilespmem:s17], [sflag:s2], $0x80, $0x38;
	[tilespmem:$0x1F900] =	vst v63  }
.Ltmp0:
0x87: {  	s26 =	sadd.s32 $0x1000, s26;
	s25 =	sadd.s32 $0x10000, s25;
	(pc) =	sbr.rel @!p0 .LBB2_2-.Ltmp0, $4  }
0x88: {  	s24 =	sadd.s32 $0x2000, s24;
	s17 =	sor.u32 $0x1CF00, s29;
	s31 =	sadd.s32 $0xE0, s0  }
0x89: {  	[hbm4b:s31+s3] =	stream.linear.scatter [tilespmem:s17], [sflag:s2], $0x80, $0x38;
	[tilespmem:$0x1F900] =	vst v63  }
0x8a: {  	s0 =	sadd.s32 $0xF0, s0;
	s31 =	sor.u32 $0x1D000, s29;
	s29 =	smov.u32 s28  }
0x8b: {  	[hbm4b:s0+s3] =	stream.linear.scatter [tilespmem:s31], [sflag:s2], $0x80, $0x38;
	[tilespmem:$0x1F900] =	vst v63  }
0x8c: {  	_ =	swait.ge [sflag:s19], $0x4000  }
0x8d: {  	[sflag:s19] =	ssyncset.done $0x0  }
0x8e: {  	[sflag:s19] =	ssyncadd.s32 $0xFFFFC000  }
0x8f: {  	_ =	swait.ge [sflag:s20], $0x800  }
0x90: {  	[sflag:s20] =	ssyncset.done $0x0  }
0x91: {  	s23 =	sadd.s32 $0x1, s23;
	[sflag:s20] =	ssyncadd.s32 $0xFFFFF800  }
0x92: {  	p0 =	seq.s32 s23, s10;
	_ =	swait.ge [sflag:s21], $0x4000  }
.Ltmp1:
0x93: {  	[sflag:s21] =	ssyncset.done $0x0;
	(pc) =	sbr.rel @!p0 .LBB2_1-.Ltmp1, $4  }
0x94: {  	[sflag:s21] =	ssyncadd.s32 $0xFFFFC000  }
0x95: {  	_ =	swait.ge [sflag:s22], $0x800  }
0x96: {  	[sflag:s22] =	ssyncset.done $0x0  }
0x97: {  	[sflag:s22] =	ssyncadd.s32 $0xFFFFF800  }
0x98: {  	_ =	sfence.sel $0x180000  }
0x99: {  	[bflag:$0x0] =	sbarrier.arrive $0xFFFF  }
0x9a: {  	_ =	strace $0x90000053  }
0x9b: {  	s0 =	stileid.u32;
	[bflag:$0x2] =	sbarrier.arrive $0xFFFF  }
0x9c: {  	p0 =	sne.s32 s0, $0x0;
	s0 =	rddreg [dreg:$0x3]  }
0x9d: {  	s0 =	sadd.s32 @!p0 $0x100000, s0  }
0x9e: {  	[sflag:s0] =	ssyncadd.tile.s32 @!p0 $0x1;
	_ =	shalt  }
.Lfunc_end2:
_tile_overlayer_lowered:
.L_overlay_start_2:
0x9f: {  	(tag) =	ssettag $0x2  }
0xa0: {  	s0 =	rddreg [dreg:$0x0];
	s2 =	stileid.u32  }
0xa1: {  	s1 =	rddreg [dreg:$0x1];
	p0 =	sne.s32 s2, $0x0  }
0xa2: {  	s3 =	rddreg [dreg:$0x2];
	[bflag:$0x3] =	sbarrier.arrive $0xFFFF;
	s2 =	simm.s32 @!p0 $0x1C09  }
0xa3: {  	[timem:s3], [sflag:s2] =	dma.local @!p0 [hbm:s0], s1  }
0xa4: {  	s0 =	simm.s32 @!p0 $0x9  }
0xa5: {  	_ =	swait.ge @!p0 [sflag:s0], s1  }
0xa6: {  	s1 =	ssub.s32 @!p0 $0x0, s1;
	[sflag:s0] =	ssyncset.done @!p0 $0x0  }
0xa7: {  	[sflag:s0] =	ssyncadd.s32 @!p0 s1  }
0xa8: {  	[bflag:$0x3] =	sbarrier.arrive $0xFFFF  }
0xa9: {  	_ =	shalt  }

</sc_bundles>
